<compile_context>
chip_gen: v7x
topology: tpu7x:2x2x1
jax: 0.10.2.dev20260603
libtpu: 0.0.44.dev20260713+nightly
codegen_flags: <defaults>
</compile_context>

<pallas_src>
import functools

import jax
import jax.numpy as jnp
from jax import lax
from jax.experimental import pallas as pl
from jax.experimental.pallas import tpu as pltpu
from jax.experimental.pallas import tpu_sc as plsc

N = 2048
ROW = 32512
OFFSET = 32000
EXTRA = ROW - OFFSET
EPS = 1e-20
UNK = 0
IGNORE_INDEX = -100

NC = 2
NS = 16
NW = NC * NS
RPW = N // NW
L = 16
CH = RPW // L
BLK = RPW // 8

_LN2 = 0.6931471805599453
_SQRTHF = 0.70710678118654752440


def _vlog(x):
    bits = lax.bitcast_convert_type(x, jnp.int32)
    e = lax.shift_right_arithmetic(bits, 23) - 126
    m_bits = (bits & 0x007FFFFF) | 0x3F000000
    m = lax.bitcast_convert_type(m_bits, jnp.float32)
    small = m < _SQRTHF
    e = jnp.where(small, e - 1, e).astype(jnp.float32)
    t = jnp.where(small, m + m, m) - 1.0
    p = jnp.float32(7.0376836292e-2)
    p = p * t + jnp.float32(-1.1514610310e-1)
    p = p * t + jnp.float32(1.1676998740e-1)
    p = p * t + jnp.float32(-1.2420140846e-1)
    p = p * t + jnp.float32(1.4249322787e-1)
    p = p * t + jnp.float32(-1.6668057665e-1)
    p = p * t + jnp.float32(2.0000714765e-1)
    p = p * t + jnp.float32(-2.4999993993e-1)
    p = p * t + jnp.float32(3.3333331174e-1)
    t2 = t * t
    y = t2 * (t * p - 0.5)
    return t + y + e * jnp.float32(_LN2)


@functools.partial(
    pl.kernel,
    mesh=plsc.VectorSubcoreMesh(core_axis_name="c", subcore_axis_name="s"),
    out_type=jax.ShapeDtypeStruct((N,), jnp.float32),
    compiler_params=pltpu.CompilerParams(needs_layout_passes=False, disable_bounds_checks=True, disable_semaphore_checks=True),
    scratch_types=[
        pltpu.VMEM((RPW,), jnp.int32),
        pltpu.VMEM((RPW,), jnp.int32),
        pltpu.VMEM((BLK, 8, EXTRA), jnp.float32),
        pltpu.VMEM((RPW, 8, 128), jnp.float32),
        pltpu.VMEM((RPW,), jnp.float32),
        pltpu.SemaphoreType.DMA,
        pltpu.SemaphoreType.DMA,
        pltpu.SemaphoreType.DMA,
    ],
)
def _loss_kernel(scores_hbm, align_hbm, target_hbm, out_hbm,
                 align_v, target_v, slab_a, blk_t, out_v, sem, sem_a, sem_t):
    wid = lax.axis_index("s") * NC + lax.axis_index("c")
    base = wid * RPW
    cp_a = pltpu.async_copy(align_hbm.at[pl.ds(base, RPW)], align_v, sem_a)
    cp_t = pltpu.async_copy(target_hbm.at[pl.ds(base, RPW)], target_v, sem_t)
    copies = []
    for b in range(BLK):
        copies.append(pltpu.async_copy(
            scores_hbm.at[pl.ds(pl.multiple_of(base + b * 8, 8), 8),
                          pl.ds(OFFSET, EXTRA)],
            slab_a.at[b], sem))
    cp_t.wait()
    lanes = lax.iota(jnp.int32, 16)
    for c in range(CH):
        tv = target_v[pl.ds(c * L, L)]
        tidx = lax.shift_right_logical(tv, 7)
        q0 = jnp.take(tidx, (lanes * 4) & 15, axis=0)
        q1 = jnp.take(tidx, (lanes * 4 + 1) & 15, axis=0)
        q2 = jnp.take(tidx, (lanes * 4 + 2) & 15, axis=0)
        q3 = jnp.take(tidx, (lanes * 4 + 3) & 15, axis=0)
        packed = q0 | (q1 << 8) | (q2 << 16) | (q3 << 24)
        for k in range(4):
            p_scal = jnp.min(jnp.where(lanes == k, packed, 0x7FFFFFFF))
            for m in range(4):
                r = c * L + 4 * k + m
                t_tile = pl.multiple_of(((p_scal >> (8 * m)) & 0xFF) << 7, 128)
                copies.append(pltpu.async_copy(
                    scores_hbm.at[pl.ds(pl.multiple_of(base + (r & ~7), 8), 8),
                                  pl.ds(t_tile, 128)],
                    blk_t.at[r], sem))
    cp_a.wait()
    for cp in copies:
        cp.wait()
    for c in range(CH):
        av = align_v[pl.ds(c * L, L)]
        tv = target_v[pl.ds(c * L, L)]
        r_vec = c * L + lanes
        sub = r_vec & 7
        a_val = plsc.load_gather(slab_a, [r_vec >> 3, sub, av])
        t_val = plsc.load_gather(blk_t, [r_vec, sub, tv & 127])
        zero = jnp.zeros((L,), jnp.float32)
        a_unk = av == UNK
        t_unk = tv == UNK
        out = jnp.where(a_unk, zero, a_val) + jnp.float32(EPS)
        out = out + jnp.where(t_unk & ~a_unk, zero, t_val)
        loss = -_vlog(out)
        loss = jnp.where(tv == IGNORE_INDEX, zero, loss)
        out_v[pl.ds(c * L, L)] = loss
    pltpu.sync_copy(out_v, out_hbm.at[pl.ds(base, RPW)])


def kernel(scores, align, target):
    return _loss_kernel(scores,
                        align.astype(jnp.int32),
                        target.astype(jnp.int32))

# --- scband reference (transcript-rebuilt; emitter-appended) ---
"""Pipeline reference for scband-copy-generator-loss-15891378995511 (READ-ONLY COPY).

The authoritative reference and input builder live on the scoring server;
editing this copy changes nothing except your own understanding.
"""

import jax, jax.numpy as jnp
import numpy as np

UNK = 0  # inputters.UNK in OpenNMT
VOCAB_SIZE = 32000
EXTRA = 512
N = 2048
EPS = 1e-20
IGNORE_INDEX = -100
FORCE_COPY = False


def setup_inputs(seed: int = 0) -> dict:
    key = jax.random.key(seed)
    k1, k2, k3 = jax.random.split(key, 3)
    scores = jax.random.uniform(k1, (N, VOCAB_SIZE + EXTRA), dtype=jnp.float32)
    align = jax.random.randint(k2, (N,), 0, EXTRA, dtype=jnp.int64 if jax.config.read('jax_enable_x64') else jnp.int32)
    target = jax.random.randint(k3, (N,), 0, VOCAB_SIZE, dtype=jnp.int64 if jax.config.read('jax_enable_x64') else jnp.int32)
    return {"scores": scores, "align": align, "target": target}


def reference(scores, align, target):
    offset = VOCAB_SIZE
    align_unk = (align == UNK).astype(jnp.float32)
    align_not_unk = (align != UNK).astype(jnp.float32)
    target_unk = (target == UNK).astype(jnp.float32)
    target_not_unk = (target != UNK).astype(jnp.float32)
    # out = scores.gather(1, align.unsqueeze(1) + offset).squeeze()
    out = jnp.take_along_axis(scores, (align + offset)[:, None], axis=1).squeeze(1)
    out = out * align_not_unk + EPS
    # tmp = scores.gather(1, target.unsqueeze(1)).squeeze()
    tmp = jnp.take_along_axis(scores, target[:, None], axis=1).squeeze(1)
    if not FORCE_COPY:
        out = out + tmp * target_not_unk
        out = out + tmp * align_unk * target_unk
    else:
        out = out + tmp * align_unk
    loss = -jnp.log(out) * (target != IGNORE_INDEX).astype(jnp.float32)
    return loss

if __name__ == "__main__":
    import jax
    _d = setup_inputs()
    print(jax.jit(kernel)(*tuple(_d.values())))

</pallas_src>

<mosaic_0001>
#map = affine_map<(d0, d1) -> (0, 0)>
#map1 = affine_map<(d0, d1) -> (0)>
module attributes {stable_mosaic.version = 14 : i64} {
  func.func @_loss_kernel(%arg0: i32, %arg1: i32, %arg2: memref<2048x32512xf32, #tpu.memory_space<hbm>>, %arg3: memref<2048xi32, #tpu.memory_space<hbm>>, %arg4: memref<2048xi32, #tpu.memory_space<hbm>>, %arg5: memref<2048xf32, #tpu.memory_space<hbm>>, %arg6: memref<64xi32, #tpu.memory_space<vmem>>, %arg7: memref<64xi32, #tpu.memory_space<vmem>>, %arg8: memref<8x8x512xf32, #tpu.memory_space<vmem>>, %arg9: memref<64x8x128xf32, #tpu.memory_space<vmem>>, %arg10: memref<64xf32, #tpu.memory_space<vmem>>, %arg11: memref<!tpu.dma_semaphore, #tpu.memory_space<semaphore_mem>>, %arg12: memref<!tpu.dma_semaphore, #tpu.memory_space<semaphore_mem>>, %arg13: memref<!tpu.dma_semaphore, #tpu.memory_space<semaphore_mem>>) attributes {dimension_semantics = [#tpu.dimension_semantics<core_parallel>, #tpu.dimension_semantics<subcore_parallel>], iteration_bounds = array<i64: 2, 16>, scalar_prefetch = 0 : i64, scratch_operands = 8 : i64, tpu.core_type = #tpu.core_type<sc_vector_subcore>, window_params = [{transform_indices = #map}, {transform_indices = #map1}, {transform_indices = #map1}, {transform_indices = #map1}]} {
    %mul3A = arith.constant 2 : i32
    %mul3A_0 = arith.muli %arg1, %mul3A : i32
    %add3A = arith.addi %mul3A_0, %arg0 : i32
    %mul3A_1 = arith.constant 64 : i32
    %mul3A_2 = arith.muli %add3A, %mul3A_1 : i32
    %dma_start3A = tpu.memref_slice %arg3[%mul3A_2] : memref<2048xi32, #tpu.memory_space<hbm>> -> memref<64xi32, #tpu.memory_space<hbm>>
    %dma_start3A_3 = tpu.memref_slice %arg3[%mul3A_2] : memref<2048xi32, #tpu.memory_space<hbm>> -> memref<64xi32, #tpu.memory_space<hbm>>
    tpu.enqueue_dma source(%dma_start3A_3 : memref<64xi32, #tpu.memory_space<hbm>>) target(%arg6 : memref<64xi32, #tpu.memory_space<vmem>>) target_semaphore(%arg12 : memref<!tpu.dma_semaphore, #tpu.memory_space<semaphore_mem>>)
    %dma_start3A_4 = tpu.memref_slice %arg4[%mul3A_2] : memref<2048xi32, #tpu.memory_space<hbm>> -> memref<64xi32, #tpu.memory_space<hbm>>
    %dma_start3A_5 = tpu.memref_slice %arg4[%mul3A_2] : memref<2048xi32, #tpu.memory_space<hbm>> -> memref<64xi32, #tpu.memory_space<hbm>>
    tpu.enqueue_dma source(%dma_start3A_5 : memref<64xi32, #tpu.memory_space<hbm>>) target(%arg7 : memref<64xi32, #tpu.memory_space<vmem>>) target_semaphore(%arg13 : memref<!tpu.dma_semaphore, #tpu.memory_space<semaphore_mem>>)
    %add3A_6 = arith.constant 0 : i32
    %add3A_7 = arith.addi %mul3A_2, %add3A_6 : i32
    %multiple_of3A = tpu.assume_multiple %add3A_7, 8 : i32
    %dma_start3A_8 = arith.constant 0 : i32
    %dma_start3A_9 = arith.constant 0 : i32
    %dma_start3A_10 = arith.constant 0 : i32
    %dma_start3A_11 = tpu.memref_slice %arg8[%dma_start3A_8, %dma_start3A_9, %dma_start3A_10] : memref<8x8x512xf32, #tpu.memory_space<vmem>> -> memref<1x8x512xf32, #tpu.memory_space<vmem>>
    %dma_start3A_12 = tpu.memref_squeeze %dma_start3A_11 : memref<1x8x512xf32, #tpu.memory_space<vmem>> -> memref<8x512xf32, #tpu.memory_space<vmem>>
    %dma_start3A_13 = arith.constant 32000 : i32
    %dma_start3A_14 = tpu.memref_slice %arg2[%multiple_of3A, %dma_start3A_13] : memref<2048x32512xf32, #tpu.memory_space<hbm>> -> memref<8x512xf32, #tpu.memory_space<hbm>>
    %dma_start3A_15 = arith.constant 0 : i32
    %dma_start3A_16 = arith.constant 0 : i32
    %dma_start3A_17 = tpu.memref_slice %arg8[%dma_start3A_8, %dma_start3A_15, %dma_start3A_16] : memref<8x8x512xf32, #tpu.memory_space<vmem>> -> memref<1x8x512xf32, #tpu.memory_space<vmem>>
    %dma_start3A_18 = tpu.memref_squeeze %dma_start3A_17 : memref<1x8x512xf32, #tpu.memory_space<vmem>> -> memref<8x512xf32, #tpu.memory_space<vmem>>
    %dma_start3A_19 = arith.constant 32000 : i32
    %dma_start3A_20 = tpu.memref_slice %arg2[%multiple_of3A, %dma_start3A_19] : memref<2048x32512xf32, #tpu.memory_space<hbm>> -> memref<8x512xf32, #tpu.memory_space<hbm>>
    tpu.enqueue_dma source(%dma_start3A_20 : memref<8x512xf32, #tpu.memory_space<hbm>>) target(%dma_start3A_18 : memref<8x512xf32, #tpu.memory_space<vmem>>) target_semaphore(%arg11 : memref<!tpu.dma_semaphore, #tpu.memory_space<semaphore_mem>>)
    %add3A_21 = arith.constant 8 : i32
    %add3A_22 = arith.addi %mul3A_2, %add3A_21 : i32
    %multiple_of3A_23 = tpu.assume_multiple %add3A_22, 8 : i32
    %dma_start3A_24 = arith.constant 1 : i32
    %dma_start3A_25 = arith.constant 0 : i32
    %dma_start3A_26 = arith.constant 0 : i32
    %dma_start3A_27 = tpu.memref_slice %arg8[%dma_start3A_24, %dma_start3A_25, %dma_start3A_26] : memref<8x8x512xf32, #tpu.memory_space<vmem>> -> memref<1x8x512xf32, #tpu.memory_space<vmem>>
    %dma_start3A_28 = tpu.memref_squeeze %dma_start3A_27 : memref<1x8x512xf32, #tpu.memory_space<vmem>> -> memref<8x512xf32, #tpu.memory_space<vmem>>
    %dma_start3A_29 = arith.constant 32000 : i32
    %dma_start3A_30 = tpu.memref_slice %arg2[%multiple_of3A_23, %dma_start3A_29] : memref<2048x32512xf32, #tpu.memory_space<hbm>> -> memref<8x512xf32, #tpu.memory_space<hbm>>
    %dma_start3A_31 = arith.constant 0 : i32
    %dma_start3A_32 = arith.constant 0 : i32
    %dma_start3A_33 = tpu.memref_slice %arg8[%dma_start3A_24, %dma_start3A_31, %dma_start3A_32] : memref<8x8x512xf32, #tpu.memory_space<vmem>> -> memref<1x8x512xf32, #tpu.memory_space<vmem>>
    %dma_start3A_34 = tpu.memref_squeeze %dma_start3A_33 : memref<1x8x512xf32, #tpu.memory_space<vmem>> -> memref<8x512xf32, #tpu.memory_space<vmem>>
    %dma_start3A_35 = arith.constant 32000 : i32
    %dma_start3A_36 = tpu.memref_slice %arg2[%multiple_of3A_23, %dma_start3A_35] : memref<2048x32512xf32, #tpu.memory_space<hbm>> -> memref<8x512xf32, #tpu.memory_space<hbm>>
    tpu.enqueue_dma source(%dma_start3A_36 : memref<8x512xf32, #tpu.memory_space<hbm>>) target(%dma_start3A_34 : memref<8x512xf32, #tpu.memory_space<vmem>>) target_semaphore(%arg11 : memref<!tpu.dma_semaphore, #tpu.memory_space<semaphore_mem>>)
    %add3A_37 = arith.constant 16 : i32
    %add3A_38 = arith.addi %mul3A_2, %add3A_37 : i32
    %multiple_of3A_39 = tpu.assume_multiple %add3A_38, 8 : i32
    %dma_start3A_40 = arith.constant 2 : i32
    %dma_start3A_41 = arith.constant 0 : i32
    %dma_start3A_42 = arith.constant 0 : i32
    %dma_start3A_43 = tpu.memref_slice %arg8[%dma_start3A_40, %dma_start3A_41, %dma_start3A_42] : memref<8x8x512xf32, #tpu.memory_space<vmem>> -> memref<1x8x512xf32, #tpu.memory_space<vmem>>
    %dma_start3A_44 = tpu.memref_squeeze %dma_start3A_43 : memref<1x8x512xf32, #tpu.memory_space<vmem>> -> memref<8x512xf32, #tpu.memory_space<vmem>>
    %dma_start3A_45 = arith.constant 32000 : i32
    %dma_start3A_46 = tpu.memref_slice %arg2[%multiple_of3A_39, %dma_start3A_45] : memref<2048x32512xf32, #tpu.memory_space<hbm>> -> memref<8x512xf32, #tpu.memory_space<hbm>>
    %dma_start3A_47 = arith.constant 0 : i32
    %dma_start3A_48 = arith.constant 0 : i32
    %dma_start3A_49 = tpu.memref_slice %arg8[%dma_start3A_40, %dma_start3A_47, %dma_start3A_48] : memref<8x8x512xf32, #tpu.memory_space<vmem>> -> memref<1x8x512xf32, #tpu.memory_space<vmem>>
    %dma_start3A_50 = tpu.memref_squeeze %dma_start3A_49 : memref<1x8x512xf32, #tpu.memory_space<vmem>> -> memref<8x512xf32, #tpu.memory_space<vmem>>
    %dma_start3A_51 = arith.constant 32000 : i32
    %dma_start3A_52 = tpu.memref_slice %arg2[%multiple_of3A_39, %dma_start3A_51] : memref<2048x32512xf32, #tpu.memory_space<hbm>> -> memref<8x512xf32, #tpu.memory_space<hbm>>
    tpu.enqueue_dma source(%dma_start3A_52 : memref<8x512xf32, #tpu.memory_space<hbm>>) target(%dma_start3A_50 : memref<8x512xf32, #tpu.memory_space<vmem>>) target_semaphore(%arg11 : memref<!tpu.dma_semaphore, #tpu.memory_space<semaphore_mem>>)
    %add3A_53 = arith.constant 24 : i32
    %add3A_54 = arith.addi %mul3A_2, %add3A_53 : i32
    %multiple_of3A_55 = tpu.assume_multiple %add3A_54, 8 : i32
    %dma_start3A_56 = arith.constant 3 : i32
    %dma_start3A_57 = arith.constant 0 : i32
    %dma_start3A_58 = arith.constant 0 : i32
    %dma_start3A_59 = tpu.memref_slice %arg8[%dma_start3A_56, %dma_start3A_57, %dma_start3A_58] : memref<8x8x512xf32, #tpu.memory_space<vmem>> -> memref<1x8x512xf32, #tpu.memory_space<vmem>>
    %dma_start3A_60 = tpu.memref_squeeze %dma_start3A_59 : memref<1x8x512xf32, #tpu.memory_space<vmem>> -> memref<8x512xf32, #tpu.memory_space<vmem>>
    %dma_start3A_61 = arith.constant 32000 : i32
    %dma_start3A_62 = tpu.memref_slice %arg2[%multiple_of3A_55, %dma_start3A_61] : memref<2048x32512xf32, #tpu.memory_space<hbm>> -> memref<8x512xf32, #tpu.memory_space<hbm>>
    %dma_start3A_63 = arith.constant 0 : i32
    %dma_start3A_64 = arith.constant 0 : i32
    %dma_start3A_65 = tpu.memref_slice %arg8[%dma_start3A_56, %dma_start3A_63, %dma_start3A_64] : memref<8x8x512xf32, #tpu.memory_space<vmem>> -> memref<1x8x512xf32, #tpu.memory_space<vmem>>
    %dma_start3A_66 = tpu.memref_squeeze %dma_start3A_65 : memref<1x8x512xf32, #tpu.memory_space<vmem>> -> memref<8x512xf32, #tpu.memory_space<vmem>>
    %dma_start3A_67 = arith.constant 32000 : i32
    %dma_start3A_68 = tpu.memref_slice %arg2[%multiple_of3A_55, %dma_start3A_67] : memref<2048x32512xf32, #tpu.memory_space<hbm>> -> memref<8x512xf32, #tpu.memory_space<hbm>>
    tpu.enqueue_dma source(%dma_start3A_68 : memref<8x512xf32, #tpu.memory_space<hbm>>) target(%dma_start3A_66 : memref<8x512xf32, #tpu.memory_space<vmem>>) target_semaphore(%arg11 : memref<!tpu.dma_semaphore, #tpu.memory_space<semaphore_mem>>)
    %add3A_69 = arith.constant 32 : i32
    %add3A_70 = arith.addi %mul3A_2, %add3A_69 : i32
    %multiple_of3A_71 = tpu.assume_multiple %add3A_70, 8 : i32
    %dma_start3A_72 = arith.constant 4 : i32
    %dma_start3A_73 = arith.constant 0 : i32
    %dma_start3A_74 = arith.constant 0 : i32
    %dma_start3A_75 = tpu.memref_slice %arg8[%dma_start3A_72, %dma_start3A_73, %dma_start3A_74] : memref<8x8x512xf32, #tpu.memory_space<vmem>> -> memref<1x8x512xf32, #tpu.memory_space<vmem>>
    %dma_start3A_76 = tpu.memref_squeeze %dma_start3A_75 : memref<1x8x512xf32, #tpu.memory_space<vmem>> -> memref<8x512xf32, #tpu.memory_space<vmem>>
    %dma_start3A_77 = arith.constant 32000 : i32
    %dma_start3A_78 = tpu.memref_slice %arg2[%multiple_of3A_71, %dma_start3A_77] : memref<2048x32512xf32, #tpu.memory_space<hbm>> -> memref<8x512xf32, #tpu.memory_space<hbm>>
    %dma_start3A_79 = arith.constant 0 : i32
    %dma_start3A_80 = arith.constant 0 : i32
    %dma_start3A_81 = tpu.memref_slice %arg8[%dma_start3A_72, %dma_start3A_79, %dma_start3A_80] : memref<8x8x512xf32, #tpu.memory_space<vmem>> -> memref<1x8x512xf32, #tpu.memory_space<vmem>>
    %dma_start3A_82 = tpu.memref_squeeze %dma_start3A_81 : memref<1x8x512xf32, #tpu.memory_space<vmem>> -> memref<8x512xf32, #tpu.memory_space<vmem>>
    %dma_start3A_83 = arith.constant 32000 : i32
    %dma_start3A_84 = tpu.memref_slice %arg2[%multiple_of3A_71, %dma_start3A_83] : memref<2048x32512xf32, #tpu.memory_space<hbm>> -> memref<8x512xf32, #tpu.memory_space<hbm>>
    tpu.enqueue_dma source(%dma_start3A_84 : memref<8x512xf32, #tpu.memory_space<hbm>>) target(%dma_start3A_82 : memref<8x512xf32, #tpu.memory_space<vmem>>) target_semaphore(%arg11 : memref<!tpu.dma_semaphore, #tpu.memory_space<semaphore_mem>>)
    %add3A_85 = arith.constant 40 : i32
    %add3A_86 = arith.addi %mul3A_2, %add3A_85 : i32
    %multiple_of3A_87 = tpu.assume_multiple %add3A_86, 8 : i32
    %dma_start3A_88 = arith.constant 5 : i32
    %dma_start3A_89 = arith.constant 0 : i32
    %dma_start3A_90 = arith.constant 0 : i32
    %dma_start3A_91 = tpu.memref_slice %arg8[%dma_start3A_88, %dma_start3A_89, %dma_start3A_90] : memref<8x8x512xf32, #tpu.memory_space<vmem>> -> memref<1x8x512xf32, #tpu.memory_space<vmem>>
    %dma_start3A_92 = tpu.memref_squeeze %dma_start3A_91 : memref<1x8x512xf32, #tpu.memory_space<vmem>> -> memref<8x512xf32, #tpu.memory_space<vmem>>
    %dma_start3A_93 = arith.constant 32000 : i32
    %dma_start3A_94 = tpu.memref_slice %arg2[%multiple_of3A_87, %dma_start3A_93] : memref<2048x32512xf32, #tpu.memory_space<hbm>> -> memref<8x512xf32, #tpu.memory_space<hbm>>
    %dma_start3A_95 = arith.constant 0 : i32
    %dma_start3A_96 = arith.constant 0 : i32
    %dma_start3A_97 = tpu.memref_slice %arg8[%dma_start3A_88, %dma_start3A_95, %dma_start3A_96] : memref<8x8x512xf32, #tpu.memory_space<vmem>> -> memref<1x8x512xf32, #tpu.memory_space<vmem>>
    %dma_start3A_98 = tpu.memref_squeeze %dma_start3A_97 : memref<1x8x512xf32, #tpu.memory_space<vmem>> -> memref<8x512xf32, #tpu.memory_space<vmem>>
    %dma_start3A_99 = arith.constant 32000 : i32
    %dma_start3A_100 = tpu.memref_slice %arg2[%multiple_of3A_87, %dma_start3A_99] : memref<2048x32512xf32, #tpu.memory_space<hbm>> -> memref<8x512xf32, #tpu.memory_space<hbm>>
    tpu.enqueue_dma source(%dma_start3A_100 : memref<8x512xf32, #tpu.memory_space<hbm>>) target(%dma_start3A_98 : memref<8x512xf32, #tpu.memory_space<vmem>>) target_semaphore(%arg11 : memref<!tpu.dma_semaphore, #tpu.memory_space<semaphore_mem>>)
    %add3A_101 = arith.constant 48 : i32
    %add3A_102 = arith.addi %mul3A_2, %add3A_101 : i32
    %multiple_of3A_103 = tpu.assume_multiple %add3A_102, 8 : i32
    %dma_start3A_104 = arith.constant 6 : i32
    %dma_start3A_105 = arith.constant 0 : i32
    %dma_start3A_106 = arith.constant 0 : i32
    %dma_start3A_107 = tpu.memref_slice %arg8[%dma_start3A_104, %dma_start3A_105, %dma_start3A_106] : memref<8x8x512xf32, #tpu.memory_space<vmem>> -> memref<1x8x512xf32, #tpu.memory_space<vmem>>
    %dma_start3A_108 = tpu.memref_squeeze %dma_start3A_107 : memref<1x8x512xf32, #tpu.memory_space<vmem>> -> memref<8x512xf32, #tpu.memory_space<vmem>>
    %dma_start3A_109 = arith.constant 32000 : i32
    %dma_start3A_110 = tpu.memref_slice %arg2[%multiple_of3A_103, %dma_start3A_109] : memref<2048x32512xf32, #tpu.memory_space<hbm>> -> memref<8x512xf32, #tpu.memory_space<hbm>>
    %dma_start3A_111 = arith.constant 0 : i32
    %dma_start3A_112 = arith.constant 0 : i32
    %dma_start3A_113 = tpu.memref_slice %arg8[%dma_start3A_104, %dma_start3A_111, %dma_start3A_112] : memref<8x8x512xf32, #tpu.memory_space<vmem>> -> memref<1x8x512xf32, #tpu.memory_space<vmem>>
    %dma_start3A_114 = tpu.memref_squeeze %dma_start3A_113 : memref<1x8x512xf32, #tpu.memory_space<vmem>> -> memref<8x512xf32, #tpu.memory_space<vmem>>
    %dma_start3A_115 = arith.constant 32000 : i32
    %dma_start3A_116 = tpu.memref_slice %arg2[%multiple_of3A_103, %dma_start3A_115] : memref<2048x32512xf32, #tpu.memory_space<hbm>> -> memref<8x512xf32, #tpu.memory_space<hbm>>
    tpu.enqueue_dma source(%dma_start3A_116 : memref<8x512xf32, #tpu.memory_space<hbm>>) target(%dma_start3A_114 : memref<8x512xf32, #tpu.memory_space<vmem>>) target_semaphore(%arg11 : memref<!tpu.dma_semaphore, #tpu.memory_space<semaphore_mem>>)
    %add3A_117 = arith.constant 56 : i32
    %add3A_118 = arith.addi %mul3A_2, %add3A_117 : i32
    %multiple_of3A_119 = tpu.assume_multiple %add3A_118, 8 : i32
    %dma_start3A_120 = arith.constant 7 : i32
    %dma_start3A_121 = arith.constant 0 : i32
    %dma_start3A_122 = arith.constant 0 : i32
    %dma_start3A_123 = tpu.memref_slice %arg8[%dma_start3A_120, %dma_start3A_121, %dma_start3A_122] : memref<8x8x512xf32, #tpu.memory_space<vmem>> -> memref<1x8x512xf32, #tpu.memory_space<vmem>>
    %dma_start3A_124 = tpu.memref_squeeze %dma_start3A_123 : memref<1x8x512xf32, #tpu.memory_space<vmem>> -> memref<8x512xf32, #tpu.memory_space<vmem>>
    %dma_start3A_125 = arith.constant 32000 : i32
    %dma_start3A_126 = tpu.memref_slice %arg2[%multiple_of3A_119, %dma_start3A_125] : memref<2048x32512xf32, #tpu.memory_space<hbm>> -> memref<8x512xf32, #tpu.memory_space<hbm>>
    %dma_start3A_127 = arith.constant 0 : i32
    %dma_start3A_128 = arith.constant 0 : i32
    %dma_start3A_129 = tpu.memref_slice %arg8[%dma_start3A_120, %dma_start3A_127, %dma_start3A_128] : memref<8x8x512xf32, #tpu.memory_space<vmem>> -> memref<1x8x512xf32, #tpu.memory_space<vmem>>
    %dma_start3A_130 = tpu.memref_squeeze %dma_start3A_129 : memref<1x8x512xf32, #tpu.memory_space<vmem>> -> memref<8x512xf32, #tpu.memory_space<vmem>>
    %dma_start3A_131 = arith.constant 32000 : i32
    %dma_start3A_132 = tpu.memref_slice %arg2[%multiple_of3A_119, %dma_start3A_131] : memref<2048x32512xf32, #tpu.memory_space<hbm>> -> memref<8x512xf32, #tpu.memory_space<hbm>>
    tpu.enqueue_dma source(%dma_start3A_132 : memref<8x512xf32, #tpu.memory_space<hbm>>) target(%dma_start3A_130 : memref<8x512xf32, #tpu.memory_space<vmem>>) target_semaphore(%arg11 : memref<!tpu.dma_semaphore, #tpu.memory_space<semaphore_mem>>)
    %dma_wait3A = tpu.memref_slice %arg4[%mul3A_2] : memref<2048xi32, #tpu.memory_space<hbm>> -> memref<64xi32, #tpu.memory_space<hbm>>
    %dma_wait3A_133 = tpu.memref_slice %arg4[%mul3A_2] : memref<2048xi32, #tpu.memory_space<hbm>> -> memref<64xi32, #tpu.memory_space<hbm>>
    tpu.wait_dma2 semaphore(%arg13 : memref<!tpu.dma_semaphore, #tpu.memory_space<semaphore_mem>>) src(%dma_wait3A_133 : memref<64xi32, #tpu.memory_space<hbm>>) dst(%arg7 : memref<64xi32, #tpu.memory_space<vmem>>)
    %iota3A = tpu.iota {dimensions = array<i32: 0>} : vector<16xi32>
    %get3A = arith.constant 0 : index
    %get3A_134 = tpu.vector_load %arg7[%get3A] {strides = array<i32>} : memref<64xi32, #tpu.memory_space<vmem>>, vector<16xi32>,
    %shift_right_logical3A = arith.constant 7 : i32
    %shift_right_logical3A_135 = vector.broadcast %shift_right_logical3A : i32 to vector<16xi32>
    %shift_right_logical3A_136 = arith.shrui %get3A_134, %shift_right_logical3A_135 : vector<16xi32>
    %mul3A_137 = arith.constant 4 : i32
    %mul3A_138 = vector.broadcast %mul3A_137 : i32 to vector<16xi32>
    %mul3A_139 = arith.muli %iota3A, %mul3A_138 : vector<16xi32>
    %and3A = arith.constant 15 : i32
    %and3A_140 = vector.broadcast %and3A : i32 to vector<16xi32>
    %and3A_141 = arith.andi %mul3A_139, %and3A_140 : vector<16xi32>
    %lt3A = arith.constant 0 : i32
    %lt3A_142 = vector.broadcast %lt3A : i32 to vector<16xi32>
    %lt3A_143 = arith.cmpi slt, %and3A_141, %lt3A_142 : vector<16xi32>
    %add3A_144 = arith.constant 16 : i32
    %add3A_145 = vector.broadcast %add3A_144 : i32 to vector<16xi32>
    %add3A_146 = arith.addi %and3A_141, %add3A_145 : vector<16xi32>
    %select_n3A = arith.select %lt3A_143, %add3A_146, %and3A_141 : vector<16xi1>, vector<16xi32>
    %broadcast_in_dim3A = vector.shape_cast %select_n3A : vector<16xi32> to vector<16x1xi32>
    %gather3A = vector.shape_cast %broadcast_in_dim3A : vector<16x1xi32> to vector<16xi32>
    %gather3A_147 = tpu.dynamic_gather %shift_right_logical3A_136[%gather3A] in [0] : vector<16xi32>, vector<16xi32> -> vector<16xi32>
    %mul3A_148 = arith.constant 4 : i32
    %mul3A_149 = vector.broadcast %mul3A_148 : i32 to vector<16xi32>
    %mul3A_150 = arith.muli %iota3A, %mul3A_149 : vector<16xi32>
    %add3A_151 = arith.constant 1 : i32
    %add3A_152 = vector.broadcast %add3A_151 : i32 to vector<16xi32>
    %add3A_153 = arith.addi %mul3A_150, %add3A_152 : vector<16xi32>
    %and3A_154 = arith.constant 15 : i32
    %and3A_155 = vector.broadcast %and3A_154 : i32 to vector<16xi32>
    %and3A_156 = arith.andi %add3A_153, %and3A_155 : vector<16xi32>
    %lt3A_157 = arith.constant 0 : i32
    %lt3A_158 = vector.broadcast %lt3A_157 : i32 to vector<16xi32>
    %lt3A_159 = arith.cmpi slt, %and3A_156, %lt3A_158 : vector<16xi32>
    %add3A_160 = arith.constant 16 : i32
    %add3A_161 = vector.broadcast %add3A_160 : i32 to vector<16xi32>
    %add3A_162 = arith.addi %and3A_156, %add3A_161 : vector<16xi32>
    %select_n3A_163 = arith.select %lt3A_159, %add3A_162, %and3A_156 : vector<16xi1>, vector<16xi32>
    %broadcast_in_dim3A_164 = vector.shape_cast %select_n3A_163 : vector<16xi32> to vector<16x1xi32>
    %gather3A_165 = vector.shape_cast %broadcast_in_dim3A_164 : vector<16x1xi32> to vector<16xi32>
    %gather3A_166 = tpu.dynamic_gather %shift_right_logical3A_136[%gather3A_165] in [0] : vector<16xi32>, vector<16xi32> -> vector<16xi32>
    %mul3A_167 = arith.constant 4 : i32
    %mul3A_168 = vector.broadcast %mul3A_167 : i32 to vector<16xi32>
    %mul3A_169 = arith.muli %iota3A, %mul3A_168 : vector<16xi32>
    %add3A_170 = arith.constant 2 : i32
    %add3A_171 = vector.broadcast %add3A_170 : i32 to vector<16xi32>
    %add3A_172 = arith.addi %mul3A_169, %add3A_171 : vector<16xi32>
    %and3A_173 = arith.constant 15 : i32
    %and3A_174 = vector.broadcast %and3A_173 : i32 to vector<16xi32>
    %and3A_175 = arith.andi %add3A_172, %and3A_174 : vector<16xi32>
    %lt3A_176 = arith.constant 0 : i32
    %lt3A_177 = vector.broadcast %lt3A_176 : i32 to vector<16xi32>
    %lt3A_178 = arith.cmpi slt, %and3A_175, %lt3A_177 : vector<16xi32>
    %add3A_179 = arith.constant 16 : i32
    %add3A_180 = vector.broadcast %add3A_179 : i32 to vector<16xi32>
    %add3A_181 = arith.addi %and3A_175, %add3A_180 : vector<16xi32>
    %select_n3A_182 = arith.select %lt3A_178, %add3A_181, %and3A_175 : vector<16xi1>, vector<16xi32>
    %broadcast_in_dim3A_183 = vector.shape_cast %select_n3A_182 : vector<16xi32> to vector<16x1xi32>
    %gather3A_184 = vector.shape_cast %broadcast_in_dim3A_183 : vector<16x1xi32> to vector<16xi32>
    %gather3A_185 = tpu.dynamic_gather %shift_right_logical3A_136[%gather3A_184] in [0] : vector<16xi32>, vector<16xi32> -> vector<16xi32>
    %mul3A_186 = arith.constant 4 : i32
    %mul3A_187 = vector.broadcast %mul3A_186 : i32 to vector<16xi32>
    %mul3A_188 = arith.muli %iota3A, %mul3A_187 : vector<16xi32>
    %add3A_189 = arith.constant 3 : i32
    %add3A_190 = vector.broadcast %add3A_189 : i32 to vector<16xi32>
    %add3A_191 = arith.addi %mul3A_188, %add3A_190 : vector<16xi32>
    %and3A_192 = arith.constant 15 : i32
    %and3A_193 = vector.broadcast %and3A_192 : i32 to vector<16xi32>
    %and3A_194 = arith.andi %add3A_191, %and3A_193 : vector<16xi32>
    %lt3A_195 = arith.constant 0 : i32
    %lt3A_196 = vector.broadcast %lt3A_195 : i32 to vector<16xi32>
    %lt3A_197 = arith.cmpi slt, %and3A_194, %lt3A_196 : vector<16xi32>
    %add3A_198 = arith.constant 16 : i32
    %add3A_199 = vector.broadcast %add3A_198 : i32 to vector<16xi32>
    %add3A_200 = arith.addi %and3A_194, %add3A_199 : vector<16xi32>
    %select_n3A_201 = arith.select %lt3A_197, %add3A_200, %and3A_194 : vector<16xi1>, vector<16xi32>
    %broadcast_in_dim3A_202 = vector.shape_cast %select_n3A_201 : vector<16xi32> to vector<16x1xi32>
    %gather3A_203 = vector.shape_cast %broadcast_in_dim3A_202 : vector<16x1xi32> to vector<16xi32>
    %gather3A_204 = tpu.dynamic_gather %shift_right_logical3A_136[%gather3A_203] in [0] : vector<16xi32>, vector<16xi32> -> vector<16xi32>
    %shift_left3A = arith.constant 8 : i32
    %shift_left3A_205 = vector.broadcast %shift_left3A : i32 to vector<16xi32>
    %shift_left3A_206 = arith.shli %gather3A_166, %shift_left3A_205 : vector<16xi32>
    %or3A = arith.ori %gather3A_147, %shift_left3A_206 : vector<16xi32>
    %shift_left3A_207 = arith.constant 16 : i32
    %shift_left3A_208 = vector.broadcast %shift_left3A_207 : i32 to vector<16xi32>
    %shift_left3A_209 = arith.shli %gather3A_185, %shift_left3A_208 : vector<16xi32>
    %or3A_210 = arith.ori %or3A, %shift_left3A_209 : vector<16xi32>
    %shift_left3A_211 = arith.constant 24 : i32
    %shift_left3A_212 = vector.broadcast %shift_left3A_211 : i32 to vector<16xi32>
    %shift_left3A_213 = arith.shli %gather3A_204, %shift_left3A_212 : vector<16xi32>
    %or3A_214 = arith.ori %or3A_210, %shift_left3A_213 : vector<16xi32>
    %eq3A = arith.constant 0 : i32
    %eq3A_215 = vector.broadcast %eq3A : i32 to vector<16xi32>
    %eq3A_216 = arith.cmpi eq, %iota3A, %eq3A_215 : vector<16xi32>
    %jit3A = arith.constant 2147483647 : i32
    %broadcast_in_dim3A_217 = vector.broadcast %jit3A : i32 to vector<16xi32>
    %select_n3A_218 = arith.select %eq3A_216, %or3A_214, %broadcast_in_dim3A_217 : vector<16xi1>, vector<16xi32>
    %reduce_min3A = arith.constant true
    %reduce_min3A_219 = vector.broadcast %reduce_min3A : i1 to vector<16xi1>
    %reduce_min3A_220 = arith.constant -2147483648 : i32
    %reduce_min3A_221 = vector.broadcast %reduce_min3A_220 : i32 to vector<16xi32>
    %reduce_min3A_222 = arith.xori %select_n3A_218, %reduce_min3A_221 : vector<16xi32>
    %reduce_min3A_223 = tpu.scan <min>, %reduce_min3A_222 masked %reduce_min3A_219 : vector<16xi32>, vector<16xi1> -> vector<16xi32>
    %reduce_min3A_224 = arith.xori %reduce_min3A_223, %reduce_min3A_221 : vector<16xi32>
    %reduce_min3A_225 = vector.extract %reduce_min3A_224[15] : i32 from vector<16xi32>
    %shift_right_arithmetic3A = arith.constant 0 : i32
    %shift_right_arithmetic3A_226 = arith.shrsi %reduce_min3A_225, %shift_right_arithmetic3A : i32
    %and3A_227 = arith.constant 255 : i32
    %and3A_228 = arith.andi %shift_right_arithmetic3A_226, %and3A_227 : i32
    %shift_left3A_229 = arith.constant 7 : i32
    %shift_left3A_230 = arith.shli %and3A_228, %shift_left3A_229 : i32
    %multiple_of3A_231 = tpu.assume_multiple %shift_left3A_230, 128 : i32
    %add3A_232 = arith.constant 0 : i32
    %add3A_233 = arith.addi %mul3A_2, %add3A_232 : i32
    %multiple_of3A_234 = tpu.assume_multiple %add3A_233, 8 : i32
    %dma_start3A_235 = arith.constant 0 : i32
    %dma_start3A_236 = arith.constant 0 : i32
    %dma_start3A_237 = arith.constant 0 : i32
    %dma_start3A_238 = tpu.memref_slice %arg9[%dma_start3A_235, %dma_start3A_236, %dma_start3A_237] : memref<64x8x128xf32, #tpu.memory_space<vmem>> -> memref<1x8x128xf32, #tpu.memory_space<vmem>>
    %dma_start3A_239 = tpu.memref_squeeze %dma_start3A_238 : memref<1x8x128xf32, #tpu.memory_space<vmem>> -> memref<8x128xf32, #tpu.memory_space<vmem>>
    %dma_start3A_240 = tpu.memref_slice %arg2[%multiple_of3A_234, %multiple_of3A_231] : memref<2048x32512xf32, #tpu.memory_space<hbm>> -> memref<8x128xf32, #tpu.memory_space<hbm>>
    %dma_start3A_241 = arith.constant 0 : i32
    %dma_start3A_242 = arith.constant 0 : i32
    %dma_start3A_243 = tpu.memref_slice %arg9[%dma_start3A_235, %dma_start3A_241, %dma_start3A_242] : memref<64x8x128xf32, #tpu.memory_space<vmem>> -> memref<1x8x128xf32, #tpu.memory_space<vmem>>
    %dma_start3A_244 = tpu.memref_squeeze %dma_start3A_243 : memref<1x8x128xf32, #tpu.memory_space<vmem>> -> memref<8x128xf32, #tpu.memory_space<vmem>>
    %dma_start3A_245 = tpu.memref_slice %arg2[%multiple_of3A_234, %multiple_of3A_231] : memref<2048x32512xf32, #tpu.memory_space<hbm>> -> memref<8x128xf32, #tpu.memory_space<hbm>>
    tpu.enqueue_dma source(%dma_start3A_245 : memref<8x128xf32, #tpu.memory_space<hbm>>) target(%dma_start3A_244 : memref<8x128xf32, #tpu.memory_space<vmem>>) target_semaphore(%arg11 : memref<!tpu.dma_semaphore, #tpu.memory_space<semaphore_mem>>)
    %shift_right_arithmetic3A_246 = arith.constant 8 : i32
    %shift_right_arithmetic3A_247 = arith.shrsi %reduce_min3A_225, %shift_right_arithmetic3A_246 : i32
    %and3A_248 = arith.constant 255 : i32
    %and3A_249 = arith.andi %shift_right_arithmetic3A_247, %and3A_248 : i32
    %shift_left3A_250 = arith.constant 7 : i32
    %shift_left3A_251 = arith.shli %and3A_249, %shift_left3A_250 : i32
    %multiple_of3A_252 = tpu.assume_multiple %shift_left3A_251, 128 : i32
    %add3A_253 = arith.constant 0 : i32
    %add3A_254 = arith.addi %mul3A_2, %add3A_253 : i32
    %multiple_of3A_255 = tpu.assume_multiple %add3A_254, 8 : i32
    %dma_start3A_256 = arith.constant 1 : i32
    %dma_start3A_257 = arith.constant 0 : i32
    %dma_start3A_258 = arith.constant 0 : i32
    %dma_start3A_259 = tpu.memref_slice %arg9[%dma_start3A_256, %dma_start3A_257, %dma_start3A_258] : memref<64x8x128xf32, #tpu.memory_space<vmem>> -> memref<1x8x128xf32, #tpu.memory_space<vmem>>
    %dma_start3A_260 = tpu.memref_squeeze %dma_start3A_259 : memref<1x8x128xf32, #tpu.memory_space<vmem>> -> memref<8x128xf32, #tpu.memory_space<vmem>>
    %dma_start3A_261 = tpu.memref_slice %arg2[%multiple_of3A_255, %multiple_of3A_252] : memref<2048x32512xf32, #tpu.memory_space<hbm>> -> memref<8x128xf32, #tpu.memory_space<hbm>>
    %dma_start3A_262 = arith.constant 0 : i32
    %dma_start3A_263 = arith.constant 0 : i32
    %dma_start3A_264 = tpu.memref_slice %arg9[%dma_start3A_256, %dma_start3A_262, %dma_start3A_263] : memref<64x8x128xf32, #tpu.memory_space<vmem>> -> memref<1x8x128xf32, #tpu.memory_space<vmem>>
    %dma_start3A_265 = tpu.memref_squeeze %dma_start3A_264 : memref<1x8x128xf32, #tpu.memory_space<vmem>> -> memref<8x128xf32, #tpu.memory_space<vmem>>
    %dma_start3A_266 = tpu.memref_slice %arg2[%multiple_of3A_255, %multiple_of3A_252] : memref<2048x32512xf32, #tpu.memory_space<hbm>> -> memref<8x128xf32, #tpu.memory_space<hbm>>
    tpu.enqueue_dma source(%dma_start3A_266 : memref<8x128xf32, #tpu.memory_space<hbm>>) target(%dma_start3A_265 : memref<8x128xf32, #tpu.memory_space<vmem>>) target_semaphore(%arg11 : memref<!tpu.dma_semaphore, #tpu.memory_space<semaphore_mem>>)
    %shift_right_arithmetic3A_267 = arith.constant 16 : i32
    %shift_right_arithmetic3A_268 = arith.shrsi %reduce_min3A_225, %shift_right_arithmetic3A_267 : i32
    %and3A_269 = arith.constant 255 : i32
    %and3A_270 = arith.andi %shift_right_arithmetic3A_268, %and3A_269 : i32
    %shift_left3A_271 = arith.constant 7 : i32
    %shift_left3A_272 = arith.shli %and3A_270, %shift_left3A_271 : i32
    %multiple_of3A_273 = tpu.assume_multiple %shift_left3A_272, 128 : i32
    %add3A_274 = arith.constant 0 : i32
    %add3A_275 = arith.addi %mul3A_2, %add3A_274 : i32
    %multiple_of3A_276 = tpu.assume_multiple %add3A_275, 8 : i32
    %dma_start3A_277 = arith.constant 2 : i32
    %dma_start3A_278 = arith.constant 0 : i32
    %dma_start3A_279 = arith.constant 0 : i32
    %dma_start3A_280 = tpu.memref_slice %arg9[%dma_start3A_277, %dma_start3A_278, %dma_start3A_279] : memref<64x8x128xf32, #tpu.memory_space<vmem>> -> memref<1x8x128xf32, #tpu.memory_space<vmem>>
    %dma_start3A_281 = tpu.memref_squeeze %dma_start3A_280 : memref<1x8x128xf32, #tpu.memory_space<vmem>> -> memref<8x128xf32, #tpu.memory_space<vmem>>
    %dma_start3A_282 = tpu.memref_slice %arg2[%multiple_of3A_276, %multiple_of3A_273] : memref<2048x32512xf32, #tpu.memory_space<hbm>> -> memref<8x128xf32, #tpu.memory_space<hbm>>
    %dma_start3A_283 = arith.constant 0 : i32
    %dma_start3A_284 = arith.constant 0 : i32
    %dma_start3A_285 = tpu.memref_slice %arg9[%dma_start3A_277, %dma_start3A_283, %dma_start3A_284] : memref<64x8x128xf32, #tpu.memory_space<vmem>> -> memref<1x8x128xf32, #tpu.memory_space<vmem>>
    %dma_start3A_286 = tpu.memref_squeeze %dma_start3A_285 : memref<1x8x128xf32, #tpu.memory_space<vmem>> -> memref<8x128xf32, #tpu.memory_space<vmem>>
    %dma_start3A_287 = tpu.memref_slice %arg2[%multiple_of3A_276, %multiple_of3A_273] : memref<2048x32512xf32, #tpu.memory_space<hbm>> -> memref<8x128xf32, #tpu.memory_space<hbm>>
    tpu.enqueue_dma source(%dma_start3A_287 : memref<8x128xf32, #tpu.memory_space<hbm>>) target(%dma_start3A_286 : memref<8x128xf32, #tpu.memory_space<vmem>>) target_semaphore(%arg11 : memref<!tpu.dma_semaphore, #tpu.memory_space<semaphore_mem>>)
    %shift_right_arithmetic3A_288 = arith.constant 24 : i32
    %shift_right_arithmetic3A_289 = arith.shrsi %reduce_min3A_225, %shift_right_arithmetic3A_288 : i32
    %and3A_290 = arith.constant 255 : i32
    %and3A_291 = arith.andi %shift_right_arithmetic3A_289, %and3A_290 : i32
    %shift_left3A_292 = arith.constant 7 : i32
    %shift_left3A_293 = arith.shli %and3A_291, %shift_left3A_292 : i32
    %multiple_of3A_294 = tpu.assume_multiple %shift_left3A_293, 128 : i32
    %add3A_295 = arith.constant 0 : i32
    %add3A_296 = arith.addi %mul3A_2, %add3A_295 : i32
    %multiple_of3A_297 = tpu.assume_multiple %add3A_296, 8 : i32
    %dma_start3A_298 = arith.constant 3 : i32
    %dma_start3A_299 = arith.constant 0 : i32
    %dma_start3A_300 = arith.constant 0 : i32
    %dma_start3A_301 = tpu.memref_slice %arg9[%dma_start3A_298, %dma_start3A_299, %dma_start3A_300] : memref<64x8x128xf32, #tpu.memory_space<vmem>> -> memref<1x8x128xf32, #tpu.memory_space<vmem>>
    %dma_start3A_302 = tpu.memref_squeeze %dma_start3A_301 : memref<1x8x128xf32, #tpu.memory_space<vmem>> -> memref<8x128xf32, #tpu.memory_space<vmem>>
    %dma_start3A_303 = tpu.memref_slice %arg2[%multiple_of3A_297, %multiple_of3A_294] : memref<2048x32512xf32, #tpu.memory_space<hbm>> -> memref<8x128xf32, #tpu.memory_space<hbm>>
    %dma_start3A_304 = arith.constant 0 : i32
    %dma_start3A_305 = arith.constant 0 : i32
    %dma_start3A_306 = tpu.memref_slice %arg9[%dma_start3A_298, %dma_start3A_304, %dma_start3A_305] : memref<64x8x128xf32, #tpu.memory_space<vmem>> -> memref<1x8x128xf32, #tpu.memory_space<vmem>>
    %dma_start3A_307 = tpu.memref_squeeze %dma_start3A_306 : memref<1x8x128xf32, #tpu.memory_space<vmem>> -> memref<8x128xf32, #tpu.memory_space<vmem>>
    %dma_start3A_308 = tpu.memref_slice %arg2[%multiple_of3A_297, %multiple_of3A_294] : memref<2048x32512xf32, #tpu.memory_space<hbm>> -> memref<8x128xf32, #tpu.memory_space<hbm>>
    tpu.enqueue_dma source(%dma_start3A_308 : memref<8x128xf32, #tpu.memory_space<hbm>>) target(%dma_start3A_307 : memref<8x128xf32, #tpu.memory_space<vmem>>) target_semaphore(%arg11 : memref<!tpu.dma_semaphore, #tpu.memory_space<semaphore_mem>>)
    %eq3A_309 = arith.constant 1 : i32
    %eq3A_310 = vector.broadcast %eq3A_309 : i32 to vector<16xi32>
    %eq3A_311 = arith.cmpi eq, %iota3A, %eq3A_310 : vector<16xi32>
    %jit3A_312 = arith.constant 2147483647 : i32
    %broadcast_in_dim3A_313 = vector.broadcast %jit3A_312 : i32 to vector<16xi32>
    %select_n3A_314 = arith.select %eq3A_311, %or3A_214, %broadcast_in_dim3A_313 : vector<16xi1>, vector<16xi32>
    %reduce_min3A_315 = arith.constant true
    %reduce_min3A_316 = vector.broadcast %reduce_min3A_315 : i1 to vector<16xi1>
    %reduce_min3A_317 = arith.constant -2147483648 : i32
    %reduce_min3A_318 = vector.broadcast %reduce_min3A_317 : i32 to vector<16xi32>
    %reduce_min3A_319 = arith.xori %select_n3A_314, %reduce_min3A_318 : vector<16xi32>
    %reduce_min3A_320 = tpu.scan <min>, %reduce_min3A_319 masked %reduce_min3A_316 : vector<16xi32>, vector<16xi1> -> vector<16xi32>
    %reduce_min3A_321 = arith.xori %reduce_min3A_320, %reduce_min3A_318 : vector<16xi32>
    %reduce_min3A_322 = vector.extract %reduce_min3A_321[15] : i32 from vector<16xi32>
    %shift_right_arithmetic3A_323 = arith.constant 0 : i32
    %shift_right_arithmetic3A_324 = arith.shrsi %reduce_min3A_322, %shift_right_arithmetic3A_323 : i32
    %and3A_325 = arith.constant 255 : i32
    %and3A_326 = arith.andi %shift_right_arithmetic3A_324, %and3A_325 : i32
    %shift_left3A_327 = arith.constant 7 : i32
    %shift_left3A_328 = arith.shli %and3A_326, %shift_left3A_327 : i32
    %multiple_of3A_329 = tpu.assume_multiple %shift_left3A_328, 128 : i32
    %add3A_330 = arith.constant 0 : i32
    %add3A_331 = arith.addi %mul3A_2, %add3A_330 : i32
    %multiple_of3A_332 = tpu.assume_multiple %add3A_331, 8 : i32
    %dma_start3A_333 = arith.constant 4 : i32
    %dma_start3A_334 = arith.constant 0 : i32
    %dma_start3A_335 = arith.constant 0 : i32
    %dma_start3A_336 = tpu.memref_slice %arg9[%dma_start3A_333, %dma_start3A_334, %dma_start3A_335] : memref<64x8x128xf32, #tpu.memory_space<vmem>> -> memref<1x8x128xf32, #tpu.memory_space<vmem>>
    %dma_start3A_337 = tpu.memref_squeeze %dma_start3A_336 : memref<1x8x128xf32, #tpu.memory_space<vmem>> -> memref<8x128xf32, #tpu.memory_space<vmem>>
    %dma_start3A_338 = tpu.memref_slice %arg2[%multiple_of3A_332, %multiple_of3A_329] : memref<2048x32512xf32, #tpu.memory_space<hbm>> -> memref<8x128xf32, #tpu.memory_space<hbm>>
    %dma_start3A_339 = arith.constant 0 : i32
    %dma_start3A_340 = arith.constant 0 : i32
    %dma_start3A_341 = tpu.memref_slice %arg9[%dma_start3A_333, %dma_start3A_339, %dma_start3A_340] : memref<64x8x128xf32, #tpu.memory_space<vmem>> -> memref<1x8x128xf32, #tpu.memory_space<vmem>>
    %dma_start3A_342 = tpu.memref_squeeze %dma_start3A_341 : memref<1x8x128xf32, #tpu.memory_space<vmem>> -> memref<8x128xf32, #tpu.memory_space<vmem>>
    %dma_start3A_343 = tpu.memref_slice %arg2[%multiple_of3A_332, %multiple_of3A_329] : memref<2048x32512xf32, #tpu.memory_space<hbm>> -> memref<8x128xf32, #tpu.memory_space<hbm>>
    tpu.enqueue_dma source(%dma_start3A_343 : memref<8x128xf32, #tpu.memory_space<hbm>>) target(%dma_start3A_342 : memref<8x128xf32, #tpu.memory_space<vmem>>) target_semaphore(%arg11 : memref<!tpu.dma_semaphore, #tpu.memory_space<semaphore_mem>>)
    %shift_right_arithmetic3A_344 = arith.constant 8 : i32
    %shift_right_arithmetic3A_345 = arith.shrsi %reduce_min3A_322, %shift_right_arithmetic3A_344 : i32
    %and3A_346 = arith.constant 255 : i32
    %and3A_347 = arith.andi %shift_right_arithmetic3A_345, %and3A_346 : i32
    %shift_left3A_348 = arith.constant 7 : i32
    %shift_left3A_349 = arith.shli %and3A_347, %shift_left3A_348 : i32
    %multiple_of3A_350 = tpu.assume_multiple %shift_left3A_349, 128 : i32
    %add3A_351 = arith.constant 0 : i32
    %add3A_352 = arith.addi %mul3A_2, %add3A_351 : i32
    %multiple_of3A_353 = tpu.assume_multiple %add3A_352, 8 : i32
    %dma_start3A_354 = arith.constant 5 : i32
    %dma_start3A_355 = arith.constant 0 : i32
    %dma_start3A_356 = arith.constant 0 : i32
    %dma_start3A_357 = tpu.memref_slice %arg9[%dma_start3A_354, %dma_start3A_355, %dma_start3A_356] : memref<64x8x128xf32, #tpu.memory_space<vmem>> -> memref<1x8x128xf32, #tpu.memory_space<vmem>>
    %dma_start3A_358 = tpu.memref_squeeze %dma_start3A_357 : memref<1x8x128xf32, #tpu.memory_space<vmem>> -> memref<8x128xf32, #tpu.memory_space<vmem>>
    %dma_start3A_359 = tpu.memref_slice %arg2[%multiple_of3A_353, %multiple_of3A_350] : memref<2048x32512xf32, #tpu.memory_space<hbm>> -> memref<8x128xf32, #tpu.memory_space<hbm>>
    %dma_start3A_360 = arith.constant 0 : i32
    %dma_start3A_361 = arith.constant 0 : i32
    %dma_start3A_362 = tpu.memref_slice %arg9[%dma_start3A_354, %dma_start3A_360, %dma_start3A_361] : memref<64x8x128xf32, #tpu.memory_space<vmem>> -> memref<1x8x128xf32, #tpu.memory_space<vmem>>
    %dma_start3A_363 = tpu.memref_squeeze %dma_start3A_362 : memref<1x8x128xf32, #tpu.memory_space<vmem>> -> memref<8x128xf32, #tpu.memory_space<vmem>>
    %dma_start3A_364 = tpu.memref_slice %arg2[%multiple_of3A_353, %multiple_of3A_350] : memref<2048x32512xf32, #tpu.memory_space<hbm>> -> memref<8x128xf32, #tpu.memory_space<hbm>>
    tpu.enqueue_dma source(%dma_start3A_364 : memref<8x128xf32, #tpu.memory_space<hbm>>) target(%dma_start3A_363 : memref<8x128xf32, #tpu.memory_space<vmem>>) target_semaphore(%arg11 : memref<!tpu.dma_semaphore, #tpu.memory_space<semaphore_mem>>)
    %shift_right_arithmetic3A_365 = arith.constant 16 : i32
    %shift_right_arithmetic3A_366 = arith.shrsi %reduce_min3A_322, %shift_right_arithmetic3A_365 : i32
    %and3A_367 = arith.constant 255 : i32
    %and3A_368 = arith.andi %shift_right_arithmetic3A_366, %and3A_367 : i32
    %shift_left3A_369 = arith.constant 7 : i32
    %shift_left3A_370 = arith.shli %and3A_368, %shift_left3A_369 : i32
    %multiple_of3A_371 = tpu.assume_multiple %shift_left3A_370, 128 : i32
    %add3A_372 = arith.constant 0 : i32
    %add3A_373 = arith.addi %mul3A_2, %add3A_372 : i32
    %multiple_of3A_374 = tpu.assume_multiple %add3A_373, 8 : i32
    %dma_start3A_375 = arith.constant 6 : i32
    %dma_start3A_376 = arith.constant 0 : i32
    %dma_start3A_377 = arith.constant 0 : i32
    %dma_start3A_378 = tpu.memref_slice %arg9[%dma_start3A_375, %dma_start3A_376, %dma_start3A_377] : memref<64x8x128xf32, #tpu.memory_space<vmem>> -> memref<1x8x128xf32, #tpu.memory_space<vmem>>
    %dma_start3A_379 = tpu.memref_squeeze %dma_start3A_378 : memref<1x8x128xf32, #tpu.memory_space<vmem>> -> memref<8x128xf32, #tpu.memory_space<vmem>>
    %dma_start3A_380 = tpu.memref_slice %arg2[%multiple_of3A_374, %multiple_of3A_371] : memref<2048x32512xf32, #tpu.memory_space<hbm>> -> memref<8x128xf32, #tpu.memory_space<hbm>>
    %dma_start3A_381 = arith.constant 0 : i32
    %dma_start3A_382 = arith.constant 0 : i32
    %dma_start3A_383 = tpu.memref_slice %arg9[%dma_start3A_375, %dma_start3A_381, %dma_start3A_382] : memref<64x8x128xf32, #tpu.memory_space<vmem>> -> memref<1x8x128xf32, #tpu.memory_space<vmem>>
    %dma_start3A_384 = tpu.memref_squeeze %dma_start3A_383 : memref<1x8x128xf32, #tpu.memory_space<vmem>> -> memref<8x128xf32, #tpu.memory_space<vmem>>
    %dma_start3A_385 = tpu.memref_slice %arg2[%multiple_of3A_374, %multiple_of3A_371] : memref<2048x32512xf32, #tpu.memory_space<hbm>> -> memref<8x128xf32, #tpu.memory_space<hbm>>
    tpu.enqueue_dma source(%dma_start3A_385 : memref<8x128xf32, #tpu.memory_space<hbm>>) target(%dma_start3A_384 : memref<8x128xf32, #tpu.memory_space<vmem>>) target_semaphore(%arg11 : memref<!tpu.dma_semaphore, #tpu.memory_space<semaphore_mem>>)
    %shift_right_arithmetic3A_386 = arith.constant 24 : i32
    %shift_right_arithmetic3A_387 = arith.shrsi %reduce_min3A_322, %shift_right_arithmetic3A_386 : i32
    %and3A_388 = arith.constant 255 : i32
    %and3A_389 = arith.andi %shift_right_arithmetic3A_387, %and3A_388 : i32
    %shift_left3A_390 = arith.constant 7 : i32
    %shift_left3A_391 = arith.shli %and3A_389, %shift_left3A_390 : i32
    %multiple_of3A_392 = tpu.assume_multiple %shift_left3A_391, 128 : i32
    %add3A_393 = arith.constant 0 : i32
    %add3A_394 = arith.addi %mul3A_2, %add3A_393 : i32
    %multiple_of3A_395 = tpu.assume_multiple %add3A_394, 8 : i32
    %dma_start3A_396 = arith.constant 7 : i32
    %dma_start3A_397 = arith.constant 0 : i32
    %dma_start3A_398 = arith.constant 0 : i32
    %dma_start3A_399 = tpu.memref_slice %arg9[%dma_start3A_396, %dma_start3A_397, %dma_start3A_398] : memref<64x8x128xf32, #tpu.memory_space<vmem>> -> memref<1x8x128xf32, #tpu.memory_space<vmem>>
    %dma_start3A_400 = tpu.memref_squeeze %dma_start3A_399 : memref<1x8x128xf32, #tpu.memory_space<vmem>> -> memref<8x128xf32, #tpu.memory_space<vmem>>
    %dma_start3A_401 = tpu.memref_slice %arg2[%multiple_of3A_395, %multiple_of3A_392] : memref<2048x32512xf32, #tpu.memory_space<hbm>> -> memref<8x128xf32, #tpu.memory_space<hbm>>
    %dma_start3A_402 = arith.constant 0 : i32
    %dma_start3A_403 = arith.constant 0 : i32
    %dma_start3A_404 = tpu.memref_slice %arg9[%dma_start3A_396, %dma_start3A_402, %dma_start3A_403] : memref<64x8x128xf32, #tpu.memory_space<vmem>> -> memref<1x8x128xf32, #tpu.memory_space<vmem>>
    %dma_start3A_405 = tpu.memref_squeeze %dma_start3A_404 : memref<1x8x128xf32, #tpu.memory_space<vmem>> -> memref<8x128xf32, #tpu.memory_space<vmem>>
    %dma_start3A_406 = tpu.memref_slice %arg2[%multiple_of3A_395, %multiple_of3A_392] : memref<2048x32512xf32, #tpu.memory_space<hbm>> -> memref<8x128xf32, #tpu.memory_space<hbm>>
    tpu.enqueue_dma source(%dma_start3A_406 : memref<8x128xf32, #tpu.memory_space<hbm>>) target(%dma_start3A_405 : memref<8x128xf32, #tpu.memory_space<vmem>>) target_semaphore(%arg11 : memref<!tpu.dma_semaphore, #tpu.memory_space<semaphore_mem>>)
    %eq3A_407 = arith.constant 2 : i32
    %eq3A_408 = vector.broadcast %eq3A_407 : i32 to vector<16xi32>
    %eq3A_409 = arith.cmpi eq, %iota3A, %eq3A_408 : vector<16xi32>
    %jit3A_410 = arith.constant 2147483647 : i32
    %broadcast_in_dim3A_411 = vector.broadcast %jit3A_410 : i32 to vector<16xi32>
    %select_n3A_412 = arith.select %eq3A_409, %or3A_214, %broadcast_in_dim3A_411 : vector<16xi1>, vector<16xi32>
    %reduce_min3A_413 = arith.constant true
    %reduce_min3A_414 = vector.broadcast %reduce_min3A_413 : i1 to vector<16xi1>
    %reduce_min3A_415 = arith.constant -2147483648 : i32
    %reduce_min3A_416 = vector.broadcast %reduce_min3A_415 : i32 to vector<16xi32>
    %reduce_min3A_417 = arith.xori %select_n3A_412, %reduce_min3A_416 : vector<16xi32>
    %reduce_min3A_418 = tpu.scan <min>, %reduce_min3A_417 masked %reduce_min3A_414 : vector<16xi32>, vector<16xi1> -> vector<16xi32>
    %reduce_min3A_419 = arith.xori %reduce_min3A_418, %reduce_min3A_416 : vector<16xi32>
    %reduce_min3A_420 = vector.extract %reduce_min3A_419[15] : i32 from vector<16xi32>
    %shift_right_arithmetic3A_421 = arith.constant 0 : i32
    %shift_right_arithmetic3A_422 = arith.shrsi %reduce_min3A_420, %shift_right_arithmetic3A_421 : i32
    %and3A_423 = arith.constant 255 : i32
    %and3A_424 = arith.andi %shift_right_arithmetic3A_422, %and3A_423 : i32
    %shift_left3A_425 = arith.constant 7 : i32
    %shift_left3A_426 = arith.shli %and3A_424, %shift_left3A_425 : i32
    %multiple_of3A_427 = tpu.assume_multiple %shift_left3A_426, 128 : i32
    %add3A_428 = arith.constant 8 : i32
    %add3A_429 = arith.addi %mul3A_2, %add3A_428 : i32
    %multiple_of3A_430 = tpu.assume_multiple %add3A_429, 8 : i32
    %dma_start3A_431 = arith.constant 8 : i32
    %dma_start3A_432 = arith.constant 0 : i32
    %dma_start3A_433 = arith.constant 0 : i32
    %dma_start3A_434 = tpu.memref_slice %arg9[%dma_start3A_431, %dma_start3A_432, %dma_start3A_433] : memref<64x8x128xf32, #tpu.memory_space<vmem>> -> memref<1x8x128xf32, #tpu.memory_space<vmem>>
    %dma_start3A_435 = tpu.memref_squeeze %dma_start3A_434 : memref<1x8x128xf32, #tpu.memory_space<vmem>> -> memref<8x128xf32, #tpu.memory_space<vmem>>
    %dma_start3A_436 = tpu.memref_slice %arg2[%multiple_of3A_430, %multiple_of3A_427] : memref<2048x32512xf32, #tpu.memory_space<hbm>> -> memref<8x128xf32, #tpu.memory_space<hbm>>
    %dma_start3A_437 = arith.constant 0 : i32
    %dma_start3A_438 = arith.constant 0 : i32
    %dma_start3A_439 = tpu.memref_slice %arg9[%dma_start3A_431, %dma_start3A_437, %dma_start3A_438] : memref<64x8x128xf32, #tpu.memory_space<vmem>> -> memref<1x8x128xf32, #tpu.memory_space<vmem>>
    %dma_start3A_440 = tpu.memref_squeeze %dma_start3A_439 : memref<1x8x128xf32, #tpu.memory_space<vmem>> -> memref<8x128xf32, #tpu.memory_space<vmem>>
    %dma_start3A_441 = tpu.memref_slice %arg2[%multiple_of3A_430, %multiple_of3A_427] : memref<2048x32512xf32, #tpu.memory_space<hbm>> -> memref<8x128xf32, #tpu.memory_space<hbm>>
    tpu.enqueue_dma source(%dma_start3A_441 : memref<8x128xf32, #tpu.memory_space<hbm>>) target(%dma_start3A_440 : memref<8x128xf32, #tpu.memory_space<vmem>>) target_semaphore(%arg11 : memref<!tpu.dma_semaphore, #tpu.memory_space<semaphore_mem>>)
    %shift_right_arithmetic3A_442 = arith.constant 8 : i32
    %shift_right_arithmetic3A_443 = arith.shrsi %reduce_min3A_420, %shift_right_arithmetic3A_442 : i32
    %and3A_444 = arith.constant 255 : i32
    %and3A_445 = arith.andi %shift_right_arithmetic3A_443, %and3A_444 : i32
    %shift_left3A_446 = arith.constant 7 : i32
    %shift_left3A_447 = arith.shli %and3A_445, %shift_left3A_446 : i32
    %multiple_of3A_448 = tpu.assume_multiple %shift_left3A_447, 128 : i32
    %add3A_449 = arith.constant 8 : i32
    %add3A_450 = arith.addi %mul3A_2, %add3A_449 : i32
    %multiple_of3A_451 = tpu.assume_multiple %add3A_450, 8 : i32
    %dma_start3A_452 = arith.constant 9 : i32
    %dma_start3A_453 = arith.constant 0 : i32
    %dma_start3A_454 = arith.constant 0 : i32
    %dma_start3A_455 = tpu.memref_slice %arg9[%dma_start3A_452, %dma_start3A_453, %dma_start3A_454] : memref<64x8x128xf32, #tpu.memory_space<vmem>> -> memref<1x8x128xf32, #tpu.memory_space<vmem>>
    %dma_start3A_456 = tpu.memref_squeeze %dma_start3A_455 : memref<1x8x128xf32, #tpu.memory_space<vmem>> -> memref<8x128xf32, #tpu.memory_space<vmem>>
    %dma_start3A_457 = tpu.memref_slice %arg2[%multiple_of3A_451, %multiple_of3A_448] : memref<2048x32512xf32, #tpu.memory_space<hbm>> -> memref<8x128xf32, #tpu.memory_space<hbm>>
    %dma_start3A_458 = arith.constant 0 : i32
    %dma_start3A_459 = arith.constant 0 : i32
    %dma_start3A_460 = tpu.memref_slice %arg9[%dma_start3A_452, %dma_start3A_458, %dma_start3A_459] : memref<64x8x128xf32, #tpu.memory_space<vmem>> -> memref<1x8x128xf32, #tpu.memory_space<vmem>>
    %dma_start3A_461 = tpu.memref_squeeze %dma_start3A_460 : memref<1x8x128xf32, #tpu.memory_space<vmem>> -> memref<8x128xf32, #tpu.memory_space<vmem>>
    %dma_start3A_462 = tpu.memref_slice %arg2[%multiple_of3A_451, %multiple_of3A_448] : memref<2048x32512xf32, #tpu.memory_space<hbm>> -> memref<8x128xf32, #tpu.memory_space<hbm>>
    tpu.enqueue_dma source(%dma_start3A_462 : memref<8x128xf32, #tpu.memory_space<hbm>>) target(%dma_start3A_461 : memref<8x128xf32, #tpu.memory_space<vmem>>) target_semaphore(%arg11 : memref<!tpu.dma_semaphore, #tpu.memory_space<semaphore_mem>>)
    %shift_right_arithmetic3A_463 = arith.constant 16 : i32
    %shift_right_arithmetic3A_464 = arith.shrsi %reduce_min3A_420, %shift_right_arithmetic3A_463 : i32
    %and3A_465 = arith.constant 255 : i32
    %and3A_466 = arith.andi %shift_right_arithmetic3A_464, %and3A_465 : i32
    %shift_left3A_467 = arith.constant 7 : i32
    %shift_left3A_468 = arith.shli %and3A_466, %shift_left3A_467 : i32
    %multiple_of3A_469 = tpu.assume_multiple %shift_left3A_468, 128 : i32
    %add3A_470 = arith.constant 8 : i32
    %add3A_471 = arith.addi %mul3A_2, %add3A_470 : i32
    %multiple_of3A_472 = tpu.assume_multiple %add3A_471, 8 : i32
    %dma_start3A_473 = arith.constant 10 : i32
    %dma_start3A_474 = arith.constant 0 : i32
    %dma_start3A_475 = arith.constant 0 : i32
    %dma_start3A_476 = tpu.memref_slice %arg9[%dma_start3A_473, %dma_start3A_474, %dma_start3A_475] : memref<64x8x128xf32, #tpu.memory_space<vmem>> -> memref<1x8x128xf32, #tpu.memory_space<vmem>>
    %dma_start3A_477 = tpu.memref_squeeze %dma_start3A_476 : memref<1x8x128xf32, #tpu.memory_space<vmem>> -> memref<8x128xf32, #tpu.memory_space<vmem>>
    %dma_start3A_478 = tpu.memref_slice %arg2[%multiple_of3A_472, %multiple_of3A_469] : memref<2048x32512xf32, #tpu.memory_space<hbm>> -> memref<8x128xf32, #tpu.memory_space<hbm>>
    %dma_start3A_479 = arith.constant 0 : i32
    %dma_start3A_480 = arith.constant 0 : i32
    %dma_start3A_481 = tpu.memref_slice %arg9[%dma_start3A_473, %dma_start3A_479, %dma_start3A_480] : memref<64x8x128xf32, #tpu.memory_space<vmem>> -> memref<1x8x128xf32, #tpu.memory_space<vmem>>
    %dma_start3A_482 = tpu.memref_squeeze %dma_start3A_481 : memref<1x8x128xf32, #tpu.memory_space<vmem>> -> memref<8x128xf32, #tpu.memory_space<vmem>>
    %dma_start3A_483 = tpu.memref_slice %arg2[%multiple_of3A_472, %multiple_of3A_469] : memref<2048x32512xf32, #tpu.memory_space<hbm>> -> memref<8x128xf32, #tpu.memory_space<hbm>>
    tpu.enqueue_dma source(%dma_start3A_483 : memref<8x128xf32, #tpu.memory_space<hbm>>) target(%dma_start3A_482 : memref<8x128xf32, #tpu.memory_space<vmem>>) target_semaphore(%arg11 : memref<!tpu.dma_semaphore, #tpu.memory_space<semaphore_mem>>)
    %shift_right_arithmetic3A_484 = arith.constant 24 : i32
    %shift_right_arithmetic3A_485 = arith.shrsi %reduce_min3A_420, %shift_right_arithmetic3A_484 : i32
    %and3A_486 = arith.constant 255 : i32
    %and3A_487 = arith.andi %shift_right_arithmetic3A_485, %and3A_486 : i32
    %shift_left3A_488 = arith.constant 7 : i32
    %shift_left3A_489 = arith.shli %and3A_487, %shift_left3A_488 : i32
    %multiple_of3A_490 = tpu.assume_multiple %shift_left3A_489, 128 : i32
    %add3A_491 = arith.constant 8 : i32
    %add3A_492 = arith.addi %mul3A_2, %add3A_491 : i32
    %multiple_of3A_493 = tpu.assume_multiple %add3A_492, 8 : i32
    %dma_start3A_494 = arith.constant 11 : i32
    %dma_start3A_495 = arith.constant 0 : i32
    %dma_start3A_496 = arith.constant 0 : i32
    %dma_start3A_497 = tpu.memref_slice %arg9[%dma_start3A_494, %dma_start3A_495, %dma_start3A_496] : memref<64x8x128xf32, #tpu.memory_space<vmem>> -> memref<1x8x128xf32, #tpu.memory_space<vmem>>
    %dma_start3A_498 = tpu.memref_squeeze %dma_start3A_497 : memref<1x8x128xf32, #tpu.memory_space<vmem>> -> memref<8x128xf32, #tpu.memory_space<vmem>>
    %dma_start3A_499 = tpu.memref_slice %arg2[%multiple_of3A_493, %multiple_of3A_490] : memref<2048x32512xf32, #tpu.memory_space<hbm>> -> memref<8x128xf32, #tpu.memory_space<hbm>>
    %dma_start3A_500 = arith.constant 0 : i32
    %dma_start3A_501 = arith.constant 0 : i32
    %dma_start3A_502 = tpu.memref_slice %arg9[%dma_start3A_494, %dma_start3A_500, %dma_start3A_501] : memref<64x8x128xf32, #tpu.memory_space<vmem>> -> memref<1x8x128xf32, #tpu.memory_space<vmem>>
    %dma_start3A_503 = tpu.memref_squeeze %dma_start3A_502 : memref<1x8x128xf32, #tpu.memory_space<vmem>> -> memref<8x128xf32, #tpu.memory_space<vmem>>
    %dma_start3A_504 = tpu.memref_slice %arg2[%multiple_of3A_493, %multiple_of3A_490] : memref<2048x32512xf32, #tpu.memory_space<hbm>> -> memref<8x128xf32, #tpu.memory_space<hbm>>
    tpu.enqueue_dma source(%dma_start3A_504 : memref<8x128xf32, #tpu.memory_space<hbm>>) target(%dma_start3A_503 : memref<8x128xf32, #tpu.memory_space<vmem>>) target_semaphore(%arg11 : memref<!tpu.dma_semaphore, #tpu.memory_space<semaphore_mem>>)
    %eq3A_505 = arith.constant 3 : i32
    %eq3A_506 = vector.broadcast %eq3A_505 : i32 to vector<16xi32>
    %eq3A_507 = arith.cmpi eq, %iota3A, %eq3A_506 : vector<16xi32>
    %jit3A_508 = arith.constant 2147483647 : i32
    %broadcast_in_dim3A_509 = vector.broadcast %jit3A_508 : i32 to vector<16xi32>
    %select_n3A_510 = arith.select %eq3A_507, %or3A_214, %broadcast_in_dim3A_509 : vector<16xi1>, vector<16xi32>
    %reduce_min3A_511 = arith.constant true
    %reduce_min3A_512 = vector.broadcast %reduce_min3A_511 : i1 to vector<16xi1>
    %reduce_min3A_513 = arith.constant -2147483648 : i32
    %reduce_min3A_514 = vector.broadcast %reduce_min3A_513 : i32 to vector<16xi32>
    %reduce_min3A_515 = arith.xori %select_n3A_510, %reduce_min3A_514 : vector<16xi32>
    %reduce_min3A_516 = tpu.scan <min>, %reduce_min3A_515 masked %reduce_min3A_512 : vector<16xi32>, vector<16xi1> -> vector<16xi32>
    %reduce_min3A_517 = arith.xori %reduce_min3A_516, %reduce_min3A_514 : vector<16xi32>
    %reduce_min3A_518 = vector.extract %reduce_min3A_517[15] : i32 from vector<16xi32>
    %shift_right_arithmetic3A_519 = arith.constant 0 : i32
    %shift_right_arithmetic3A_520 = arith.shrsi %reduce_min3A_518, %shift_right_arithmetic3A_519 : i32
    %and3A_521 = arith.constant 255 : i32
    %and3A_522 = arith.andi %shift_right_arithmetic3A_520, %and3A_521 : i32
    %shift_left3A_523 = arith.constant 7 : i32
    %shift_left3A_524 = arith.shli %and3A_522, %shift_left3A_523 : i32
    %multiple_of3A_525 = tpu.assume_multiple %shift_left3A_524, 128 : i32
    %add3A_526 = arith.constant 8 : i32
    %add3A_527 = arith.addi %mul3A_2, %add3A_526 : i32
    %multiple_of3A_528 = tpu.assume_multiple %add3A_527, 8 : i32
    %dma_start3A_529 = arith.constant 12 : i32
    %dma_start3A_530 = arith.constant 0 : i32
    %dma_start3A_531 = arith.constant 0 : i32
    %dma_start3A_532 = tpu.memref_slice %arg9[%dma_start3A_529, %dma_start3A_530, %dma_start3A_531] : memref<64x8x128xf32, #tpu.memory_space<vmem>> -> memref<1x8x128xf32, #tpu.memory_space<vmem>>
    %dma_start3A_533 = tpu.memref_squeeze %dma_start3A_532 : memref<1x8x128xf32, #tpu.memory_space<vmem>> -> memref<8x128xf32, #tpu.memory_space<vmem>>
    %dma_start3A_534 = tpu.memref_slice %arg2[%multiple_of3A_528, %multiple_of3A_525] : memref<2048x32512xf32, #tpu.memory_space<hbm>> -> memref<8x128xf32, #tpu.memory_space<hbm>>
    %dma_start3A_535 = arith.constant 0 : i32
    %dma_start3A_536 = arith.constant 0 : i32
    %dma_start3A_537 = tpu.memref_slice %arg9[%dma_start3A_529, %dma_start3A_535, %dma_start3A_536] : memref<64x8x128xf32, #tpu.memory_space<vmem>> -> memref<1x8x128xf32, #tpu.memory_space<vmem>>
    %dma_start3A_538 = tpu.memref_squeeze %dma_start3A_537 : memref<1x8x128xf32, #tpu.memory_space<vmem>> -> memref<8x128xf32, #tpu.memory_space<vmem>>
    %dma_start3A_539 = tpu.memref_slice %arg2[%multiple_of3A_528, %multiple_of3A_525] : memref<2048x32512xf32, #tpu.memory_space<hbm>> -> memref<8x128xf32, #tpu.memory_space<hbm>>
    tpu.enqueue_dma source(%dma_start3A_539 : memref<8x128xf32, #tpu.memory_space<hbm>>) target(%dma_start3A_538 : memref<8x128xf32, #tpu.memory_space<vmem>>) target_semaphore(%arg11 : memref<!tpu.dma_semaphore, #tpu.memory_space<semaphore_mem>>)
    %shift_right_arithmetic3A_540 = arith.constant 8 : i32
    %shift_right_arithmetic3A_541 = arith.shrsi %reduce_min3A_518, %shift_right_arithmetic3A_540 : i32
    %and3A_542 = arith.constant 255 : i32
    %and3A_543 = arith.andi %shift_right_arithmetic3A_541, %and3A_542 : i32
    %shift_left3A_544 = arith.constant 7 : i32
    %shift_left3A_545 = arith.shli %and3A_543, %shift_left3A_544 : i32
    %multiple_of3A_546 = tpu.assume_multiple %shift_left3A_545, 128 : i32
    %add3A_547 = arith.constant 8 : i32
    %add3A_548 = arith.addi %mul3A_2, %add3A_547 : i32
    %multiple_of3A_549 = tpu.assume_multiple %add3A_548, 8 : i32
    %dma_start3A_550 = arith.constant 13 : i32
    %dma_start3A_551 = arith.constant 0 : i32
    %dma_start3A_552 = arith.constant 0 : i32
    %dma_start3A_553 = tpu.memref_slice %arg9[%dma_start3A_550, %dma_start3A_551, %dma_start3A_552] : memref<64x8x128xf32, #tpu.memory_space<vmem>> -> memref<1x8x128xf32, #tpu.memory_space<vmem>>
    %dma_start3A_554 = tpu.memref_squeeze %dma_start3A_553 : memref<1x8x128xf32, #tpu.memory_space<vmem>> -> memref<8x128xf32, #tpu.memory_space<vmem>>
    %dma_start3A_555 = tpu.memref_slice %arg2[%multiple_of3A_549, %multiple_of3A_546] : memref<2048x32512xf32, #tpu.memory_space<hbm>> -> memref<8x128xf32, #tpu.memory_space<hbm>>
    %dma_start3A_556 = arith.constant 0 : i32
    %dma_start3A_557 = arith.constant 0 : i32
    %dma_start3A_558 = tpu.memref_slice %arg9[%dma_start3A_550, %dma_start3A_556, %dma_start3A_557] : memref<64x8x128xf32, #tpu.memory_space<vmem>> -> memref<1x8x128xf32, #tpu.memory_space<vmem>>
    %dma_start3A_559 = tpu.memref_squeeze %dma_start3A_558 : memref<1x8x128xf32, #tpu.memory_space<vmem>> -> memref<8x128xf32, #tpu.memory_space<vmem>>
    %dma_start3A_560 = tpu.memref_slice %arg2[%multiple_of3A_549, %multiple_of3A_546] : memref<2048x32512xf32, #tpu.memory_space<hbm>> -> memref<8x128xf32, #tpu.memory_space<hbm>>
    tpu.enqueue_dma source(%dma_start3A_560 : memref<8x128xf32, #tpu.memory_space<hbm>>) target(%dma_start3A_559 : memref<8x128xf32, #tpu.memory_space<vmem>>) target_semaphore(%arg11 : memref<!tpu.dma_semaphore, #tpu.memory_space<semaphore_mem>>)
    %shift_right_arithmetic3A_561 = arith.constant 16 : i32
    %shift_right_arithmetic3A_562 = arith.shrsi %reduce_min3A_518, %shift_right_arithmetic3A_561 : i32
    %and3A_563 = arith.constant 255 : i32
    %and3A_564 = arith.andi %shift_right_arithmetic3A_562, %and3A_563 : i32
    %shift_left3A_565 = arith.constant 7 : i32
    %shift_left3A_566 = arith.shli %and3A_564, %shift_left3A_565 : i32
    %multiple_of3A_567 = tpu.assume_multiple %shift_left3A_566, 128 : i32
    %add3A_568 = arith.constant 8 : i32
    %add3A_569 = arith.addi %mul3A_2, %add3A_568 : i32
    %multiple_of3A_570 = tpu.assume_multiple %add3A_569, 8 : i32
    %dma_start3A_571 = arith.constant 14 : i32
    %dma_start3A_572 = arith.constant 0 : i32
    %dma_start3A_573 = arith.constant 0 : i32
    %dma_start3A_574 = tpu.memref_slice %arg9[%dma_start3A_571, %dma_start3A_572, %dma_start3A_573] : memref<64x8x128xf32, #tpu.memory_space<vmem>> -> memref<1x8x128xf32, #tpu.memory_space<vmem>>
    %dma_start3A_575 = tpu.memref_squeeze %dma_start3A_574 : memref<1x8x128xf32, #tpu.memory_space<vmem>> -> memref<8x128xf32, #tpu.memory_space<vmem>>
    %dma_start3A_576 = tpu.memref_slice %arg2[%multiple_of3A_570, %multiple_of3A_567] : memref<2048x32512xf32, #tpu.memory_space<hbm>> -> memref<8x128xf32, #tpu.memory_space<hbm>>
    %dma_start3A_577 = arith.constant 0 : i32
    %dma_start3A_578 = arith.constant 0 : i32
    %dma_start3A_579 = tpu.memref_slice %arg9[%dma_start3A_571, %dma_start3A_577, %dma_start3A_578] : memref<64x8x128xf32, #tpu.memory_space<vmem>> -> memref<1x8x128xf32, #tpu.memory_space<vmem>>
    %dma_start3A_580 = tpu.memref_squeeze %dma_start3A_579 : memref<1x8x128xf32, #tpu.memory_space<vmem>> -> memref<8x128xf32, #tpu.memory_space<vmem>>
    %dma_start3A_581 = tpu.memref_slice %arg2[%multiple_of3A_570, %multiple_of3A_567] : memref<2048x32512xf32, #tpu.memory_space<hbm>> -> memref<8x128xf32, #tpu.memory_space<hbm>>
    tpu.enqueue_dma source(%dma_start3A_581 : memref<8x128xf32, #tpu.memory_space<hbm>>) target(%dma_start3A_580 : memref<8x128xf32, #tpu.memory_space<vmem>>) target_semaphore(%arg11 : memref<!tpu.dma_semaphore, #tpu.memory_space<semaphore_mem>>)
    %shift_right_arithmetic3A_582 = arith.constant 24 : i32
    %shift_right_arithmetic3A_583 = arith.shrsi %reduce_min3A_518, %shift_right_arithmetic3A_582 : i32
    %and3A_584 = arith.constant 255 : i32
    %and3A_585 = arith.andi %shift_right_arithmetic3A_583, %and3A_584 : i32
    %shift_left3A_586 = arith.constant 7 : i32
    %shift_left3A_587 = arith.shli %and3A_585, %shift_left3A_586 : i32
    %multiple_of3A_588 = tpu.assume_multiple %shift_left3A_587, 128 : i32
    %add3A_589 = arith.constant 8 : i32
    %add3A_590 = arith.addi %mul3A_2, %add3A_589 : i32
    %multiple_of3A_591 = tpu.assume_multiple %add3A_590, 8 : i32
    %dma_start3A_592 = arith.constant 15 : i32
    %dma_start3A_593 = arith.constant 0 : i32
    %dma_start3A_594 = arith.constant 0 : i32
    %dma_start3A_595 = tpu.memref_slice %arg9[%dma_start3A_592, %dma_start3A_593, %dma_start3A_594] : memref<64x8x128xf32, #tpu.memory_space<vmem>> -> memref<1x8x128xf32, #tpu.memory_space<vmem>>
    %dma_start3A_596 = tpu.memref_squeeze %dma_start3A_595 : memref<1x8x128xf32, #tpu.memory_space<vmem>> -> memref<8x128xf32, #tpu.memory_space<vmem>>
    %dma_start3A_597 = tpu.memref_slice %arg2[%multiple_of3A_591, %multiple_of3A_588] : memref<2048x32512xf32, #tpu.memory_space<hbm>> -> memref<8x128xf32, #tpu.memory_space<hbm>>
    %dma_start3A_598 = arith.constant 0 : i32
    %dma_start3A_599 = arith.constant 0 : i32
    %dma_start3A_600 = tpu.memref_slice %arg9[%dma_start3A_592, %dma_start3A_598, %dma_start3A_599] : memref<64x8x128xf32, #tpu.memory_space<vmem>> -> memref<1x8x128xf32, #tpu.memory_space<vmem>>
    %dma_start3A_601 = tpu.memref_squeeze %dma_start3A_600 : memref<1x8x128xf32, #tpu.memory_space<vmem>> -> memref<8x128xf32, #tpu.memory_space<vmem>>
    %dma_start3A_602 = tpu.memref_slice %arg2[%multiple_of3A_591, %multiple_of3A_588] : memref<2048x32512xf32, #tpu.memory_space<hbm>> -> memref<8x128xf32, #tpu.memory_space<hbm>>
    tpu.enqueue_dma source(%dma_start3A_602 : memref<8x128xf32, #tpu.memory_space<hbm>>) target(%dma_start3A_601 : memref<8x128xf32, #tpu.memory_space<vmem>>) target_semaphore(%arg11 : memref<!tpu.dma_semaphore, #tpu.memory_space<semaphore_mem>>)
    %get3A_603 = arith.constant 16 : index
    %get3A_604 = tpu.vector_load %arg7[%get3A_603] {strides = array<i32>} : memref<64xi32, #tpu.memory_space<vmem>>, vector<16xi32>,
    %shift_right_logical3A_605 = arith.constant 7 : i32
    %shift_right_logical3A_606 = vector.broadcast %shift_right_logical3A_605 : i32 to vector<16xi32>
    %shift_right_logical3A_607 = arith.shrui %get3A_604, %shift_right_logical3A_606 : vector<16xi32>
    %mul3A_608 = arith.constant 4 : i32
    %mul3A_609 = vector.broadcast %mul3A_608 : i32 to vector<16xi32>
    %mul3A_610 = arith.muli %iota3A, %mul3A_609 : vector<16xi32>
    %and3A_611 = arith.constant 15 : i32
    %and3A_612 = vector.broadcast %and3A_611 : i32 to vector<16xi32>
    %and3A_613 = arith.andi %mul3A_610, %and3A_612 : vector<16xi32>
    %lt3A_614 = arith.constant 0 : i32
    %lt3A_615 = vector.broadcast %lt3A_614 : i32 to vector<16xi32>
    %lt3A_616 = arith.cmpi slt, %and3A_613, %lt3A_615 : vector<16xi32>
    %add3A_617 = arith.constant 16 : i32
    %add3A_618 = vector.broadcast %add3A_617 : i32 to vector<16xi32>
    %add3A_619 = arith.addi %and3A_613, %add3A_618 : vector<16xi32>
    %select_n3A_620 = arith.select %lt3A_616, %add3A_619, %and3A_613 : vector<16xi1>, vector<16xi32>
    %broadcast_in_dim3A_621 = vector.shape_cast %select_n3A_620 : vector<16xi32> to vector<16x1xi32>
    %gather3A_622 = vector.shape_cast %broadcast_in_dim3A_621 : vector<16x1xi32> to vector<16xi32>
    %gather3A_623 = tpu.dynamic_gather %shift_right_logical3A_607[%gather3A_622] in [0] : vector<16xi32>, vector<16xi32> -> vector<16xi32>
    %mul3A_624 = arith.constant 4 : i32
    %mul3A_625 = vector.broadcast %mul3A_624 : i32 to vector<16xi32>
    %mul3A_626 = arith.muli %iota3A, %mul3A_625 : vector<16xi32>
    %add3A_627 = arith.constant 1 : i32
    %add3A_628 = vector.broadcast %add3A_627 : i32 to vector<16xi32>
    %add3A_629 = arith.addi %mul3A_626, %add3A_628 : vector<16xi32>
    %and3A_630 = arith.constant 15 : i32
    %and3A_631 = vector.broadcast %and3A_630 : i32 to vector<16xi32>
    %and3A_632 = arith.andi %add3A_629, %and3A_631 : vector<16xi32>
    %lt3A_633 = arith.constant 0 : i32
    %lt3A_634 = vector.broadcast %lt3A_633 : i32 to vector<16xi32>
    %lt3A_635 = arith.cmpi slt, %and3A_632, %lt3A_634 : vector<16xi32>
    %add3A_636 = arith.constant 16 : i32
    %add3A_637 = vector.broadcast %add3A_636 : i32 to vector<16xi32>
    %add3A_638 = arith.addi %and3A_632, %add3A_637 : vector<16xi32>
    %select_n3A_639 = arith.select %lt3A_635, %add3A_638, %and3A_632 : vector<16xi1>, vector<16xi32>
    %broadcast_in_dim3A_640 = vector.shape_cast %select_n3A_639 : vector<16xi32> to vector<16x1xi32>
    %gather3A_641 = vector.shape_cast %broadcast_in_dim3A_640 : vector<16x1xi32> to vector<16xi32>
    %gather3A_642 = tpu.dynamic_gather %shift_right_logical3A_607[%gather3A_641] in [0] : vector<16xi32>, vector<16xi32> -> vector<16xi32>
    %mul3A_643 = arith.constant 4 : i32
    %mul3A_644 = vector.broadcast %mul3A_643 : i32 to vector<16xi32>
    %mul3A_645 = arith.muli %iota3A, %mul3A_644 : vector<16xi32>
    %add3A_646 = arith.constant 2 : i32
    %add3A_647 = vector.broadcast %add3A_646 : i32 to vector<16xi32>
    %add3A_648 = arith.addi %mul3A_645, %add3A_647 : vector<16xi32>
    %and3A_649 = arith.constant 15 : i32
    %and3A_650 = vector.broadcast %and3A_649 : i32 to vector<16xi32>
    %and3A_651 = arith.andi %add3A_648, %and3A_650 : vector<16xi32>
    %lt3A_652 = arith.constant 0 : i32
    %lt3A_653 = vector.broadcast %lt3A_652 : i32 to vector<16xi32>
    %lt3A_654 = arith.cmpi slt, %and3A_651, %lt3A_653 : vector<16xi32>
    %add3A_655 = arith.constant 16 : i32
    %add3A_656 = vector.broadcast %add3A_655 : i32 to vector<16xi32>
    %add3A_657 = arith.addi %and3A_651, %add3A_656 : vector<16xi32>
    %select_n3A_658 = arith.select %lt3A_654, %add3A_657, %and3A_651 : vector<16xi1>, vector<16xi32>
    %broadcast_in_dim3A_659 = vector.shape_cast %select_n3A_658 : vector<16xi32> to vector<16x1xi32>
    %gather3A_660 = vector.shape_cast %broadcast_in_dim3A_659 : vector<16x1xi32> to vector<16xi32>
    %gather3A_661 = tpu.dynamic_gather %shift_right_logical3A_607[%gather3A_660] in [0] : vector<16xi32>, vector<16xi32> -> vector<16xi32>
    %mul3A_662 = arith.constant 4 : i32
    %mul3A_663 = vector.broadcast %mul3A_662 : i32 to vector<16xi32>
    %mul3A_664 = arith.muli %iota3A, %mul3A_663 : vector<16xi32>
    %add3A_665 = arith.constant 3 : i32
    %add3A_666 = vector.broadcast %add3A_665 : i32 to vector<16xi32>
    %add3A_667 = arith.addi %mul3A_664, %add3A_666 : vector<16xi32>
    %and3A_668 = arith.constant 15 : i32
    %and3A_669 = vector.broadcast %and3A_668 : i32 to vector<16xi32>
    %and3A_670 = arith.andi %add3A_667, %and3A_669 : vector<16xi32>
    %lt3A_671 = arith.constant 0 : i32
    %lt3A_672 = vector.broadcast %lt3A_671 : i32 to vector<16xi32>
    %lt3A_673 = arith.cmpi slt, %and3A_670, %lt3A_672 : vector<16xi32>
    %add3A_674 = arith.constant 16 : i32
    %add3A_675 = vector.broadcast %add3A_674 : i32 to vector<16xi32>
    %add3A_676 = arith.addi %and3A_670, %add3A_675 : vector<16xi32>
    %select_n3A_677 = arith.select %lt3A_673, %add3A_676, %and3A_670 : vector<16xi1>, vector<16xi32>
    %broadcast_in_dim3A_678 = vector.shape_cast %select_n3A_677 : vector<16xi32> to vector<16x1xi32>
    %gather3A_679 = vector.shape_cast %broadcast_in_dim3A_678 : vector<16x1xi32> to vector<16xi32>
    %gather3A_680 = tpu.dynamic_gather %shift_right_logical3A_607[%gather3A_679] in [0] : vector<16xi32>, vector<16xi32> -> vector<16xi32>
    %shift_left3A_681 = arith.constant 8 : i32
    %shift_left3A_682 = vector.broadcast %shift_left3A_681 : i32 to vector<16xi32>
    %shift_left3A_683 = arith.shli %gather3A_642, %shift_left3A_682 : vector<16xi32>
    %or3A_684 = arith.ori %gather3A_623, %shift_left3A_683 : vector<16xi32>
    %shift_left3A_685 = arith.constant 16 : i32
    %shift_left3A_686 = vector.broadcast %shift_left3A_685 : i32 to vector<16xi32>
    %shift_left3A_687 = arith.shli %gather3A_661, %shift_left3A_686 : vector<16xi32>
    %or3A_688 = arith.ori %or3A_684, %shift_left3A_687 : vector<16xi32>
    %shift_left3A_689 = arith.constant 24 : i32
    %shift_left3A_690 = vector.broadcast %shift_left3A_689 : i32 to vector<16xi32>
    %shift_left3A_691 = arith.shli %gather3A_680, %shift_left3A_690 : vector<16xi32>
    %or3A_692 = arith.ori %or3A_688, %shift_left3A_691 : vector<16xi32>
    %eq3A_693 = arith.constant 0 : i32
    %eq3A_694 = vector.broadcast %eq3A_693 : i32 to vector<16xi32>
    %eq3A_695 = arith.cmpi eq, %iota3A, %eq3A_694 : vector<16xi32>
    %jit3A_696 = arith.constant 2147483647 : i32
    %broadcast_in_dim3A_697 = vector.broadcast %jit3A_696 : i32 to vector<16xi32>
    %select_n3A_698 = arith.select %eq3A_695, %or3A_692, %broadcast_in_dim3A_697 : vector<16xi1>, vector<16xi32>
    %reduce_min3A_699 = arith.constant true
    %reduce_min3A_700 = vector.broadcast %reduce_min3A_699 : i1 to vector<16xi1>
    %reduce_min3A_701 = arith.constant -2147483648 : i32
    %reduce_min3A_702 = vector.broadcast %reduce_min3A_701 : i32 to vector<16xi32>
    %reduce_min3A_703 = arith.xori %select_n3A_698, %reduce_min3A_702 : vector<16xi32>
    %reduce_min3A_704 = tpu.scan <min>, %reduce_min3A_703 masked %reduce_min3A_700 : vector<16xi32>, vector<16xi1> -> vector<16xi32>
    %reduce_min3A_705 = arith.xori %reduce_min3A_704, %reduce_min3A_702 : vector<16xi32>
    %reduce_min3A_706 = vector.extract %reduce_min3A_705[15] : i32 from vector<16xi32>
    %shift_right_arithmetic3A_707 = arith.constant 0 : i32
    %shift_right_arithmetic3A_708 = arith.shrsi %reduce_min3A_706, %shift_right_arithmetic3A_707 : i32
    %and3A_709 = arith.constant 255 : i32
    %and3A_710 = arith.andi %shift_right_arithmetic3A_708, %and3A_709 : i32
    %shift_left3A_711 = arith.constant 7 : i32
    %shift_left3A_712 = arith.shli %and3A_710, %shift_left3A_711 : i32
    %multiple_of3A_713 = tpu.assume_multiple %shift_left3A_712, 128 : i32
    %add3A_714 = arith.constant 16 : i32
    %add3A_715 = arith.addi %mul3A_2, %add3A_714 : i32
    %multiple_of3A_716 = tpu.assume_multiple %add3A_715, 8 : i32
    %dma_start3A_717 = arith.constant 16 : i32
    %dma_start3A_718 = arith.constant 0 : i32
    %dma_start3A_719 = arith.constant 0 : i32
    %dma_start3A_720 = tpu.memref_slice %arg9[%dma_start3A_717, %dma_start3A_718, %dma_start3A_719] : memref<64x8x128xf32, #tpu.memory_space<vmem>> -> memref<1x8x128xf32, #tpu.memory_space<vmem>>
    %dma_start3A_721 = tpu.memref_squeeze %dma_start3A_720 : memref<1x8x128xf32, #tpu.memory_space<vmem>> -> memref<8x128xf32, #tpu.memory_space<vmem>>
    %dma_start3A_722 = tpu.memref_slice %arg2[%multiple_of3A_716, %multiple_of3A_713] : memref<2048x32512xf32, #tpu.memory_space<hbm>> -> memref<8x128xf32, #tpu.memory_space<hbm>>
    %dma_start3A_723 = arith.constant 0 : i32
    %dma_start3A_724 = arith.constant 0 : i32
    %dma_start3A_725 = tpu.memref_slice %arg9[%dma_start3A_717, %dma_start3A_723, %dma_start3A_724] : memref<64x8x128xf32, #tpu.memory_space<vmem>> -> memref<1x8x128xf32, #tpu.memory_space<vmem>>
    %dma_start3A_726 = tpu.memref_squeeze %dma_start3A_725 : memref<1x8x128xf32, #tpu.memory_space<vmem>> -> memref<8x128xf32, #tpu.memory_space<vmem>>
    %dma_start3A_727 = tpu.memref_slice %arg2[%multiple_of3A_716, %multiple_of3A_713] : memref<2048x32512xf32, #tpu.memory_space<hbm>> -> memref<8x128xf32, #tpu.memory_space<hbm>>
    tpu.enqueue_dma source(%dma_start3A_727 : memref<8x128xf32, #tpu.memory_space<hbm>>) target(%dma_start3A_726 : memref<8x128xf32, #tpu.memory_space<vmem>>) target_semaphore(%arg11 : memref<!tpu.dma_semaphore, #tpu.memory_space<semaphore_mem>>)
    %shift_right_arithmetic3A_728 = arith.constant 8 : i32
    %shift_right_arithmetic3A_729 = arith.shrsi %reduce_min3A_706, %shift_right_arithmetic3A_728 : i32
    %and3A_730 = arith.constant 255 : i32
    %and3A_731 = arith.andi %shift_right_arithmetic3A_729, %and3A_730 : i32
    %shift_left3A_732 = arith.constant 7 : i32
    %shift_left3A_733 = arith.shli %and3A_731, %shift_left3A_732 : i32
    %multiple_of3A_734 = tpu.assume_multiple %shift_left3A_733, 128 : i32
    %add3A_735 = arith.constant 16 : i32
    %add3A_736 = arith.addi %mul3A_2, %add3A_735 : i32
    %multiple_of3A_737 = tpu.assume_multiple %add3A_736, 8 : i32
    %dma_start3A_738 = arith.constant 17 : i32
    %dma_start3A_739 = arith.constant 0 : i32
    %dma_start3A_740 = arith.constant 0 : i32
    %dma_start3A_741 = tpu.memref_slice %arg9[%dma_start3A_738, %dma_start3A_739, %dma_start3A_740] : memref<64x8x128xf32, #tpu.memory_space<vmem>> -> memref<1x8x128xf32, #tpu.memory_space<vmem>>
    %dma_start3A_742 = tpu.memref_squeeze %dma_start3A_741 : memref<1x8x128xf32, #tpu.memory_space<vmem>> -> memref<8x128xf32, #tpu.memory_space<vmem>>
    %dma_start3A_743 = tpu.memref_slice %arg2[%multiple_of3A_737, %multiple_of3A_734] : memref<2048x32512xf32, #tpu.memory_space<hbm>> -> memref<8x128xf32, #tpu.memory_space<hbm>>
    %dma_start3A_744 = arith.constant 0 : i32
    %dma_start3A_745 = arith.constant 0 : i32
    %dma_start3A_746 = tpu.memref_slice %arg9[%dma_start3A_738, %dma_start3A_744, %dma_start3A_745] : memref<64x8x128xf32, #tpu.memory_space<vmem>> -> memref<1x8x128xf32, #tpu.memory_space<vmem>>
    %dma_start3A_747 = tpu.memref_squeeze %dma_start3A_746 : memref<1x8x128xf32, #tpu.memory_space<vmem>> -> memref<8x128xf32, #tpu.memory_space<vmem>>
    %dma_start3A_748 = tpu.memref_slice %arg2[%multiple_of3A_737, %multiple_of3A_734] : memref<2048x32512xf32, #tpu.memory_space<hbm>> -> memref<8x128xf32, #tpu.memory_space<hbm>>
    tpu.enqueue_dma source(%dma_start3A_748 : memref<8x128xf32, #tpu.memory_space<hbm>>) target(%dma_start3A_747 : memref<8x128xf32, #tpu.memory_space<vmem>>) target_semaphore(%arg11 : memref<!tpu.dma_semaphore, #tpu.memory_space<semaphore_mem>>)
    %shift_right_arithmetic3A_749 = arith.constant 16 : i32
    %shift_right_arithmetic3A_750 = arith.shrsi %reduce_min3A_706, %shift_right_arithmetic3A_749 : i32
    %and3A_751 = arith.constant 255 : i32
    %and3A_752 = arith.andi %shift_right_arithmetic3A_750, %and3A_751 : i32
    %shift_left3A_753 = arith.constant 7 : i32
    %shift_left3A_754 = arith.shli %and3A_752, %shift_left3A_753 : i32
    %multiple_of3A_755 = tpu.assume_multiple %shift_left3A_754, 128 : i32
    %add3A_756 = arith.constant 16 : i32
    %add3A_757 = arith.addi %mul3A_2, %add3A_756 : i32
    %multiple_of3A_758 = tpu.assume_multiple %add3A_757, 8 : i32
    %dma_start3A_759 = arith.constant 18 : i32
    %dma_start3A_760 = arith.constant 0 : i32
    %dma_start3A_761 = arith.constant 0 : i32
    %dma_start3A_762 = tpu.memref_slice %arg9[%dma_start3A_759, %dma_start3A_760, %dma_start3A_761] : memref<64x8x128xf32, #tpu.memory_space<vmem>> -> memref<1x8x128xf32, #tpu.memory_space<vmem>>
    %dma_start3A_763 = tpu.memref_squeeze %dma_start3A_762 : memref<1x8x128xf32, #tpu.memory_space<vmem>> -> memref<8x128xf32, #tpu.memory_space<vmem>>
    %dma_start3A_764 = tpu.memref_slice %arg2[%multiple_of3A_758, %multiple_of3A_755] : memref<2048x32512xf32, #tpu.memory_space<hbm>> -> memref<8x128xf32, #tpu.memory_space<hbm>>
    %dma_start3A_765 = arith.constant 0 : i32
    %dma_start3A_766 = arith.constant 0 : i32
    %dma_start3A_767 = tpu.memref_slice %arg9[%dma_start3A_759, %dma_start3A_765, %dma_start3A_766] : memref<64x8x128xf32, #tpu.memory_space<vmem>> -> memref<1x8x128xf32, #tpu.memory_space<vmem>>
    %dma_start3A_768 = tpu.memref_squeeze %dma_start3A_767 : memref<1x8x128xf32, #tpu.memory_space<vmem>> -> memref<8x128xf32, #tpu.memory_space<vmem>>
    %dma_start3A_769 = tpu.memref_slice %arg2[%multiple_of3A_758, %multiple_of3A_755] : memref<2048x32512xf32, #tpu.memory_space<hbm>> -> memref<8x128xf32, #tpu.memory_space<hbm>>
    tpu.enqueue_dma source(%dma_start3A_769 : memref<8x128xf32, #tpu.memory_space<hbm>>) target(%dma_start3A_768 : memref<8x128xf32, #tpu.memory_space<vmem>>) target_semaphore(%arg11 : memref<!tpu.dma_semaphore, #tpu.memory_space<semaphore_mem>>)
    %shift_right_arithmetic3A_770 = arith.constant 24 : i32
    %shift_right_arithmetic3A_771 = arith.shrsi %reduce_min3A_706, %shift_right_arithmetic3A_770 : i32
    %and3A_772 = arith.constant 255 : i32
    %and3A_773 = arith.andi %shift_right_arithmetic3A_771, %and3A_772 : i32
    %shift_left3A_774 = arith.constant 7 : i32
    %shift_left3A_775 = arith.shli %and3A_773, %shift_left3A_774 : i32
    %multiple_of3A_776 = tpu.assume_multiple %shift_left3A_775, 128 : i32
    %add3A_777 = arith.constant 16 : i32
    %add3A_778 = arith.addi %mul3A_2, %add3A_777 : i32
    %multiple_of3A_779 = tpu.assume_multiple %add3A_778, 8 : i32
    %dma_start3A_780 = arith.constant 19 : i32
    %dma_start3A_781 = arith.constant 0 : i32
    %dma_start3A_782 = arith.constant 0 : i32
    %dma_start3A_783 = tpu.memref_slice %arg9[%dma_start3A_780, %dma_start3A_781, %dma_start3A_782] : memref<64x8x128xf32, #tpu.memory_space<vmem>> -> memref<1x8x128xf32, #tpu.memory_space<vmem>>
    %dma_start3A_784 = tpu.memref_squeeze %dma_start3A_783 : memref<1x8x128xf32, #tpu.memory_space<vmem>> -> memref<8x128xf32, #tpu.memory_space<vmem>>
    %dma_start3A_785 = tpu.memref_slice %arg2[%multiple_of3A_779, %multiple_of3A_776] : memref<2048x32512xf32, #tpu.memory_space<hbm>> -> memref<8x128xf32, #tpu.memory_space<hbm>>
    %dma_start3A_786 = arith.constant 0 : i32
    %dma_start3A_787 = arith.constant 0 : i32
    %dma_start3A_788 = tpu.memref_slice %arg9[%dma_start3A_780, %dma_start3A_786, %dma_start3A_787] : memref<64x8x128xf32, #tpu.memory_space<vmem>> -> memref<1x8x128xf32, #tpu.memory_space<vmem>>
    %dma_start3A_789 = tpu.memref_squeeze %dma_start3A_788 : memref<1x8x128xf32, #tpu.memory_space<vmem>> -> memref<8x128xf32, #tpu.memory_space<vmem>>
    %dma_start3A_790 = tpu.memref_slice %arg2[%multiple_of3A_779, %multiple_of3A_776] : memref<2048x32512xf32, #tpu.memory_space<hbm>> -> memref<8x128xf32, #tpu.memory_space<hbm>>
    tpu.enqueue_dma source(%dma_start3A_790 : memref<8x128xf32, #tpu.memory_space<hbm>>) target(%dma_start3A_789 : memref<8x128xf32, #tpu.memory_space<vmem>>) target_semaphore(%arg11 : memref<!tpu.dma_semaphore, #tpu.memory_space<semaphore_mem>>)
    %eq3A_791 = arith.constant 1 : i32
    %eq3A_792 = vector.broadcast %eq3A_791 : i32 to vector<16xi32>
    %eq3A_793 = arith.cmpi eq, %iota3A, %eq3A_792 : vector<16xi32>
    %jit3A_794 = arith.constant 2147483647 : i32
    %broadcast_in_dim3A_795 = vector.broadcast %jit3A_794 : i32 to vector<16xi32>
    %select_n3A_796 = arith.select %eq3A_793, %or3A_692, %broadcast_in_dim3A_795 : vector<16xi1>, vector<16xi32>
    %reduce_min3A_797 = arith.constant true
    %reduce_min3A_798 = vector.broadcast %reduce_min3A_797 : i1 to vector<16xi1>
    %reduce_min3A_799 = arith.constant -2147483648 : i32
    %reduce_min3A_800 = vector.broadcast %reduce_min3A_799 : i32 to vector<16xi32>
    %reduce_min3A_801 = arith.xori %select_n3A_796, %reduce_min3A_800 : vector<16xi32>
    %reduce_min3A_802 = tpu.scan <min>, %reduce_min3A_801 masked %reduce_min3A_798 : vector<16xi32>, vector<16xi1> -> vector<16xi32>
    %reduce_min3A_803 = arith.xori %reduce_min3A_802, %reduce_min3A_800 : vector<16xi32>
    %reduce_min3A_804 = vector.extract %reduce_min3A_803[15] : i32 from vector<16xi32>
    %shift_right_arithmetic3A_805 = arith.constant 0 : i32
    %shift_right_arithmetic3A_806 = arith.shrsi %reduce_min3A_804, %shift_right_arithmetic3A_805 : i32
    %and3A_807 = arith.constant 255 : i32
    %and3A_808 = arith.andi %shift_right_arithmetic3A_806, %and3A_807 : i32
    %shift_left3A_809 = arith.constant 7 : i32
    %shift_left3A_810 = arith.shli %and3A_808, %shift_left3A_809 : i32
    %multiple_of3A_811 = tpu.assume_multiple %shift_left3A_810, 128 : i32
    %add3A_812 = arith.constant 16 : i32
    %add3A_813 = arith.addi %mul3A_2, %add3A_812 : i32
    %multiple_of3A_814 = tpu.assume_multiple %add3A_813, 8 : i32
    %dma_start3A_815 = arith.constant 20 : i32
    %dma_start3A_816 = arith.constant 0 : i32
    %dma_start3A_817 = arith.constant 0 : i32
    %dma_start3A_818 = tpu.memref_slice %arg9[%dma_start3A_815, %dma_start3A_816, %dma_start3A_817] : memref<64x8x128xf32, #tpu.memory_space<vmem>> -> memref<1x8x128xf32, #tpu.memory_space<vmem>>
    %dma_start3A_819 = tpu.memref_squeeze %dma_start3A_818 : memref<1x8x128xf32, #tpu.memory_space<vmem>> -> memref<8x128xf32, #tpu.memory_space<vmem>>
    %dma_start3A_820 = tpu.memref_slice %arg2[%multiple_of3A_814, %multiple_of3A_811] : memref<2048x32512xf32, #tpu.memory_space<hbm>> -> memref<8x128xf32, #tpu.memory_space<hbm>>
    %dma_start3A_821 = arith.constant 0 : i32
    %dma_start3A_822 = arith.constant 0 : i32
    %dma_start3A_823 = tpu.memref_slice %arg9[%dma_start3A_815, %dma_start3A_821, %dma_start3A_822] : memref<64x8x128xf32, #tpu.memory_space<vmem>> -> memref<1x8x128xf32, #tpu.memory_space<vmem>>
    %dma_start3A_824 = tpu.memref_squeeze %dma_start3A_823 : memref<1x8x128xf32, #tpu.memory_space<vmem>> -> memref<8x128xf32, #tpu.memory_space<vmem>>
    %dma_start3A_825 = tpu.memref_slice %arg2[%multiple_of3A_814, %multiple_of3A_811] : memref<2048x32512xf32, #tpu.memory_space<hbm>> -> memref<8x128xf32, #tpu.memory_space<hbm>>
    tpu.enqueue_dma source(%dma_start3A_825 : memref<8x128xf32, #tpu.memory_space<hbm>>) target(%dma_start3A_824 : memref<8x128xf32, #tpu.memory_space<vmem>>) target_semaphore(%arg11 : memref<!tpu.dma_semaphore, #tpu.memory_space<semaphore_mem>>)
    %shift_right_arithmetic3A_826 = arith.constant 8 : i32
    %shift_right_arithmetic3A_827 = arith.shrsi %reduce_min3A_804, %shift_right_arithmetic3A_826 : i32
    %and3A_828 = arith.constant 255 : i32
    %and3A_829 = arith.andi %shift_right_arithmetic3A_827, %and3A_828 : i32
    %shift_left3A_830 = arith.constant 7 : i32
    %shift_left3A_831 = arith.shli %and3A_829, %shift_left3A_830 : i32
    %multiple_of3A_832 = tpu.assume_multiple %shift_left3A_831, 128 : i32
    %add3A_833 = arith.constant 16 : i32
    %add3A_834 = arith.addi %mul3A_2, %add3A_833 : i32
    %multiple_of3A_835 = tpu.assume_multiple %add3A_834, 8 : i32
    %dma_start3A_836 = arith.constant 21 : i32
    %dma_start3A_837 = arith.constant 0 : i32
    %dma_start3A_838 = arith.constant 0 : i32
    %dma_start3A_839 = tpu.memref_slice %arg9[%dma_start3A_836, %dma_start3A_837, %dma_start3A_838] : memref<64x8x128xf32, #tpu.memory_space<vmem>> -> memref<1x8x128xf32, #tpu.memory_space<vmem>>
    %dma_start3A_840 = tpu.memref_squeeze %dma_start3A_839 : memref<1x8x128xf32, #tpu.memory_space<vmem>> -> memref<8x128xf32, #tpu.memory_space<vmem>>
    %dma_start3A_841 = tpu.memref_slice %arg2[%multiple_of3A_835, %multiple_of3A_832] : memref<2048x32512xf32, #tpu.memory_space<hbm>> -> memref<8x128xf32, #tpu.memory_space<hbm>>
    %dma_start3A_842 = arith.constant 0 : i32
    %dma_start3A_843 = arith.constant 0 : i32
    %dma_start3A_844 = tpu.memref_slice %arg9[%dma_start3A_836, %dma_start3A_842, %dma_start3A_843] : memref<64x8x128xf32, #tpu.memory_space<vmem>> -> memref<1x8x128xf32, #tpu.memory_space<vmem>>
    %dma_start3A_845 = tpu.memref_squeeze %dma_start3A_844 : memref<1x8x128xf32, #tpu.memory_space<vmem>> -> memref<8x128xf32, #tpu.memory_space<vmem>>
    %dma_start3A_846 = tpu.memref_slice %arg2[%multiple_of3A_835, %multiple_of3A_832] : memref<2048x32512xf32, #tpu.memory_space<hbm>> -> memref<8x128xf32, #tpu.memory_space<hbm>>
    tpu.enqueue_dma source(%dma_start3A_846 : memref<8x128xf32, #tpu.memory_space<hbm>>) target(%dma_start3A_845 : memref<8x128xf32, #tpu.memory_space<vmem>>) target_semaphore(%arg11 : memref<!tpu.dma_semaphore, #tpu.memory_space<semaphore_mem>>)
    %shift_right_arithmetic3A_847 = arith.constant 16 : i32
    %shift_right_arithmetic3A_848 = arith.shrsi %reduce_min3A_804, %shift_right_arithmetic3A_847 : i32
    %and3A_849 = arith.constant 255 : i32
    %and3A_850 = arith.andi %shift_right_arithmetic3A_848, %and3A_849 : i32
    %shift_left3A_851 = arith.constant 7 : i32
    %shift_left3A_852 = arith.shli %and3A_850, %shift_left3A_851 : i32
    %multiple_of3A_853 = tpu.assume_multiple %shift_left3A_852, 128 : i32
    %add3A_854 = arith.constant 16 : i32
    %add3A_855 = arith.addi %mul3A_2, %add3A_854 : i32
    %multiple_of3A_856 = tpu.assume_multiple %add3A_855, 8 : i32
    %dma_start3A_857 = arith.constant 22 : i32
    %dma_start3A_858 = arith.constant 0 : i32
    %dma_start3A_859 = arith.constant 0 : i32
    %dma_start3A_860 = tpu.memref_slice %arg9[%dma_start3A_857, %dma_start3A_858, %dma_start3A_859] : memref<64x8x128xf32, #tpu.memory_space<vmem>> -> memref<1x8x128xf32, #tpu.memory_space<vmem>>
    %dma_start3A_861 = tpu.memref_squeeze %dma_start3A_860 : memref<1x8x128xf32, #tpu.memory_space<vmem>> -> memref<8x128xf32, #tpu.memory_space<vmem>>
    %dma_start3A_862 = tpu.memref_slice %arg2[%multiple_of3A_856, %multiple_of3A_853] : memref<2048x32512xf32, #tpu.memory_space<hbm>> -> memref<8x128xf32, #tpu.memory_space<hbm>>
    %dma_start3A_863 = arith.constant 0 : i32
    %dma_start3A_864 = arith.constant 0 : i32
    %dma_start3A_865 = tpu.memref_slice %arg9[%dma_start3A_857, %dma_start3A_863, %dma_start3A_864] : memref<64x8x128xf32, #tpu.memory_space<vmem>> -> memref<1x8x128xf32, #tpu.memory_space<vmem>>
    %dma_start3A_866 = tpu.memref_squeeze %dma_start3A_865 : memref<1x8x128xf32, #tpu.memory_space<vmem>> -> memref<8x128xf32, #tpu.memory_space<vmem>>
    %dma_start3A_867 = tpu.memref_slice %arg2[%multiple_of3A_856, %multiple_of3A_853] : memref<2048x32512xf32, #tpu.memory_space<hbm>> -> memref<8x128xf32, #tpu.memory_space<hbm>>
    tpu.enqueue_dma source(%dma_start3A_867 : memref<8x128xf32, #tpu.memory_space<hbm>>) target(%dma_start3A_866 : memref<8x128xf32, #tpu.memory_space<vmem>>) target_semaphore(%arg11 : memref<!tpu.dma_semaphore, #tpu.memory_space<semaphore_mem>>)
    %shift_right_arithmetic3A_868 = arith.constant 24 : i32
    %shift_right_arithmetic3A_869 = arith.shrsi %reduce_min3A_804, %shift_right_arithmetic3A_868 : i32
    %and3A_870 = arith.constant 255 : i32
    %and3A_871 = arith.andi %shift_right_arithmetic3A_869, %and3A_870 : i32
    %shift_left3A_872 = arith.constant 7 : i32
    %shift_left3A_873 = arith.shli %and3A_871, %shift_left3A_872 : i32
    %multiple_of3A_874 = tpu.assume_multiple %shift_left3A_873, 128 : i32
    %add3A_875 = arith.constant 16 : i32
    %add3A_876 = arith.addi %mul3A_2, %add3A_875 : i32
    %multiple_of3A_877 = tpu.assume_multiple %add3A_876, 8 : i32
    %dma_start3A_878 = arith.constant 23 : i32
    %dma_start3A_879 = arith.constant 0 : i32
    %dma_start3A_880 = arith.constant 0 : i32
    %dma_start3A_881 = tpu.memref_slice %arg9[%dma_start3A_878, %dma_start3A_879, %dma_start3A_880] : memref<64x8x128xf32, #tpu.memory_space<vmem>> -> memref<1x8x128xf32, #tpu.memory_space<vmem>>
    %dma_start3A_882 = tpu.memref_squeeze %dma_start3A_881 : memref<1x8x128xf32, #tpu.memory_space<vmem>> -> memref<8x128xf32, #tpu.memory_space<vmem>>
    %dma_start3A_883 = tpu.memref_slice %arg2[%multiple_of3A_877, %multiple_of3A_874] : memref<2048x32512xf32, #tpu.memory_space<hbm>> -> memref<8x128xf32, #tpu.memory_space<hbm>>
    %dma_start3A_884 = arith.constant 0 : i32
    %dma_start3A_885 = arith.constant 0 : i32
    %dma_start3A_886 = tpu.memref_slice %arg9[%dma_start3A_878, %dma_start3A_884, %dma_start3A_885] : memref<64x8x128xf32, #tpu.memory_space<vmem>> -> memref<1x8x128xf32, #tpu.memory_space<vmem>>
    %dma_start3A_887 = tpu.memref_squeeze %dma_start3A_886 : memref<1x8x128xf32, #tpu.memory_space<vmem>> -> memref<8x128xf32, #tpu.memory_space<vmem>>
    %dma_start3A_888 = tpu.memref_slice %arg2[%multiple_of3A_877, %multiple_of3A_874] : memref<2048x32512xf32, #tpu.memory_space<hbm>> -> memref<8x128xf32, #tpu.memory_space<hbm>>
    tpu.enqueue_dma source(%dma_start3A_888 : memref<8x128xf32, #tpu.memory_space<hbm>>) target(%dma_start3A_887 : memref<8x128xf32, #tpu.memory_space<vmem>>) target_semaphore(%arg11 : memref<!tpu.dma_semaphore, #tpu.memory_space<semaphore_mem>>)
    %eq3A_889 = arith.constant 2 : i32
    %eq3A_890 = vector.broadcast %eq3A_889 : i32 to vector<16xi32>
    %eq3A_891 = arith.cmpi eq, %iota3A, %eq3A_890 : vector<16xi32>
    %jit3A_892 = arith.constant 2147483647 : i32
    %broadcast_in_dim3A_893 = vector.broadcast %jit3A_892 : i32 to vector<16xi32>
    %select_n3A_894 = arith.select %eq3A_891, %or3A_692, %broadcast_in_dim3A_893 : vector<16xi1>, vector<16xi32>
    %reduce_min3A_895 = arith.constant true
    %reduce_min3A_896 = vector.broadcast %reduce_min3A_895 : i1 to vector<16xi1>
    %reduce_min3A_897 = arith.constant -2147483648 : i32
    %reduce_min3A_898 = vector.broadcast %reduce_min3A_897 : i32 to vector<16xi32>
    %reduce_min3A_899 = arith.xori %select_n3A_894, %reduce_min3A_898 : vector<16xi32>
    %reduce_min3A_900 = tpu.scan <min>, %reduce_min3A_899 masked %reduce_min3A_896 : vector<16xi32>, vector<16xi1> -> vector<16xi32>
    %reduce_min3A_901 = arith.xori %reduce_min3A_900, %reduce_min3A_898 : vector<16xi32>
    %reduce_min3A_902 = vector.extract %reduce_min3A_901[15] : i32 from vector<16xi32>
    %shift_right_arithmetic3A_903 = arith.constant 0 : i32
    %shift_right_arithmetic3A_904 = arith.shrsi %reduce_min3A_902, %shift_right_arithmetic3A_903 : i32
    %and3A_905 = arith.constant 255 : i32
    %and3A_906 = arith.andi %shift_right_arithmetic3A_904, %and3A_905 : i32
    %shift_left3A_907 = arith.constant 7 : i32
    %shift_left3A_908 = arith.shli %and3A_906, %shift_left3A_907 : i32
    %multiple_of3A_909 = tpu.assume_multiple %shift_left3A_908, 128 : i32
    %add3A_910 = arith.constant 24 : i32
    %add3A_911 = arith.addi %mul3A_2, %add3A_910 : i32
    %multiple_of3A_912 = tpu.assume_multiple %add3A_911, 8 : i32
    %dma_start3A_913 = arith.constant 24 : i32
    %dma_start3A_914 = arith.constant 0 : i32
    %dma_start3A_915 = arith.constant 0 : i32
    %dma_start3A_916 = tpu.memref_slice %arg9[%dma_start3A_913, %dma_start3A_914, %dma_start3A_915] : memref<64x8x128xf32, #tpu.memory_space<vmem>> -> memref<1x8x128xf32, #tpu.memory_space<vmem>>
    %dma_start3A_917 = tpu.memref_squeeze %dma_start3A_916 : memref<1x8x128xf32, #tpu.memory_space<vmem>> -> memref<8x128xf32, #tpu.memory_space<vmem>>
    %dma_start3A_918 = tpu.memref_slice %arg2[%multiple_of3A_912, %multiple_of3A_909] : memref<2048x32512xf32, #tpu.memory_space<hbm>> -> memref<8x128xf32, #tpu.memory_space<hbm>>
    %dma_start3A_919 = arith.constant 0 : i32
    %dma_start3A_920 = arith.constant 0 : i32
    %dma_start3A_921 = tpu.memref_slice %arg9[%dma_start3A_913, %dma_start3A_919, %dma_start3A_920] : memref<64x8x128xf32, #tpu.memory_space<vmem>> -> memref<1x8x128xf32, #tpu.memory_space<vmem>>
    %dma_start3A_922 = tpu.memref_squeeze %dma_start3A_921 : memref<1x8x128xf32, #tpu.memory_space<vmem>> -> memref<8x128xf32, #tpu.memory_space<vmem>>
    %dma_start3A_923 = tpu.memref_slice %arg2[%multiple_of3A_912, %multiple_of3A_909] : memref<2048x32512xf32, #tpu.memory_space<hbm>> -> memref<8x128xf32, #tpu.memory_space<hbm>>
    tpu.enqueue_dma source(%dma_start3A_923 : memref<8x128xf32, #tpu.memory_space<hbm>>) target(%dma_start3A_922 : memref<8x128xf32, #tpu.memory_space<vmem>>) target_semaphore(%arg11 : memref<!tpu.dma_semaphore, #tpu.memory_space<semaphore_mem>>)
    %shift_right_arithmetic3A_924 = arith.constant 8 : i32
    %shift_right_arithmetic3A_925 = arith.shrsi %reduce_min3A_902, %shift_right_arithmetic3A_924 : i32
    %and3A_926 = arith.constant 255 : i32
    %and3A_927 = arith.andi %shift_right_arithmetic3A_925, %and3A_926 : i32
    %shift_left3A_928 = arith.constant 7 : i32
    %shift_left3A_929 = arith.shli %and3A_927, %shift_left3A_928 : i32
    %multiple_of3A_930 = tpu.assume_multiple %shift_left3A_929, 128 : i32
    %add3A_931 = arith.constant 24 : i32
    %add3A_932 = arith.addi %mul3A_2, %add3A_931 : i32
    %multiple_of3A_933 = tpu.assume_multiple %add3A_932, 8 : i32
    %dma_start3A_934 = arith.constant 25 : i32
    %dma_start3A_935 = arith.constant 0 : i32
    %dma_start3A_936 = arith.constant 0 : i32
    %dma_start3A_937 = tpu.memref_slice %arg9[%dma_start3A_934, %dma_start3A_935, %dma_start3A_936] : memref<64x8x128xf32, #tpu.memory_space<vmem>> -> memref<1x8x128xf32, #tpu.memory_space<vmem>>
    %dma_start3A_938 = tpu.memref_squeeze %dma_start3A_937 : memref<1x8x128xf32, #tpu.memory_space<vmem>> -> memref<8x128xf32, #tpu.memory_space<vmem>>
    %dma_start3A_939 = tpu.memref_slice %arg2[%multiple_of3A_933, %multiple_of3A_930] : memref<2048x32512xf32, #tpu.memory_space<hbm>> -> memref<8x128xf32, #tpu.memory_space<hbm>>
    %dma_start3A_940 = arith.constant 0 : i32
    %dma_start3A_941 = arith.constant 0 : i32
    %dma_start3A_942 = tpu.memref_slice %arg9[%dma_start3A_934, %dma_start3A_940, %dma_start3A_941] : memref<64x8x128xf32, #tpu.memory_space<vmem>> -> memref<1x8x128xf32, #tpu.memory_space<vmem>>
    %dma_start3A_943 = tpu.memref_squeeze %dma_start3A_942 : memref<1x8x128xf32, #tpu.memory_space<vmem>> -> memref<8x128xf32, #tpu.memory_space<vmem>>
    %dma_start3A_944 = tpu.memref_slice %arg2[%multiple_of3A_933, %multiple_of3A_930] : memref<2048x32512xf32, #tpu.memory_space<hbm>> -> memref<8x128xf32, #tpu.memory_space<hbm>>
    tpu.enqueue_dma source(%dma_start3A_944 : memref<8x128xf32, #tpu.memory_space<hbm>>) target(%dma_start3A_943 : memref<8x128xf32, #tpu.memory_space<vmem>>) target_semaphore(%arg11 : memref<!tpu.dma_semaphore, #tpu.memory_space<semaphore_mem>>)
    %shift_right_arithmetic3A_945 = arith.constant 16 : i32
    %shift_right_arithmetic3A_946 = arith.shrsi %reduce_min3A_902, %shift_right_arithmetic3A_945 : i32
    %and3A_947 = arith.constant 255 : i32
    %and3A_948 = arith.andi %shift_right_arithmetic3A_946, %and3A_947 : i32
    %shift_left3A_949 = arith.constant 7 : i32
    %shift_left3A_950 = arith.shli %and3A_948, %shift_left3A_949 : i32
    %multiple_of3A_951 = tpu.assume_multiple %shift_left3A_950, 128 : i32
    %add3A_952 = arith.constant 24 : i32
    %add3A_953 = arith.addi %mul3A_2, %add3A_952 : i32
    %multiple_of3A_954 = tpu.assume_multiple %add3A_953, 8 : i32
    %dma_start3A_955 = arith.constant 26 : i32
    %dma_start3A_956 = arith.constant 0 : i32
    %dma_start3A_957 = arith.constant 0 : i32
    %dma_start3A_958 = tpu.memref_slice %arg9[%dma_start3A_955, %dma_start3A_956, %dma_start3A_957] : memref<64x8x128xf32, #tpu.memory_space<vmem>> -> memref<1x8x128xf32, #tpu.memory_space<vmem>>
    %dma_start3A_959 = tpu.memref_squeeze %dma_start3A_958 : memref<1x8x128xf32, #tpu.memory_space<vmem>> -> memref<8x128xf32, #tpu.memory_space<vmem>>
    %dma_start3A_960 = tpu.memref_slice %arg2[%multiple_of3A_954, %multiple_of3A_951] : memref<2048x32512xf32, #tpu.memory_space<hbm>> -> memref<8x128xf32, #tpu.memory_space<hbm>>
    %dma_start3A_961 = arith.constant 0 : i32
    %dma_start3A_962 = arith.constant 0 : i32
    %dma_start3A_963 = tpu.memref_slice %arg9[%dma_start3A_955, %dma_start3A_961, %dma_start3A_962] : memref<64x8x128xf32, #tpu.memory_space<vmem>> -> memref<1x8x128xf32, #tpu.memory_space<vmem>>
    %dma_start3A_964 = tpu.memref_squeeze %dma_start3A_963 : memref<1x8x128xf32, #tpu.memory_space<vmem>> -> memref<8x128xf32, #tpu.memory_space<vmem>>
    %dma_start3A_965 = tpu.memref_slice %arg2[%multiple_of3A_954, %multiple_of3A_951] : memref<2048x32512xf32, #tpu.memory_space<hbm>> -> memref<8x128xf32, #tpu.memory_space<hbm>>
    tpu.enqueue_dma source(%dma_start3A_965 : memref<8x128xf32, #tpu.memory_space<hbm>>) target(%dma_start3A_964 : memref<8x128xf32, #tpu.memory_space<vmem>>) target_semaphore(%arg11 : memref<!tpu.dma_semaphore, #tpu.memory_space<semaphore_mem>>)
    %shift_right_arithmetic3A_966 = arith.constant 24 : i32
    %shift_right_arithmetic3A_967 = arith.shrsi %reduce_min3A_902, %shift_right_arithmetic3A_966 : i32
    %and3A_968 = arith.constant 255 : i32
    %and3A_969 = arith.andi %shift_right_arithmetic3A_967, %and3A_968 : i32
    %shift_left3A_970 = arith.constant 7 : i32
    %shift_left3A_971 = arith.shli %and3A_969, %shift_left3A_970 : i32
    %multiple_of3A_972 = tpu.assume_multiple %shift_left3A_971, 128 : i32
    %add3A_973 = arith.constant 24 : i32
    %add3A_974 = arith.addi %mul3A_2, %add3A_973 : i32
    %multiple_of3A_975 = tpu.assume_multiple %add3A_974, 8 : i32
    %dma_start3A_976 = arith.constant 27 : i32
    %dma_start3A_977 = arith.constant 0 : i32
    %dma_start3A_978 = arith.constant 0 : i32
    %dma_start3A_979 = tpu.memref_slice %arg9[%dma_start3A_976, %dma_start3A_977, %dma_start3A_978] : memref<64x8x128xf32, #tpu.memory_space<vmem>> -> memref<1x8x128xf32, #tpu.memory_space<vmem>>
    %dma_start3A_980 = tpu.memref_squeeze %dma_start3A_979 : memref<1x8x128xf32, #tpu.memory_space<vmem>> -> memref<8x128xf32, #tpu.memory_space<vmem>>
    %dma_start3A_981 = tpu.memref_slice %arg2[%multiple_of3A_975, %multiple_of3A_972] : memref<2048x32512xf32, #tpu.memory_space<hbm>> -> memref<8x128xf32, #tpu.memory_space<hbm>>
    %dma_start3A_982 = arith.constant 0 : i32
    %dma_start3A_983 = arith.constant 0 : i32
    %dma_start3A_984 = tpu.memref_slice %arg9[%dma_start3A_976, %dma_start3A_982, %dma_start3A_983] : memref<64x8x128xf32, #tpu.memory_space<vmem>> -> memref<1x8x128xf32, #tpu.memory_space<vmem>>
    %dma_start3A_985 = tpu.memref_squeeze %dma_start3A_984 : memref<1x8x128xf32, #tpu.memory_space<vmem>> -> memref<8x128xf32, #tpu.memory_space<vmem>>
    %dma_start3A_986 = tpu.memref_slice %arg2[%multiple_of3A_975, %multiple_of3A_972] : memref<2048x32512xf32, #tpu.memory_space<hbm>> -> memref<8x128xf32, #tpu.memory_space<hbm>>
    tpu.enqueue_dma source(%dma_start3A_986 : memref<8x128xf32, #tpu.memory_space<hbm>>) target(%dma_start3A_985 : memref<8x128xf32, #tpu.memory_space<vmem>>) target_semaphore(%arg11 : memref<!tpu.dma_semaphore, #tpu.memory_space<semaphore_mem>>)
    %eq3A_987 = arith.constant 3 : i32
    %eq3A_988 = vector.broadcast %eq3A_987 : i32 to vector<16xi32>
    %eq3A_989 = arith.cmpi eq, %iota3A, %eq3A_988 : vector<16xi32>
    %jit3A_990 = arith.constant 2147483647 : i32
    %broadcast_in_dim3A_991 = vector.broadcast %jit3A_990 : i32 to vector<16xi32>
    %select_n3A_992 = arith.select %eq3A_989, %or3A_692, %broadcast_in_dim3A_991 : vector<16xi1>, vector<16xi32>
    %reduce_min3A_993 = arith.constant true
    %reduce_min3A_994 = vector.broadcast %reduce_min3A_993 : i1 to vector<16xi1>
    %reduce_min3A_995 = arith.constant -2147483648 : i32
    %reduce_min3A_996 = vector.broadcast %reduce_min3A_995 : i32 to vector<16xi32>
    %reduce_min3A_997 = arith.xori %select_n3A_992, %reduce_min3A_996 : vector<16xi32>
    %reduce_min3A_998 = tpu.scan <min>, %reduce_min3A_997 masked %reduce_min3A_994 : vector<16xi32>, vector<16xi1> -> vector<16xi32>
    %reduce_min3A_999 = arith.xori %reduce_min3A_998, %reduce_min3A_996 : vector<16xi32>
    %reduce_min3A_1000 = vector.extract %reduce_min3A_999[15] : i32 from vector<16xi32>
    %shift_right_arithmetic3A_1001 = arith.constant 0 : i32
    %shift_right_arithmetic3A_1002 = arith.shrsi %reduce_min3A_1000, %shift_right_arithmetic3A_1001 : i32
    %and3A_1003 = arith.constant 255 : i32
    %and3A_1004 = arith.andi %shift_right_arithmetic3A_1002, %and3A_1003 : i32
    %shift_left3A_1005 = arith.constant 7 : i32
    %shift_left3A_1006 = arith.shli %and3A_1004, %shift_left3A_1005 : i32
    %multiple_of3A_1007 = tpu.assume_multiple %shift_left3A_1006, 128 : i32
    %add3A_1008 = arith.constant 24 : i32
    %add3A_1009 = arith.addi %mul3A_2, %add3A_1008 : i32
    %multiple_of3A_1010 = tpu.assume_multiple %add3A_1009, 8 : i32
    %dma_start3A_1011 = arith.constant 28 : i32
    %dma_start3A_1012 = arith.constant 0 : i32
    %dma_start3A_1013 = arith.constant 0 : i32
    %dma_start3A_1014 = tpu.memref_slice %arg9[%dma_start3A_1011, %dma_start3A_1012, %dma_start3A_1013] : memref<64x8x128xf32, #tpu.memory_space<vmem>> -> memref<1x8x128xf32, #tpu.memory_space<vmem>>
    %dma_start3A_1015 = tpu.memref_squeeze %dma_start3A_1014 : memref<1x8x128xf32, #tpu.memory_space<vmem>> -> memref<8x128xf32, #tpu.memory_space<vmem>>
    %dma_start3A_1016 = tpu.memref_slice %arg2[%multiple_of3A_1010, %multiple_of3A_1007] : memref<2048x32512xf32, #tpu.memory_space<hbm>> -> memref<8x128xf32, #tpu.memory_space<hbm>>
    %dma_start3A_1017 = arith.constant 0 : i32
    %dma_start3A_1018 = arith.constant 0 : i32
    %dma_start3A_1019 = tpu.memref_slice %arg9[%dma_start3A_1011, %dma_start3A_1017, %dma_start3A_1018] : memref<64x8x128xf32, #tpu.memory_space<vmem>> -> memref<1x8x128xf32, #tpu.memory_space<vmem>>
    %dma_start3A_1020 = tpu.memref_squeeze %dma_start3A_1019 : memref<1x8x128xf32, #tpu.memory_space<vmem>> -> memref<8x128xf32, #tpu.memory_space<vmem>>
    %dma_start3A_1021 = tpu.memref_slice %arg2[%multiple_of3A_1010, %multiple_of3A_1007] : memref<2048x32512xf32, #tpu.memory_space<hbm>> -> memref<8x128xf32, #tpu.memory_space<hbm>>
    tpu.enqueue_dma source(%dma_start3A_1021 : memref<8x128xf32, #tpu.memory_space<hbm>>) target(%dma_start3A_1020 : memref<8x128xf32, #tpu.memory_space<vmem>>) target_semaphore(%arg11 : memref<!tpu.dma_semaphore, #tpu.memory_space<semaphore_mem>>)
    %shift_right_arithmetic3A_1022 = arith.constant 8 : i32
    %shift_right_arithmetic3A_1023 = arith.shrsi %reduce_min3A_1000, %shift_right_arithmetic3A_1022 : i32
    %and3A_1024 = arith.constant 255 : i32
    %and3A_1025 = arith.andi %shift_right_arithmetic3A_1023, %and3A_1024 : i32
    %shift_left3A_1026 = arith.constant 7 : i32
    %shift_left3A_1027 = arith.shli %and3A_1025, %shift_left3A_1026 : i32
    %multiple_of3A_1028 = tpu.assume_multiple %shift_left3A_1027, 128 : i32
    %add3A_1029 = arith.constant 24 : i32
    %add3A_1030 = arith.addi %mul3A_2, %add3A_1029 : i32
    %multiple_of3A_1031 = tpu.assume_multiple %add3A_1030, 8 : i32
    %dma_start3A_1032 = arith.constant 29 : i32
    %dma_start3A_1033 = arith.constant 0 : i32
    %dma_start3A_1034 = arith.constant 0 : i32
    %dma_start3A_1035 = tpu.memref_slice %arg9[%dma_start3A_1032, %dma_start3A_1033, %dma_start3A_1034] : memref<64x8x128xf32, #tpu.memory_space<vmem>> -> memref<1x8x128xf32, #tpu.memory_space<vmem>>
    %dma_start3A_1036 = tpu.memref_squeeze %dma_start3A_1035 : memref<1x8x128xf32, #tpu.memory_space<vmem>> -> memref<8x128xf32, #tpu.memory_space<vmem>>
    %dma_start3A_1037 = tpu.memref_slice %arg2[%multiple_of3A_1031, %multiple_of3A_1028] : memref<2048x32512xf32, #tpu.memory_space<hbm>> -> memref<8x128xf32, #tpu.memory_space<hbm>>
    %dma_start3A_1038 = arith.constant 0 : i32
    %dma_start3A_1039 = arith.constant 0 : i32
    %dma_start3A_1040 = tpu.memref_slice %arg9[%dma_start3A_1032, %dma_start3A_1038, %dma_start3A_1039] : memref<64x8x128xf32, #tpu.memory_space<vmem>> -> memref<1x8x128xf32, #tpu.memory_space<vmem>>
    %dma_start3A_1041 = tpu.memref_squeeze %dma_start3A_1040 : memref<1x8x128xf32, #tpu.memory_space<vmem>> -> memref<8x128xf32, #tpu.memory_space<vmem>>
    %dma_start3A_1042 = tpu.memref_slice %arg2[%multiple_of3A_1031, %multiple_of3A_1028] : memref<2048x32512xf32, #tpu.memory_space<hbm>> -> memref<8x128xf32, #tpu.memory_space<hbm>>
    tpu.enqueue_dma source(%dma_start3A_1042 : memref<8x128xf32, #tpu.memory_space<hbm>>) target(%dma_start3A_1041 : memref<8x128xf32, #tpu.memory_space<vmem>>) target_semaphore(%arg11 : memref<!tpu.dma_semaphore, #tpu.memory_space<semaphore_mem>>)
    %shift_right_arithmetic3A_1043 = arith.constant 16 : i32
    %shift_right_arithmetic3A_1044 = arith.shrsi %reduce_min3A_1000, %shift_right_arithmetic3A_1043 : i32
    %and3A_1045 = arith.constant 255 : i32
    %and3A_1046 = arith.andi %shift_right_arithmetic3A_1044, %and3A_1045 : i32
    %shift_left3A_1047 = arith.constant 7 : i32
    %shift_left3A_1048 = arith.shli %and3A_1046, %shift_left3A_1047 : i32
    %multiple_of3A_1049 = tpu.assume_multiple %shift_left3A_1048, 128 : i32
    %add3A_1050 = arith.constant 24 : i32
    %add3A_1051 = arith.addi %mul3A_2, %add3A_1050 : i32
    %multiple_of3A_1052 = tpu.assume_multiple %add3A_1051, 8 : i32
    %dma_start3A_1053 = arith.constant 30 : i32
    %dma_start3A_1054 = arith.constant 0 : i32
    %dma_start3A_1055 = arith.constant 0 : i32
    %dma_start3A_1056 = tpu.memref_slice %arg9[%dma_start3A_1053, %dma_start3A_1054, %dma_start3A_1055] : memref<64x8x128xf32, #tpu.memory_space<vmem>> -> memref<1x8x128xf32, #tpu.memory_space<vmem>>
    %dma_start3A_1057 = tpu.memref_squeeze %dma_start3A_1056 : memref<1x8x128xf32, #tpu.memory_space<vmem>> -> memref<8x128xf32, #tpu.memory_space<vmem>>
    %dma_start3A_1058 = tpu.memref_slice %arg2[%multiple_of3A_1052, %multiple_of3A_1049] : memref<2048x32512xf32, #tpu.memory_space<hbm>> -> memref<8x128xf32, #tpu.memory_space<hbm>>
    %dma_start3A_1059 = arith.constant 0 : i32
    %dma_start3A_1060 = arith.constant 0 : i32
    %dma_start3A_1061 = tpu.memref_slice %arg9[%dma_start3A_1053, %dma_start3A_1059, %dma_start3A_1060] : memref<64x8x128xf32, #tpu.memory_space<vmem>> -> memref<1x8x128xf32, #tpu.memory_space<vmem>>
    %dma_start3A_1062 = tpu.memref_squeeze %dma_start3A_1061 : memref<1x8x128xf32, #tpu.memory_space<vmem>> -> memref<8x128xf32, #tpu.memory_space<vmem>>
    %dma_start3A_1063 = tpu.memref_slice %arg2[%multiple_of3A_1052, %multiple_of3A_1049] : memref<2048x32512xf32, #tpu.memory_space<hbm>> -> memref<8x128xf32, #tpu.memory_space<hbm>>
    tpu.enqueue_dma source(%dma_start3A_1063 : memref<8x128xf32, #tpu.memory_space<hbm>>) target(%dma_start3A_1062 : memref<8x128xf32, #tpu.memory_space<vmem>>) target_semaphore(%arg11 : memref<!tpu.dma_semaphore, #tpu.memory_space<semaphore_mem>>)
    %shift_right_arithmetic3A_1064 = arith.constant 24 : i32
    %shift_right_arithmetic3A_1065 = arith.shrsi %reduce_min3A_1000, %shift_right_arithmetic3A_1064 : i32
    %and3A_1066 = arith.constant 255 : i32
    %and3A_1067 = arith.andi %shift_right_arithmetic3A_1065, %and3A_1066 : i32
    %shift_left3A_1068 = arith.constant 7 : i32
    %shift_left3A_1069 = arith.shli %and3A_1067, %shift_left3A_1068 : i32
    %multiple_of3A_1070 = tpu.assume_multiple %shift_left3A_1069, 128 : i32
    %add3A_1071 = arith.constant 24 : i32
    %add3A_1072 = arith.addi %mul3A_2, %add3A_1071 : i32
    %multiple_of3A_1073 = tpu.assume_multiple %add3A_1072, 8 : i32
    %dma_start3A_1074 = arith.constant 31 : i32
    %dma_start3A_1075 = arith.constant 0 : i32
    %dma_start3A_1076 = arith.constant 0 : i32
    %dma_start3A_1077 = tpu.memref_slice %arg9[%dma_start3A_1074, %dma_start3A_1075, %dma_start3A_1076] : memref<64x8x128xf32, #tpu.memory_space<vmem>> -> memref<1x8x128xf32, #tpu.memory_space<vmem>>
    %dma_start3A_1078 = tpu.memref_squeeze %dma_start3A_1077 : memref<1x8x128xf32, #tpu.memory_space<vmem>> -> memref<8x128xf32, #tpu.memory_space<vmem>>
    %dma_start3A_1079 = tpu.memref_slice %arg2[%multiple_of3A_1073, %multiple_of3A_1070] : memref<2048x32512xf32, #tpu.memory_space<hbm>> -> memref<8x128xf32, #tpu.memory_space<hbm>>
    %dma_start3A_1080 = arith.constant 0 : i32
    %dma_start3A_1081 = arith.constant 0 : i32
    %dma_start3A_1082 = tpu.memref_slice %arg9[%dma_start3A_1074, %dma_start3A_1080, %dma_start3A_1081] : memref<64x8x128xf32, #tpu.memory_space<vmem>> -> memref<1x8x128xf32, #tpu.memory_space<vmem>>
    %dma_start3A_1083 = tpu.memref_squeeze %dma_start3A_1082 : memref<1x8x128xf32, #tpu.memory_space<vmem>> -> memref<8x128xf32, #tpu.memory_space<vmem>>
    %dma_start3A_1084 = tpu.memref_slice %arg2[%multiple_of3A_1073, %multiple_of3A_1070] : memref<2048x32512xf32, #tpu.memory_space<hbm>> -> memref<8x128xf32, #tpu.memory_space<hbm>>
    tpu.enqueue_dma source(%dma_start3A_1084 : memref<8x128xf32, #tpu.memory_space<hbm>>) target(%dma_start3A_1083 : memref<8x128xf32, #tpu.memory_space<vmem>>) target_semaphore(%arg11 : memref<!tpu.dma_semaphore, #tpu.memory_space<semaphore_mem>>)
    %get3A_1085 = arith.constant 32 : index
    %get3A_1086 = tpu.vector_load %arg7[%get3A_1085] {strides = array<i32>} : memref<64xi32, #tpu.memory_space<vmem>>, vector<16xi32>,
    %shift_right_logical3A_1087 = arith.constant 7 : i32
    %shift_right_logical3A_1088 = vector.broadcast %shift_right_logical3A_1087 : i32 to vector<16xi32>
    %shift_right_logical3A_1089 = arith.shrui %get3A_1086, %shift_right_logical3A_1088 : vector<16xi32>
    %mul3A_1090 = arith.constant 4 : i32
    %mul3A_1091 = vector.broadcast %mul3A_1090 : i32 to vector<16xi32>
    %mul3A_1092 = arith.muli %iota3A, %mul3A_1091 : vector<16xi32>
    %and3A_1093 = arith.constant 15 : i32
    %and3A_1094 = vector.broadcast %and3A_1093 : i32 to vector<16xi32>
    %and3A_1095 = arith.andi %mul3A_1092, %and3A_1094 : vector<16xi32>
    %lt3A_1096 = arith.constant 0 : i32
    %lt3A_1097 = vector.broadcast %lt3A_1096 : i32 to vector<16xi32>
    %lt3A_1098 = arith.cmpi slt, %and3A_1095, %lt3A_1097 : vector<16xi32>
    %add3A_1099 = arith.constant 16 : i32
    %add3A_1100 = vector.broadcast %add3A_1099 : i32 to vector<16xi32>
    %add3A_1101 = arith.addi %and3A_1095, %add3A_1100 : vector<16xi32>
    %select_n3A_1102 = arith.select %lt3A_1098, %add3A_1101, %and3A_1095 : vector<16xi1>, vector<16xi32>
    %broadcast_in_dim3A_1103 = vector.shape_cast %select_n3A_1102 : vector<16xi32> to vector<16x1xi32>
    %gather3A_1104 = vector.shape_cast %broadcast_in_dim3A_1103 : vector<16x1xi32> to vector<16xi32>
    %gather3A_1105 = tpu.dynamic_gather %shift_right_logical3A_1089[%gather3A_1104] in [0] : vector<16xi32>, vector<16xi32> -> vector<16xi32>
    %mul3A_1106 = arith.constant 4 : i32
    %mul3A_1107 = vector.broadcast %mul3A_1106 : i32 to vector<16xi32>
    %mul3A_1108 = arith.muli %iota3A, %mul3A_1107 : vector<16xi32>
    %add3A_1109 = arith.constant 1 : i32
    %add3A_1110 = vector.broadcast %add3A_1109 : i32 to vector<16xi32>
    %add3A_1111 = arith.addi %mul3A_1108, %add3A_1110 : vector<16xi32>
    %and3A_1112 = arith.constant 15 : i32
    %and3A_1113 = vector.broadcast %and3A_1112 : i32 to vector<16xi32>
    %and3A_1114 = arith.andi %add3A_1111, %and3A_1113 : vector<16xi32>
    %lt3A_1115 = arith.constant 0 : i32
    %lt3A_1116 = vector.broadcast %lt3A_1115 : i32 to vector<16xi32>
    %lt3A_1117 = arith.cmpi slt, %and3A_1114, %lt3A_1116 : vector<16xi32>
    %add3A_1118 = arith.constant 16 : i32
    %add3A_1119 = vector.broadcast %add3A_1118 : i32 to vector<16xi32>
    %add3A_1120 = arith.addi %and3A_1114, %add3A_1119 : vector<16xi32>
    %select_n3A_1121 = arith.select %lt3A_1117, %add3A_1120, %and3A_1114 : vector<16xi1>, vector<16xi32>
    %broadcast_in_dim3A_1122 = vector.shape_cast %select_n3A_1121 : vector<16xi32> to vector<16x1xi32>
    %gather3A_1123 = vector.shape_cast %broadcast_in_dim3A_1122 : vector<16x1xi32> to vector<16xi32>
    %gather3A_1124 = tpu.dynamic_gather %shift_right_logical3A_1089[%gather3A_1123] in [0] : vector<16xi32>, vector<16xi32> -> vector<16xi32>
    %mul3A_1125 = arith.constant 4 : i32
    %mul3A_1126 = vector.broadcast %mul3A_1125 : i32 to vector<16xi32>
    %mul3A_1127 = arith.muli %iota3A, %mul3A_1126 : vector<16xi32>
    %add3A_1128 = arith.constant 2 : i32
    %add3A_1129 = vector.broadcast %add3A_1128 : i32 to vector<16xi32>
    %add3A_1130 = arith.addi %mul3A_1127, %add3A_1129 : vector<16xi32>
    %and3A_1131 = arith.constant 15 : i32
    %and3A_1132 = vector.broadcast %and3A_1131 : i32 to vector<16xi32>
    %and3A_1133 = arith.andi %add3A_1130, %and3A_1132 : vector<16xi32>
    %lt3A_1134 = arith.constant 0 : i32
    %lt3A_1135 = vector.broadcast %lt3A_1134 : i32 to vector<16xi32>
    %lt3A_1136 = arith.cmpi slt, %and3A_1133, %lt3A_1135 : vector<16xi32>
    %add3A_1137 = arith.constant 16 : i32
    %add3A_1138 = vector.broadcast %add3A_1137 : i32 to vector<16xi32>
    %add3A_1139 = arith.addi %and3A_1133, %add3A_1138 : vector<16xi32>
    %select_n3A_1140 = arith.select %lt3A_1136, %add3A_1139, %and3A_1133 : vector<16xi1>, vector<16xi32>
    %broadcast_in_dim3A_1141 = vector.shape_cast %select_n3A_1140 : vector<16xi32> to vector<16x1xi32>
    %gather3A_1142 = vector.shape_cast %broadcast_in_dim3A_1141 : vector<16x1xi32> to vector<16xi32>
    %gather3A_1143 = tpu.dynamic_gather %shift_right_logical3A_1089[%gather3A_1142] in [0] : vector<16xi32>, vector<16xi32> -> vector<16xi32>
    %mul3A_1144 = arith.constant 4 : i32
    %mul3A_1145 = vector.broadcast %mul3A_1144 : i32 to vector<16xi32>
    %mul3A_1146 = arith.muli %iota3A, %mul3A_1145 : vector<16xi32>
    %add3A_1147 = arith.constant 3 : i32
    %add3A_1148 = vector.broadcast %add3A_1147 : i32 to vector<16xi32>
    %add3A_1149 = arith.addi %mul3A_1146, %add3A_1148 : vector<16xi32>
    %and3A_1150 = arith.constant 15 : i32
    %and3A_1151 = vector.broadcast %and3A_1150 : i32 to vector<16xi32>
    %and3A_1152 = arith.andi %add3A_1149, %and3A_1151 : vector<16xi32>
    %lt3A_1153 = arith.constant 0 : i32
    %lt3A_1154 = vector.broadcast %lt3A_1153 : i32 to vector<16xi32>
    %lt3A_1155 = arith.cmpi slt, %and3A_1152, %lt3A_1154 : vector<16xi32>
    %add3A_1156 = arith.constant 16 : i32
    %add3A_1157 = vector.broadcast %add3A_1156 : i32 to vector<16xi32>
    %add3A_1158 = arith.addi %and3A_1152, %add3A_1157 : vector<16xi32>
    %select_n3A_1159 = arith.select %lt3A_1155, %add3A_1158, %and3A_1152 : vector<16xi1>, vector<16xi32>
    %broadcast_in_dim3A_1160 = vector.shape_cast %select_n3A_1159 : vector<16xi32> to vector<16x1xi32>
    %gather3A_1161 = vector.shape_cast %broadcast_in_dim3A_1160 : vector<16x1xi32> to vector<16xi32>
    %gather3A_1162 = tpu.dynamic_gather %shift_right_logical3A_1089[%gather3A_1161] in [0] : vector<16xi32>, vector<16xi32> -> vector<16xi32>
    %shift_left3A_1163 = arith.constant 8 : i32
    %shift_left3A_1164 = vector.broadcast %shift_left3A_1163 : i32 to vector<16xi32>
    %shift_left3A_1165 = arith.shli %gather3A_1124, %shift_left3A_1164 : vector<16xi32>
    %or3A_1166 = arith.ori %gather3A_1105, %shift_left3A_1165 : vector<16xi32>
    %shift_left3A_1167 = arith.constant 16 : i32
    %shift_left3A_1168 = vector.broadcast %shift_left3A_1167 : i32 to vector<16xi32>
    %shift_left3A_1169 = arith.shli %gather3A_1143, %shift_left3A_1168 : vector<16xi32>
    %or3A_1170 = arith.ori %or3A_1166, %shift_left3A_1169 : vector<16xi32>
    %shift_left3A_1171 = arith.constant 24 : i32
    %shift_left3A_1172 = vector.broadcast %shift_left3A_1171 : i32 to vector<16xi32>
    %shift_left3A_1173 = arith.shli %gather3A_1162, %shift_left3A_1172 : vector<16xi32>
    %or3A_1174 = arith.ori %or3A_1170, %shift_left3A_1173 : vector<16xi32>
    %eq3A_1175 = arith.constant 0 : i32
    %eq3A_1176 = vector.broadcast %eq3A_1175 : i32 to vector<16xi32>
    %eq3A_1177 = arith.cmpi eq, %iota3A, %eq3A_1176 : vector<16xi32>
    %jit3A_1178 = arith.constant 2147483647 : i32
    %broadcast_in_dim3A_1179 = vector.broadcast %jit3A_1178 : i32 to vector<16xi32>
    %select_n3A_1180 = arith.select %eq3A_1177, %or3A_1174, %broadcast_in_dim3A_1179 : vector<16xi1>, vector<16xi32>
    %reduce_min3A_1181 = arith.constant true
    %reduce_min3A_1182 = vector.broadcast %reduce_min3A_1181 : i1 to vector<16xi1>
    %reduce_min3A_1183 = arith.constant -2147483648 : i32
    %reduce_min3A_1184 = vector.broadcast %reduce_min3A_1183 : i32 to vector<16xi32>
    %reduce_min3A_1185 = arith.xori %select_n3A_1180, %reduce_min3A_1184 : vector<16xi32>
    %reduce_min3A_1186 = tpu.scan <min>, %reduce_min3A_1185 masked %reduce_min3A_1182 : vector<16xi32>, vector<16xi1> -> vector<16xi32>
    %reduce_min3A_1187 = arith.xori %reduce_min3A_1186, %reduce_min3A_1184 : vector<16xi32>
    %reduce_min3A_1188 = vector.extract %reduce_min3A_1187[15] : i32 from vector<16xi32>
    %shift_right_arithmetic3A_1189 = arith.constant 0 : i32
    %shift_right_arithmetic3A_1190 = arith.shrsi %reduce_min3A_1188, %shift_right_arithmetic3A_1189 : i32
    %and3A_1191 = arith.constant 255 : i32
    %and3A_1192 = arith.andi %shift_right_arithmetic3A_1190, %and3A_1191 : i32
    %shift_left3A_1193 = arith.constant 7 : i32
    %shift_left3A_1194 = arith.shli %and3A_1192, %shift_left3A_1193 : i32
    %multiple_of3A_1195 = tpu.assume_multiple %shift_left3A_1194, 128 : i32
    %add3A_1196 = arith.constant 32 : i32
    %add3A_1197 = arith.addi %mul3A_2, %add3A_1196 : i32
    %multiple_of3A_1198 = tpu.assume_multiple %add3A_1197, 8 : i32
    %dma_start3A_1199 = arith.constant 32 : i32
    %dma_start3A_1200 = arith.constant 0 : i32
    %dma_start3A_1201 = arith.constant 0 : i32
    %dma_start3A_1202 = tpu.memref_slice %arg9[%dma_start3A_1199, %dma_start3A_1200, %dma_start3A_1201] : memref<64x8x128xf32, #tpu.memory_space<vmem>> -> memref<1x8x128xf32, #tpu.memory_space<vmem>>
    %dma_start3A_1203 = tpu.memref_squeeze %dma_start3A_1202 : memref<1x8x128xf32, #tpu.memory_space<vmem>> -> memref<8x128xf32, #tpu.memory_space<vmem>>
    %dma_start3A_1204 = tpu.memref_slice %arg2[%multiple_of3A_1198, %multiple_of3A_1195] : memref<2048x32512xf32, #tpu.memory_space<hbm>> -> memref<8x128xf32, #tpu.memory_space<hbm>>
    %dma_start3A_1205 = arith.constant 0 : i32
    %dma_start3A_1206 = arith.constant 0 : i32
    %dma_start3A_1207 = tpu.memref_slice %arg9[%dma_start3A_1199, %dma_start3A_1205, %dma_start3A_1206] : memref<64x8x128xf32, #tpu.memory_space<vmem>> -> memref<1x8x128xf32, #tpu.memory_space<vmem>>
    %dma_start3A_1208 = tpu.memref_squeeze %dma_start3A_1207 : memref<1x8x128xf32, #tpu.memory_space<vmem>> -> memref<8x128xf32, #tpu.memory_space<vmem>>
    %dma_start3A_1209 = tpu.memref_slice %arg2[%multiple_of3A_1198, %multiple_of3A_1195] : memref<2048x32512xf32, #tpu.memory_space<hbm>> -> memref<8x128xf32, #tpu.memory_space<hbm>>
    tpu.enqueue_dma source(%dma_start3A_1209 : memref<8x128xf32, #tpu.memory_space<hbm>>) target(%dma_start3A_1208 : memref<8x128xf32, #tpu.memory_space<vmem>>) target_semaphore(%arg11 : memref<!tpu.dma_semaphore, #tpu.memory_space<semaphore_mem>>)
    %shift_right_arithmetic3A_1210 = arith.constant 8 : i32
    %shift_right_arithmetic3A_1211 = arith.shrsi %reduce_min3A_1188, %shift_right_arithmetic3A_1210 : i32
    %and3A_1212 = arith.constant 255 : i32
    %and3A_1213 = arith.andi %shift_right_arithmetic3A_1211, %and3A_1212 : i32
    %shift_left3A_1214 = arith.constant 7 : i32
    %shift_left3A_1215 = arith.shli %and3A_1213, %shift_left3A_1214 : i32
    %multiple_of3A_1216 = tpu.assume_multiple %shift_left3A_1215, 128 : i32
    %add3A_1217 = arith.constant 32 : i32
    %add3A_1218 = arith.addi %mul3A_2, %add3A_1217 : i32
    %multiple_of3A_1219 = tpu.assume_multiple %add3A_1218, 8 : i32
    %dma_start3A_1220 = arith.constant 33 : i32
    %dma_start3A_1221 = arith.constant 0 : i32
    %dma_start3A_1222 = arith.constant 0 : i32
    %dma_start3A_1223 = tpu.memref_slice %arg9[%dma_start3A_1220, %dma_start3A_1221, %dma_start3A_1222] : memref<64x8x128xf32, #tpu.memory_space<vmem>> -> memref<1x8x128xf32, #tpu.memory_space<vmem>>
    %dma_start3A_1224 = tpu.memref_squeeze %dma_start3A_1223 : memref<1x8x128xf32, #tpu.memory_space<vmem>> -> memref<8x128xf32, #tpu.memory_space<vmem>>
    %dma_start3A_1225 = tpu.memref_slice %arg2[%multiple_of3A_1219, %multiple_of3A_1216] : memref<2048x32512xf32, #tpu.memory_space<hbm>> -> memref<8x128xf32, #tpu.memory_space<hbm>>
    %dma_start3A_1226 = arith.constant 0 : i32
    %dma_start3A_1227 = arith.constant 0 : i32
    %dma_start3A_1228 = tpu.memref_slice %arg9[%dma_start3A_1220, %dma_start3A_1226, %dma_start3A_1227] : memref<64x8x128xf32, #tpu.memory_space<vmem>> -> memref<1x8x128xf32, #tpu.memory_space<vmem>>
    %dma_start3A_1229 = tpu.memref_squeeze %dma_start3A_1228 : memref<1x8x128xf32, #tpu.memory_space<vmem>> -> memref<8x128xf32, #tpu.memory_space<vmem>>
    %dma_start3A_1230 = tpu.memref_slice %arg2[%multiple_of3A_1219, %multiple_of3A_1216] : memref<2048x32512xf32, #tpu.memory_space<hbm>> -> memref<8x128xf32, #tpu.memory_space<hbm>>
    tpu.enqueue_dma source(%dma_start3A_1230 : memref<8x128xf32, #tpu.memory_space<hbm>>) target(%dma_start3A_1229 : memref<8x128xf32, #tpu.memory_space<vmem>>) target_semaphore(%arg11 : memref<!tpu.dma_semaphore, #tpu.memory_space<semaphore_mem>>)
    %shift_right_arithmetic3A_1231 = arith.constant 16 : i32
    %shift_right_arithmetic3A_1232 = arith.shrsi %reduce_min3A_1188, %shift_right_arithmetic3A_1231 : i32
    %and3A_1233 = arith.constant 255 : i32
    %and3A_1234 = arith.andi %shift_right_arithmetic3A_1232, %and3A_1233 : i32
    %shift_left3A_1235 = arith.constant 7 : i32
    %shift_left3A_1236 = arith.shli %and3A_1234, %shift_left3A_1235 : i32
    %multiple_of3A_1237 = tpu.assume_multiple %shift_left3A_1236, 128 : i32
    %add3A_1238 = arith.constant 32 : i32
    %add3A_1239 = arith.addi %mul3A_2, %add3A_1238 : i32
    %multiple_of3A_1240 = tpu.assume_multiple %add3A_1239, 8 : i32
    %dma_start3A_1241 = arith.constant 34 : i32
    %dma_start3A_1242 = arith.constant 0 : i32
    %dma_start3A_1243 = arith.constant 0 : i32
    %dma_start3A_1244 = tpu.memref_slice %arg9[%dma_start3A_1241, %dma_start3A_1242, %dma_start3A_1243] : memref<64x8x128xf32, #tpu.memory_space<vmem>> -> memref<1x8x128xf32, #tpu.memory_space<vmem>>
    %dma_start3A_1245 = tpu.memref_squeeze %dma_start3A_1244 : memref<1x8x128xf32, #tpu.memory_space<vmem>> -> memref<8x128xf32, #tpu.memory_space<vmem>>
    %dma_start3A_1246 = tpu.memref_slice %arg2[%multiple_of3A_1240, %multiple_of3A_1237] : memref<2048x32512xf32, #tpu.memory_space<hbm>> -> memref<8x128xf32, #tpu.memory_space<hbm>>
    %dma_start3A_1247 = arith.constant 0 : i32
    %dma_start3A_1248 = arith.constant 0 : i32
    %dma_start3A_1249 = tpu.memref_slice %arg9[%dma_start3A_1241, %dma_start3A_1247, %dma_start3A_1248] : memref<64x8x128xf32, #tpu.memory_space<vmem>> -> memref<1x8x128xf32, #tpu.memory_space<vmem>>
    %dma_start3A_1250 = tpu.memref_squeeze %dma_start3A_1249 : memref<1x8x128xf32, #tpu.memory_space<vmem>> -> memref<8x128xf32, #tpu.memory_space<vmem>>
    %dma_start3A_1251 = tpu.memref_slice %arg2[%multiple_of3A_1240, %multiple_of3A_1237] : memref<2048x32512xf32, #tpu.memory_space<hbm>> -> memref<8x128xf32, #tpu.memory_space<hbm>>
    tpu.enqueue_dma source(%dma_start3A_1251 : memref<8x128xf32, #tpu.memory_space<hbm>>) target(%dma_start3A_1250 : memref<8x128xf32, #tpu.memory_space<vmem>>) target_semaphore(%arg11 : memref<!tpu.dma_semaphore, #tpu.memory_space<semaphore_mem>>)
    %shift_right_arithmetic3A_1252 = arith.constant 24 : i32
    %shift_right_arithmetic3A_1253 = arith.shrsi %reduce_min3A_1188, %shift_right_arithmetic3A_1252 : i32
    %and3A_1254 = arith.constant 255 : i32
    %and3A_1255 = arith.andi %shift_right_arithmetic3A_1253, %and3A_1254 : i32
    %shift_left3A_1256 = arith.constant 7 : i32
    %shift_left3A_1257 = arith.shli %and3A_1255, %shift_left3A_1256 : i32
    %multiple_of3A_1258 = tpu.assume_multiple %shift_left3A_1257, 128 : i32
    %add3A_1259 = arith.constant 32 : i32
    %add3A_1260 = arith.addi %mul3A_2, %add3A_1259 : i32
    %multiple_of3A_1261 = tpu.assume_multiple %add3A_1260, 8 : i32
    %dma_start3A_1262 = arith.constant 35 : i32
    %dma_start3A_1263 = arith.constant 0 : i32
    %dma_start3A_1264 = arith.constant 0 : i32
    %dma_start3A_1265 = tpu.memref_slice %arg9[%dma_start3A_1262, %dma_start3A_1263, %dma_start3A_1264] : memref<64x8x128xf32, #tpu.memory_space<vmem>> -> memref<1x8x128xf32, #tpu.memory_space<vmem>>
    %dma_start3A_1266 = tpu.memref_squeeze %dma_start3A_1265 : memref<1x8x128xf32, #tpu.memory_space<vmem>> -> memref<8x128xf32, #tpu.memory_space<vmem>>
    %dma_start3A_1267 = tpu.memref_slice %arg2[%multiple_of3A_1261, %multiple_of3A_1258] : memref<2048x32512xf32, #tpu.memory_space<hbm>> -> memref<8x128xf32, #tpu.memory_space<hbm>>
    %dma_start3A_1268 = arith.constant 0 : i32
    %dma_start3A_1269 = arith.constant 0 : i32
    %dma_start3A_1270 = tpu.memref_slice %arg9[%dma_start3A_1262, %dma_start3A_1268, %dma_start3A_1269] : memref<64x8x128xf32, #tpu.memory_space<vmem>> -> memref<1x8x128xf32, #tpu.memory_space<vmem>>
    %dma_start3A_1271 = tpu.memref_squeeze %dma_start3A_1270 : memref<1x8x128xf32, #tpu.memory_space<vmem>> -> memref<8x128xf32, #tpu.memory_space<vmem>>
    %dma_start3A_1272 = tpu.memref_slice %arg2[%multiple_of3A_1261, %multiple_of3A_1258] : memref<2048x32512xf32, #tpu.memory_space<hbm>> -> memref<8x128xf32, #tpu.memory_space<hbm>>
    tpu.enqueue_dma source(%dma_start3A_1272 : memref<8x128xf32, #tpu.memory_space<hbm>>) target(%dma_start3A_1271 : memref<8x128xf32, #tpu.memory_space<vmem>>) target_semaphore(%arg11 : memref<!tpu.dma_semaphore, #tpu.memory_space<semaphore_mem>>)
    %eq3A_1273 = arith.constant 1 : i32
    %eq3A_1274 = vector.broadcast %eq3A_1273 : i32 to vector<16xi32>
    %eq3A_1275 = arith.cmpi eq, %iota3A, %eq3A_1274 : vector<16xi32>
    %jit3A_1276 = arith.constant 2147483647 : i32
    %broadcast_in_dim3A_1277 = vector.broadcast %jit3A_1276 : i32 to vector<16xi32>
    %select_n3A_1278 = arith.select %eq3A_1275, %or3A_1174, %broadcast_in_dim3A_1277 : vector<16xi1>, vector<16xi32>
    %reduce_min3A_1279 = arith.constant true
    %reduce_min3A_1280 = vector.broadcast %reduce_min3A_1279 : i1 to vector<16xi1>
    %reduce_min3A_1281 = arith.constant -2147483648 : i32
    %reduce_min3A_1282 = vector.broadcast %reduce_min3A_1281 : i32 to vector<16xi32>
    %reduce_min3A_1283 = arith.xori %select_n3A_1278, %reduce_min3A_1282 : vector<16xi32>
    %reduce_min3A_1284 = tpu.scan <min>, %reduce_min3A_1283 masked %reduce_min3A_1280 : vector<16xi32>, vector<16xi1> -> vector<16xi32>
    %reduce_min3A_1285 = arith.xori %reduce_min3A_1284, %reduce_min3A_1282 : vector<16xi32>
    %reduce_min3A_1286 = vector.extract %reduce_min3A_1285[15] : i32 from vector<16xi32>
    %shift_right_arithmetic3A_1287 = arith.constant 0 : i32
    %shift_right_arithmetic3A_1288 = arith.shrsi %reduce_min3A_1286, %shift_right_arithmetic3A_1287 : i32
    %and3A_1289 = arith.constant 255 : i32
    %and3A_1290 = arith.andi %shift_right_arithmetic3A_1288, %and3A_1289 : i32
    %shift_left3A_1291 = arith.constant 7 : i32
    %shift_left3A_1292 = arith.shli %and3A_1290, %shift_left3A_1291 : i32
    %multiple_of3A_1293 = tpu.assume_multiple %shift_left3A_1292, 128 : i32
    %add3A_1294 = arith.constant 32 : i32
    %add3A_1295 = arith.addi %mul3A_2, %add3A_1294 : i32
    %multiple_of3A_1296 = tpu.assume_multiple %add3A_1295, 8 : i32
    %dma_start3A_1297 = arith.constant 36 : i32
    %dma_start3A_1298 = arith.constant 0 : i32
    %dma_start3A_1299 = arith.constant 0 : i32
    %dma_start3A_1300 = tpu.memref_slice %arg9[%dma_start3A_1297, %dma_start3A_1298, %dma_start3A_1299] : memref<64x8x128xf32, #tpu.memory_space<vmem>> -> memref<1x8x128xf32, #tpu.memory_space<vmem>>
    %dma_start3A_1301 = tpu.memref_squeeze %dma_start3A_1300 : memref<1x8x128xf32, #tpu.memory_space<vmem>> -> memref<8x128xf32, #tpu.memory_space<vmem>>
    %dma_start3A_1302 = tpu.memref_slice %arg2[%multiple_of3A_1296, %multiple_of3A_1293] : memref<2048x32512xf32, #tpu.memory_space<hbm>> -> memref<8x128xf32, #tpu.memory_space<hbm>>
    %dma_start3A_1303 = arith.constant 0 : i32
    %dma_start3A_1304 = arith.constant 0 : i32
    %dma_start3A_1305 = tpu.memref_slice %arg9[%dma_start3A_1297, %dma_start3A_1303, %dma_start3A_1304] : memref<64x8x128xf32, #tpu.memory_space<vmem>> -> memref<1x8x128xf32, #tpu.memory_space<vmem>>
    %dma_start3A_1306 = tpu.memref_squeeze %dma_start3A_1305 : memref<1x8x128xf32, #tpu.memory_space<vmem>> -> memref<8x128xf32, #tpu.memory_space<vmem>>
    %dma_start3A_1307 = tpu.memref_slice %arg2[%multiple_of3A_1296, %multiple_of3A_1293] : memref<2048x32512xf32, #tpu.memory_space<hbm>> -> memref<8x128xf32, #tpu.memory_space<hbm>>
    tpu.enqueue_dma source(%dma_start3A_1307 : memref<8x128xf32, #tpu.memory_space<hbm>>) target(%dma_start3A_1306 : memref<8x128xf32, #tpu.memory_space<vmem>>) target_semaphore(%arg11 : memref<!tpu.dma_semaphore, #tpu.memory_space<semaphore_mem>>)
    %shift_right_arithmetic3A_1308 = arith.constant 8 : i32
    %shift_right_arithmetic3A_1309 = arith.shrsi %reduce_min3A_1286, %shift_right_arithmetic3A_1308 : i32
    %and3A_1310 = arith.constant 255 : i32
    %and3A_1311 = arith.andi %shift_right_arithmetic3A_1309, %and3A_1310 : i32
    %shift_left3A_1312 = arith.constant 7 : i32
    %shift_left3A_1313 = arith.shli %and3A_1311, %shift_left3A_1312 : i32
    %multiple_of3A_1314 = tpu.assume_multiple %shift_left3A_1313, 128 : i32
    %add3A_1315 = arith.constant 32 : i32
    %add3A_1316 = arith.addi %mul3A_2, %add3A_1315 : i32
    %multiple_of3A_1317 = tpu.assume_multiple %add3A_1316, 8 : i32
    %dma_start3A_1318 = arith.constant 37 : i32
    %dma_start3A_1319 = arith.constant 0 : i32
    %dma_start3A_1320 = arith.constant 0 : i32
    %dma_start3A_1321 = tpu.memref_slice %arg9[%dma_start3A_1318, %dma_start3A_1319, %dma_start3A_1320] : memref<64x8x128xf32, #tpu.memory_space<vmem>> -> memref<1x8x128xf32, #tpu.memory_space<vmem>>
    %dma_start3A_1322 = tpu.memref_squeeze %dma_start3A_1321 : memref<1x8x128xf32, #tpu.memory_space<vmem>> -> memref<8x128xf32, #tpu.memory_space<vmem>>
    %dma_start3A_1323 = tpu.memref_slice %arg2[%multiple_of3A_1317, %multiple_of3A_1314] : memref<2048x32512xf32, #tpu.memory_space<hbm>> -> memref<8x128xf32, #tpu.memory_space<hbm>>
    %dma_start3A_1324 = arith.constant 0 : i32
    %dma_start3A_1325 = arith.constant 0 : i32
    %dma_start3A_1326 = tpu.memref_slice %arg9[%dma_start3A_1318, %dma_start3A_1324, %dma_start3A_1325] : memref<64x8x128xf32, #tpu.memory_space<vmem>> -> memref<1x8x128xf32, #tpu.memory_space<vmem>>
    %dma_start3A_1327 = tpu.memref_squeeze %dma_start3A_1326 : memref<1x8x128xf32, #tpu.memory_space<vmem>> -> memref<8x128xf32, #tpu.memory_space<vmem>>
    %dma_start3A_1328 = tpu.memref_slice %arg2[%multiple_of3A_1317, %multiple_of3A_1314] : memref<2048x32512xf32, #tpu.memory_space<hbm>> -> memref<8x128xf32, #tpu.memory_space<hbm>>
    tpu.enqueue_dma source(%dma_start3A_1328 : memref<8x128xf32, #tpu.memory_space<hbm>>) target(%dma_start3A_1327 : memref<8x128xf32, #tpu.memory_space<vmem>>) target_semaphore(%arg11 : memref<!tpu.dma_semaphore, #tpu.memory_space<semaphore_mem>>)
    %shift_right_arithmetic3A_1329 = arith.constant 16 : i32
    %shift_right_arithmetic3A_1330 = arith.shrsi %reduce_min3A_1286, %shift_right_arithmetic3A_1329 : i32
    %and3A_1331 = arith.constant 255 : i32
    %and3A_1332 = arith.andi %shift_right_arithmetic3A_1330, %and3A_1331 : i32
    %shift_left3A_1333 = arith.constant 7 : i32
    %shift_left3A_1334 = arith.shli %and3A_1332, %shift_left3A_1333 : i32
    %multiple_of3A_1335 = tpu.assume_multiple %shift_left3A_1334, 128 : i32
    %add3A_1336 = arith.constant 32 : i32
    %add3A_1337 = arith.addi %mul3A_2, %add3A_1336 : i32
    %multiple_of3A_1338 = tpu.assume_multiple %add3A_1337, 8 : i32
    %dma_start3A_1339 = arith.constant 38 : i32
    %dma_start3A_1340 = arith.constant 0 : i32
    %dma_start3A_1341 = arith.constant 0 : i32
    %dma_start3A_1342 = tpu.memref_slice %arg9[%dma_start3A_1339, %dma_start3A_1340, %dma_start3A_1341] : memref<64x8x128xf32, #tpu.memory_space<vmem>> -> memref<1x8x128xf32, #tpu.memory_space<vmem>>
    %dma_start3A_1343 = tpu.memref_squeeze %dma_start3A_1342 : memref<1x8x128xf32, #tpu.memory_space<vmem>> -> memref<8x128xf32, #tpu.memory_space<vmem>>
    %dma_start3A_1344 = tpu.memref_slice %arg2[%multiple_of3A_1338, %multiple_of3A_1335] : memref<2048x32512xf32, #tpu.memory_space<hbm>> -> memref<8x128xf32, #tpu.memory_space<hbm>>
    %dma_start3A_1345 = arith.constant 0 : i32
    %dma_start3A_1346 = arith.constant 0 : i32
    %dma_start3A_1347 = tpu.memref_slice %arg9[%dma_start3A_1339, %dma_start3A_1345, %dma_start3A_1346] : memref<64x8x128xf32, #tpu.memory_space<vmem>> -> memref<1x8x128xf32, #tpu.memory_space<vmem>>
    %dma_start3A_1348 = tpu.memref_squeeze %dma_start3A_1347 : memref<1x8x128xf32, #tpu.memory_space<vmem>> -> memref<8x128xf32, #tpu.memory_space<vmem>>
    %dma_start3A_1349 = tpu.memref_slice %arg2[%multiple_of3A_1338, %multiple_of3A_1335] : memref<2048x32512xf32, #tpu.memory_space<hbm>> -> memref<8x128xf32, #tpu.memory_space<hbm>>
    tpu.enqueue_dma source(%dma_start3A_1349 : memref<8x128xf32, #tpu.memory_space<hbm>>) target(%dma_start3A_1348 : memref<8x128xf32, #tpu.memory_space<vmem>>) target_semaphore(%arg11 : memref<!tpu.dma_semaphore, #tpu.memory_space<semaphore_mem>>)
    %shift_right_arithmetic3A_1350 = arith.constant 24 : i32
    %shift_right_arithmetic3A_1351 = arith.shrsi %reduce_min3A_1286, %shift_right_arithmetic3A_1350 : i32
    %and3A_1352 = arith.constant 255 : i32
    %and3A_1353 = arith.andi %shift_right_arithmetic3A_1351, %and3A_1352 : i32
    %shift_left3A_1354 = arith.constant 7 : i32
    %shift_left3A_1355 = arith.shli %and3A_1353, %shift_left3A_1354 : i32
    %multiple_of3A_1356 = tpu.assume_multiple %shift_left3A_1355, 128 : i32
    %add3A_1357 = arith.constant 32 : i32
    %add3A_1358 = arith.addi %mul3A_2, %add3A_1357 : i32
    %multiple_of3A_1359 = tpu.assume_multiple %add3A_1358, 8 : i32
    %dma_start3A_1360 = arith.constant 39 : i32
    %dma_start3A_1361 = arith.constant 0 : i32
    %dma_start3A_1362 = arith.constant 0 : i32
    %dma_start3A_1363 = tpu.memref_slice %arg9[%dma_start3A_1360, %dma_start3A_1361, %dma_start3A_1362] : memref<64x8x128xf32, #tpu.memory_space<vmem>> -> memref<1x8x128xf32, #tpu.memory_space<vmem>>
    %dma_start3A_1364 = tpu.memref_squeeze %dma_start3A_1363 : memref<1x8x128xf32, #tpu.memory_space<vmem>> -> memref<8x128xf32, #tpu.memory_space<vmem>>
    %dma_start3A_1365 = tpu.memref_slice %arg2[%multiple_of3A_1359, %multiple_of3A_1356] : memref<2048x32512xf32, #tpu.memory_space<hbm>> -> memref<8x128xf32, #tpu.memory_space<hbm>>
    %dma_start3A_1366 = arith.constant 0 : i32
    %dma_start3A_1367 = arith.constant 0 : i32
    %dma_start3A_1368 = tpu.memref_slice %arg9[%dma_start3A_1360, %dma_start3A_1366, %dma_start3A_1367] : memref<64x8x128xf32, #tpu.memory_space<vmem>> -> memref<1x8x128xf32, #tpu.memory_space<vmem>>
    %dma_start3A_1369 = tpu.memref_squeeze %dma_start3A_1368 : memref<1x8x128xf32, #tpu.memory_space<vmem>> -> memref<8x128xf32, #tpu.memory_space<vmem>>
    %dma_start3A_1370 = tpu.memref_slice %arg2[%multiple_of3A_1359, %multiple_of3A_1356] : memref<2048x32512xf32, #tpu.memory_space<hbm>> -> memref<8x128xf32, #tpu.memory_space<hbm>>
    tpu.enqueue_dma source(%dma_start3A_1370 : memref<8x128xf32, #tpu.memory_space<hbm>>) target(%dma_start3A_1369 : memref<8x128xf32, #tpu.memory_space<vmem>>) target_semaphore(%arg11 : memref<!tpu.dma_semaphore, #tpu.memory_space<semaphore_mem>>)
    %eq3A_1371 = arith.constant 2 : i32
    %eq3A_1372 = vector.broadcast %eq3A_1371 : i32 to vector<16xi32>
    %eq3A_1373 = arith.cmpi eq, %iota3A, %eq3A_1372 : vector<16xi32>
    %jit3A_1374 = arith.constant 2147483647 : i32
    %broadcast_in_dim3A_1375 = vector.broadcast %jit3A_1374 : i32 to vector<16xi32>
    %select_n3A_1376 = arith.select %eq3A_1373, %or3A_1174, %broadcast_in_dim3A_1375 : vector<16xi1>, vector<16xi32>
    %reduce_min3A_1377 = arith.constant true
    %reduce_min3A_1378 = vector.broadcast %reduce_min3A_1377 : i1 to vector<16xi1>
    %reduce_min3A_1379 = arith.constant -2147483648 : i32
    %reduce_min3A_1380 = vector.broadcast %reduce_min3A_1379 : i32 to vector<16xi32>
    %reduce_min3A_1381 = arith.xori %select_n3A_1376, %reduce_min3A_1380 : vector<16xi32>
    %reduce_min3A_1382 = tpu.scan <min>, %reduce_min3A_1381 masked %reduce_min3A_1378 : vector<16xi32>, vector<16xi1> -> vector<16xi32>
    %reduce_min3A_1383 = arith.xori %reduce_min3A_1382, %reduce_min3A_1380 : vector<16xi32>
    %reduce_min3A_1384 = vector.extract %reduce_min3A_1383[15] : i32 from vector<16xi32>
    %shift_right_arithmetic3A_1385 = arith.constant 0 : i32
    %shift_right_arithmetic3A_1386 = arith.shrsi %reduce_min3A_1384, %shift_right_arithmetic3A_1385 : i32
    %and3A_1387 = arith.constant 255 : i32
    %and3A_1388 = arith.andi %shift_right_arithmetic3A_1386, %and3A_1387 : i32
    %shift_left3A_1389 = arith.constant 7 : i32
    %shift_left3A_1390 = arith.shli %and3A_1388, %shift_left3A_1389 : i32
    %multiple_of3A_1391 = tpu.assume_multiple %shift_left3A_1390, 128 : i32
    %add3A_1392 = arith.constant 40 : i32
    %add3A_1393 = arith.addi %mul3A_2, %add3A_1392 : i32
    %multiple_of3A_1394 = tpu.assume_multiple %add3A_1393, 8 : i32
    %dma_start3A_1395 = arith.constant 40 : i32
    %dma_start3A_1396 = arith.constant 0 : i32
    %dma_start3A_1397 = arith.constant 0 : i32
    %dma_start3A_1398 = tpu.memref_slice %arg9[%dma_start3A_1395, %dma_start3A_1396, %dma_start3A_1397] : memref<64x8x128xf32, #tpu.memory_space<vmem>> -> memref<1x8x128xf32, #tpu.memory_space<vmem>>
    %dma_start3A_1399 = tpu.memref_squeeze %dma_start3A_1398 : memref<1x8x128xf32, #tpu.memory_space<vmem>> -> memref<8x128xf32, #tpu.memory_space<vmem>>
    %dma_start3A_1400 = tpu.memref_slice %arg2[%multiple_of3A_1394, %multiple_of3A_1391] : memref<2048x32512xf32, #tpu.memory_space<hbm>> -> memref<8x128xf32, #tpu.memory_space<hbm>>
    %dma_start3A_1401 = arith.constant 0 : i32
    %dma_start3A_1402 = arith.constant 0 : i32
    %dma_start3A_1403 = tpu.memref_slice %arg9[%dma_start3A_1395, %dma_start3A_1401, %dma_start3A_1402] : memref<64x8x128xf32, #tpu.memory_space<vmem>> -> memref<1x8x128xf32, #tpu.memory_space<vmem>>
    %dma_start3A_1404 = tpu.memref_squeeze %dma_start3A_1403 : memref<1x8x128xf32, #tpu.memory_space<vmem>> -> memref<8x128xf32, #tpu.memory_space<vmem>>
    %dma_start3A_1405 = tpu.memref_slice %arg2[%multiple_of3A_1394, %multiple_of3A_1391] : memref<2048x32512xf32, #tpu.memory_space<hbm>> -> memref<8x128xf32, #tpu.memory_space<hbm>>
    tpu.enqueue_dma source(%dma_start3A_1405 : memref<8x128xf32, #tpu.memory_space<hbm>>) target(%dma_start3A_1404 : memref<8x128xf32, #tpu.memory_space<vmem>>) target_semaphore(%arg11 : memref<!tpu.dma_semaphore, #tpu.memory_space<semaphore_mem>>)
    %shift_right_arithmetic3A_1406 = arith.constant 8 : i32
    %shift_right_arithmetic3A_1407 = arith.shrsi %reduce_min3A_1384, %shift_right_arithmetic3A_1406 : i32
    %and3A_1408 = arith.constant 255 : i32
    %and3A_1409 = arith.andi %shift_right_arithmetic3A_1407, %and3A_1408 : i32
    %shift_left3A_1410 = arith.constant 7 : i32
    %shift_left3A_1411 = arith.shli %and3A_1409, %shift_left3A_1410 : i32
    %multiple_of3A_1412 = tpu.assume_multiple %shift_left3A_1411, 128 : i32
    %add3A_1413 = arith.constant 40 : i32
    %add3A_1414 = arith.addi %mul3A_2, %add3A_1413 : i32
    %multiple_of3A_1415 = tpu.assume_multiple %add3A_1414, 8 : i32
    %dma_start3A_1416 = arith.constant 41 : i32
    %dma_start3A_1417 = arith.constant 0 : i32
    %dma_start3A_1418 = arith.constant 0 : i32
    %dma_start3A_1419 = tpu.memref_slice %arg9[%dma_start3A_1416, %dma_start3A_1417, %dma_start3A_1418] : memref<64x8x128xf32, #tpu.memory_space<vmem>> -> memref<1x8x128xf32, #tpu.memory_space<vmem>>
    %dma_start3A_1420 = tpu.memref_squeeze %dma_start3A_1419 : memref<1x8x128xf32, #tpu.memory_space<vmem>> -> memref<8x128xf32, #tpu.memory_space<vmem>>
    %dma_start3A_1421 = tpu.memref_slice %arg2[%multiple_of3A_1415, %multiple_of3A_1412] : memref<2048x32512xf32, #tpu.memory_space<hbm>> -> memref<8x128xf32, #tpu.memory_space<hbm>>
    %dma_start3A_1422 = arith.constant 0 : i32
    %dma_start3A_1423 = arith.constant 0 : i32
    %dma_start3A_1424 = tpu.memref_slice %arg9[%dma_start3A_1416, %dma_start3A_1422, %dma_start3A_1423] : memref<64x8x128xf32, #tpu.memory_space<vmem>> -> memref<1x8x128xf32, #tpu.memory_space<vmem>>
    %dma_start3A_1425 = tpu.memref_squeeze %dma_start3A_1424 : memref<1x8x128xf32, #tpu.memory_space<vmem>> -> memref<8x128xf32, #tpu.memory_space<vmem>>
    %dma_start3A_1426 = tpu.memref_slice %arg2[%multiple_of3A_1415, %multiple_of3A_1412] : memref<2048x32512xf32, #tpu.memory_space<hbm>> -> memref<8x128xf32, #tpu.memory_space<hbm>>
    tpu.enqueue_dma source(%dma_start3A_1426 : memref<8x128xf32, #tpu.memory_space<hbm>>) target(%dma_start3A_1425 : memref<8x128xf32, #tpu.memory_space<vmem>>) target_semaphore(%arg11 : memref<!tpu.dma_semaphore, #tpu.memory_space<semaphore_mem>>)
    %shift_right_arithmetic3A_1427 = arith.constant 16 : i32
    %shift_right_arithmetic3A_1428 = arith.shrsi %reduce_min3A_1384, %shift_right_arithmetic3A_1427 : i32
    %and3A_1429 = arith.constant 255 : i32
    %and3A_1430 = arith.andi %shift_right_arithmetic3A_1428, %and3A_1429 : i32
    %shift_left3A_1431 = arith.constant 7 : i32
    %shift_left3A_1432 = arith.shli %and3A_1430, %shift_left3A_1431 : i32
    %multiple_of3A_1433 = tpu.assume_multiple %shift_left3A_1432, 128 : i32
    %add3A_1434 = arith.constant 40 : i32
    %add3A_1435 = arith.addi %mul3A_2, %add3A_1434 : i32
    %multiple_of3A_1436 = tpu.assume_multiple %add3A_1435, 8 : i32
    %dma_start3A_1437 = arith.constant 42 : i32
    %dma_start3A_1438 = arith.constant 0 : i32
    %dma_start3A_1439 = arith.constant 0 : i32
    %dma_start3A_1440 = tpu.memref_slice %arg9[%dma_start3A_1437, %dma_start3A_1438, %dma_start3A_1439] : memref<64x8x128xf32, #tpu.memory_space<vmem>> -> memref<1x8x128xf32, #tpu.memory_space<vmem>>
    %dma_start3A_1441 = tpu.memref_squeeze %dma_start3A_1440 : memref<1x8x128xf32, #tpu.memory_space<vmem>> -> memref<8x128xf32, #tpu.memory_space<vmem>>
    %dma_start3A_1442 = tpu.memref_slice %arg2[%multiple_of3A_1436, %multiple_of3A_1433] : memref<2048x32512xf32, #tpu.memory_space<hbm>> -> memref<8x128xf32, #tpu.memory_space<hbm>>
    %dma_start3A_1443 = arith.constant 0 : i32
    %dma_start3A_1444 = arith.constant 0 : i32
    %dma_start3A_1445 = tpu.memref_slice %arg9[%dma_start3A_1437, %dma_start3A_1443, %dma_start3A_1444] : memref<64x8x128xf32, #tpu.memory_space<vmem>> -> memref<1x8x128xf32, #tpu.memory_space<vmem>>
    %dma_start3A_1446 = tpu.memref_squeeze %dma_start3A_1445 : memref<1x8x128xf32, #tpu.memory_space<vmem>> -> memref<8x128xf32, #tpu.memory_space<vmem>>
    %dma_start3A_1447 = tpu.memref_slice %arg2[%multiple_of3A_1436, %multiple_of3A_1433] : memref<2048x32512xf32, #tpu.memory_space<hbm>> -> memref<8x128xf32, #tpu.memory_space<hbm>>
    tpu.enqueue_dma source(%dma_start3A_1447 : memref<8x128xf32, #tpu.memory_space<hbm>>) target(%dma_start3A_1446 : memref<8x128xf32, #tpu.memory_space<vmem>>) target_semaphore(%arg11 : memref<!tpu.dma_semaphore, #tpu.memory_space<semaphore_mem>>)
    %shift_right_arithmetic3A_1448 = arith.constant 24 : i32
    %shift_right_arithmetic3A_1449 = arith.shrsi %reduce_min3A_1384, %shift_right_arithmetic3A_1448 : i32
    %and3A_1450 = arith.constant 255 : i32
    %and3A_1451 = arith.andi %shift_right_arithmetic3A_1449, %and3A_1450 : i32
    %shift_left3A_1452 = arith.constant 7 : i32
    %shift_left3A_1453 = arith.shli %and3A_1451, %shift_left3A_1452 : i32
    %multiple_of3A_1454 = tpu.assume_multiple %shift_left3A_1453, 128 : i32
    %add3A_1455 = arith.constant 40 : i32
    %add3A_1456 = arith.addi %mul3A_2, %add3A_1455 : i32
    %multiple_of3A_1457 = tpu.assume_multiple %add3A_1456, 8 : i32
    %dma_start3A_1458 = arith.constant 43 : i32
    %dma_start3A_1459 = arith.constant 0 : i32
    %dma_start3A_1460 = arith.constant 0 : i32
    %dma_start3A_1461 = tpu.memref_slice %arg9[%dma_start3A_1458, %dma_start3A_1459, %dma_start3A_1460] : memref<64x8x128xf32, #tpu.memory_space<vmem>> -> memref<1x8x128xf32, #tpu.memory_space<vmem>>
    %dma_start3A_1462 = tpu.memref_squeeze %dma_start3A_1461 : memref<1x8x128xf32, #tpu.memory_space<vmem>> -> memref<8x128xf32, #tpu.memory_space<vmem>>
    %dma_start3A_1463 = tpu.memref_slice %arg2[%multiple_of3A_1457, %multiple_of3A_1454] : memref<2048x32512xf32, #tpu.memory_space<hbm>> -> memref<8x128xf32, #tpu.memory_space<hbm>>
    %dma_start3A_1464 = arith.constant 0 : i32
    %dma_start3A_1465 = arith.constant 0 : i32
    %dma_start3A_1466 = tpu.memref_slice %arg9[%dma_start3A_1458, %dma_start3A_1464, %dma_start3A_1465] : memref<64x8x128xf32, #tpu.memory_space<vmem>> -> memref<1x8x128xf32, #tpu.memory_space<vmem>>
    %dma_start3A_1467 = tpu.memref_squeeze %dma_start3A_1466 : memref<1x8x128xf32, #tpu.memory_space<vmem>> -> memref<8x128xf32, #tpu.memory_space<vmem>>
    %dma_start3A_1468 = tpu.memref_slice %arg2[%multiple_of3A_1457, %multiple_of3A_1454] : memref<2048x32512xf32, #tpu.memory_space<hbm>> -> memref<8x128xf32, #tpu.memory_space<hbm>>
    tpu.enqueue_dma source(%dma_start3A_1468 : memref<8x128xf32, #tpu.memory_space<hbm>>) target(%dma_start3A_1467 : memref<8x128xf32, #tpu.memory_space<vmem>>) target_semaphore(%arg11 : memref<!tpu.dma_semaphore, #tpu.memory_space<semaphore_mem>>)
    %eq3A_1469 = arith.constant 3 : i32
    %eq3A_1470 = vector.broadcast %eq3A_1469 : i32 to vector<16xi32>
    %eq3A_1471 = arith.cmpi eq, %iota3A, %eq3A_1470 : vector<16xi32>
    %jit3A_1472 = arith.constant 2147483647 : i32
    %broadcast_in_dim3A_1473 = vector.broadcast %jit3A_1472 : i32 to vector<16xi32>
    %select_n3A_1474 = arith.select %eq3A_1471, %or3A_1174, %broadcast_in_dim3A_1473 : vector<16xi1>, vector<16xi32>
    %reduce_min3A_1475 = arith.constant true
    %reduce_min3A_1476 = vector.broadcast %reduce_min3A_1475 : i1 to vector<16xi1>
    %reduce_min3A_1477 = arith.constant -2147483648 : i32
    %reduce_min3A_1478 = vector.broadcast %reduce_min3A_1477 : i32 to vector<16xi32>
    %reduce_min3A_1479 = arith.xori %select_n3A_1474, %reduce_min3A_1478 : vector<16xi32>
    %reduce_min3A_1480 = tpu.scan <min>, %reduce_min3A_1479 masked %reduce_min3A_1476 : vector<16xi32>, vector<16xi1> -> vector<16xi32>
    %reduce_min3A_1481 = arith.xori %reduce_min3A_1480, %reduce_min3A_1478 : vector<16xi32>
    %reduce_min3A_1482 = vector.extract %reduce_min3A_1481[15] : i32 from vector<16xi32>
    %shift_right_arithmetic3A_1483 = arith.constant 0 : i32
    %shift_right_arithmetic3A_1484 = arith.shrsi %reduce_min3A_1482, %shift_right_arithmetic3A_1483 : i32
    %and3A_1485 = arith.constant 255 : i32
    %and3A_1486 = arith.andi %shift_right_arithmetic3A_1484, %and3A_1485 : i32
    %shift_left3A_1487 = arith.constant 7 : i32
    %shift_left3A_1488 = arith.shli %and3A_1486, %shift_left3A_1487 : i32
    %multiple_of3A_1489 = tpu.assume_multiple %shift_left3A_1488, 128 : i32
    %add3A_1490 = arith.constant 40 : i32
    %add3A_1491 = arith.addi %mul3A_2, %add3A_1490 : i32
    %multiple_of3A_1492 = tpu.assume_multiple %add3A_1491, 8 : i32
    %dma_start3A_1493 = arith.constant 44 : i32
    %dma_start3A_1494 = arith.constant 0 : i32
    %dma_start3A_1495 = arith.constant 0 : i32
    %dma_start3A_1496 = tpu.memref_slice %arg9[%dma_start3A_1493, %dma_start3A_1494, %dma_start3A_1495] : memref<64x8x128xf32, #tpu.memory_space<vmem>> -> memref<1x8x128xf32, #tpu.memory_space<vmem>>
    %dma_start3A_1497 = tpu.memref_squeeze %dma_start3A_1496 : memref<1x8x128xf32, #tpu.memory_space<vmem>> -> memref<8x128xf32, #tpu.memory_space<vmem>>
    %dma_start3A_1498 = tpu.memref_slice %arg2[%multiple_of3A_1492, %multiple_of3A_1489] : memref<2048x32512xf32, #tpu.memory_space<hbm>> -> memref<8x128xf32, #tpu.memory_space<hbm>>
    %dma_start3A_1499 = arith.constant 0 : i32
    %dma_start3A_1500 = arith.constant 0 : i32
    %dma_start3A_1501 = tpu.memref_slice %arg9[%dma_start3A_1493, %dma_start3A_1499, %dma_start3A_1500] : memref<64x8x128xf32, #tpu.memory_space<vmem>> -> memref<1x8x128xf32, #tpu.memory_space<vmem>>
    %dma_start3A_1502 = tpu.memref_squeeze %dma_start3A_1501 : memref<1x8x128xf32, #tpu.memory_space<vmem>> -> memref<8x128xf32, #tpu.memory_space<vmem>>
    %dma_start3A_1503 = tpu.memref_slice %arg2[%multiple_of3A_1492, %multiple_of3A_1489] : memref<2048x32512xf32, #tpu.memory_space<hbm>> -> memref<8x128xf32, #tpu.memory_space<hbm>>
    tpu.enqueue_dma source(%dma_start3A_1503 : memref<8x128xf32, #tpu.memory_space<hbm>>) target(%dma_start3A_1502 : memref<8x128xf32, #tpu.memory_space<vmem>>) target_semaphore(%arg11 : memref<!tpu.dma_semaphore, #tpu.memory_space<semaphore_mem>>)
    %shift_right_arithmetic3A_1504 = arith.constant 8 : i32
    %shift_right_arithmetic3A_1505 = arith.shrsi %reduce_min3A_1482, %shift_right_arithmetic3A_1504 : i32
    %and3A_1506 = arith.constant 255 : i32
    %and3A_1507 = arith.andi %shift_right_arithmetic3A_1505, %and3A_1506 : i32
    %shift_left3A_1508 = arith.constant 7 : i32
    %shift_left3A_1509 = arith.shli %and3A_1507, %shift_left3A_1508 : i32
    %multiple_of3A_1510 = tpu.assume_multiple %shift_left3A_1509, 128 : i32
    %add3A_1511 = arith.constant 40 : i32
    %add3A_1512 = arith.addi %mul3A_2, %add3A_1511 : i32
    %multiple_of3A_1513 = tpu.assume_multiple %add3A_1512, 8 : i32
    %dma_start3A_1514 = arith.constant 45 : i32
    %dma_start3A_1515 = arith.constant 0 : i32
    %dma_start3A_1516 = arith.constant 0 : i32
    %dma_start3A_1517 = tpu.memref_slice %arg9[%dma_start3A_1514, %dma_start3A_1515, %dma_start3A_1516] : memref<64x8x128xf32, #tpu.memory_space<vmem>> -> memref<1x8x128xf32, #tpu.memory_space<vmem>>
    %dma_start3A_1518 = tpu.memref_squeeze %dma_start3A_1517 : memref<1x8x128xf32, #tpu.memory_space<vmem>> -> memref<8x128xf32, #tpu.memory_space<vmem>>
    %dma_start3A_1519 = tpu.memref_slice %arg2[%multiple_of3A_1513, %multiple_of3A_1510] : memref<2048x32512xf32, #tpu.memory_space<hbm>> -> memref<8x128xf32, #tpu.memory_space<hbm>>
    %dma_start3A_1520 = arith.constant 0 : i32
    %dma_start3A_1521 = arith.constant 0 : i32
    %dma_start3A_1522 = tpu.memref_slice %arg9[%dma_start3A_1514, %dma_start3A_1520, %dma_start3A_1521] : memref<64x8x128xf32, #tpu.memory_space<vmem>> -> memref<1x8x128xf32, #tpu.memory_space<vmem>>
    %dma_start3A_1523 = tpu.memref_squeeze %dma_start3A_1522 : memref<1x8x128xf32, #tpu.memory_space<vmem>> -> memref<8x128xf32, #tpu.memory_space<vmem>>
    %dma_start3A_1524 = tpu.memref_slice %arg2[%multiple_of3A_1513, %multiple_of3A_1510] : memref<2048x32512xf32, #tpu.memory_space<hbm>> -> memref<8x128xf32, #tpu.memory_space<hbm>>
    tpu.enqueue_dma source(%dma_start3A_1524 : memref<8x128xf32, #tpu.memory_space<hbm>>) target(%dma_start3A_1523 : memref<8x128xf32, #tpu.memory_space<vmem>>) target_semaphore(%arg11 : memref<!tpu.dma_semaphore, #tpu.memory_space<semaphore_mem>>)
    %shift_right_arithmetic3A_1525 = arith.constant 16 : i32
    %shift_right_arithmetic3A_1526 = arith.shrsi %reduce_min3A_1482, %shift_right_arithmetic3A_1525 : i32
    %and3A_1527 = arith.constant 255 : i32
    %and3A_1528 = arith.andi %shift_right_arithmetic3A_1526, %and3A_1527 : i32
    %shift_left3A_1529 = arith.constant 7 : i32
    %shift_left3A_1530 = arith.shli %and3A_1528, %shift_left3A_1529 : i32
    %multiple_of3A_1531 = tpu.assume_multiple %shift_left3A_1530, 128 : i32
    %add3A_1532 = arith.constant 40 : i32
    %add3A_1533 = arith.addi %mul3A_2, %add3A_1532 : i32
    %multiple_of3A_1534 = tpu.assume_multiple %add3A_1533, 8 : i32
    %dma_start3A_1535 = arith.constant 46 : i32
    %dma_start3A_1536 = arith.constant 0 : i32
    %dma_start3A_1537 = arith.constant 0 : i32
    %dma_start3A_1538 = tpu.memref_slice %arg9[%dma_start3A_1535, %dma_start3A_1536, %dma_start3A_1537] : memref<64x8x128xf32, #tpu.memory_space<vmem>> -> memref<1x8x128xf32, #tpu.memory_space<vmem>>
    %dma_start3A_1539 = tpu.memref_squeeze %dma_start3A_1538 : memref<1x8x128xf32, #tpu.memory_space<vmem>> -> memref<8x128xf32, #tpu.memory_space<vmem>>
    %dma_start3A_1540 = tpu.memref_slice %arg2[%multiple_of3A_1534, %multiple_of3A_1531] : memref<2048x32512xf32, #tpu.memory_space<hbm>> -> memref<8x128xf32, #tpu.memory_space<hbm>>
    %dma_start3A_1541 = arith.constant 0 : i32
    %dma_start3A_1542 = arith.constant 0 : i32
    %dma_start3A_1543 = tpu.memref_slice %arg9[%dma_start3A_1535, %dma_start3A_1541, %dma_start3A_1542] : memref<64x8x128xf32, #tpu.memory_space<vmem>> -> memref<1x8x128xf32, #tpu.memory_space<vmem>>
    %dma_start3A_1544 = tpu.memref_squeeze %dma_start3A_1543 : memref<1x8x128xf32, #tpu.memory_space<vmem>> -> memref<8x128xf32, #tpu.memory_space<vmem>>
    %dma_start3A_1545 = tpu.memref_slice %arg2[%multiple_of3A_1534, %multiple_of3A_1531] : memref<2048x32512xf32, #tpu.memory_space<hbm>> -> memref<8x128xf32, #tpu.memory_space<hbm>>
    tpu.enqueue_dma source(%dma_start3A_1545 : memref<8x128xf32, #tpu.memory_space<hbm>>) target(%dma_start3A_1544 : memref<8x128xf32, #tpu.memory_space<vmem>>) target_semaphore(%arg11 : memref<!tpu.dma_semaphore, #tpu.memory_space<semaphore_mem>>)
    %shift_right_arithmetic3A_1546 = arith.constant 24 : i32
    %shift_right_arithmetic3A_1547 = arith.shrsi %reduce_min3A_1482, %shift_right_arithmetic3A_1546 : i32
    %and3A_1548 = arith.constant 255 : i32
    %and3A_1549 = arith.andi %shift_right_arithmetic3A_1547, %and3A_1548 : i32
    %shift_left3A_1550 = arith.constant 7 : i32
    %shift_left3A_1551 = arith.shli %and3A_1549, %shift_left3A_1550 : i32
    %multiple_of3A_1552 = tpu.assume_multiple %shift_left3A_1551, 128 : i32
    %add3A_1553 = arith.constant 40 : i32
    %add3A_1554 = arith.addi %mul3A_2, %add3A_1553 : i32
    %multiple_of3A_1555 = tpu.assume_multiple %add3A_1554, 8 : i32
    %dma_start3A_1556 = arith.constant 47 : i32
    %dma_start3A_1557 = arith.constant 0 : i32
    %dma_start3A_1558 = arith.constant 0 : i32
    %dma_start3A_1559 = tpu.memref_slice %arg9[%dma_start3A_1556, %dma_start3A_1557, %dma_start3A_1558] : memref<64x8x128xf32, #tpu.memory_space<vmem>> -> memref<1x8x128xf32, #tpu.memory_space<vmem>>
    %dma_start3A_1560 = tpu.memref_squeeze %dma_start3A_1559 : memref<1x8x128xf32, #tpu.memory_space<vmem>> -> memref<8x128xf32, #tpu.memory_space<vmem>>
    %dma_start3A_1561 = tpu.memref_slice %arg2[%multiple_of3A_1555, %multiple_of3A_1552] : memref<2048x32512xf32, #tpu.memory_space<hbm>> -> memref<8x128xf32, #tpu.memory_space<hbm>>
    %dma_start3A_1562 = arith.constant 0 : i32
    %dma_start3A_1563 = arith.constant 0 : i32
    %dma_start3A_1564 = tpu.memref_slice %arg9[%dma_start3A_1556, %dma_start3A_1562, %dma_start3A_1563] : memref<64x8x128xf32, #tpu.memory_space<vmem>> -> memref<1x8x128xf32, #tpu.memory_space<vmem>>
    %dma_start3A_1565 = tpu.memref_squeeze %dma_start3A_1564 : memref<1x8x128xf32, #tpu.memory_space<vmem>> -> memref<8x128xf32, #tpu.memory_space<vmem>>
    %dma_start3A_1566 = tpu.memref_slice %arg2[%multiple_of3A_1555, %multiple_of3A_1552] : memref<2048x32512xf32, #tpu.memory_space<hbm>> -> memref<8x128xf32, #tpu.memory_space<hbm>>
    tpu.enqueue_dma source(%dma_start3A_1566 : memref<8x128xf32, #tpu.memory_space<hbm>>) target(%dma_start3A_1565 : memref<8x128xf32, #tpu.memory_space<vmem>>) target_semaphore(%arg11 : memref<!tpu.dma_semaphore, #tpu.memory_space<semaphore_mem>>)
    %get3A_1567 = arith.constant 48 : index
    %get3A_1568 = tpu.vector_load %arg7[%get3A_1567] {strides = array<i32>} : memref<64xi32, #tpu.memory_space<vmem>>, vector<16xi32>,
    %shift_right_logical3A_1569 = arith.constant 7 : i32
    %shift_right_logical3A_1570 = vector.broadcast %shift_right_logical3A_1569 : i32 to vector<16xi32>
    %shift_right_logical3A_1571 = arith.shrui %get3A_1568, %shift_right_logical3A_1570 : vector<16xi32>
    %mul3A_1572 = arith.constant 4 : i32
    %mul3A_1573 = vector.broadcast %mul3A_1572 : i32 to vector<16xi32>
    %mul3A_1574 = arith.muli %iota3A, %mul3A_1573 : vector<16xi32>
    %and3A_1575 = arith.constant 15 : i32
    %and3A_1576 = vector.broadcast %and3A_1575 : i32 to vector<16xi32>
    %and3A_1577 = arith.andi %mul3A_1574, %and3A_1576 : vector<16xi32>
    %lt3A_1578 = arith.constant 0 : i32
    %lt3A_1579 = vector.broadcast %lt3A_1578 : i32 to vector<16xi32>
    %lt3A_1580 = arith.cmpi slt, %and3A_1577, %lt3A_1579 : vector<16xi32>
    %add3A_1581 = arith.constant 16 : i32
    %add3A_1582 = vector.broadcast %add3A_1581 : i32 to vector<16xi32>
    %add3A_1583 = arith.addi %and3A_1577, %add3A_1582 : vector<16xi32>
    %select_n3A_1584 = arith.select %lt3A_1580, %add3A_1583, %and3A_1577 : vector<16xi1>, vector<16xi32>
    %broadcast_in_dim3A_1585 = vector.shape_cast %select_n3A_1584 : vector<16xi32> to vector<16x1xi32>
    %gather3A_1586 = vector.shape_cast %broadcast_in_dim3A_1585 : vector<16x1xi32> to vector<16xi32>
    %gather3A_1587 = tpu.dynamic_gather %shift_right_logical3A_1571[%gather3A_1586] in [0] : vector<16xi32>, vector<16xi32> -> vector<16xi32>
    %mul3A_1588 = arith.constant 4 : i32
    %mul3A_1589 = vector.broadcast %mul3A_1588 : i32 to vector<16xi32>
    %mul3A_1590 = arith.muli %iota3A, %mul3A_1589 : vector<16xi32>
    %add3A_1591 = arith.constant 1 : i32
    %add3A_1592 = vector.broadcast %add3A_1591 : i32 to vector<16xi32>
    %add3A_1593 = arith.addi %mul3A_1590, %add3A_1592 : vector<16xi32>
    %and3A_1594 = arith.constant 15 : i32
    %and3A_1595 = vector.broadcast %and3A_1594 : i32 to vector<16xi32>
    %and3A_1596 = arith.andi %add3A_1593, %and3A_1595 : vector<16xi32>
    %lt3A_1597 = arith.constant 0 : i32
    %lt3A_1598 = vector.broadcast %lt3A_1597 : i32 to vector<16xi32>
    %lt3A_1599 = arith.cmpi slt, %and3A_1596, %lt3A_1598 : vector<16xi32>
    %add3A_1600 = arith.constant 16 : i32
    %add3A_1601 = vector.broadcast %add3A_1600 : i32 to vector<16xi32>
    %add3A_1602 = arith.addi %and3A_1596, %add3A_1601 : vector<16xi32>
    %select_n3A_1603 = arith.select %lt3A_1599, %add3A_1602, %and3A_1596 : vector<16xi1>, vector<16xi32>
    %broadcast_in_dim3A_1604 = vector.shape_cast %select_n3A_1603 : vector<16xi32> to vector<16x1xi32>
    %gather3A_1605 = vector.shape_cast %broadcast_in_dim3A_1604 : vector<16x1xi32> to vector<16xi32>
    %gather3A_1606 = tpu.dynamic_gather %shift_right_logical3A_1571[%gather3A_1605] in [0] : vector<16xi32>, vector<16xi32> -> vector<16xi32>
    %mul3A_1607 = arith.constant 4 : i32
    %mul3A_1608 = vector.broadcast %mul3A_1607 : i32 to vector<16xi32>
    %mul3A_1609 = arith.muli %iota3A, %mul3A_1608 : vector<16xi32>
    %add3A_1610 = arith.constant 2 : i32
    %add3A_1611 = vector.broadcast %add3A_1610 : i32 to vector<16xi32>
    %add3A_1612 = arith.addi %mul3A_1609, %add3A_1611 : vector<16xi32>
    %and3A_1613 = arith.constant 15 : i32
    %and3A_1614 = vector.broadcast %and3A_1613 : i32 to vector<16xi32>
    %and3A_1615 = arith.andi %add3A_1612, %and3A_1614 : vector<16xi32>
    %lt3A_1616 = arith.constant 0 : i32
    %lt3A_1617 = vector.broadcast %lt3A_1616 : i32 to vector<16xi32>
    %lt3A_1618 = arith.cmpi slt, %and3A_1615, %lt3A_1617 : vector<16xi32>
    %add3A_1619 = arith.constant 16 : i32
    %add3A_1620 = vector.broadcast %add3A_1619 : i32 to vector<16xi32>
    %add3A_1621 = arith.addi %and3A_1615, %add3A_1620 : vector<16xi32>
    %select_n3A_1622 = arith.select %lt3A_1618, %add3A_1621, %and3A_1615 : vector<16xi1>, vector<16xi32>
    %broadcast_in_dim3A_1623 = vector.shape_cast %select_n3A_1622 : vector<16xi32> to vector<16x1xi32>
    %gather3A_1624 = vector.shape_cast %broadcast_in_dim3A_1623 : vector<16x1xi32> to vector<16xi32>
    %gather3A_1625 = tpu.dynamic_gather %shift_right_logical3A_1571[%gather3A_1624] in [0] : vector<16xi32>, vector<16xi32> -> vector<16xi32>
    %mul3A_1626 = arith.constant 4 : i32
    %mul3A_1627 = vector.broadcast %mul3A_1626 : i32 to vector<16xi32>
    %mul3A_1628 = arith.muli %iota3A, %mul3A_1627 : vector<16xi32>
    %add3A_1629 = arith.constant 3 : i32
    %add3A_1630 = vector.broadcast %add3A_1629 : i32 to vector<16xi32>
    %add3A_1631 = arith.addi %mul3A_1628, %add3A_1630 : vector<16xi32>
    %and3A_1632 = arith.constant 15 : i32
    %and3A_1633 = vector.broadcast %and3A_1632 : i32 to vector<16xi32>
    %and3A_1634 = arith.andi %add3A_1631, %and3A_1633 : vector<16xi32>
    %lt3A_1635 = arith.constant 0 : i32
    %lt3A_1636 = vector.broadcast %lt3A_1635 : i32 to vector<16xi32>
    %lt3A_1637 = arith.cmpi slt, %and3A_1634, %lt3A_1636 : vector<16xi32>
    %add3A_1638 = arith.constant 16 : i32
    %add3A_1639 = vector.broadcast %add3A_1638 : i32 to vector<16xi32>
    %add3A_1640 = arith.addi %and3A_1634, %add3A_1639 : vector<16xi32>
    %select_n3A_1641 = arith.select %lt3A_1637, %add3A_1640, %and3A_1634 : vector<16xi1>, vector<16xi32>
    %broadcast_in_dim3A_1642 = vector.shape_cast %select_n3A_1641 : vector<16xi32> to vector<16x1xi32>
    %gather3A_1643 = vector.shape_cast %broadcast_in_dim3A_1642 : vector<16x1xi32> to vector<16xi32>
    %gather3A_1644 = tpu.dynamic_gather %shift_right_logical3A_1571[%gather3A_1643] in [0] : vector<16xi32>, vector<16xi32> -> vector<16xi32>
    %shift_left3A_1645 = arith.constant 8 : i32
    %shift_left3A_1646 = vector.broadcast %shift_left3A_1645 : i32 to vector<16xi32>
    %shift_left3A_1647 = arith.shli %gather3A_1606, %shift_left3A_1646 : vector<16xi32>
    %or3A_1648 = arith.ori %gather3A_1587, %shift_left3A_1647 : vector<16xi32>
    %shift_left3A_1649 = arith.constant 16 : i32
    %shift_left3A_1650 = vector.broadcast %shift_left3A_1649 : i32 to vector<16xi32>
    %shift_left3A_1651 = arith.shli %gather3A_1625, %shift_left3A_1650 : vector<16xi32>
    %or3A_1652 = arith.ori %or3A_1648, %shift_left3A_1651 : vector<16xi32>
    %shift_left3A_1653 = arith.constant 24 : i32
    %shift_left3A_1654 = vector.broadcast %shift_left3A_1653 : i32 to vector<16xi32>
    %shift_left3A_1655 = arith.shli %gather3A_1644, %shift_left3A_1654 : vector<16xi32>
    %or3A_1656 = arith.ori %or3A_1652, %shift_left3A_1655 : vector<16xi32>
    %eq3A_1657 = arith.constant 0 : i32
    %eq3A_1658 = vector.broadcast %eq3A_1657 : i32 to vector<16xi32>
    %eq3A_1659 = arith.cmpi eq, %iota3A, %eq3A_1658 : vector<16xi32>
    %jit3A_1660 = arith.constant 2147483647 : i32
    %broadcast_in_dim3A_1661 = vector.broadcast %jit3A_1660 : i32 to vector<16xi32>
    %select_n3A_1662 = arith.select %eq3A_1659, %or3A_1656, %broadcast_in_dim3A_1661 : vector<16xi1>, vector<16xi32>
    %reduce_min3A_1663 = arith.constant true
    %reduce_min3A_1664 = vector.broadcast %reduce_min3A_1663 : i1 to vector<16xi1>
    %reduce_min3A_1665 = arith.constant -2147483648 : i32
    %reduce_min3A_1666 = vector.broadcast %reduce_min3A_1665 : i32 to vector<16xi32>
    %reduce_min3A_1667 = arith.xori %select_n3A_1662, %reduce_min3A_1666 : vector<16xi32>
    %reduce_min3A_1668 = tpu.scan <min>, %reduce_min3A_1667 masked %reduce_min3A_1664 : vector<16xi32>, vector<16xi1> -> vector<16xi32>
    %reduce_min3A_1669 = arith.xori %reduce_min3A_1668, %reduce_min3A_1666 : vector<16xi32>
    %reduce_min3A_1670 = vector.extract %reduce_min3A_1669[15] : i32 from vector<16xi32>
    %shift_right_arithmetic3A_1671 = arith.constant 0 : i32
    %shift_right_arithmetic3A_1672 = arith.shrsi %reduce_min3A_1670, %shift_right_arithmetic3A_1671 : i32
    %and3A_1673 = arith.constant 255 : i32
    %and3A_1674 = arith.andi %shift_right_arithmetic3A_1672, %and3A_1673 : i32
    %shift_left3A_1675 = arith.constant 7 : i32
    %shift_left3A_1676 = arith.shli %and3A_1674, %shift_left3A_1675 : i32
    %multiple_of3A_1677 = tpu.assume_multiple %shift_left3A_1676, 128 : i32
    %add3A_1678 = arith.constant 48 : i32
    %add3A_1679 = arith.addi %mul3A_2, %add3A_1678 : i32
    %multiple_of3A_1680 = tpu.assume_multiple %add3A_1679, 8 : i32
    %dma_start3A_1681 = arith.constant 48 : i32
    %dma_start3A_1682 = arith.constant 0 : i32
    %dma_start3A_1683 = arith.constant 0 : i32
    %dma_start3A_1684 = tpu.memref_slice %arg9[%dma_start3A_1681, %dma_start3A_1682, %dma_start3A_1683] : memref<64x8x128xf32, #tpu.memory_space<vmem>> -> memref<1x8x128xf32, #tpu.memory_space<vmem>>
    %dma_start3A_1685 = tpu.memref_squeeze %dma_start3A_1684 : memref<1x8x128xf32, #tpu.memory_space<vmem>> -> memref<8x128xf32, #tpu.memory_space<vmem>>
    %dma_start3A_1686 = tpu.memref_slice %arg2[%multiple_of3A_1680, %multiple_of3A_1677] : memref<2048x32512xf32, #tpu.memory_space<hbm>> -> memref<8x128xf32, #tpu.memory_space<hbm>>
    %dma_start3A_1687 = arith.constant 0 : i32
    %dma_start3A_1688 = arith.constant 0 : i32
    %dma_start3A_1689 = tpu.memref_slice %arg9[%dma_start3A_1681, %dma_start3A_1687, %dma_start3A_1688] : memref<64x8x128xf32, #tpu.memory_space<vmem>> -> memref<1x8x128xf32, #tpu.memory_space<vmem>>
    %dma_start3A_1690 = tpu.memref_squeeze %dma_start3A_1689 : memref<1x8x128xf32, #tpu.memory_space<vmem>> -> memref<8x128xf32, #tpu.memory_space<vmem>>
    %dma_start3A_1691 = tpu.memref_slice %arg2[%multiple_of3A_1680, %multiple_of3A_1677] : memref<2048x32512xf32, #tpu.memory_space<hbm>> -> memref<8x128xf32, #tpu.memory_space<hbm>>
    tpu.enqueue_dma source(%dma_start3A_1691 : memref<8x128xf32, #tpu.memory_space<hbm>>) target(%dma_start3A_1690 : memref<8x128xf32, #tpu.memory_space<vmem>>) target_semaphore(%arg11 : memref<!tpu.dma_semaphore, #tpu.memory_space<semaphore_mem>>)
    %shift_right_arithmetic3A_1692 = arith.constant 8 : i32
    %shift_right_arithmetic3A_1693 = arith.shrsi %reduce_min3A_1670, %shift_right_arithmetic3A_1692 : i32
    %and3A_1694 = arith.constant 255 : i32
    %and3A_1695 = arith.andi %shift_right_arithmetic3A_1693, %and3A_1694 : i32
    %shift_left3A_1696 = arith.constant 7 : i32
    %shift_left3A_1697 = arith.shli %and3A_1695, %shift_left3A_1696 : i32
    %multiple_of3A_1698 = tpu.assume_multiple %shift_left3A_1697, 128 : i32
    %add3A_1699 = arith.constant 48 : i32
    %add3A_1700 = arith.addi %mul3A_2, %add3A_1699 : i32
    %multiple_of3A_1701 = tpu.assume_multiple %add3A_1700, 8 : i32
    %dma_start3A_1702 = arith.constant 49 : i32
    %dma_start3A_1703 = arith.constant 0 : i32
    %dma_start3A_1704 = arith.constant 0 : i32
    %dma_start3A_1705 = tpu.memref_slice %arg9[%dma_start3A_1702, %dma_start3A_1703, %dma_start3A_1704] : memref<64x8x128xf32, #tpu.memory_space<vmem>> -> memref<1x8x128xf32, #tpu.memory_space<vmem>>
    %dma_start3A_1706 = tpu.memref_squeeze %dma_start3A_1705 : memref<1x8x128xf32, #tpu.memory_space<vmem>> -> memref<8x128xf32, #tpu.memory_space<vmem>>
    %dma_start3A_1707 = tpu.memref_slice %arg2[%multiple_of3A_1701, %multiple_of3A_1698] : memref<2048x32512xf32, #tpu.memory_space<hbm>> -> memref<8x128xf32, #tpu.memory_space<hbm>>
    %dma_start3A_1708 = arith.constant 0 : i32
    %dma_start3A_1709 = arith.constant 0 : i32
    %dma_start3A_1710 = tpu.memref_slice %arg9[%dma_start3A_1702, %dma_start3A_1708, %dma_start3A_1709] : memref<64x8x128xf32, #tpu.memory_space<vmem>> -> memref<1x8x128xf32, #tpu.memory_space<vmem>>
    %dma_start3A_1711 = tpu.memref_squeeze %dma_start3A_1710 : memref<1x8x128xf32, #tpu.memory_space<vmem>> -> memref<8x128xf32, #tpu.memory_space<vmem>>
    %dma_start3A_1712 = tpu.memref_slice %arg2[%multiple_of3A_1701, %multiple_of3A_1698] : memref<2048x32512xf32, #tpu.memory_space<hbm>> -> memref<8x128xf32, #tpu.memory_space<hbm>>
    tpu.enqueue_dma source(%dma_start3A_1712 : memref<8x128xf32, #tpu.memory_space<hbm>>) target(%dma_start3A_1711 : memref<8x128xf32, #tpu.memory_space<vmem>>) target_semaphore(%arg11 : memref<!tpu.dma_semaphore, #tpu.memory_space<semaphore_mem>>)
    %shift_right_arithmetic3A_1713 = arith.constant 16 : i32
    %shift_right_arithmetic3A_1714 = arith.shrsi %reduce_min3A_1670, %shift_right_arithmetic3A_1713 : i32
    %and3A_1715 = arith.constant 255 : i32
    %and3A_1716 = arith.andi %shift_right_arithmetic3A_1714, %and3A_1715 : i32
    %shift_left3A_1717 = arith.constant 7 : i32
    %shift_left3A_1718 = arith.shli %and3A_1716, %shift_left3A_1717 : i32
    %multiple_of3A_1719 = tpu.assume_multiple %shift_left3A_1718, 128 : i32
    %add3A_1720 = arith.constant 48 : i32
    %add3A_1721 = arith.addi %mul3A_2, %add3A_1720 : i32
    %multiple_of3A_1722 = tpu.assume_multiple %add3A_1721, 8 : i32
    %dma_start3A_1723 = arith.constant 50 : i32
    %dma_start3A_1724 = arith.constant 0 : i32
    %dma_start3A_1725 = arith.constant 0 : i32
    %dma_start3A_1726 = tpu.memref_slice %arg9[%dma_start3A_1723, %dma_start3A_1724, %dma_start3A_1725] : memref<64x8x128xf32, #tpu.memory_space<vmem>> -> memref<1x8x128xf32, #tpu.memory_space<vmem>>
    %dma_start3A_1727 = tpu.memref_squeeze %dma_start3A_1726 : memref<1x8x128xf32, #tpu.memory_space<vmem>> -> memref<8x128xf32, #tpu.memory_space<vmem>>
    %dma_start3A_1728 = tpu.memref_slice %arg2[%multiple_of3A_1722, %multiple_of3A_1719] : memref<2048x32512xf32, #tpu.memory_space<hbm>> -> memref<8x128xf32, #tpu.memory_space<hbm>>
    %dma_start3A_1729 = arith.constant 0 : i32
    %dma_start3A_1730 = arith.constant 0 : i32
    %dma_start3A_1731 = tpu.memref_slice %arg9[%dma_start3A_1723, %dma_start3A_1729, %dma_start3A_1730] : memref<64x8x128xf32, #tpu.memory_space<vmem>> -> memref<1x8x128xf32, #tpu.memory_space<vmem>>
    %dma_start3A_1732 = tpu.memref_squeeze %dma_start3A_1731 : memref<1x8x128xf32, #tpu.memory_space<vmem>> -> memref<8x128xf32, #tpu.memory_space<vmem>>
    %dma_start3A_1733 = tpu.memref_slice %arg2[%multiple_of3A_1722, %multiple_of3A_1719] : memref<2048x32512xf32, #tpu.memory_space<hbm>> -> memref<8x128xf32, #tpu.memory_space<hbm>>
    tpu.enqueue_dma source(%dma_start3A_1733 : memref<8x128xf32, #tpu.memory_space<hbm>>) target(%dma_start3A_1732 : memref<8x128xf32, #tpu.memory_space<vmem>>) target_semaphore(%arg11 : memref<!tpu.dma_semaphore, #tpu.memory_space<semaphore_mem>>)
    %shift_right_arithmetic3A_1734 = arith.constant 24 : i32
    %shift_right_arithmetic3A_1735 = arith.shrsi %reduce_min3A_1670, %shift_right_arithmetic3A_1734 : i32
    %and3A_1736 = arith.constant 255 : i32
    %and3A_1737 = arith.andi %shift_right_arithmetic3A_1735, %and3A_1736 : i32
    %shift_left3A_1738 = arith.constant 7 : i32
    %shift_left3A_1739 = arith.shli %and3A_1737, %shift_left3A_1738 : i32
    %multiple_of3A_1740 = tpu.assume_multiple %shift_left3A_1739, 128 : i32
    %add3A_1741 = arith.constant 48 : i32
    %add3A_1742 = arith.addi %mul3A_2, %add3A_1741 : i32
    %multiple_of3A_1743 = tpu.assume_multiple %add3A_1742, 8 : i32
    %dma_start3A_1744 = arith.constant 51 : i32
    %dma_start3A_1745 = arith.constant 0 : i32
    %dma_start3A_1746 = arith.constant 0 : i32
    %dma_start3A_1747 = tpu.memref_slice %arg9[%dma_start3A_1744, %dma_start3A_1745, %dma_start3A_1746] : memref<64x8x128xf32, #tpu.memory_space<vmem>> -> memref<1x8x128xf32, #tpu.memory_space<vmem>>
    %dma_start3A_1748 = tpu.memref_squeeze %dma_start3A_1747 : memref<1x8x128xf32, #tpu.memory_space<vmem>> -> memref<8x128xf32, #tpu.memory_space<vmem>>
    %dma_start3A_1749 = tpu.memref_slice %arg2[%multiple_of3A_1743, %multiple_of3A_1740] : memref<2048x32512xf32, #tpu.memory_space<hbm>> -> memref<8x128xf32, #tpu.memory_space<hbm>>
    %dma_start3A_1750 = arith.constant 0 : i32
    %dma_start3A_1751 = arith.constant 0 : i32
    %dma_start3A_1752 = tpu.memref_slice %arg9[%dma_start3A_1744, %dma_start3A_1750, %dma_start3A_1751] : memref<64x8x128xf32, #tpu.memory_space<vmem>> -> memref<1x8x128xf32, #tpu.memory_space<vmem>>
    %dma_start3A_1753 = tpu.memref_squeeze %dma_start3A_1752 : memref<1x8x128xf32, #tpu.memory_space<vmem>> -> memref<8x128xf32, #tpu.memory_space<vmem>>
    %dma_start3A_1754 = tpu.memref_slice %arg2[%multiple_of3A_1743, %multiple_of3A_1740] : memref<2048x32512xf32, #tpu.memory_space<hbm>> -> memref<8x128xf32, #tpu.memory_space<hbm>>
    tpu.enqueue_dma source(%dma_start3A_1754 : memref<8x128xf32, #tpu.memory_space<hbm>>) target(%dma_start3A_1753 : memref<8x128xf32, #tpu.memory_space<vmem>>) target_semaphore(%arg11 : memref<!tpu.dma_semaphore, #tpu.memory_space<semaphore_mem>>)
    %eq3A_1755 = arith.constant 1 : i32
    %eq3A_1756 = vector.broadcast %eq3A_1755 : i32 to vector<16xi32>
    %eq3A_1757 = arith.cmpi eq, %iota3A, %eq3A_1756 : vector<16xi32>
    %jit3A_1758 = arith.constant 2147483647 : i32
    %broadcast_in_dim3A_1759 = vector.broadcast %jit3A_1758 : i32 to vector<16xi32>
    %select_n3A_1760 = arith.select %eq3A_1757, %or3A_1656, %broadcast_in_dim3A_1759 : vector<16xi1>, vector<16xi32>
    %reduce_min3A_1761 = arith.constant true
    %reduce_min3A_1762 = vector.broadcast %reduce_min3A_1761 : i1 to vector<16xi1>
    %reduce_min3A_1763 = arith.constant -2147483648 : i32
    %reduce_min3A_1764 = vector.broadcast %reduce_min3A_1763 : i32 to vector<16xi32>
    %reduce_min3A_1765 = arith.xori %select_n3A_1760, %reduce_min3A_1764 : vector<16xi32>
    %reduce_min3A_1766 = tpu.scan <min>, %reduce_min3A_1765 masked %reduce_min3A_1762 : vector<16xi32>, vector<16xi1> -> vector<16xi32>
    %reduce_min3A_1767 = arith.xori %reduce_min3A_1766, %reduce_min3A_1764 : vector<16xi32>
    %reduce_min3A_1768 = vector.extract %reduce_min3A_1767[15] : i32 from vector<16xi32>
    %shift_right_arithmetic3A_1769 = arith.constant 0 : i32
    %shift_right_arithmetic3A_1770 = arith.shrsi %reduce_min3A_1768, %shift_right_arithmetic3A_1769 : i32
    %and3A_1771 = arith.constant 255 : i32
    %and3A_1772 = arith.andi %shift_right_arithmetic3A_1770, %and3A_1771 : i32
    %shift_left3A_1773 = arith.constant 7 : i32
    %shift_left3A_1774 = arith.shli %and3A_1772, %shift_left3A_1773 : i32
    %multiple_of3A_1775 = tpu.assume_multiple %shift_left3A_1774, 128 : i32
    %add3A_1776 = arith.constant 48 : i32
    %add3A_1777 = arith.addi %mul3A_2, %add3A_1776 : i32
    %multiple_of3A_1778 = tpu.assume_multiple %add3A_1777, 8 : i32
    %dma_start3A_1779 = arith.constant 52 : i32
    %dma_start3A_1780 = arith.constant 0 : i32
    %dma_start3A_1781 = arith.constant 0 : i32
    %dma_start3A_1782 = tpu.memref_slice %arg9[%dma_start3A_1779, %dma_start3A_1780, %dma_start3A_1781] : memref<64x8x128xf32, #tpu.memory_space<vmem>> -> memref<1x8x128xf32, #tpu.memory_space<vmem>>
    %dma_start3A_1783 = tpu.memref_squeeze %dma_start3A_1782 : memref<1x8x128xf32, #tpu.memory_space<vmem>> -> memref<8x128xf32, #tpu.memory_space<vmem>>
    %dma_start3A_1784 = tpu.memref_slice %arg2[%multiple_of3A_1778, %multiple_of3A_1775] : memref<2048x32512xf32, #tpu.memory_space<hbm>> -> memref<8x128xf32, #tpu.memory_space<hbm>>
    %dma_start3A_1785 = arith.constant 0 : i32
    %dma_start3A_1786 = arith.constant 0 : i32
    %dma_start3A_1787 = tpu.memref_slice %arg9[%dma_start3A_1779, %dma_start3A_1785, %dma_start3A_1786] : memref<64x8x128xf32, #tpu.memory_space<vmem>> -> memref<1x8x128xf32, #tpu.memory_space<vmem>>
    %dma_start3A_1788 = tpu.memref_squeeze %dma_start3A_1787 : memref<1x8x128xf32, #tpu.memory_space<vmem>> -> memref<8x128xf32, #tpu.memory_space<vmem>>
    %dma_start3A_1789 = tpu.memref_slice %arg2[%multiple_of3A_1778, %multiple_of3A_1775] : memref<2048x32512xf32, #tpu.memory_space<hbm>> -> memref<8x128xf32, #tpu.memory_space<hbm>>
    tpu.enqueue_dma source(%dma_start3A_1789 : memref<8x128xf32, #tpu.memory_space<hbm>>) target(%dma_start3A_1788 : memref<8x128xf32, #tpu.memory_space<vmem>>) target_semaphore(%arg11 : memref<!tpu.dma_semaphore, #tpu.memory_space<semaphore_mem>>)
    %shift_right_arithmetic3A_1790 = arith.constant 8 : i32
    %shift_right_arithmetic3A_1791 = arith.shrsi %reduce_min3A_1768, %shift_right_arithmetic3A_1790 : i32
    %and3A_1792 = arith.constant 255 : i32
    %and3A_1793 = arith.andi %shift_right_arithmetic3A_1791, %and3A_1792 : i32
    %shift_left3A_1794 = arith.constant 7 : i32
    %shift_left3A_1795 = arith.shli %and3A_1793, %shift_left3A_1794 : i32
    %multiple_of3A_1796 = tpu.assume_multiple %shift_left3A_1795, 128 : i32
    %add3A_1797 = arith.constant 48 : i32
    %add3A_1798 = arith.addi %mul3A_2, %add3A_1797 : i32
    %multiple_of3A_1799 = tpu.assume_multiple %add3A_1798, 8 : i32
    %dma_start3A_1800 = arith.constant 53 : i32
    %dma_start3A_1801 = arith.constant 0 : i32
    %dma_start3A_1802 = arith.constant 0 : i32
    %dma_start3A_1803 = tpu.memref_slice %arg9[%dma_start3A_1800, %dma_start3A_1801, %dma_start3A_1802] : memref<64x8x128xf32, #tpu.memory_space<vmem>> -> memref<1x8x128xf32, #tpu.memory_space<vmem>>
    %dma_start3A_1804 = tpu.memref_squeeze %dma_start3A_1803 : memref<1x8x128xf32, #tpu.memory_space<vmem>> -> memref<8x128xf32, #tpu.memory_space<vmem>>
    %dma_start3A_1805 = tpu.memref_slice %arg2[%multiple_of3A_1799, %multiple_of3A_1796] : memref<2048x32512xf32, #tpu.memory_space<hbm>> -> memref<8x128xf32, #tpu.memory_space<hbm>>
    %dma_start3A_1806 = arith.constant 0 : i32
    %dma_start3A_1807 = arith.constant 0 : i32
    %dma_start3A_1808 = tpu.memref_slice %arg9[%dma_start3A_1800, %dma_start3A_1806, %dma_start3A_1807] : memref<64x8x128xf32, #tpu.memory_space<vmem>> -> memref<1x8x128xf32, #tpu.memory_space<vmem>>
    %dma_start3A_1809 = tpu.memref_squeeze %dma_start3A_1808 : memref<1x8x128xf32, #tpu.memory_space<vmem>> -> memref<8x128xf32, #tpu.memory_space<vmem>>
    %dma_start3A_1810 = tpu.memref_slice %arg2[%multiple_of3A_1799, %multiple_of3A_1796] : memref<2048x32512xf32, #tpu.memory_space<hbm>> -> memref<8x128xf32, #tpu.memory_space<hbm>>
    tpu.enqueue_dma source(%dma_start3A_1810 : memref<8x128xf32, #tpu.memory_space<hbm>>) target(%dma_start3A_1809 : memref<8x128xf32, #tpu.memory_space<vmem>>) target_semaphore(%arg11 : memref<!tpu.dma_semaphore, #tpu.memory_space<semaphore_mem>>)
    %shift_right_arithmetic3A_1811 = arith.constant 16 : i32
    %shift_right_arithmetic3A_1812 = arith.shrsi %reduce_min3A_1768, %shift_right_arithmetic3A_1811 : i32
    %and3A_1813 = arith.constant 255 : i32
    %and3A_1814 = arith.andi %shift_right_arithmetic3A_1812, %and3A_1813 : i32
    %shift_left3A_1815 = arith.constant 7 : i32
    %shift_left3A_1816 = arith.shli %and3A_1814, %shift_left3A_1815 : i32
    %multiple_of3A_1817 = tpu.assume_multiple %shift_left3A_1816, 128 : i32
    %add3A_1818 = arith.constant 48 : i32
    %add3A_1819 = arith.addi %mul3A_2, %add3A_1818 : i32
    %multiple_of3A_1820 = tpu.assume_multiple %add3A_1819, 8 : i32
    %dma_start3A_1821 = arith.constant 54 : i32
    %dma_start3A_1822 = arith.constant 0 : i32
    %dma_start3A_1823 = arith.constant 0 : i32
    %dma_start3A_1824 = tpu.memref_slice %arg9[%dma_start3A_1821, %dma_start3A_1822, %dma_start3A_1823] : memref<64x8x128xf32, #tpu.memory_space<vmem>> -> memref<1x8x128xf32, #tpu.memory_space<vmem>>
    %dma_start3A_1825 = tpu.memref_squeeze %dma_start3A_1824 : memref<1x8x128xf32, #tpu.memory_space<vmem>> -> memref<8x128xf32, #tpu.memory_space<vmem>>
    %dma_start3A_1826 = tpu.memref_slice %arg2[%multiple_of3A_1820, %multiple_of3A_1817] : memref<2048x32512xf32, #tpu.memory_space<hbm>> -> memref<8x128xf32, #tpu.memory_space<hbm>>
    %dma_start3A_1827 = arith.constant 0 : i32
    %dma_start3A_1828 = arith.constant 0 : i32
    %dma_start3A_1829 = tpu.memref_slice %arg9[%dma_start3A_1821, %dma_start3A_1827, %dma_start3A_1828] : memref<64x8x128xf32, #tpu.memory_space<vmem>> -> memref<1x8x128xf32, #tpu.memory_space<vmem>>
    %dma_start3A_1830 = tpu.memref_squeeze %dma_start3A_1829 : memref<1x8x128xf32, #tpu.memory_space<vmem>> -> memref<8x128xf32, #tpu.memory_space<vmem>>
    %dma_start3A_1831 = tpu.memref_slice %arg2[%multiple_of3A_1820, %multiple_of3A_1817] : memref<2048x32512xf32, #tpu.memory_space<hbm>> -> memref<8x128xf32, #tpu.memory_space<hbm>>
    tpu.enqueue_dma source(%dma_start3A_1831 : memref<8x128xf32, #tpu.memory_space<hbm>>) target(%dma_start3A_1830 : memref<8x128xf32, #tpu.memory_space<vmem>>) target_semaphore(%arg11 : memref<!tpu.dma_semaphore, #tpu.memory_space<semaphore_mem>>)
    %shift_right_arithmetic3A_1832 = arith.constant 24 : i32
    %shift_right_arithmetic3A_1833 = arith.shrsi %reduce_min3A_1768, %shift_right_arithmetic3A_1832 : i32
    %and3A_1834 = arith.constant 255 : i32
    %and3A_1835 = arith.andi %shift_right_arithmetic3A_1833, %and3A_1834 : i32
    %shift_left3A_1836 = arith.constant 7 : i32
    %shift_left3A_1837 = arith.shli %and3A_1835, %shift_left3A_1836 : i32
    %multiple_of3A_1838 = tpu.assume_multiple %shift_left3A_1837, 128 : i32
    %add3A_1839 = arith.constant 48 : i32
    %add3A_1840 = arith.addi %mul3A_2, %add3A_1839 : i32
    %multiple_of3A_1841 = tpu.assume_multiple %add3A_1840, 8 : i32
    %dma_start3A_1842 = arith.constant 55 : i32
    %dma_start3A_1843 = arith.constant 0 : i32
    %dma_start3A_1844 = arith.constant 0 : i32
    %dma_start3A_1845 = tpu.memref_slice %arg9[%dma_start3A_1842, %dma_start3A_1843, %dma_start3A_1844] : memref<64x8x128xf32, #tpu.memory_space<vmem>> -> memref<1x8x128xf32, #tpu.memory_space<vmem>>
    %dma_start3A_1846 = tpu.memref_squeeze %dma_start3A_1845 : memref<1x8x128xf32, #tpu.memory_space<vmem>> -> memref<8x128xf32, #tpu.memory_space<vmem>>
    %dma_start3A_1847 = tpu.memref_slice %arg2[%multiple_of3A_1841, %multiple_of3A_1838] : memref<2048x32512xf32, #tpu.memory_space<hbm>> -> memref<8x128xf32, #tpu.memory_space<hbm>>
    %dma_start3A_1848 = arith.constant 0 : i32
    %dma_start3A_1849 = arith.constant 0 : i32
    %dma_start3A_1850 = tpu.memref_slice %arg9[%dma_start3A_1842, %dma_start3A_1848, %dma_start3A_1849] : memref<64x8x128xf32, #tpu.memory_space<vmem>> -> memref<1x8x128xf32, #tpu.memory_space<vmem>>
    %dma_start3A_1851 = tpu.memref_squeeze %dma_start3A_1850 : memref<1x8x128xf32, #tpu.memory_space<vmem>> -> memref<8x128xf32, #tpu.memory_space<vmem>>
    %dma_start3A_1852 = tpu.memref_slice %arg2[%multiple_of3A_1841, %multiple_of3A_1838] : memref<2048x32512xf32, #tpu.memory_space<hbm>> -> memref<8x128xf32, #tpu.memory_space<hbm>>
    tpu.enqueue_dma source(%dma_start3A_1852 : memref<8x128xf32, #tpu.memory_space<hbm>>) target(%dma_start3A_1851 : memref<8x128xf32, #tpu.memory_space<vmem>>) target_semaphore(%arg11 : memref<!tpu.dma_semaphore, #tpu.memory_space<semaphore_mem>>)
    %eq3A_1853 = arith.constant 2 : i32
    %eq3A_1854 = vector.broadcast %eq3A_1853 : i32 to vector<16xi32>
    %eq3A_1855 = arith.cmpi eq, %iota3A, %eq3A_1854 : vector<16xi32>
    %jit3A_1856 = arith.constant 2147483647 : i32
    %broadcast_in_dim3A_1857 = vector.broadcast %jit3A_1856 : i32 to vector<16xi32>
    %select_n3A_1858 = arith.select %eq3A_1855, %or3A_1656, %broadcast_in_dim3A_1857 : vector<16xi1>, vector<16xi32>
    %reduce_min3A_1859 = arith.constant true
    %reduce_min3A_1860 = vector.broadcast %reduce_min3A_1859 : i1 to vector<16xi1>
    %reduce_min3A_1861 = arith.constant -2147483648 : i32
    %reduce_min3A_1862 = vector.broadcast %reduce_min3A_1861 : i32 to vector<16xi32>
    %reduce_min3A_1863 = arith.xori %select_n3A_1858, %reduce_min3A_1862 : vector<16xi32>
    %reduce_min3A_1864 = tpu.scan <min>, %reduce_min3A_1863 masked %reduce_min3A_1860 : vector<16xi32>, vector<16xi1> -> vector<16xi32>
    %reduce_min3A_1865 = arith.xori %reduce_min3A_1864, %reduce_min3A_1862 : vector<16xi32>
    %reduce_min3A_1866 = vector.extract %reduce_min3A_1865[15] : i32 from vector<16xi32>
    %shift_right_arithmetic3A_1867 = arith.constant 0 : i32
    %shift_right_arithmetic3A_1868 = arith.shrsi %reduce_min3A_1866, %shift_right_arithmetic3A_1867 : i32
    %and3A_1869 = arith.constant 255 : i32
    %and3A_1870 = arith.andi %shift_right_arithmetic3A_1868, %and3A_1869 : i32
    %shift_left3A_1871 = arith.constant 7 : i32
    %shift_left3A_1872 = arith.shli %and3A_1870, %shift_left3A_1871 : i32
    %multiple_of3A_1873 = tpu.assume_multiple %shift_left3A_1872, 128 : i32
    %add3A_1874 = arith.constant 56 : i32
    %add3A_1875 = arith.addi %mul3A_2, %add3A_1874 : i32
    %multiple_of3A_1876 = tpu.assume_multiple %add3A_1875, 8 : i32
    %dma_start3A_1877 = arith.constant 56 : i32
    %dma_start3A_1878 = arith.constant 0 : i32
    %dma_start3A_1879 = arith.constant 0 : i32
    %dma_start3A_1880 = tpu.memref_slice %arg9[%dma_start3A_1877, %dma_start3A_1878, %dma_start3A_1879] : memref<64x8x128xf32, #tpu.memory_space<vmem>> -> memref<1x8x128xf32, #tpu.memory_space<vmem>>
    %dma_start3A_1881 = tpu.memref_squeeze %dma_start3A_1880 : memref<1x8x128xf32, #tpu.memory_space<vmem>> -> memref<8x128xf32, #tpu.memory_space<vmem>>
    %dma_start3A_1882 = tpu.memref_slice %arg2[%multiple_of3A_1876, %multiple_of3A_1873] : memref<2048x32512xf32, #tpu.memory_space<hbm>> -> memref<8x128xf32, #tpu.memory_space<hbm>>
    %dma_start3A_1883 = arith.constant 0 : i32
    %dma_start3A_1884 = arith.constant 0 : i32
    %dma_start3A_1885 = tpu.memref_slice %arg9[%dma_start3A_1877, %dma_start3A_1883, %dma_start3A_1884] : memref<64x8x128xf32, #tpu.memory_space<vmem>> -> memref<1x8x128xf32, #tpu.memory_space<vmem>>
    %dma_start3A_1886 = tpu.memref_squeeze %dma_start3A_1885 : memref<1x8x128xf32, #tpu.memory_space<vmem>> -> memref<8x128xf32, #tpu.memory_space<vmem>>
    %dma_start3A_1887 = tpu.memref_slice %arg2[%multiple_of3A_1876, %multiple_of3A_1873] : memref<2048x32512xf32, #tpu.memory_space<hbm>> -> memref<8x128xf32, #tpu.memory_space<hbm>>
    tpu.enqueue_dma source(%dma_start3A_1887 : memref<8x128xf32, #tpu.memory_space<hbm>>) target(%dma_start3A_1886 : memref<8x128xf32, #tpu.memory_space<vmem>>) target_semaphore(%arg11 : memref<!tpu.dma_semaphore, #tpu.memory_space<semaphore_mem>>)
    %shift_right_arithmetic3A_1888 = arith.constant 8 : i32
    %shift_right_arithmetic3A_1889 = arith.shrsi %reduce_min3A_1866, %shift_right_arithmetic3A_1888 : i32
    %and3A_1890 = arith.constant 255 : i32
    %and3A_1891 = arith.andi %shift_right_arithmetic3A_1889, %and3A_1890 : i32
    %shift_left3A_1892 = arith.constant 7 : i32
    %shift_left3A_1893 = arith.shli %and3A_1891, %shift_left3A_1892 : i32
    %multiple_of3A_1894 = tpu.assume_multiple %shift_left3A_1893, 128 : i32
    %add3A_1895 = arith.constant 56 : i32
    %add3A_1896 = arith.addi %mul3A_2, %add3A_1895 : i32
    %multiple_of3A_1897 = tpu.assume_multiple %add3A_1896, 8 : i32
    %dma_start3A_1898 = arith.constant 57 : i32
    %dma_start3A_1899 = arith.constant 0 : i32
    %dma_start3A_1900 = arith.constant 0 : i32
    %dma_start3A_1901 = tpu.memref_slice %arg9[%dma_start3A_1898, %dma_start3A_1899, %dma_start3A_1900] : memref<64x8x128xf32, #tpu.memory_space<vmem>> -> memref<1x8x128xf32, #tpu.memory_space<vmem>>
    %dma_start3A_1902 = tpu.memref_squeeze %dma_start3A_1901 : memref<1x8x128xf32, #tpu.memory_space<vmem>> -> memref<8x128xf32, #tpu.memory_space<vmem>>
    %dma_start3A_1903 = tpu.memref_slice %arg2[%multiple_of3A_1897, %multiple_of3A_1894] : memref<2048x32512xf32, #tpu.memory_space<hbm>> -> memref<8x128xf32, #tpu.memory_space<hbm>>
    %dma_start3A_1904 = arith.constant 0 : i32
    %dma_start3A_1905 = arith.constant 0 : i32
    %dma_start3A_1906 = tpu.memref_slice %arg9[%dma_start3A_1898, %dma_start3A_1904, %dma_start3A_1905] : memref<64x8x128xf32, #tpu.memory_space<vmem>> -> memref<1x8x128xf32, #tpu.memory_space<vmem>>
    %dma_start3A_1907 = tpu.memref_squeeze %dma_start3A_1906 : memref<1x8x128xf32, #tpu.memory_space<vmem>> -> memref<8x128xf32, #tpu.memory_space<vmem>>
    %dma_start3A_1908 = tpu.memref_slice %arg2[%multiple_of3A_1897, %multiple_of3A_1894] : memref<2048x32512xf32, #tpu.memory_space<hbm>> -> memref<8x128xf32, #tpu.memory_space<hbm>>
    tpu.enqueue_dma source(%dma_start3A_1908 : memref<8x128xf32, #tpu.memory_space<hbm>>) target(%dma_start3A_1907 : memref<8x128xf32, #tpu.memory_space<vmem>>) target_semaphore(%arg11 : memref<!tpu.dma_semaphore, #tpu.memory_space<semaphore_mem>>)
    %shift_right_arithmetic3A_1909 = arith.constant 16 : i32
    %shift_right_arithmetic3A_1910 = arith.shrsi %reduce_min3A_1866, %shift_right_arithmetic3A_1909 : i32
    %and3A_1911 = arith.constant 255 : i32
    %and3A_1912 = arith.andi %shift_right_arithmetic3A_1910, %and3A_1911 : i32
    %shift_left3A_1913 = arith.constant 7 : i32
    %shift_left3A_1914 = arith.shli %and3A_1912, %shift_left3A_1913 : i32
    %multiple_of3A_1915 = tpu.assume_multiple %shift_left3A_1914, 128 : i32
    %add3A_1916 = arith.constant 56 : i32
    %add3A_1917 = arith.addi %mul3A_2, %add3A_1916 : i32
    %multiple_of3A_1918 = tpu.assume_multiple %add3A_1917, 8 : i32
    %dma_start3A_1919 = arith.constant 58 : i32
    %dma_start3A_1920 = arith.constant 0 : i32
    %dma_start3A_1921 = arith.constant 0 : i32
    %dma_start3A_1922 = tpu.memref_slice %arg9[%dma_start3A_1919, %dma_start3A_1920, %dma_start3A_1921] : memref<64x8x128xf32, #tpu.memory_space<vmem>> -> memref<1x8x128xf32, #tpu.memory_space<vmem>>
    %dma_start3A_1923 = tpu.memref_squeeze %dma_start3A_1922 : memref<1x8x128xf32, #tpu.memory_space<vmem>> -> memref<8x128xf32, #tpu.memory_space<vmem>>
    %dma_start3A_1924 = tpu.memref_slice %arg2[%multiple_of3A_1918, %multiple_of3A_1915] : memref<2048x32512xf32, #tpu.memory_space<hbm>> -> memref<8x128xf32, #tpu.memory_space<hbm>>
    %dma_start3A_1925 = arith.constant 0 : i32
    %dma_start3A_1926 = arith.constant 0 : i32
    %dma_start3A_1927 = tpu.memref_slice %arg9[%dma_start3A_1919, %dma_start3A_1925, %dma_start3A_1926] : memref<64x8x128xf32, #tpu.memory_space<vmem>> -> memref<1x8x128xf32, #tpu.memory_space<vmem>>
    %dma_start3A_1928 = tpu.memref_squeeze %dma_start3A_1927 : memref<1x8x128xf32, #tpu.memory_space<vmem>> -> memref<8x128xf32, #tpu.memory_space<vmem>>
    %dma_start3A_1929 = tpu.memref_slice %arg2[%multiple_of3A_1918, %multiple_of3A_1915] : memref<2048x32512xf32, #tpu.memory_space<hbm>> -> memref<8x128xf32, #tpu.memory_space<hbm>>
    tpu.enqueue_dma source(%dma_start3A_1929 : memref<8x128xf32, #tpu.memory_space<hbm>>) target(%dma_start3A_1928 : memref<8x128xf32, #tpu.memory_space<vmem>>) target_semaphore(%arg11 : memref<!tpu.dma_semaphore, #tpu.memory_space<semaphore_mem>>)
    %shift_right_arithmetic3A_1930 = arith.constant 24 : i32
    %shift_right_arithmetic3A_1931 = arith.shrsi %reduce_min3A_1866, %shift_right_arithmetic3A_1930 : i32
    %and3A_1932 = arith.constant 255 : i32
    %and3A_1933 = arith.andi %shift_right_arithmetic3A_1931, %and3A_1932 : i32
    %shift_left3A_1934 = arith.constant 7 : i32
    %shift_left3A_1935 = arith.shli %and3A_1933, %shift_left3A_1934 : i32
    %multiple_of3A_1936 = tpu.assume_multiple %shift_left3A_1935, 128 : i32
    %add3A_1937 = arith.constant 56 : i32
    %add3A_1938 = arith.addi %mul3A_2, %add3A_1937 : i32
    %multiple_of3A_1939 = tpu.assume_multiple %add3A_1938, 8 : i32
    %dma_start3A_1940 = arith.constant 59 : i32
    %dma_start3A_1941 = arith.constant 0 : i32
    %dma_start3A_1942 = arith.constant 0 : i32
    %dma_start3A_1943 = tpu.memref_slice %arg9[%dma_start3A_1940, %dma_start3A_1941, %dma_start3A_1942] : memref<64x8x128xf32, #tpu.memory_space<vmem>> -> memref<1x8x128xf32, #tpu.memory_space<vmem>>
    %dma_start3A_1944 = tpu.memref_squeeze %dma_start3A_1943 : memref<1x8x128xf32, #tpu.memory_space<vmem>> -> memref<8x128xf32, #tpu.memory_space<vmem>>
    %dma_start3A_1945 = tpu.memref_slice %arg2[%multiple_of3A_1939, %multiple_of3A_1936] : memref<2048x32512xf32, #tpu.memory_space<hbm>> -> memref<8x128xf32, #tpu.memory_space<hbm>>
    %dma_start3A_1946 = arith.constant 0 : i32
    %dma_start3A_1947 = arith.constant 0 : i32
    %dma_start3A_1948 = tpu.memref_slice %arg9[%dma_start3A_1940, %dma_start3A_1946, %dma_start3A_1947] : memref<64x8x128xf32, #tpu.memory_space<vmem>> -> memref<1x8x128xf32, #tpu.memory_space<vmem>>
    %dma_start3A_1949 = tpu.memref_squeeze %dma_start3A_1948 : memref<1x8x128xf32, #tpu.memory_space<vmem>> -> memref<8x128xf32, #tpu.memory_space<vmem>>
    %dma_start3A_1950 = tpu.memref_slice %arg2[%multiple_of3A_1939, %multiple_of3A_1936] : memref<2048x32512xf32, #tpu.memory_space<hbm>> -> memref<8x128xf32, #tpu.memory_space<hbm>>
    tpu.enqueue_dma source(%dma_start3A_1950 : memref<8x128xf32, #tpu.memory_space<hbm>>) target(%dma_start3A_1949 : memref<8x128xf32, #tpu.memory_space<vmem>>) target_semaphore(%arg11 : memref<!tpu.dma_semaphore, #tpu.memory_space<semaphore_mem>>)
    %eq3A_1951 = arith.constant 3 : i32
    %eq3A_1952 = vector.broadcast %eq3A_1951 : i32 to vector<16xi32>
    %eq3A_1953 = arith.cmpi eq, %iota3A, %eq3A_1952 : vector<16xi32>
    %jit3A_1954 = arith.constant 2147483647 : i32
    %broadcast_in_dim3A_1955 = vector.broadcast %jit3A_1954 : i32 to vector<16xi32>
    %select_n3A_1956 = arith.select %eq3A_1953, %or3A_1656, %broadcast_in_dim3A_1955 : vector<16xi1>, vector<16xi32>
    %reduce_min3A_1957 = arith.constant true
    %reduce_min3A_1958 = vector.broadcast %reduce_min3A_1957 : i1 to vector<16xi1>
    %reduce_min3A_1959 = arith.constant -2147483648 : i32
    %reduce_min3A_1960 = vector.broadcast %reduce_min3A_1959 : i32 to vector<16xi32>
    %reduce_min3A_1961 = arith.xori %select_n3A_1956, %reduce_min3A_1960 : vector<16xi32>
    %reduce_min3A_1962 = tpu.scan <min>, %reduce_min3A_1961 masked %reduce_min3A_1958 : vector<16xi32>, vector<16xi1> -> vector<16xi32>
    %reduce_min3A_1963 = arith.xori %reduce_min3A_1962, %reduce_min3A_1960 : vector<16xi32>
    %reduce_min3A_1964 = vector.extract %reduce_min3A_1963[15] : i32 from vector<16xi32>
    %shift_right_arithmetic3A_1965 = arith.constant 0 : i32
    %shift_right_arithmetic3A_1966 = arith.shrsi %reduce_min3A_1964, %shift_right_arithmetic3A_1965 : i32
    %and3A_1967 = arith.constant 255 : i32
    %and3A_1968 = arith.andi %shift_right_arithmetic3A_1966, %and3A_1967 : i32
    %shift_left3A_1969 = arith.constant 7 : i32
    %shift_left3A_1970 = arith.shli %and3A_1968, %shift_left3A_1969 : i32
    %multiple_of3A_1971 = tpu.assume_multiple %shift_left3A_1970, 128 : i32
    %add3A_1972 = arith.constant 56 : i32
    %add3A_1973 = arith.addi %mul3A_2, %add3A_1972 : i32
    %multiple_of3A_1974 = tpu.assume_multiple %add3A_1973, 8 : i32
    %dma_start3A_1975 = arith.constant 60 : i32
    %dma_start3A_1976 = arith.constant 0 : i32
    %dma_start3A_1977 = arith.constant 0 : i32
    %dma_start3A_1978 = tpu.memref_slice %arg9[%dma_start3A_1975, %dma_start3A_1976, %dma_start3A_1977] : memref<64x8x128xf32, #tpu.memory_space<vmem>> -> memref<1x8x128xf32, #tpu.memory_space<vmem>>
    %dma_start3A_1979 = tpu.memref_squeeze %dma_start3A_1978 : memref<1x8x128xf32, #tpu.memory_space<vmem>> -> memref<8x128xf32, #tpu.memory_space<vmem>>
    %dma_start3A_1980 = tpu.memref_slice %arg2[%multiple_of3A_1974, %multiple_of3A_1971] : memref<2048x32512xf32, #tpu.memory_space<hbm>> -> memref<8x128xf32, #tpu.memory_space<hbm>>
    %dma_start3A_1981 = arith.constant 0 : i32
    %dma_start3A_1982 = arith.constant 0 : i32
    %dma_start3A_1983 = tpu.memref_slice %arg9[%dma_start3A_1975, %dma_start3A_1981, %dma_start3A_1982] : memref<64x8x128xf32, #tpu.memory_space<vmem>> -> memref<1x8x128xf32, #tpu.memory_space<vmem>>
    %dma_start3A_1984 = tpu.memref_squeeze %dma_start3A_1983 : memref<1x8x128xf32, #tpu.memory_space<vmem>> -> memref<8x128xf32, #tpu.memory_space<vmem>>
    %dma_start3A_1985 = tpu.memref_slice %arg2[%multiple_of3A_1974, %multiple_of3A_1971] : memref<2048x32512xf32, #tpu.memory_space<hbm>> -> memref<8x128xf32, #tpu.memory_space<hbm>>
    tpu.enqueue_dma source(%dma_start3A_1985 : memref<8x128xf32, #tpu.memory_space<hbm>>) target(%dma_start3A_1984 : memref<8x128xf32, #tpu.memory_space<vmem>>) target_semaphore(%arg11 : memref<!tpu.dma_semaphore, #tpu.memory_space<semaphore_mem>>)
    %shift_right_arithmetic3A_1986 = arith.constant 8 : i32
    %shift_right_arithmetic3A_1987 = arith.shrsi %reduce_min3A_1964, %shift_right_arithmetic3A_1986 : i32
    %and3A_1988 = arith.constant 255 : i32
    %and3A_1989 = arith.andi %shift_right_arithmetic3A_1987, %and3A_1988 : i32
    %shift_left3A_1990 = arith.constant 7 : i32
    %shift_left3A_1991 = arith.shli %and3A_1989, %shift_left3A_1990 : i32
    %multiple_of3A_1992 = tpu.assume_multiple %shift_left3A_1991, 128 : i32
    %add3A_1993 = arith.constant 56 : i32
    %add3A_1994 = arith.addi %mul3A_2, %add3A_1993 : i32
    %multiple_of3A_1995 = tpu.assume_multiple %add3A_1994, 8 : i32
    %dma_start3A_1996 = arith.constant 61 : i32
    %dma_start3A_1997 = arith.constant 0 : i32
    %dma_start3A_1998 = arith.constant 0 : i32
    %dma_start3A_1999 = tpu.memref_slice %arg9[%dma_start3A_1996, %dma_start3A_1997, %dma_start3A_1998] : memref<64x8x128xf32, #tpu.memory_space<vmem>> -> memref<1x8x128xf32, #tpu.memory_space<vmem>>
    %dma_start3A_2000 = tpu.memref_squeeze %dma_start3A_1999 : memref<1x8x128xf32, #tpu.memory_space<vmem>> -> memref<8x128xf32, #tpu.memory_space<vmem>>
    %dma_start3A_2001 = tpu.memref_slice %arg2[%multiple_of3A_1995, %multiple_of3A_1992] : memref<2048x32512xf32, #tpu.memory_space<hbm>> -> memref<8x128xf32, #tpu.memory_space<hbm>>
    %dma_start3A_2002 = arith.constant 0 : i32
    %dma_start3A_2003 = arith.constant 0 : i32
    %dma_start3A_2004 = tpu.memref_slice %arg9[%dma_start3A_1996, %dma_start3A_2002, %dma_start3A_2003] : memref<64x8x128xf32, #tpu.memory_space<vmem>> -> memref<1x8x128xf32, #tpu.memory_space<vmem>>
    %dma_start3A_2005 = tpu.memref_squeeze %dma_start3A_2004 : memref<1x8x128xf32, #tpu.memory_space<vmem>> -> memref<8x128xf32, #tpu.memory_space<vmem>>
    %dma_start3A_2006 = tpu.memref_slice %arg2[%multiple_of3A_1995, %multiple_of3A_1992] : memref<2048x32512xf32, #tpu.memory_space<hbm>> -> memref<8x128xf32, #tpu.memory_space<hbm>>
    tpu.enqueue_dma source(%dma_start3A_2006 : memref<8x128xf32, #tpu.memory_space<hbm>>) target(%dma_start3A_2005 : memref<8x128xf32, #tpu.memory_space<vmem>>) target_semaphore(%arg11 : memref<!tpu.dma_semaphore, #tpu.memory_space<semaphore_mem>>)
    %shift_right_arithmetic3A_2007 = arith.constant 16 : i32
    %shift_right_arithmetic3A_2008 = arith.shrsi %reduce_min3A_1964, %shift_right_arithmetic3A_2007 : i32
    %and3A_2009 = arith.constant 255 : i32
    %and3A_2010 = arith.andi %shift_right_arithmetic3A_2008, %and3A_2009 : i32
    %shift_left3A_2011 = arith.constant 7 : i32
    %shift_left3A_2012 = arith.shli %and3A_2010, %shift_left3A_2011 : i32
    %multiple_of3A_2013 = tpu.assume_multiple %shift_left3A_2012, 128 : i32
    %add3A_2014 = arith.constant 56 : i32
    %add3A_2015 = arith.addi %mul3A_2, %add3A_2014 : i32
    %multiple_of3A_2016 = tpu.assume_multiple %add3A_2015, 8 : i32
    %dma_start3A_2017 = arith.constant 62 : i32
    %dma_start3A_2018 = arith.constant 0 : i32
    %dma_start3A_2019 = arith.constant 0 : i32
    %dma_start3A_2020 = tpu.memref_slice %arg9[%dma_start3A_2017, %dma_start3A_2018, %dma_start3A_2019] : memref<64x8x128xf32, #tpu.memory_space<vmem>> -> memref<1x8x128xf32, #tpu.memory_space<vmem>>
    %dma_start3A_2021 = tpu.memref_squeeze %dma_start3A_2020 : memref<1x8x128xf32, #tpu.memory_space<vmem>> -> memref<8x128xf32, #tpu.memory_space<vmem>>
    %dma_start3A_2022 = tpu.memref_slice %arg2[%multiple_of3A_2016, %multiple_of3A_2013] : memref<2048x32512xf32, #tpu.memory_space<hbm>> -> memref<8x128xf32, #tpu.memory_space<hbm>>
    %dma_start3A_2023 = arith.constant 0 : i32
    %dma_start3A_2024 = arith.constant 0 : i32
    %dma_start3A_2025 = tpu.memref_slice %arg9[%dma_start3A_2017, %dma_start3A_2023, %dma_start3A_2024] : memref<64x8x128xf32, #tpu.memory_space<vmem>> -> memref<1x8x128xf32, #tpu.memory_space<vmem>>
    %dma_start3A_2026 = tpu.memref_squeeze %dma_start3A_2025 : memref<1x8x128xf32, #tpu.memory_space<vmem>> -> memref<8x128xf32, #tpu.memory_space<vmem>>
    %dma_start3A_2027 = tpu.memref_slice %arg2[%multiple_of3A_2016, %multiple_of3A_2013] : memref<2048x32512xf32, #tpu.memory_space<hbm>> -> memref<8x128xf32, #tpu.memory_space<hbm>>
    tpu.enqueue_dma source(%dma_start3A_2027 : memref<8x128xf32, #tpu.memory_space<hbm>>) target(%dma_start3A_2026 : memref<8x128xf32, #tpu.memory_space<vmem>>) target_semaphore(%arg11 : memref<!tpu.dma_semaphore, #tpu.memory_space<semaphore_mem>>)
    %shift_right_arithmetic3A_2028 = arith.constant 24 : i32
    %shift_right_arithmetic3A_2029 = arith.shrsi %reduce_min3A_1964, %shift_right_arithmetic3A_2028 : i32
    %and3A_2030 = arith.constant 255 : i32
    %and3A_2031 = arith.andi %shift_right_arithmetic3A_2029, %and3A_2030 : i32
    %shift_left3A_2032 = arith.constant 7 : i32
    %shift_left3A_2033 = arith.shli %and3A_2031, %shift_left3A_2032 : i32
    %multiple_of3A_2034 = tpu.assume_multiple %shift_left3A_2033, 128 : i32
    %add3A_2035 = arith.constant 56 : i32
    %add3A_2036 = arith.addi %mul3A_2, %add3A_2035 : i32
    %multiple_of3A_2037 = tpu.assume_multiple %add3A_2036, 8 : i32
    %dma_start3A_2038 = arith.constant 63 : i32
    %dma_start3A_2039 = arith.constant 0 : i32
    %dma_start3A_2040 = arith.constant 0 : i32
    %dma_start3A_2041 = tpu.memref_slice %arg9[%dma_start3A_2038, %dma_start3A_2039, %dma_start3A_2040] : memref<64x8x128xf32, #tpu.memory_space<vmem>> -> memref<1x8x128xf32, #tpu.memory_space<vmem>>
    %dma_start3A_2042 = tpu.memref_squeeze %dma_start3A_2041 : memref<1x8x128xf32, #tpu.memory_space<vmem>> -> memref<8x128xf32, #tpu.memory_space<vmem>>
    %dma_start3A_2043 = tpu.memref_slice %arg2[%multiple_of3A_2037, %multiple_of3A_2034] : memref<2048x32512xf32, #tpu.memory_space<hbm>> -> memref<8x128xf32, #tpu.memory_space<hbm>>
    %dma_start3A_2044 = arith.constant 0 : i32
    %dma_start3A_2045 = arith.constant 0 : i32
    %dma_start3A_2046 = tpu.memref_slice %arg9[%dma_start3A_2038, %dma_start3A_2044, %dma_start3A_2045] : memref<64x8x128xf32, #tpu.memory_space<vmem>> -> memref<1x8x128xf32, #tpu.memory_space<vmem>>
    %dma_start3A_2047 = tpu.memref_squeeze %dma_start3A_2046 : memref<1x8x128xf32, #tpu.memory_space<vmem>> -> memref<8x128xf32, #tpu.memory_space<vmem>>
    %dma_start3A_2048 = tpu.memref_slice %arg2[%multiple_of3A_2037, %multiple_of3A_2034] : memref<2048x32512xf32, #tpu.memory_space<hbm>> -> memref<8x128xf32, #tpu.memory_space<hbm>>
    tpu.enqueue_dma source(%dma_start3A_2048 : memref<8x128xf32, #tpu.memory_space<hbm>>) target(%dma_start3A_2047 : memref<8x128xf32, #tpu.memory_space<vmem>>) target_semaphore(%arg11 : memref<!tpu.dma_semaphore, #tpu.memory_space<semaphore_mem>>)
    %dma_wait3A_2049 = tpu.memref_slice %arg3[%mul3A_2] : memref<2048xi32, #tpu.memory_space<hbm>> -> memref<64xi32, #tpu.memory_space<hbm>>
    %dma_wait3A_2050 = tpu.memref_slice %arg3[%mul3A_2] : memref<2048xi32, #tpu.memory_space<hbm>> -> memref<64xi32, #tpu.memory_space<hbm>>
    tpu.wait_dma2 semaphore(%arg12 : memref<!tpu.dma_semaphore, #tpu.memory_space<semaphore_mem>>) src(%dma_wait3A_2050 : memref<64xi32, #tpu.memory_space<hbm>>) dst(%arg6 : memref<64xi32, #tpu.memory_space<vmem>>)
    %dma_wait3A_2051 = arith.constant 0 : i32
    %dma_wait3A_2052 = arith.constant 0 : i32
    %dma_wait3A_2053 = arith.constant 0 : i32
    %dma_wait3A_2054 = tpu.memref_slice %arg8[%dma_wait3A_2051, %dma_wait3A_2052, %dma_wait3A_2053] : memref<8x8x512xf32, #tpu.memory_space<vmem>> -> memref<1x8x512xf32, #tpu.memory_space<vmem>>
    %dma_wait3A_2055 = tpu.memref_squeeze %dma_wait3A_2054 : memref<1x8x512xf32, #tpu.memory_space<vmem>> -> memref<8x512xf32, #tpu.memory_space<vmem>>
    %dma_wait3A_2056 = arith.constant 32000 : i32
    %dma_wait3A_2057 = tpu.memref_slice %arg2[%multiple_of3A, %dma_wait3A_2056] : memref<2048x32512xf32, #tpu.memory_space<hbm>> -> memref<8x512xf32, #tpu.memory_space<hbm>>
    %dma_wait3A_2058 = arith.constant 0 : i32
    %dma_wait3A_2059 = arith.constant 0 : i32
    %dma_wait3A_2060 = tpu.memref_slice %arg8[%dma_wait3A_2051, %dma_wait3A_2058, %dma_wait3A_2059] : memref<8x8x512xf32, #tpu.memory_space<vmem>> -> memref<1x8x512xf32, #tpu.memory_space<vmem>>
    %dma_wait3A_2061 = tpu.memref_squeeze %dma_wait3A_2060 : memref<1x8x512xf32, #tpu.memory_space<vmem>> -> memref<8x512xf32, #tpu.memory_space<vmem>>
    %dma_wait3A_2062 = arith.constant 32000 : i32
    %dma_wait3A_2063 = tpu.memref_slice %arg2[%multiple_of3A, %dma_wait3A_2062] : memref<2048x32512xf32, #tpu.memory_space<hbm>> -> memref<8x512xf32, #tpu.memory_space<hbm>>
    tpu.wait_dma2 semaphore(%arg11 : memref<!tpu.dma_semaphore, #tpu.memory_space<semaphore_mem>>) src(%dma_wait3A_2063 : memref<8x512xf32, #tpu.memory_space<hbm>>) dst(%dma_wait3A_2061 : memref<8x512xf32, #tpu.memory_space<vmem>>)
    %dma_wait3A_2064 = arith.constant 1 : i32
    %dma_wait3A_2065 = arith.constant 0 : i32
    %dma_wait3A_2066 = arith.constant 0 : i32
    %dma_wait3A_2067 = tpu.memref_slice %arg8[%dma_wait3A_2064, %dma_wait3A_2065, %dma_wait3A_2066] : memref<8x8x512xf32, #tpu.memory_space<vmem>> -> memref<1x8x512xf32, #tpu.memory_space<vmem>>
    %dma_wait3A_2068 = tpu.memref_squeeze %dma_wait3A_2067 : memref<1x8x512xf32, #tpu.memory_space<vmem>> -> memref<8x512xf32, #tpu.memory_space<vmem>>
    %dma_wait3A_2069 = arith.constant 32000 : i32
    %dma_wait3A_2070 = tpu.memref_slice %arg2[%multiple_of3A_23, %dma_wait3A_2069] : memref<2048x32512xf32, #tpu.memory_space<hbm>> -> memref<8x512xf32, #tpu.memory_space<hbm>>
    %dma_wait3A_2071 = arith.constant 0 : i32
    %dma_wait3A_2072 = arith.constant 0 : i32
    %dma_wait3A_2073 = tpu.memref_slice %arg8[%dma_wait3A_2064, %dma_wait3A_2071, %dma_wait3A_2072] : memref<8x8x512xf32, #tpu.memory_space<vmem>> -> memref<1x8x512xf32, #tpu.memory_space<vmem>>
    %dma_wait3A_2074 = tpu.memref_squeeze %dma_wait3A_2073 : memref<1x8x512xf32, #tpu.memory_space<vmem>> -> memref<8x512xf32, #tpu.memory_space<vmem>>
    %dma_wait3A_2075 = arith.constant 32000 : i32
    %dma_wait3A_2076 = tpu.memref_slice %arg2[%multiple_of3A_23, %dma_wait3A_2075] : memref<2048x32512xf32, #tpu.memory_space<hbm>> -> memref<8x512xf32, #tpu.memory_space<hbm>>
    tpu.wait_dma2 semaphore(%arg11 : memref<!tpu.dma_semaphore, #tpu.memory_space<semaphore_mem>>) src(%dma_wait3A_2076 : memref<8x512xf32, #tpu.memory_space<hbm>>) dst(%dma_wait3A_2074 : memref<8x512xf32, #tpu.memory_space<vmem>>)
    %dma_wait3A_2077 = arith.constant 2 : i32
    %dma_wait3A_2078 = arith.constant 0 : i32
    %dma_wait3A_2079 = arith.constant 0 : i32
    %dma_wait3A_2080 = tpu.memref_slice %arg8[%dma_wait3A_2077, %dma_wait3A_2078, %dma_wait3A_2079] : memref<8x8x512xf32, #tpu.memory_space<vmem>> -> memref<1x8x512xf32, #tpu.memory_space<vmem>>
    %dma_wait3A_2081 = tpu.memref_squeeze %dma_wait3A_2080 : memref<1x8x512xf32, #tpu.memory_space<vmem>> -> memref<8x512xf32, #tpu.memory_space<vmem>>
    %dma_wait3A_2082 = arith.constant 32000 : i32
    %dma_wait3A_2083 = tpu.memref_slice %arg2[%multiple_of3A_39, %dma_wait3A_2082] : memref<2048x32512xf32, #tpu.memory_space<hbm>> -> memref<8x512xf32, #tpu.memory_space<hbm>>
    %dma_wait3A_2084 = arith.constant 0 : i32
    %dma_wait3A_2085 = arith.constant 0 : i32
    %dma_wait3A_2086 = tpu.memref_slice %arg8[%dma_wait3A_2077, %dma_wait3A_2084, %dma_wait3A_2085] : memref<8x8x512xf32, #tpu.memory_space<vmem>> -> memref<1x8x512xf32, #tpu.memory_space<vmem>>
    %dma_wait3A_2087 = tpu.memref_squeeze %dma_wait3A_2086 : memref<1x8x512xf32, #tpu.memory_space<vmem>> -> memref<8x512xf32, #tpu.memory_space<vmem>>
    %dma_wait3A_2088 = arith.constant 32000 : i32
    %dma_wait3A_2089 = tpu.memref_slice %arg2[%multiple_of3A_39, %dma_wait3A_2088] : memref<2048x32512xf32, #tpu.memory_space<hbm>> -> memref<8x512xf32, #tpu.memory_space<hbm>>
    tpu.wait_dma2 semaphore(%arg11 : memref<!tpu.dma_semaphore, #tpu.memory_space<semaphore_mem>>) src(%dma_wait3A_2089 : memref<8x512xf32, #tpu.memory_space<hbm>>) dst(%dma_wait3A_2087 : memref<8x512xf32, #tpu.memory_space<vmem>>)
    %dma_wait3A_2090 = arith.constant 3 : i32
    %dma_wait3A_2091 = arith.constant 0 : i32
    %dma_wait3A_2092 = arith.constant 0 : i32
    %dma_wait3A_2093 = tpu.memref_slice %arg8[%dma_wait3A_2090, %dma_wait3A_2091, %dma_wait3A_2092] : memref<8x8x512xf32, #tpu.memory_space<vmem>> -> memref<1x8x512xf32, #tpu.memory_space<vmem>>
    %dma_wait3A_2094 = tpu.memref_squeeze %dma_wait3A_2093 : memref<1x8x512xf32, #tpu.memory_space<vmem>> -> memref<8x512xf32, #tpu.memory_space<vmem>>
    %dma_wait3A_2095 = arith.constant 32000 : i32
    %dma_wait3A_2096 = tpu.memref_slice %arg2[%multiple_of3A_55, %dma_wait3A_2095] : memref<2048x32512xf32, #tpu.memory_space<hbm>> -> memref<8x512xf32, #tpu.memory_space<hbm>>
    %dma_wait3A_2097 = arith.constant 0 : i32
    %dma_wait3A_2098 = arith.constant 0 : i32
    %dma_wait3A_2099 = tpu.memref_slice %arg8[%dma_wait3A_2090, %dma_wait3A_2097, %dma_wait3A_2098] : memref<8x8x512xf32, #tpu.memory_space<vmem>> -> memref<1x8x512xf32, #tpu.memory_space<vmem>>
    %dma_wait3A_2100 = tpu.memref_squeeze %dma_wait3A_2099 : memref<1x8x512xf32, #tpu.memory_space<vmem>> -> memref<8x512xf32, #tpu.memory_space<vmem>>
    %dma_wait3A_2101 = arith.constant 32000 : i32
    %dma_wait3A_2102 = tpu.memref_slice %arg2[%multiple_of3A_55, %dma_wait3A_2101] : memref<2048x32512xf32, #tpu.memory_space<hbm>> -> memref<8x512xf32, #tpu.memory_space<hbm>>
    tpu.wait_dma2 semaphore(%arg11 : memref<!tpu.dma_semaphore, #tpu.memory_space<semaphore_mem>>) src(%dma_wait3A_2102 : memref<8x512xf32, #tpu.memory_space<hbm>>) dst(%dma_wait3A_2100 : memref<8x512xf32, #tpu.memory_space<vmem>>)
    %dma_wait3A_2103 = arith.constant 4 : i32
    %dma_wait3A_2104 = arith.constant 0 : i32
    %dma_wait3A_2105 = arith.constant 0 : i32
    %dma_wait3A_2106 = tpu.memref_slice %arg8[%dma_wait3A_2103, %dma_wait3A_2104, %dma_wait3A_2105] : memref<8x8x512xf32, #tpu.memory_space<vmem>> -> memref<1x8x512xf32, #tpu.memory_space<vmem>>
    %dma_wait3A_2107 = tpu.memref_squeeze %dma_wait3A_2106 : memref<1x8x512xf32, #tpu.memory_space<vmem>> -> memref<8x512xf32, #tpu.memory_space<vmem>>
    %dma_wait3A_2108 = arith.constant 32000 : i32
    %dma_wait3A_2109 = tpu.memref_slice %arg2[%multiple_of3A_71, %dma_wait3A_2108] : memref<2048x32512xf32, #tpu.memory_space<hbm>> -> memref<8x512xf32, #tpu.memory_space<hbm>>
    %dma_wait3A_2110 = arith.constant 0 : i32
    %dma_wait3A_2111 = arith.constant 0 : i32
    %dma_wait3A_2112 = tpu.memref_slice %arg8[%dma_wait3A_2103, %dma_wait3A_2110, %dma_wait3A_2111] : memref<8x8x512xf32, #tpu.memory_space<vmem>> -> memref<1x8x512xf32, #tpu.memory_space<vmem>>
    %dma_wait3A_2113 = tpu.memref_squeeze %dma_wait3A_2112 : memref<1x8x512xf32, #tpu.memory_space<vmem>> -> memref<8x512xf32, #tpu.memory_space<vmem>>
    %dma_wait3A_2114 = arith.constant 32000 : i32
    %dma_wait3A_2115 = tpu.memref_slice %arg2[%multiple_of3A_71, %dma_wait3A_2114] : memref<2048x32512xf32, #tpu.memory_space<hbm>> -> memref<8x512xf32, #tpu.memory_space<hbm>>
    tpu.wait_dma2 semaphore(%arg11 : memref<!tpu.dma_semaphore, #tpu.memory_space<semaphore_mem>>) src(%dma_wait3A_2115 : memref<8x512xf32, #tpu.memory_space<hbm>>) dst(%dma_wait3A_2113 : memref<8x512xf32, #tpu.memory_space<vmem>>)
    %dma_wait3A_2116 = arith.constant 5 : i32
    %dma_wait3A_2117 = arith.constant 0 : i32
    %dma_wait3A_2118 = arith.constant 0 : i32
    %dma_wait3A_2119 = tpu.memref_slice %arg8[%dma_wait3A_2116, %dma_wait3A_2117, %dma_wait3A_2118] : memref<8x8x512xf32, #tpu.memory_space<vmem>> -> memref<1x8x512xf32, #tpu.memory_space<vmem>>
    %dma_wait3A_2120 = tpu.memref_squeeze %dma_wait3A_2119 : memref<1x8x512xf32, #tpu.memory_space<vmem>> -> memref<8x512xf32, #tpu.memory_space<vmem>>
    %dma_wait3A_2121 = arith.constant 32000 : i32
    %dma_wait3A_2122 = tpu.memref_slice %arg2[%multiple_of3A_87, %dma_wait3A_2121] : memref<2048x32512xf32, #tpu.memory_space<hbm>> -> memref<8x512xf32, #tpu.memory_space<hbm>>
    %dma_wait3A_2123 = arith.constant 0 : i32
    %dma_wait3A_2124 = arith.constant 0 : i32
    %dma_wait3A_2125 = tpu.memref_slice %arg8[%dma_wait3A_2116, %dma_wait3A_2123, %dma_wait3A_2124] : memref<8x8x512xf32, #tpu.memory_space<vmem>> -> memref<1x8x512xf32, #tpu.memory_space<vmem>>
    %dma_wait3A_2126 = tpu.memref_squeeze %dma_wait3A_2125 : memref<1x8x512xf32, #tpu.memory_space<vmem>> -> memref<8x512xf32, #tpu.memory_space<vmem>>
    %dma_wait3A_2127 = arith.constant 32000 : i32
    %dma_wait3A_2128 = tpu.memref_slice %arg2[%multiple_of3A_87, %dma_wait3A_2127] : memref<2048x32512xf32, #tpu.memory_space<hbm>> -> memref<8x512xf32, #tpu.memory_space<hbm>>
    tpu.wait_dma2 semaphore(%arg11 : memref<!tpu.dma_semaphore, #tpu.memory_space<semaphore_mem>>) src(%dma_wait3A_2128 : memref<8x512xf32, #tpu.memory_space<hbm>>) dst(%dma_wait3A_2126 : memref<8x512xf32, #tpu.memory_space<vmem>>)
    %dma_wait3A_2129 = arith.constant 6 : i32
    %dma_wait3A_2130 = arith.constant 0 : i32
    %dma_wait3A_2131 = arith.constant 0 : i32
    %dma_wait3A_2132 = tpu.memref_slice %arg8[%dma_wait3A_2129, %dma_wait3A_2130, %dma_wait3A_2131] : memref<8x8x512xf32, #tpu.memory_space<vmem>> -> memref<1x8x512xf32, #tpu.memory_space<vmem>>
    %dma_wait3A_2133 = tpu.memref_squeeze %dma_wait3A_2132 : memref<1x8x512xf32, #tpu.memory_space<vmem>> -> memref<8x512xf32, #tpu.memory_space<vmem>>
    %dma_wait3A_2134 = arith.constant 32000 : i32
    %dma_wait3A_2135 = tpu.memref_slice %arg2[%multiple_of3A_103, %dma_wait3A_2134] : memref<2048x32512xf32, #tpu.memory_space<hbm>> -> memref<8x512xf32, #tpu.memory_space<hbm>>
    %dma_wait3A_2136 = arith.constant 0 : i32
    %dma_wait3A_2137 = arith.constant 0 : i32
    %dma_wait3A_2138 = tpu.memref_slice %arg8[%dma_wait3A_2129, %dma_wait3A_2136, %dma_wait3A_2137] : memref<8x8x512xf32, #tpu.memory_space<vmem>> -> memref<1x8x512xf32, #tpu.memory_space<vmem>>
    %dma_wait3A_2139 = tpu.memref_squeeze %dma_wait3A_2138 : memref<1x8x512xf32, #tpu.memory_space<vmem>> -> memref<8x512xf32, #tpu.memory_space<vmem>>
    %dma_wait3A_2140 = arith.constant 32000 : i32
    %dma_wait3A_2141 = tpu.memref_slice %arg2[%multiple_of3A_103, %dma_wait3A_2140] : memref<2048x32512xf32, #tpu.memory_space<hbm>> -> memref<8x512xf32, #tpu.memory_space<hbm>>
    tpu.wait_dma2 semaphore(%arg11 : memref<!tpu.dma_semaphore, #tpu.memory_space<semaphore_mem>>) src(%dma_wait3A_2141 : memref<8x512xf32, #tpu.memory_space<hbm>>) dst(%dma_wait3A_2139 : memref<8x512xf32, #tpu.memory_space<vmem>>)
    %dma_wait3A_2142 = arith.constant 7 : i32
    %dma_wait3A_2143 = arith.constant 0 : i32
    %dma_wait3A_2144 = arith.constant 0 : i32
    %dma_wait3A_2145 = tpu.memref_slice %arg8[%dma_wait3A_2142, %dma_wait3A_2143, %dma_wait3A_2144] : memref<8x8x512xf32, #tpu.memory_space<vmem>> -> memref<1x8x512xf32, #tpu.memory_space<vmem>>
    %dma_wait3A_2146 = tpu.memref_squeeze %dma_wait3A_2145 : memref<1x8x512xf32, #tpu.memory_space<vmem>> -> memref<8x512xf32, #tpu.memory_space<vmem>>
    %dma_wait3A_2147 = arith.constant 32000 : i32
    %dma_wait3A_2148 = tpu.memref_slice %arg2[%multiple_of3A_119, %dma_wait3A_2147] : memref<2048x32512xf32, #tpu.memory_space<hbm>> -> memref<8x512xf32, #tpu.memory_space<hbm>>
    %dma_wait3A_2149 = arith.constant 0 : i32
    %dma_wait3A_2150 = arith.constant 0 : i32
    %dma_wait3A_2151 = tpu.memref_slice %arg8[%dma_wait3A_2142, %dma_wait3A_2149, %dma_wait3A_2150] : memref<8x8x512xf32, #tpu.memory_space<vmem>> -> memref<1x8x512xf32, #tpu.memory_space<vmem>>
    %dma_wait3A_2152 = tpu.memref_squeeze %dma_wait3A_2151 : memref<1x8x512xf32, #tpu.memory_space<vmem>> -> memref<8x512xf32, #tpu.memory_space<vmem>>
    %dma_wait3A_2153 = arith.constant 32000 : i32
    %dma_wait3A_2154 = tpu.memref_slice %arg2[%multiple_of3A_119, %dma_wait3A_2153] : memref<2048x32512xf32, #tpu.memory_space<hbm>> -> memref<8x512xf32, #tpu.memory_space<hbm>>
    tpu.wait_dma2 semaphore(%arg11 : memref<!tpu.dma_semaphore, #tpu.memory_space<semaphore_mem>>) src(%dma_wait3A_2154 : memref<8x512xf32, #tpu.memory_space<hbm>>) dst(%dma_wait3A_2152 : memref<8x512xf32, #tpu.memory_space<vmem>>)
    %dma_wait3A_2155 = arith.constant 0 : i32
    %dma_wait3A_2156 = arith.constant 0 : i32
    %dma_wait3A_2157 = arith.constant 0 : i32
    %dma_wait3A_2158 = tpu.memref_slice %arg9[%dma_wait3A_2155, %dma_wait3A_2156, %dma_wait3A_2157] : memref<64x8x128xf32, #tpu.memory_space<vmem>> -> memref<1x8x128xf32, #tpu.memory_space<vmem>>
    %dma_wait3A_2159 = tpu.memref_squeeze %dma_wait3A_2158 : memref<1x8x128xf32, #tpu.memory_space<vmem>> -> memref<8x128xf32, #tpu.memory_space<vmem>>
    %dma_wait3A_2160 = tpu.memref_slice %arg2[%multiple_of3A_234, %multiple_of3A_231] : memref<2048x32512xf32, #tpu.memory_space<hbm>> -> memref<8x128xf32, #tpu.memory_space<hbm>>
    %dma_wait3A_2161 = arith.constant 0 : i32
    %dma_wait3A_2162 = arith.constant 0 : i32
    %dma_wait3A_2163 = tpu.memref_slice %arg9[%dma_wait3A_2155, %dma_wait3A_2161, %dma_wait3A_2162] : memref<64x8x128xf32, #tpu.memory_space<vmem>> -> memref<1x8x128xf32, #tpu.memory_space<vmem>>
    %dma_wait3A_2164 = tpu.memref_squeeze %dma_wait3A_2163 : memref<1x8x128xf32, #tpu.memory_space<vmem>> -> memref<8x128xf32, #tpu.memory_space<vmem>>
    %dma_wait3A_2165 = tpu.memref_slice %arg2[%multiple_of3A_234, %multiple_of3A_231] : memref<2048x32512xf32, #tpu.memory_space<hbm>> -> memref<8x128xf32, #tpu.memory_space<hbm>>
    tpu.wait_dma2 semaphore(%arg11 : memref<!tpu.dma_semaphore, #tpu.memory_space<semaphore_mem>>) src(%dma_wait3A_2165 : memref<8x128xf32, #tpu.memory_space<hbm>>) dst(%dma_wait3A_2164 : memref<8x128xf32, #tpu.memory_space<vmem>>)
    %dma_wait3A_2166 = arith.constant 1 : i32
    %dma_wait3A_2167 = arith.constant 0 : i32
    %dma_wait3A_2168 = arith.constant 0 : i32
    %dma_wait3A_2169 = tpu.memref_slice %arg9[%dma_wait3A_2166, %dma_wait3A_2167, %dma_wait3A_2168] : memref<64x8x128xf32, #tpu.memory_space<vmem>> -> memref<1x8x128xf32, #tpu.memory_space<vmem>>
    %dma_wait3A_2170 = tpu.memref_squeeze %dma_wait3A_2169 : memref<1x8x128xf32, #tpu.memory_space<vmem>> -> memref<8x128xf32, #tpu.memory_space<vmem>>
    %dma_wait3A_2171 = tpu.memref_slice %arg2[%multiple_of3A_255, %multiple_of3A_252] : memref<2048x32512xf32, #tpu.memory_space<hbm>> -> memref<8x128xf32, #tpu.memory_space<hbm>>
    %dma_wait3A_2172 = arith.constant 0 : i32
    %dma_wait3A_2173 = arith.constant 0 : i32
    %dma_wait3A_2174 = tpu.memref_slice %arg9[%dma_wait3A_2166, %dma_wait3A_2172, %dma_wait3A_2173] : memref<64x8x128xf32, #tpu.memory_space<vmem>> -> memref<1x8x128xf32, #tpu.memory_space<vmem>>
    %dma_wait3A_2175 = tpu.memref_squeeze %dma_wait3A_2174 : memref<1x8x128xf32, #tpu.memory_space<vmem>> -> memref<8x128xf32, #tpu.memory_space<vmem>>
    %dma_wait3A_2176 = tpu.memref_slice %arg2[%multiple_of3A_255, %multiple_of3A_252] : memref<2048x32512xf32, #tpu.memory_space<hbm>> -> memref<8x128xf32, #tpu.memory_space<hbm>>
    tpu.wait_dma2 semaphore(%arg11 : memref<!tpu.dma_semaphore, #tpu.memory_space<semaphore_mem>>) src(%dma_wait3A_2176 : memref<8x128xf32, #tpu.memory_space<hbm>>) dst(%dma_wait3A_2175 : memref<8x128xf32, #tpu.memory_space<vmem>>)
    %dma_wait3A_2177 = arith.constant 2 : i32
    %dma_wait3A_2178 = arith.constant 0 : i32
    %dma_wait3A_2179 = arith.constant 0 : i32
    %dma_wait3A_2180 = tpu.memref_slice %arg9[%dma_wait3A_2177, %dma_wait3A_2178, %dma_wait3A_2179] : memref<64x8x128xf32, #tpu.memory_space<vmem>> -> memref<1x8x128xf32, #tpu.memory_space<vmem>>
    %dma_wait3A_2181 = tpu.memref_squeeze %dma_wait3A_2180 : memref<1x8x128xf32, #tpu.memory_space<vmem>> -> memref<8x128xf32, #tpu.memory_space<vmem>>
    %dma_wait3A_2182 = tpu.memref_slice %arg2[%multiple_of3A_276, %multiple_of3A_273] : memref<2048x32512xf32, #tpu.memory_space<hbm>> -> memref<8x128xf32, #tpu.memory_space<hbm>>
    %dma_wait3A_2183 = arith.constant 0 : i32
    %dma_wait3A_2184 = arith.constant 0 : i32
    %dma_wait3A_2185 = tpu.memref_slice %arg9[%dma_wait3A_2177, %dma_wait3A_2183, %dma_wait3A_2184] : memref<64x8x128xf32, #tpu.memory_space<vmem>> -> memref<1x8x128xf32, #tpu.memory_space<vmem>>
    %dma_wait3A_2186 = tpu.memref_squeeze %dma_wait3A_2185 : memref<1x8x128xf32, #tpu.memory_space<vmem>> -> memref<8x128xf32, #tpu.memory_space<vmem>>
    %dma_wait3A_2187 = tpu.memref_slice %arg2[%multiple_of3A_276, %multiple_of3A_273] : memref<2048x32512xf32, #tpu.memory_space<hbm>> -> memref<8x128xf32, #tpu.memory_space<hbm>>
    tpu.wait_dma2 semaphore(%arg11 : memref<!tpu.dma_semaphore, #tpu.memory_space<semaphore_mem>>) src(%dma_wait3A_2187 : memref<8x128xf32, #tpu.memory_space<hbm>>) dst(%dma_wait3A_2186 : memref<8x128xf32, #tpu.memory_space<vmem>>)
    %dma_wait3A_2188 = arith.constant 3 : i32
    %dma_wait3A_2189 = arith.constant 0 : i32
    %dma_wait3A_2190 = arith.constant 0 : i32
    %dma_wait3A_2191 = tpu.memref_slice %arg9[%dma_wait3A_2188, %dma_wait3A_2189, %dma_wait3A_2190] : memref<64x8x128xf32, #tpu.memory_space<vmem>> -> memref<1x8x128xf32, #tpu.memory_space<vmem>>
    %dma_wait3A_2192 = tpu.memref_squeeze %dma_wait3A_2191 : memref<1x8x128xf32, #tpu.memory_space<vmem>> -> memref<8x128xf32, #tpu.memory_space<vmem>>
    %dma_wait3A_2193 = tpu.memref_slice %arg2[%multiple_of3A_297, %multiple_of3A_294] : memref<2048x32512xf32, #tpu.memory_space<hbm>> -> memref<8x128xf32, #tpu.memory_space<hbm>>
    %dma_wait3A_2194 = arith.constant 0 : i32
    %dma_wait3A_2195 = arith.constant 0 : i32
    %dma_wait3A_2196 = tpu.memref_slice %arg9[%dma_wait3A_2188, %dma_wait3A_2194, %dma_wait3A_2195] : memref<64x8x128xf32, #tpu.memory_space<vmem>> -> memref<1x8x128xf32, #tpu.memory_space<vmem>>
    %dma_wait3A_2197 = tpu.memref_squeeze %dma_wait3A_2196 : memref<1x8x128xf32, #tpu.memory_space<vmem>> -> memref<8x128xf32, #tpu.memory_space<vmem>>
    %dma_wait3A_2198 = tpu.memref_slice %arg2[%multiple_of3A_297, %multiple_of3A_294] : memref<2048x32512xf32, #tpu.memory_space<hbm>> -> memref<8x128xf32, #tpu.memory_space<hbm>>
    tpu.wait_dma2 semaphore(%arg11 : memref<!tpu.dma_semaphore, #tpu.memory_space<semaphore_mem>>) src(%dma_wait3A_2198 : memref<8x128xf32, #tpu.memory_space<hbm>>) dst(%dma_wait3A_2197 : memref<8x128xf32, #tpu.memory_space<vmem>>)
    %dma_wait3A_2199 = arith.constant 4 : i32
    %dma_wait3A_2200 = arith.constant 0 : i32
    %dma_wait3A_2201 = arith.constant 0 : i32
    %dma_wait3A_2202 = tpu.memref_slice %arg9[%dma_wait3A_2199, %dma_wait3A_2200, %dma_wait3A_2201] : memref<64x8x128xf32, #tpu.memory_space<vmem>> -> memref<1x8x128xf32, #tpu.memory_space<vmem>>
    %dma_wait3A_2203 = tpu.memref_squeeze %dma_wait3A_2202 : memref<1x8x128xf32, #tpu.memory_space<vmem>> -> memref<8x128xf32, #tpu.memory_space<vmem>>
    %dma_wait3A_2204 = tpu.memref_slice %arg2[%multiple_of3A_332, %multiple_of3A_329] : memref<2048x32512xf32, #tpu.memory_space<hbm>> -> memref<8x128xf32, #tpu.memory_space<hbm>>
    %dma_wait3A_2205 = arith.constant 0 : i32
    %dma_wait3A_2206 = arith.constant 0 : i32
    %dma_wait3A_2207 = tpu.memref_slice %arg9[%dma_wait3A_2199, %dma_wait3A_2205, %dma_wait3A_2206] : memref<64x8x128xf32, #tpu.memory_space<vmem>> -> memref<1x8x128xf32, #tpu.memory_space<vmem>>
    %dma_wait3A_2208 = tpu.memref_squeeze %dma_wait3A_2207 : memref<1x8x128xf32, #tpu.memory_space<vmem>> -> memref<8x128xf32, #tpu.memory_space<vmem>>
    %dma_wait3A_2209 = tpu.memref_slice %arg2[%multiple_of3A_332, %multiple_of3A_329] : memref<2048x32512xf32, #tpu.memory_space<hbm>> -> memref<8x128xf32, #tpu.memory_space<hbm>>
    tpu.wait_dma2 semaphore(%arg11 : memref<!tpu.dma_semaphore, #tpu.memory_space<semaphore_mem>>) src(%dma_wait3A_2209 : memref<8x128xf32, #tpu.memory_space<hbm>>) dst(%dma_wait3A_2208 : memref<8x128xf32, #tpu.memory_space<vmem>>)
    %dma_wait3A_2210 = arith.constant 5 : i32
    %dma_wait3A_2211 = arith.constant 0 : i32
    %dma_wait3A_2212 = arith.constant 0 : i32
    %dma_wait3A_2213 = tpu.memref_slice %arg9[%dma_wait3A_2210, %dma_wait3A_2211, %dma_wait3A_2212] : memref<64x8x128xf32, #tpu.memory_space<vmem>> -> memref<1x8x128xf32, #tpu.memory_space<vmem>>
    %dma_wait3A_2214 = tpu.memref_squeeze %dma_wait3A_2213 : memref<1x8x128xf32, #tpu.memory_space<vmem>> -> memref<8x128xf32, #tpu.memory_space<vmem>>
    %dma_wait3A_2215 = tpu.memref_slice %arg2[%multiple_of3A_353, %multiple_of3A_350] : memref<2048x32512xf32, #tpu.memory_space<hbm>> -> memref<8x128xf32, #tpu.memory_space<hbm>>
    %dma_wait3A_2216 = arith.constant 0 : i32
    %dma_wait3A_2217 = arith.constant 0 : i32
    %dma_wait3A_2218 = tpu.memref_slice %arg9[%dma_wait3A_2210, %dma_wait3A_2216, %dma_wait3A_2217] : memref<64x8x128xf32, #tpu.memory_space<vmem>> -> memref<1x8x128xf32, #tpu.memory_space<vmem>>
    %dma_wait3A_2219 = tpu.memref_squeeze %dma_wait3A_2218 : memref<1x8x128xf32, #tpu.memory_space<vmem>> -> memref<8x128xf32, #tpu.memory_space<vmem>>
    %dma_wait3A_2220 = tpu.memref_slice %arg2[%multiple_of3A_353, %multiple_of3A_350] : memref<2048x32512xf32, #tpu.memory_space<hbm>> -> memref<8x128xf32, #tpu.memory_space<hbm>>
    tpu.wait_dma2 semaphore(%arg11 : memref<!tpu.dma_semaphore, #tpu.memory_space<semaphore_mem>>) src(%dma_wait3A_2220 : memref<8x128xf32, #tpu.memory_space<hbm>>) dst(%dma_wait3A_2219 : memref<8x128xf32, #tpu.memory_space<vmem>>)
    %dma_wait3A_2221 = arith.constant 6 : i32
    %dma_wait3A_2222 = arith.constant 0 : i32
    %dma_wait3A_2223 = arith.constant 0 : i32
    %dma_wait3A_2224 = tpu.memref_slice %arg9[%dma_wait3A_2221, %dma_wait3A_2222, %dma_wait3A_2223] : memref<64x8x128xf32, #tpu.memory_space<vmem>> -> memref<1x8x128xf32, #tpu.memory_space<vmem>>
    %dma_wait3A_2225 = tpu.memref_squeeze %dma_wait3A_2224 : memref<1x8x128xf32, #tpu.memory_space<vmem>> -> memref<8x128xf32, #tpu.memory_space<vmem>>
    %dma_wait3A_2226 = tpu.memref_slice %arg2[%multiple_of3A_374, %multiple_of3A_371] : memref<2048x32512xf32, #tpu.memory_space<hbm>> -> memref<8x128xf32, #tpu.memory_space<hbm>>
    %dma_wait3A_2227 = arith.constant 0 : i32
    %dma_wait3A_2228 = arith.constant 0 : i32
    %dma_wait3A_2229 = tpu.memref_slice %arg9[%dma_wait3A_2221, %dma_wait3A_2227, %dma_wait3A_2228] : memref<64x8x128xf32, #tpu.memory_space<vmem>> -> memref<1x8x128xf32, #tpu.memory_space<vmem>>
    %dma_wait3A_2230 = tpu.memref_squeeze %dma_wait3A_2229 : memref<1x8x128xf32, #tpu.memory_space<vmem>> -> memref<8x128xf32, #tpu.memory_space<vmem>>
    %dma_wait3A_2231 = tpu.memref_slice %arg2[%multiple_of3A_374, %multiple_of3A_371] : memref<2048x32512xf32, #tpu.memory_space<hbm>> -> memref<8x128xf32, #tpu.memory_space<hbm>>
    tpu.wait_dma2 semaphore(%arg11 : memref<!tpu.dma_semaphore, #tpu.memory_space<semaphore_mem>>) src(%dma_wait3A_2231 : memref<8x128xf32, #tpu.memory_space<hbm>>) dst(%dma_wait3A_2230 : memref<8x128xf32, #tpu.memory_space<vmem>>)
    %dma_wait3A_2232 = arith.constant 7 : i32
    %dma_wait3A_2233 = arith.constant 0 : i32
    %dma_wait3A_2234 = arith.constant 0 : i32
    %dma_wait3A_2235 = tpu.memref_slice %arg9[%dma_wait3A_2232, %dma_wait3A_2233, %dma_wait3A_2234] : memref<64x8x128xf32, #tpu.memory_space<vmem>> -> memref<1x8x128xf32, #tpu.memory_space<vmem>>
    %dma_wait3A_2236 = tpu.memref_squeeze %dma_wait3A_2235 : memref<1x8x128xf32, #tpu.memory_space<vmem>> -> memref<8x128xf32, #tpu.memory_space<vmem>>
    %dma_wait3A_2237 = tpu.memref_slice %arg2[%multiple_of3A_395, %multiple_of3A_392] : memref<2048x32512xf32, #tpu.memory_space<hbm>> -> memref<8x128xf32, #tpu.memory_space<hbm>>
    %dma_wait3A_2238 = arith.constant 0 : i32
    %dma_wait3A_2239 = arith.constant 0 : i32
    %dma_wait3A_2240 = tpu.memref_slice %arg9[%dma_wait3A_2232, %dma_wait3A_2238, %dma_wait3A_2239] : memref<64x8x128xf32, #tpu.memory_space<vmem>> -> memref<1x8x128xf32, #tpu.memory_space<vmem>>
    %dma_wait3A_2241 = tpu.memref_squeeze %dma_wait3A_2240 : memref<1x8x128xf32, #tpu.memory_space<vmem>> -> memref<8x128xf32, #tpu.memory_space<vmem>>
    %dma_wait3A_2242 = tpu.memref_slice %arg2[%multiple_of3A_395, %multiple_of3A_392] : memref<2048x32512xf32, #tpu.memory_space<hbm>> -> memref<8x128xf32, #tpu.memory_space<hbm>>
    tpu.wait_dma2 semaphore(%arg11 : memref<!tpu.dma_semaphore, #tpu.memory_space<semaphore_mem>>) src(%dma_wait3A_2242 : memref<8x128xf32, #tpu.memory_space<hbm>>) dst(%dma_wait3A_2241 : memref<8x128xf32, #tpu.memory_space<vmem>>)
    %dma_wait3A_2243 = arith.constant 8 : i32
    %dma_wait3A_2244 = arith.constant 0 : i32
    %dma_wait3A_2245 = arith.constant 0 : i32
    %dma_wait3A_2246 = tpu.memref_slice %arg9[%dma_wait3A_2243, %dma_wait3A_2244, %dma_wait3A_2245] : memref<64x8x128xf32, #tpu.memory_space<vmem>> -> memref<1x8x128xf32, #tpu.memory_space<vmem>>
    %dma_wait3A_2247 = tpu.memref_squeeze %dma_wait3A_2246 : memref<1x8x128xf32, #tpu.memory_space<vmem>> -> memref<8x128xf32, #tpu.memory_space<vmem>>
    %dma_wait3A_2248 = tpu.memref_slice %arg2[%multiple_of3A_430, %multiple_of3A_427] : memref<2048x32512xf32, #tpu.memory_space<hbm>> -> memref<8x128xf32, #tpu.memory_space<hbm>>
    %dma_wait3A_2249 = arith.constant 0 : i32
    %dma_wait3A_2250 = arith.constant 0 : i32
    %dma_wait3A_2251 = tpu.memref_slice %arg9[%dma_wait3A_2243, %dma_wait3A_2249, %dma_wait3A_2250] : memref<64x8x128xf32, #tpu.memory_space<vmem>> -> memref<1x8x128xf32, #tpu.memory_space<vmem>>
    %dma_wait3A_2252 = tpu.memref_squeeze %dma_wait3A_2251 : memref<1x8x128xf32, #tpu.memory_space<vmem>> -> memref<8x128xf32, #tpu.memory_space<vmem>>
    %dma_wait3A_2253 = tpu.memref_slice %arg2[%multiple_of3A_430, %multiple_of3A_427] : memref<2048x32512xf32, #tpu.memory_space<hbm>> -> memref<8x128xf32, #tpu.memory_space<hbm>>
    tpu.wait_dma2 semaphore(%arg11 : memref<!tpu.dma_semaphore, #tpu.memory_space<semaphore_mem>>) src(%dma_wait3A_2253 : memref<8x128xf32, #tpu.memory_space<hbm>>) dst(%dma_wait3A_2252 : memref<8x128xf32, #tpu.memory_space<vmem>>)
    %dma_wait3A_2254 = arith.constant 9 : i32
    %dma_wait3A_2255 = arith.constant 0 : i32
    %dma_wait3A_2256 = arith.constant 0 : i32
    %dma_wait3A_2257 = tpu.memref_slice %arg9[%dma_wait3A_2254, %dma_wait3A_2255, %dma_wait3A_2256] : memref<64x8x128xf32, #tpu.memory_space<vmem>> -> memref<1x8x128xf32, #tpu.memory_space<vmem>>
    %dma_wait3A_2258 = tpu.memref_squeeze %dma_wait3A_2257 : memref<1x8x128xf32, #tpu.memory_space<vmem>> -> memref<8x128xf32, #tpu.memory_space<vmem>>
    %dma_wait3A_2259 = tpu.memref_slice %arg2[%multiple_of3A_451, %multiple_of3A_448] : memref<2048x32512xf32, #tpu.memory_space<hbm>> -> memref<8x128xf32, #tpu.memory_space<hbm>>
    %dma_wait3A_2260 = arith.constant 0 : i32
    %dma_wait3A_2261 = arith.constant 0 : i32
    %dma_wait3A_2262 = tpu.memref_slice %arg9[%dma_wait3A_2254, %dma_wait3A_2260, %dma_wait3A_2261] : memref<64x8x128xf32, #tpu.memory_space<vmem>> -> memref<1x8x128xf32, #tpu.memory_space<vmem>>
    %dma_wait3A_2263 = tpu.memref_squeeze %dma_wait3A_2262 : memref<1x8x128xf32, #tpu.memory_space<vmem>> -> memref<8x128xf32, #tpu.memory_space<vmem>>
    %dma_wait3A_2264 = tpu.memref_slice %arg2[%multiple_of3A_451, %multiple_of3A_448] : memref<2048x32512xf32, #tpu.memory_space<hbm>> -> memref<8x128xf32, #tpu.memory_space<hbm>>
    tpu.wait_dma2 semaphore(%arg11 : memref<!tpu.dma_semaphore, #tpu.memory_space<semaphore_mem>>) src(%dma_wait3A_2264 : memref<8x128xf32, #tpu.memory_space<hbm>>) dst(%dma_wait3A_2263 : memref<8x128xf32, #tpu.memory_space<vmem>>)
    %dma_wait3A_2265 = arith.constant 10 : i32
    %dma_wait3A_2266 = arith.constant 0 : i32
    %dma_wait3A_2267 = arith.constant 0 : i32
    %dma_wait3A_2268 = tpu.memref_slice %arg9[%dma_wait3A_2265, %dma_wait3A_2266, %dma_wait3A_2267] : memref<64x8x128xf32, #tpu.memory_space<vmem>> -> memref<1x8x128xf32, #tpu.memory_space<vmem>>
    %dma_wait3A_2269 = tpu.memref_squeeze %dma_wait3A_2268 : memref<1x8x128xf32, #tpu.memory_space<vmem>> -> memref<8x128xf32, #tpu.memory_space<vmem>>
    %dma_wait3A_2270 = tpu.memref_slice %arg2[%multiple_of3A_472, %multiple_of3A_469] : memref<2048x32512xf32, #tpu.memory_space<hbm>> -> memref<8x128xf32, #tpu.memory_space<hbm>>
    %dma_wait3A_2271 = arith.constant 0 : i32
    %dma_wait3A_2272 = arith.constant 0 : i32
    %dma_wait3A_2273 = tpu.memref_slice %arg9[%dma_wait3A_2265, %dma_wait3A_2271, %dma_wait3A_2272] : memref<64x8x128xf32, #tpu.memory_space<vmem>> -> memref<1x8x128xf32, #tpu.memory_space<vmem>>
    %dma_wait3A_2274 = tpu.memref_squeeze %dma_wait3A_2273 : memref<1x8x128xf32, #tpu.memory_space<vmem>> -> memref<8x128xf32, #tpu.memory_space<vmem>>
    %dma_wait3A_2275 = tpu.memref_slice %arg2[%multiple_of3A_472, %multiple_of3A_469] : memref<2048x32512xf32, #tpu.memory_space<hbm>> -> memref<8x128xf32, #tpu.memory_space<hbm>>
    tpu.wait_dma2 semaphore(%arg11 : memref<!tpu.dma_semaphore, #tpu.memory_space<semaphore_mem>>) src(%dma_wait3A_2275 : memref<8x128xf32, #tpu.memory_space<hbm>>) dst(%dma_wait3A_2274 : memref<8x128xf32, #tpu.memory_space<vmem>>)
    %dma_wait3A_2276 = arith.constant 11 : i32
    %dma_wait3A_2277 = arith.constant 0 : i32
    %dma_wait3A_2278 = arith.constant 0 : i32
    %dma_wait3A_2279 = tpu.memref_slice %arg9[%dma_wait3A_2276, %dma_wait3A_2277, %dma_wait3A_2278] : memref<64x8x128xf32, #tpu.memory_space<vmem>> -> memref<1x8x128xf32, #tpu.memory_space<vmem>>
    %dma_wait3A_2280 = tpu.memref_squeeze %dma_wait3A_2279 : memref<1x8x128xf32, #tpu.memory_space<vmem>> -> memref<8x128xf32, #tpu.memory_space<vmem>>
    %dma_wait3A_2281 = tpu.memref_slice %arg2[%multiple_of3A_493, %multiple_of3A_490] : memref<2048x32512xf32, #tpu.memory_space<hbm>> -> memref<8x128xf32, #tpu.memory_space<hbm>>
    %dma_wait3A_2282 = arith.constant 0 : i32
    %dma_wait3A_2283 = arith.constant 0 : i32
    %dma_wait3A_2284 = tpu.memref_slice %arg9[%dma_wait3A_2276, %dma_wait3A_2282, %dma_wait3A_2283] : memref<64x8x128xf32, #tpu.memory_space<vmem>> -> memref<1x8x128xf32, #tpu.memory_space<vmem>>
    %dma_wait3A_2285 = tpu.memref_squeeze %dma_wait3A_2284 : memref<1x8x128xf32, #tpu.memory_space<vmem>> -> memref<8x128xf32, #tpu.memory_space<vmem>>
    %dma_wait3A_2286 = tpu.memref_slice %arg2[%multiple_of3A_493, %multiple_of3A_490] : memref<2048x32512xf32, #tpu.memory_space<hbm>> -> memref<8x128xf32, #tpu.memory_space<hbm>>
    tpu.wait_dma2 semaphore(%arg11 : memref<!tpu.dma_semaphore, #tpu.memory_space<semaphore_mem>>) src(%dma_wait3A_2286 : memref<8x128xf32, #tpu.memory_space<hbm>>) dst(%dma_wait3A_2285 : memref<8x128xf32, #tpu.memory_space<vmem>>)
    %dma_wait3A_2287 = arith.constant 12 : i32
    %dma_wait3A_2288 = arith.constant 0 : i32
    %dma_wait3A_2289 = arith.constant 0 : i32
    %dma_wait3A_2290 = tpu.memref_slice %arg9[%dma_wait3A_2287, %dma_wait3A_2288, %dma_wait3A_2289] : memref<64x8x128xf32, #tpu.memory_space<vmem>> -> memref<1x8x128xf32, #tpu.memory_space<vmem>>
    %dma_wait3A_2291 = tpu.memref_squeeze %dma_wait3A_2290 : memref<1x8x128xf32, #tpu.memory_space<vmem>> -> memref<8x128xf32, #tpu.memory_space<vmem>>
    %dma_wait3A_2292 = tpu.memref_slice %arg2[%multiple_of3A_528, %multiple_of3A_525] : memref<2048x32512xf32, #tpu.memory_space<hbm>> -> memref<8x128xf32, #tpu.memory_space<hbm>>
    %dma_wait3A_2293 = arith.constant 0 : i32
    %dma_wait3A_2294 = arith.constant 0 : i32
    %dma_wait3A_2295 = tpu.memref_slice %arg9[%dma_wait3A_2287, %dma_wait3A_2293, %dma_wait3A_2294] : memref<64x8x128xf32, #tpu.memory_space<vmem>> -> memref<1x8x128xf32, #tpu.memory_space<vmem>>
    %dma_wait3A_2296 = tpu.memref_squeeze %dma_wait3A_2295 : memref<1x8x128xf32, #tpu.memory_space<vmem>> -> memref<8x128xf32, #tpu.memory_space<vmem>>
    %dma_wait3A_2297 = tpu.memref_slice %arg2[%multiple_of3A_528, %multiple_of3A_525] : memref<2048x32512xf32, #tpu.memory_space<hbm>> -> memref<8x128xf32, #tpu.memory_space<hbm>>
    tpu.wait_dma2 semaphore(%arg11 : memref<!tpu.dma_semaphore, #tpu.memory_space<semaphore_mem>>) src(%dma_wait3A_2297 : memref<8x128xf32, #tpu.memory_space<hbm>>) dst(%dma_wait3A_2296 : memref<8x128xf32, #tpu.memory_space<vmem>>)
    %dma_wait3A_2298 = arith.constant 13 : i32
    %dma_wait3A_2299 = arith.constant 0 : i32
    %dma_wait3A_2300 = arith.constant 0 : i32
    %dma_wait3A_2301 = tpu.memref_slice %arg9[%dma_wait3A_2298, %dma_wait3A_2299, %dma_wait3A_2300] : memref<64x8x128xf32, #tpu.memory_space<vmem>> -> memref<1x8x128xf32, #tpu.memory_space<vmem>>
    %dma_wait3A_2302 = tpu.memref_squeeze %dma_wait3A_2301 : memref<1x8x128xf32, #tpu.memory_space<vmem>> -> memref<8x128xf32, #tpu.memory_space<vmem>>
    %dma_wait3A_2303 = tpu.memref_slice %arg2[%multiple_of3A_549, %multiple_of3A_546] : memref<2048x32512xf32, #tpu.memory_space<hbm>> -> memref<8x128xf32, #tpu.memory_space<hbm>>
    %dma_wait3A_2304 = arith.constant 0 : i32
    %dma_wait3A_2305 = arith.constant 0 : i32
    %dma_wait3A_2306 = tpu.memref_slice %arg9[%dma_wait3A_2298, %dma_wait3A_2304, %dma_wait3A_2305] : memref<64x8x128xf32, #tpu.memory_space<vmem>> -> memref<1x8x128xf32, #tpu.memory_space<vmem>>
    %dma_wait3A_2307 = tpu.memref_squeeze %dma_wait3A_2306 : memref<1x8x128xf32, #tpu.memory_space<vmem>> -> memref<8x128xf32, #tpu.memory_space<vmem>>
    %dma_wait3A_2308 = tpu.memref_slice %arg2[%multiple_of3A_549, %multiple_of3A_546] : memref<2048x32512xf32, #tpu.memory_space<hbm>> -> memref<8x128xf32, #tpu.memory_space<hbm>>
    tpu.wait_dma2 semaphore(%arg11 : memref<!tpu.dma_semaphore, #tpu.memory_space<semaphore_mem>>) src(%dma_wait3A_2308 : memref<8x128xf32, #tpu.memory_space<hbm>>) dst(%dma_wait3A_2307 : memref<8x128xf32, #tpu.memory_space<vmem>>)
    %dma_wait3A_2309 = arith.constant 14 : i32
    %dma_wait3A_2310 = arith.constant 0 : i32
    %dma_wait3A_2311 = arith.constant 0 : i32
    %dma_wait3A_2312 = tpu.memref_slice %arg9[%dma_wait3A_2309, %dma_wait3A_2310, %dma_wait3A_2311] : memref<64x8x128xf32, #tpu.memory_space<vmem>> -> memref<1x8x128xf32, #tpu.memory_space<vmem>>
    %dma_wait3A_2313 = tpu.memref_squeeze %dma_wait3A_2312 : memref<1x8x128xf32, #tpu.memory_space<vmem>> -> memref<8x128xf32, #tpu.memory_space<vmem>>
    %dma_wait3A_2314 = tpu.memref_slice %arg2[%multiple_of3A_570, %multiple_of3A_567] : memref<2048x32512xf32, #tpu.memory_space<hbm>> -> memref<8x128xf32, #tpu.memory_space<hbm>>
    %dma_wait3A_2315 = arith.constant 0 : i32
    %dma_wait3A_2316 = arith.constant 0 : i32
    %dma_wait3A_2317 = tpu.memref_slice %arg9[%dma_wait3A_2309, %dma_wait3A_2315, %dma_wait3A_2316] : memref<64x8x128xf32, #tpu.memory_space<vmem>> -> memref<1x8x128xf32, #tpu.memory_space<vmem>>
    %dma_wait3A_2318 = tpu.memref_squeeze %dma_wait3A_2317 : memref<1x8x128xf32, #tpu.memory_space<vmem>> -> memref<8x128xf32, #tpu.memory_space<vmem>>
    %dma_wait3A_2319 = tpu.memref_slice %arg2[%multiple_of3A_570, %multiple_of3A_567] : memref<2048x32512xf32, #tpu.memory_space<hbm>> -> memref<8x128xf32, #tpu.memory_space<hbm>>
    tpu.wait_dma2 semaphore(%arg11 : memref<!tpu.dma_semaphore, #tpu.memory_space<semaphore_mem>>) src(%dma_wait3A_2319 : memref<8x128xf32, #tpu.memory_space<hbm>>) dst(%dma_wait3A_2318 : memref<8x128xf32, #tpu.memory_space<vmem>>)
    %dma_wait3A_2320 = arith.constant 15 : i32
    %dma_wait3A_2321 = arith.constant 0 : i32
    %dma_wait3A_2322 = arith.constant 0 : i32
    %dma_wait3A_2323 = tpu.memref_slice %arg9[%dma_wait3A_2320, %dma_wait3A_2321, %dma_wait3A_2322] : memref<64x8x128xf32, #tpu.memory_space<vmem>> -> memref<1x8x128xf32, #tpu.memory_space<vmem>>
    %dma_wait3A_2324 = tpu.memref_squeeze %dma_wait3A_2323 : memref<1x8x128xf32, #tpu.memory_space<vmem>> -> memref<8x128xf32, #tpu.memory_space<vmem>>
    %dma_wait3A_2325 = tpu.memref_slice %arg2[%multiple_of3A_591, %multiple_of3A_588] : memref<2048x32512xf32, #tpu.memory_space<hbm>> -> memref<8x128xf32, #tpu.memory_space<hbm>>
    %dma_wait3A_2326 = arith.constant 0 : i32
    %dma_wait3A_2327 = arith.constant 0 : i32
    %dma_wait3A_2328 = tpu.memref_slice %arg9[%dma_wait3A_2320, %dma_wait3A_2326, %dma_wait3A_2327] : memref<64x8x128xf32, #tpu.memory_space<vmem>> -> memref<1x8x128xf32, #tpu.memory_space<vmem>>
    %dma_wait3A_2329 = tpu.memref_squeeze %dma_wait3A_2328 : memref<1x8x128xf32, #tpu.memory_space<vmem>> -> memref<8x128xf32, #tpu.memory_space<vmem>>
    %dma_wait3A_2330 = tpu.memref_slice %arg2[%multiple_of3A_591, %multiple_of3A_588] : memref<2048x32512xf32, #tpu.memory_space<hbm>> -> memref<8x128xf32, #tpu.memory_space<hbm>>
    tpu.wait_dma2 semaphore(%arg11 : memref<!tpu.dma_semaphore, #tpu.memory_space<semaphore_mem>>) src(%dma_wait3A_2330 : memref<8x128xf32, #tpu.memory_space<hbm>>) dst(%dma_wait3A_2329 : memref<8x128xf32, #tpu.memory_space<vmem>>)
    %dma_wait3A_2331 = arith.constant 16 : i32
    %dma_wait3A_2332 = arith.constant 0 : i32
    %dma_wait3A_2333 = arith.constant 0 : i32
    %dma_wait3A_2334 = tpu.memref_slice %arg9[%dma_wait3A_2331, %dma_wait3A_2332, %dma_wait3A_2333] : memref<64x8x128xf32, #tpu.memory_space<vmem>> -> memref<1x8x128xf32, #tpu.memory_space<vmem>>
    %dma_wait3A_2335 = tpu.memref_squeeze %dma_wait3A_2334 : memref<1x8x128xf32, #tpu.memory_space<vmem>> -> memref<8x128xf32, #tpu.memory_space<vmem>>
    %dma_wait3A_2336 = tpu.memref_slice %arg2[%multiple_of3A_716, %multiple_of3A_713] : memref<2048x32512xf32, #tpu.memory_space<hbm>> -> memref<8x128xf32, #tpu.memory_space<hbm>>
    %dma_wait3A_2337 = arith.constant 0 : i32
    %dma_wait3A_2338 = arith.constant 0 : i32
    %dma_wait3A_2339 = tpu.memref_slice %arg9[%dma_wait3A_2331, %dma_wait3A_2337, %dma_wait3A_2338] : memref<64x8x128xf32, #tpu.memory_space<vmem>> -> memref<1x8x128xf32, #tpu.memory_space<vmem>>
    %dma_wait3A_2340 = tpu.memref_squeeze %dma_wait3A_2339 : memref<1x8x128xf32, #tpu.memory_space<vmem>> -> memref<8x128xf32, #tpu.memory_space<vmem>>
    %dma_wait3A_2341 = tpu.memref_slice %arg2[%multiple_of3A_716, %multiple_of3A_713] : memref<2048x32512xf32, #tpu.memory_space<hbm>> -> memref<8x128xf32, #tpu.memory_space<hbm>>
    tpu.wait_dma2 semaphore(%arg11 : memref<!tpu.dma_semaphore, #tpu.memory_space<semaphore_mem>>) src(%dma_wait3A_2341 : memref<8x128xf32, #tpu.memory_space<hbm>>) dst(%dma_wait3A_2340 : memref<8x128xf32, #tpu.memory_space<vmem>>)
    %dma_wait3A_2342 = arith.constant 17 : i32
    %dma_wait3A_2343 = arith.constant 0 : i32
    %dma_wait3A_2344 = arith.constant 0 : i32
    %dma_wait3A_2345 = tpu.memref_slice %arg9[%dma_wait3A_2342, %dma_wait3A_2343, %dma_wait3A_2344] : memref<64x8x128xf32, #tpu.memory_space<vmem>> -> memref<1x8x128xf32, #tpu.memory_space<vmem>>
    %dma_wait3A_2346 = tpu.memref_squeeze %dma_wait3A_2345 : memref<1x8x128xf32, #tpu.memory_space<vmem>> -> memref<8x128xf32, #tpu.memory_space<vmem>>
    %dma_wait3A_2347 = tpu.memref_slice %arg2[%multiple_of3A_737, %multiple_of3A_734] : memref<2048x32512xf32, #tpu.memory_space<hbm>> -> memref<8x128xf32, #tpu.memory_space<hbm>>
    %dma_wait3A_2348 = arith.constant 0 : i32
    %dma_wait3A_2349 = arith.constant 0 : i32
    %dma_wait3A_2350 = tpu.memref_slice %arg9[%dma_wait3A_2342, %dma_wait3A_2348, %dma_wait3A_2349] : memref<64x8x128xf32, #tpu.memory_space<vmem>> -> memref<1x8x128xf32, #tpu.memory_space<vmem>>
    %dma_wait3A_2351 = tpu.memref_squeeze %dma_wait3A_2350 : memref<1x8x128xf32, #tpu.memory_space<vmem>> -> memref<8x128xf32, #tpu.memory_space<vmem>>
    %dma_wait3A_2352 = tpu.memref_slice %arg2[%multiple_of3A_737, %multiple_of3A_734] : memref<2048x32512xf32, #tpu.memory_space<hbm>> -> memref<8x128xf32, #tpu.memory_space<hbm>>
    tpu.wait_dma2 semaphore(%arg11 : memref<!tpu.dma_semaphore, #tpu.memory_space<semaphore_mem>>) src(%dma_wait3A_2352 : memref<8x128xf32, #tpu.memory_space<hbm>>) dst(%dma_wait3A_2351 : memref<8x128xf32, #tpu.memory_space<vmem>>)
    %dma_wait3A_2353 = arith.constant 18 : i32
    %dma_wait3A_2354 = arith.constant 0 : i32
    %dma_wait3A_2355 = arith.constant 0 : i32
    %dma_wait3A_2356 = tpu.memref_slice %arg9[%dma_wait3A_2353, %dma_wait3A_2354, %dma_wait3A_2355] : memref<64x8x128xf32, #tpu.memory_space<vmem>> -> memref<1x8x128xf32, #tpu.memory_space<vmem>>
    %dma_wait3A_2357 = tpu.memref_squeeze %dma_wait3A_2356 : memref<1x8x128xf32, #tpu.memory_space<vmem>> -> memref<8x128xf32, #tpu.memory_space<vmem>>
    %dma_wait3A_2358 = tpu.memref_slice %arg2[%multiple_of3A_758, %multiple_of3A_755] : memref<2048x32512xf32, #tpu.memory_space<hbm>> -> memref<8x128xf32, #tpu.memory_space<hbm>>
    %dma_wait3A_2359 = arith.constant 0 : i32
    %dma_wait3A_2360 = arith.constant 0 : i32
    %dma_wait3A_2361 = tpu.memref_slice %arg9[%dma_wait3A_2353, %dma_wait3A_2359, %dma_wait3A_2360] : memref<64x8x128xf32, #tpu.memory_space<vmem>> -> memref<1x8x128xf32, #tpu.memory_space<vmem>>
    %dma_wait3A_2362 = tpu.memref_squeeze %dma_wait3A_2361 : memref<1x8x128xf32, #tpu.memory_space<vmem>> -> memref<8x128xf32, #tpu.memory_space<vmem>>
    %dma_wait3A_2363 = tpu.memref_slice %arg2[%multiple_of3A_758, %multiple_of3A_755] : memref<2048x32512xf32, #tpu.memory_space<hbm>> -> memref<8x128xf32, #tpu.memory_space<hbm>>
    tpu.wait_dma2 semaphore(%arg11 : memref<!tpu.dma_semaphore, #tpu.memory_space<semaphore_mem>>) src(%dma_wait3A_2363 : memref<8x128xf32, #tpu.memory_space<hbm>>) dst(%dma_wait3A_2362 : memref<8x128xf32, #tpu.memory_space<vmem>>)
    %dma_wait3A_2364 = arith.constant 19 : i32
    %dma_wait3A_2365 = arith.constant 0 : i32
    %dma_wait3A_2366 = arith.constant 0 : i32
    %dma_wait3A_2367 = tpu.memref_slice %arg9[%dma_wait3A_2364, %dma_wait3A_2365, %dma_wait3A_2366] : memref<64x8x128xf32, #tpu.memory_space<vmem>> -> memref<1x8x128xf32, #tpu.memory_space<vmem>>
    %dma_wait3A_2368 = tpu.memref_squeeze %dma_wait3A_2367 : memref<1x8x128xf32, #tpu.memory_space<vmem>> -> memref<8x128xf32, #tpu.memory_space<vmem>>
    %dma_wait3A_2369 = tpu.memref_slice %arg2[%multiple_of3A_779, %multiple_of3A_776] : memref<2048x32512xf32, #tpu.memory_space<hbm>> -> memref<8x128xf32, #tpu.memory_space<hbm>>
    %dma_wait3A_2370 = arith.constant 0 : i32
    %dma_wait3A_2371 = arith.constant 0 : i32
    %dma_wait3A_2372 = tpu.memref_slice %arg9[%dma_wait3A_2364, %dma_wait3A_2370, %dma_wait3A_2371] : memref<64x8x128xf32, #tpu.memory_space<vmem>> -> memref<1x8x128xf32, #tpu.memory_space<vmem>>
    %dma_wait3A_2373 = tpu.memref_squeeze %dma_wait3A_2372 : memref<1x8x128xf32, #tpu.memory_space<vmem>> -> memref<8x128xf32, #tpu.memory_space<vmem>>
    %dma_wait3A_2374 = tpu.memref_slice %arg2[%multiple_of3A_779, %multiple_of3A_776] : memref<2048x32512xf32, #tpu.memory_space<hbm>> -> memref<8x128xf32, #tpu.memory_space<hbm>>
    tpu.wait_dma2 semaphore(%arg11 : memref<!tpu.dma_semaphore, #tpu.memory_space<semaphore_mem>>) src(%dma_wait3A_2374 : memref<8x128xf32, #tpu.memory_space<hbm>>) dst(%dma_wait3A_2373 : memref<8x128xf32, #tpu.memory_space<vmem>>)
    %dma_wait3A_2375 = arith.constant 20 : i32
    %dma_wait3A_2376 = arith.constant 0 : i32
    %dma_wait3A_2377 = arith.constant 0 : i32
    %dma_wait3A_2378 = tpu.memref_slice %arg9[%dma_wait3A_2375, %dma_wait3A_2376, %dma_wait3A_2377] : memref<64x8x128xf32, #tpu.memory_space<vmem>> -> memref<1x8x128xf32, #tpu.memory_space<vmem>>
    %dma_wait3A_2379 = tpu.memref_squeeze %dma_wait3A_2378 : memref<1x8x128xf32, #tpu.memory_space<vmem>> -> memref<8x128xf32, #tpu.memory_space<vmem>>
    %dma_wait3A_2380 = tpu.memref_slice %arg2[%multiple_of3A_814, %multiple_of3A_811] : memref<2048x32512xf32, #tpu.memory_space<hbm>> -> memref<8x128xf32, #tpu.memory_space<hbm>>
    %dma_wait3A_2381 = arith.constant 0 : i32
    %dma_wait3A_2382 = arith.constant 0 : i32
    %dma_wait3A_2383 = tpu.memref_slice %arg9[%dma_wait3A_2375, %dma_wait3A_2381, %dma_wait3A_2382] : memref<64x8x128xf32, #tpu.memory_space<vmem>> -> memref<1x8x128xf32, #tpu.memory_space<vmem>>
    %dma_wait3A_2384 = tpu.memref_squeeze %dma_wait3A_2383 : memref<1x8x128xf32, #tpu.memory_space<vmem>> -> memref<8x128xf32, #tpu.memory_space<vmem>>
    %dma_wait3A_2385 = tpu.memref_slice %arg2[%multiple_of3A_814, %multiple_of3A_811] : memref<2048x32512xf32, #tpu.memory_space<hbm>> -> memref<8x128xf32, #tpu.memory_space<hbm>>
    tpu.wait_dma2 semaphore(%arg11 : memref<!tpu.dma_semaphore, #tpu.memory_space<semaphore_mem>>) src(%dma_wait3A_2385 : memref<8x128xf32, #tpu.memory_space<hbm>>) dst(%dma_wait3A_2384 : memref<8x128xf32, #tpu.memory_space<vmem>>)
    %dma_wait3A_2386 = arith.constant 21 : i32
    %dma_wait3A_2387 = arith.constant 0 : i32
    %dma_wait3A_2388 = arith.constant 0 : i32
    %dma_wait3A_2389 = tpu.memref_slice %arg9[%dma_wait3A_2386, %dma_wait3A_2387, %dma_wait3A_2388] : memref<64x8x128xf32, #tpu.memory_space<vmem>> -> memref<1x8x128xf32, #tpu.memory_space<vmem>>
    %dma_wait3A_2390 = tpu.memref_squeeze %dma_wait3A_2389 : memref<1x8x128xf32, #tpu.memory_space<vmem>> -> memref<8x128xf32, #tpu.memory_space<vmem>>
    %dma_wait3A_2391 = tpu.memref_slice %arg2[%multiple_of3A_835, %multiple_of3A_832] : memref<2048x32512xf32, #tpu.memory_space<hbm>> -> memref<8x128xf32, #tpu.memory_space<hbm>>
    %dma_wait3A_2392 = arith.constant 0 : i32
    %dma_wait3A_2393 = arith.constant 0 : i32
    %dma_wait3A_2394 = tpu.memref_slice %arg9[%dma_wait3A_2386, %dma_wait3A_2392, %dma_wait3A_2393] : memref<64x8x128xf32, #tpu.memory_space<vmem>> -> memref<1x8x128xf32, #tpu.memory_space<vmem>>
    %dma_wait3A_2395 = tpu.memref_squeeze %dma_wait3A_2394 : memref<1x8x128xf32, #tpu.memory_space<vmem>> -> memref<8x128xf32, #tpu.memory_space<vmem>>
    %dma_wait3A_2396 = tpu.memref_slice %arg2[%multiple_of3A_835, %multiple_of3A_832] : memref<2048x32512xf32, #tpu.memory_space<hbm>> -> memref<8x128xf32, #tpu.memory_space<hbm>>
    tpu.wait_dma2 semaphore(%arg11 : memref<!tpu.dma_semaphore, #tpu.memory_space<semaphore_mem>>) src(%dma_wait3A_2396 : memref<8x128xf32, #tpu.memory_space<hbm>>) dst(%dma_wait3A_2395 : memref<8x128xf32, #tpu.memory_space<vmem>>)
    %dma_wait3A_2397 = arith.constant 22 : i32
    %dma_wait3A_2398 = arith.constant 0 : i32
    %dma_wait3A_2399 = arith.constant 0 : i32
    %dma_wait3A_2400 = tpu.memref_slice %arg9[%dma_wait3A_2397, %dma_wait3A_2398, %dma_wait3A_2399] : memref<64x8x128xf32, #tpu.memory_space<vmem>> -> memref<1x8x128xf32, #tpu.memory_space<vmem>>
    %dma_wait3A_2401 = tpu.memref_squeeze %dma_wait3A_2400 : memref<1x8x128xf32, #tpu.memory_space<vmem>> -> memref<8x128xf32, #tpu.memory_space<vmem>>
    %dma_wait3A_2402 = tpu.memref_slice %arg2[%multiple_of3A_856, %multiple_of3A_853] : memref<2048x32512xf32, #tpu.memory_space<hbm>> -> memref<8x128xf32, #tpu.memory_space<hbm>>
    %dma_wait3A_2403 = arith.constant 0 : i32
    %dma_wait3A_2404 = arith.constant 0 : i32
    %dma_wait3A_2405 = tpu.memref_slice %arg9[%dma_wait3A_2397, %dma_wait3A_2403, %dma_wait3A_2404] : memref<64x8x128xf32, #tpu.memory_space<vmem>> -> memref<1x8x128xf32, #tpu.memory_space<vmem>>
    %dma_wait3A_2406 = tpu.memref_squeeze %dma_wait3A_2405 : memref<1x8x128xf32, #tpu.memory_space<vmem>> -> memref<8x128xf32, #tpu.memory_space<vmem>>
    %dma_wait3A_2407 = tpu.memref_slice %arg2[%multiple_of3A_856, %multiple_of3A_853] : memref<2048x32512xf32, #tpu.memory_space<hbm>> -> memref<8x128xf32, #tpu.memory_space<hbm>>
    tpu.wait_dma2 semaphore(%arg11 : memref<!tpu.dma_semaphore, #tpu.memory_space<semaphore_mem>>) src(%dma_wait3A_2407 : memref<8x128xf32, #tpu.memory_space<hbm>>) dst(%dma_wait3A_2406 : memref<8x128xf32, #tpu.memory_space<vmem>>)
    %dma_wait3A_2408 = arith.constant 23 : i32
    %dma_wait3A_2409 = arith.constant 0 : i32
    %dma_wait3A_2410 = arith.constant 0 : i32
    %dma_wait3A_2411 = tpu.memref_slice %arg9[%dma_wait3A_2408, %dma_wait3A_2409, %dma_wait3A_2410] : memref<64x8x128xf32, #tpu.memory_space<vmem>> -> memref<1x8x128xf32, #tpu.memory_space<vmem>>
    %dma_wait3A_2412 = tpu.memref_squeeze %dma_wait3A_2411 : memref<1x8x128xf32, #tpu.memory_space<vmem>> -> memref<8x128xf32, #tpu.memory_space<vmem>>
    %dma_wait3A_2413 = tpu.memref_slice %arg2[%multiple_of3A_877, %multiple_of3A_874] : memref<2048x32512xf32, #tpu.memory_space<hbm>> -> memref<8x128xf32, #tpu.memory_space<hbm>>
    %dma_wait3A_2414 = arith.constant 0 : i32
    %dma_wait3A_2415 = arith.constant 0 : i32
    %dma_wait3A_2416 = tpu.memref_slice %arg9[%dma_wait3A_2408, %dma_wait3A_2414, %dma_wait3A_2415] : memref<64x8x128xf32, #tpu.memory_space<vmem>> -> memref<1x8x128xf32, #tpu.memory_space<vmem>>
    %dma_wait3A_2417 = tpu.memref_squeeze %dma_wait3A_2416 : memref<1x8x128xf32, #tpu.memory_space<vmem>> -> memref<8x128xf32, #tpu.memory_space<vmem>>
    %dma_wait3A_2418 = tpu.memref_slice %arg2[%multiple_of3A_877, %multiple_of3A_874] : memref<2048x32512xf32, #tpu.memory_space<hbm>> -> memref<8x128xf32, #tpu.memory_space<hbm>>
    tpu.wait_dma2 semaphore(%arg11 : memref<!tpu.dma_semaphore, #tpu.memory_space<semaphore_mem>>) src(%dma_wait3A_2418 : memref<8x128xf32, #tpu.memory_space<hbm>>) dst(%dma_wait3A_2417 : memref<8x128xf32, #tpu.memory_space<vmem>>)
    %dma_wait3A_2419 = arith.constant 24 : i32
    %dma_wait3A_2420 = arith.constant 0 : i32
    %dma_wait3A_2421 = arith.constant 0 : i32
    %dma_wait3A_2422 = tpu.memref_slice %arg9[%dma_wait3A_2419, %dma_wait3A_2420, %dma_wait3A_2421] : memref<64x8x128xf32, #tpu.memory_space<vmem>> -> memref<1x8x128xf32, #tpu.memory_space<vmem>>
    %dma_wait3A_2423 = tpu.memref_squeeze %dma_wait3A_2422 : memref<1x8x128xf32, #tpu.memory_space<vmem>> -> memref<8x128xf32, #tpu.memory_space<vmem>>
    %dma_wait3A_2424 = tpu.memref_slice %arg2[%multiple_of3A_912, %multiple_of3A_909] : memref<2048x32512xf32, #tpu.memory_space<hbm>> -> memref<8x128xf32, #tpu.memory_space<hbm>>
    %dma_wait3A_2425 = arith.constant 0 : i32
    %dma_wait3A_2426 = arith.constant 0 : i32
    %dma_wait3A_2427 = tpu.memref_slice %arg9[%dma_wait3A_2419, %dma_wait3A_2425, %dma_wait3A_2426] : memref<64x8x128xf32, #tpu.memory_space<vmem>> -> memref<1x8x128xf32, #tpu.memory_space<vmem>>
    %dma_wait3A_2428 = tpu.memref_squeeze %dma_wait3A_2427 : memref<1x8x128xf32, #tpu.memory_space<vmem>> -> memref<8x128xf32, #tpu.memory_space<vmem>>
    %dma_wait3A_2429 = tpu.memref_slice %arg2[%multiple_of3A_912, %multiple_of3A_909] : memref<2048x32512xf32, #tpu.memory_space<hbm>> -> memref<8x128xf32, #tpu.memory_space<hbm>>
    tpu.wait_dma2 semaphore(%arg11 : memref<!tpu.dma_semaphore, #tpu.memory_space<semaphore_mem>>) src(%dma_wait3A_2429 : memref<8x128xf32, #tpu.memory_space<hbm>>) dst(%dma_wait3A_2428 : memref<8x128xf32, #tpu.memory_space<vmem>>)
    %dma_wait3A_2430 = arith.constant 25 : i32
    %dma_wait3A_2431 = arith.constant 0 : i32
    %dma_wait3A_2432 = arith.constant 0 : i32
    %dma_wait3A_2433 = tpu.memref_slice %arg9[%dma_wait3A_2430, %dma_wait3A_2431, %dma_wait3A_2432] : memref<64x8x128xf32, #tpu.memory_space<vmem>> -> memref<1x8x128xf32, #tpu.memory_space<vmem>>
    %dma_wait3A_2434 = tpu.memref_squeeze %dma_wait3A_2433 : memref<1x8x128xf32, #tpu.memory_space<vmem>> -> memref<8x128xf32, #tpu.memory_space<vmem>>
    %dma_wait3A_2435 = tpu.memref_slice %arg2[%multiple_of3A_933, %multiple_of3A_930] : memref<2048x32512xf32, #tpu.memory_space<hbm>> -> memref<8x128xf32, #tpu.memory_space<hbm>>
    %dma_wait3A_2436 = arith.constant 0 : i32
    %dma_wait3A_2437 = arith.constant 0 : i32
    %dma_wait3A_2438 = tpu.memref_slice %arg9[%dma_wait3A_2430, %dma_wait3A_2436, %dma_wait3A_2437] : memref<64x8x128xf32, #tpu.memory_space<vmem>> -> memref<1x8x128xf32, #tpu.memory_space<vmem>>
    %dma_wait3A_2439 = tpu.memref_squeeze %dma_wait3A_2438 : memref<1x8x128xf32, #tpu.memory_space<vmem>> -> memref<8x128xf32, #tpu.memory_space<vmem>>
    %dma_wait3A_2440 = tpu.memref_slice %arg2[%multiple_of3A_933, %multiple_of3A_930] : memref<2048x32512xf32, #tpu.memory_space<hbm>> -> memref<8x128xf32, #tpu.memory_space<hbm>>
    tpu.wait_dma2 semaphore(%arg11 : memref<!tpu.dma_semaphore, #tpu.memory_space<semaphore_mem>>) src(%dma_wait3A_2440 : memref<8x128xf32, #tpu.memory_space<hbm>>) dst(%dma_wait3A_2439 : memref<8x128xf32, #tpu.memory_space<vmem>>)
    %dma_wait3A_2441 = arith.constant 26 : i32
    %dma_wait3A_2442 = arith.constant 0 : i32
    %dma_wait3A_2443 = arith.constant 0 : i32
    %dma_wait3A_2444 = tpu.memref_slice %arg9[%dma_wait3A_2441, %dma_wait3A_2442, %dma_wait3A_2443] : memref<64x8x128xf32, #tpu.memory_space<vmem>> -> memref<1x8x128xf32, #tpu.memory_space<vmem>>
    %dma_wait3A_2445 = tpu.memref_squeeze %dma_wait3A_2444 : memref<1x8x128xf32, #tpu.memory_space<vmem>> -> memref<8x128xf32, #tpu.memory_space<vmem>>
    %dma_wait3A_2446 = tpu.memref_slice %arg2[%multiple_of3A_954, %multiple_of3A_951] : memref<2048x32512xf32, #tpu.memory_space<hbm>> -> memref<8x128xf32, #tpu.memory_space<hbm>>
    %dma_wait3A_2447 = arith.constant 0 : i32
    %dma_wait3A_2448 = arith.constant 0 : i32
    %dma_wait3A_2449 = tpu.memref_slice %arg9[%dma_wait3A_2441, %dma_wait3A_2447, %dma_wait3A_2448] : memref<64x8x128xf32, #tpu.memory_space<vmem>> -> memref<1x8x128xf32, #tpu.memory_space<vmem>>
    %dma_wait3A_2450 = tpu.memref_squeeze %dma_wait3A_2449 : memref<1x8x128xf32, #tpu.memory_space<vmem>> -> memref<8x128xf32, #tpu.memory_space<vmem>>
    %dma_wait3A_2451 = tpu.memref_slice %arg2[%multiple_of3A_954, %multiple_of3A_951] : memref<2048x32512xf32, #tpu.memory_space<hbm>> -> memref<8x128xf32, #tpu.memory_space<hbm>>
    tpu.wait_dma2 semaphore(%arg11 : memref<!tpu.dma_semaphore, #tpu.memory_space<semaphore_mem>>) src(%dma_wait3A_2451 : memref<8x128xf32, #tpu.memory_space<hbm>>) dst(%dma_wait3A_2450 : memref<8x128xf32, #tpu.memory_space<vmem>>)
    %dma_wait3A_2452 = arith.constant 27 : i32
    %dma_wait3A_2453 = arith.constant 0 : i32
    %dma_wait3A_2454 = arith.constant 0 : i32
    %dma_wait3A_2455 = tpu.memref_slice %arg9[%dma_wait3A_2452, %dma_wait3A_2453, %dma_wait3A_2454] : memref<64x8x128xf32, #tpu.memory_space<vmem>> -> memref<1x8x128xf32, #tpu.memory_space<vmem>>
    %dma_wait3A_2456 = tpu.memref_squeeze %dma_wait3A_2455 : memref<1x8x128xf32, #tpu.memory_space<vmem>> -> memref<8x128xf32, #tpu.memory_space<vmem>>
    %dma_wait3A_2457 = tpu.memref_slice %arg2[%multiple_of3A_975, %multiple_of3A_972] : memref<2048x32512xf32, #tpu.memory_space<hbm>> -> memref<8x128xf32, #tpu.memory_space<hbm>>
    %dma_wait3A_2458 = arith.constant 0 : i32
    %dma_wait3A_2459 = arith.constant 0 : i32
    %dma_wait3A_2460 = tpu.memref_slice %arg9[%dma_wait3A_2452, %dma_wait3A_2458, %dma_wait3A_2459] : memref<64x8x128xf32, #tpu.memory_space<vmem>> -> memref<1x8x128xf32, #tpu.memory_space<vmem>>
    %dma_wait3A_2461 = tpu.memref_squeeze %dma_wait3A_2460 : memref<1x8x128xf32, #tpu.memory_space<vmem>> -> memref<8x128xf32, #tpu.memory_space<vmem>>
    %dma_wait3A_2462 = tpu.memref_slice %arg2[%multiple_of3A_975, %multiple_of3A_972] : memref<2048x32512xf32, #tpu.memory_space<hbm>> -> memref<8x128xf32, #tpu.memory_space<hbm>>
    tpu.wait_dma2 semaphore(%arg11 : memref<!tpu.dma_semaphore, #tpu.memory_space<semaphore_mem>>) src(%dma_wait3A_2462 : memref<8x128xf32, #tpu.memory_space<hbm>>) dst(%dma_wait3A_2461 : memref<8x128xf32, #tpu.memory_space<vmem>>)
    %dma_wait3A_2463 = arith.constant 28 : i32
    %dma_wait3A_2464 = arith.constant 0 : i32
    %dma_wait3A_2465 = arith.constant 0 : i32
    %dma_wait3A_2466 = tpu.memref_slice %arg9[%dma_wait3A_2463, %dma_wait3A_2464, %dma_wait3A_2465] : memref<64x8x128xf32, #tpu.memory_space<vmem>> -> memref<1x8x128xf32, #tpu.memory_space<vmem>>
    %dma_wait3A_2467 = tpu.memref_squeeze %dma_wait3A_2466 : memref<1x8x128xf32, #tpu.memory_space<vmem>> -> memref<8x128xf32, #tpu.memory_space<vmem>>
    %dma_wait3A_2468 = tpu.memref_slice %arg2[%multiple_of3A_1010, %multiple_of3A_1007] : memref<2048x32512xf32, #tpu.memory_space<hbm>> -> memref<8x128xf32, #tpu.memory_space<hbm>>
    %dma_wait3A_2469 = arith.constant 0 : i32
    %dma_wait3A_2470 = arith.constant 0 : i32
    %dma_wait3A_2471 = tpu.memref_slice %arg9[%dma_wait3A_2463, %dma_wait3A_2469, %dma_wait3A_2470] : memref<64x8x128xf32, #tpu.memory_space<vmem>> -> memref<1x8x128xf32, #tpu.memory_space<vmem>>
    %dma_wait3A_2472 = tpu.memref_squeeze %dma_wait3A_2471 : memref<1x8x128xf32, #tpu.memory_space<vmem>> -> memref<8x128xf32, #tpu.memory_space<vmem>>
    %dma_wait3A_2473 = tpu.memref_slice %arg2[%multiple_of3A_1010, %multiple_of3A_1007] : memref<2048x32512xf32, #tpu.memory_space<hbm>> -> memref<8x128xf32, #tpu.memory_space<hbm>>
    tpu.wait_dma2 semaphore(%arg11 : memref<!tpu.dma_semaphore, #tpu.memory_space<semaphore_mem>>) src(%dma_wait3A_2473 : memref<8x128xf32, #tpu.memory_space<hbm>>) dst(%dma_wait3A_2472 : memref<8x128xf32, #tpu.memory_space<vmem>>)
    %dma_wait3A_2474 = arith.constant 29 : i32
    %dma_wait3A_2475 = arith.constant 0 : i32
    %dma_wait3A_2476 = arith.constant 0 : i32
    %dma_wait3A_2477 = tpu.memref_slice %arg9[%dma_wait3A_2474, %dma_wait3A_2475, %dma_wait3A_2476] : memref<64x8x128xf32, #tpu.memory_space<vmem>> -> memref<1x8x128xf32, #tpu.memory_space<vmem>>
    %dma_wait3A_2478 = tpu.memref_squeeze %dma_wait3A_2477 : memref<1x8x128xf32, #tpu.memory_space<vmem>> -> memref<8x128xf32, #tpu.memory_space<vmem>>
    %dma_wait3A_2479 = tpu.memref_slice %arg2[%multiple_of3A_1031, %multiple_of3A_1028] : memref<2048x32512xf32, #tpu.memory_space<hbm>> -> memref<8x128xf32, #tpu.memory_space<hbm>>
    %dma_wait3A_2480 = arith.constant 0 : i32
    %dma_wait3A_2481 = arith.constant 0 : i32
    %dma_wait3A_2482 = tpu.memref_slice %arg9[%dma_wait3A_2474, %dma_wait3A_2480, %dma_wait3A_2481] : memref<64x8x128xf32, #tpu.memory_space<vmem>> -> memref<1x8x128xf32, #tpu.memory_space<vmem>>
    %dma_wait3A_2483 = tpu.memref_squeeze %dma_wait3A_2482 : memref<1x8x128xf32, #tpu.memory_space<vmem>> -> memref<8x128xf32, #tpu.memory_space<vmem>>
    %dma_wait3A_2484 = tpu.memref_slice %arg2[%multiple_of3A_1031, %multiple_of3A_1028] : memref<2048x32512xf32, #tpu.memory_space<hbm>> -> memref<8x128xf32, #tpu.memory_space<hbm>>
    tpu.wait_dma2 semaphore(%arg11 : memref<!tpu.dma_semaphore, #tpu.memory_space<semaphore_mem>>) src(%dma_wait3A_2484 : memref<8x128xf32, #tpu.memory_space<hbm>>) dst(%dma_wait3A_2483 : memref<8x128xf32, #tpu.memory_space<vmem>>)
    %dma_wait3A_2485 = arith.constant 30 : i32
    %dma_wait3A_2486 = arith.constant 0 : i32
    %dma_wait3A_2487 = arith.constant 0 : i32
    %dma_wait3A_2488 = tpu.memref_slice %arg9[%dma_wait3A_2485, %dma_wait3A_2486, %dma_wait3A_2487] : memref<64x8x128xf32, #tpu.memory_space<vmem>> -> memref<1x8x128xf32, #tpu.memory_space<vmem>>
    %dma_wait3A_2489 = tpu.memref_squeeze %dma_wait3A_2488 : memref<1x8x128xf32, #tpu.memory_space<vmem>> -> memref<8x128xf32, #tpu.memory_space<vmem>>
    %dma_wait3A_2490 = tpu.memref_slice %arg2[%multiple_of3A_1052, %multiple_of3A_1049] : memref<2048x32512xf32, #tpu.memory_space<hbm>> -> memref<8x128xf32, #tpu.memory_space<hbm>>
    %dma_wait3A_2491 = arith.constant 0 : i32
    %dma_wait3A_2492 = arith.constant 0 : i32
    %dma_wait3A_2493 = tpu.memref_slice %arg9[%dma_wait3A_2485, %dma_wait3A_2491, %dma_wait3A_2492] : memref<64x8x128xf32, #tpu.memory_space<vmem>> -> memref<1x8x128xf32, #tpu.memory_space<vmem>>
    %dma_wait3A_2494 = tpu.memref_squeeze %dma_wait3A_2493 : memref<1x8x128xf32, #tpu.memory_space<vmem>> -> memref<8x128xf32, #tpu.memory_space<vmem>>
    %dma_wait3A_2495 = tpu.memref_slice %arg2[%multiple_of3A_1052, %multiple_of3A_1049] : memref<2048x32512xf32, #tpu.memory_space<hbm>> -> memref<8x128xf32, #tpu.memory_space<hbm>>
    tpu.wait_dma2 semaphore(%arg11 : memref<!tpu.dma_semaphore, #tpu.memory_space<semaphore_mem>>) src(%dma_wait3A_2495 : memref<8x128xf32, #tpu.memory_space<hbm>>) dst(%dma_wait3A_2494 : memref<8x128xf32, #tpu.memory_space<vmem>>)
    %dma_wait3A_2496 = arith.constant 31 : i32
    %dma_wait3A_2497 = arith.constant 0 : i32
    %dma_wait3A_2498 = arith.constant 0 : i32
    %dma_wait3A_2499 = tpu.memref_slice %arg9[%dma_wait3A_2496, %dma_wait3A_2497, %dma_wait3A_2498] : memref<64x8x128xf32, #tpu.memory_space<vmem>> -> memref<1x8x128xf32, #tpu.memory_space<vmem>>
    %dma_wait3A_2500 = tpu.memref_squeeze %dma_wait3A_2499 : memref<1x8x128xf32, #tpu.memory_space<vmem>> -> memref<8x128xf32, #tpu.memory_space<vmem>>
    %dma_wait3A_2501 = tpu.memref_slice %arg2[%multiple_of3A_1073, %multiple_of3A_1070] : memref<2048x32512xf32, #tpu.memory_space<hbm>> -> memref<8x128xf32, #tpu.memory_space<hbm>>
    %dma_wait3A_2502 = arith.constant 0 : i32
    %dma_wait3A_2503 = arith.constant 0 : i32
    %dma_wait3A_2504 = tpu.memref_slice %arg9[%dma_wait3A_2496, %dma_wait3A_2502, %dma_wait3A_2503] : memref<64x8x128xf32, #tpu.memory_space<vmem>> -> memref<1x8x128xf32, #tpu.memory_space<vmem>>
    %dma_wait3A_2505 = tpu.memref_squeeze %dma_wait3A_2504 : memref<1x8x128xf32, #tpu.memory_space<vmem>> -> memref<8x128xf32, #tpu.memory_space<vmem>>
    %dma_wait3A_2506 = tpu.memref_slice %arg2[%multiple_of3A_1073, %multiple_of3A_1070] : memref<2048x32512xf32, #tpu.memory_space<hbm>> -> memref<8x128xf32, #tpu.memory_space<hbm>>
    tpu.wait_dma2 semaphore(%arg11 : memref<!tpu.dma_semaphore, #tpu.memory_space<semaphore_mem>>) src(%dma_wait3A_2506 : memref<8x128xf32, #tpu.memory_space<hbm>>) dst(%dma_wait3A_2505 : memref<8x128xf32, #tpu.memory_space<vmem>>)
    %dma_wait3A_2507 = arith.constant 32 : i32
    %dma_wait3A_2508 = arith.constant 0 : i32
    %dma_wait3A_2509 = arith.constant 0 : i32
    %dma_wait3A_2510 = tpu.memref_slice %arg9[%dma_wait3A_2507, %dma_wait3A_2508, %dma_wait3A_2509] : memref<64x8x128xf32, #tpu.memory_space<vmem>> -> memref<1x8x128xf32, #tpu.memory_space<vmem>>
    %dma_wait3A_2511 = tpu.memref_squeeze %dma_wait3A_2510 : memref<1x8x128xf32, #tpu.memory_space<vmem>> -> memref<8x128xf32, #tpu.memory_space<vmem>>
    %dma_wait3A_2512 = tpu.memref_slice %arg2[%multiple_of3A_1198, %multiple_of3A_1195] : memref<2048x32512xf32, #tpu.memory_space<hbm>> -> memref<8x128xf32, #tpu.memory_space<hbm>>
    %dma_wait3A_2513 = arith.constant 0 : i32
    %dma_wait3A_2514 = arith.constant 0 : i32
    %dma_wait3A_2515 = tpu.memref_slice %arg9[%dma_wait3A_2507, %dma_wait3A_2513, %dma_wait3A_2514] : memref<64x8x128xf32, #tpu.memory_space<vmem>> -> memref<1x8x128xf32, #tpu.memory_space<vmem>>
    %dma_wait3A_2516 = tpu.memref_squeeze %dma_wait3A_2515 : memref<1x8x128xf32, #tpu.memory_space<vmem>> -> memref<8x128xf32, #tpu.memory_space<vmem>>
    %dma_wait3A_2517 = tpu.memref_slice %arg2[%multiple_of3A_1198, %multiple_of3A_1195] : memref<2048x32512xf32, #tpu.memory_space<hbm>> -> memref<8x128xf32, #tpu.memory_space<hbm>>
    tpu.wait_dma2 semaphore(%arg11 : memref<!tpu.dma_semaphore, #tpu.memory_space<semaphore_mem>>) src(%dma_wait3A_2517 : memref<8x128xf32, #tpu.memory_space<hbm>>) dst(%dma_wait3A_2516 : memref<8x128xf32, #tpu.memory_space<vmem>>)
    %dma_wait3A_2518 = arith.constant 33 : i32
    %dma_wait3A_2519 = arith.constant 0 : i32
    %dma_wait3A_2520 = arith.constant 0 : i32
    %dma_wait3A_2521 = tpu.memref_slice %arg9[%dma_wait3A_2518, %dma_wait3A_2519, %dma_wait3A_2520] : memref<64x8x128xf32, #tpu.memory_space<vmem>> -> memref<1x8x128xf32, #tpu.memory_space<vmem>>
    %dma_wait3A_2522 = tpu.memref_squeeze %dma_wait3A_2521 : memref<1x8x128xf32, #tpu.memory_space<vmem>> -> memref<8x128xf32, #tpu.memory_space<vmem>>
    %dma_wait3A_2523 = tpu.memref_slice %arg2[%multiple_of3A_1219, %multiple_of3A_1216] : memref<2048x32512xf32, #tpu.memory_space<hbm>> -> memref<8x128xf32, #tpu.memory_space<hbm>>
    %dma_wait3A_2524 = arith.constant 0 : i32
    %dma_wait3A_2525 = arith.constant 0 : i32
    %dma_wait3A_2526 = tpu.memref_slice %arg9[%dma_wait3A_2518, %dma_wait3A_2524, %dma_wait3A_2525] : memref<64x8x128xf32, #tpu.memory_space<vmem>> -> memref<1x8x128xf32, #tpu.memory_space<vmem>>
    %dma_wait3A_2527 = tpu.memref_squeeze %dma_wait3A_2526 : memref<1x8x128xf32, #tpu.memory_space<vmem>> -> memref<8x128xf32, #tpu.memory_space<vmem>>
    %dma_wait3A_2528 = tpu.memref_slice %arg2[%multiple_of3A_1219, %multiple_of3A_1216] : memref<2048x32512xf32, #tpu.memory_space<hbm>> -> memref<8x128xf32, #tpu.memory_space<hbm>>
    tpu.wait_dma2 semaphore(%arg11 : memref<!tpu.dma_semaphore, #tpu.memory_space<semaphore_mem>>) src(%dma_wait3A_2528 : memref<8x128xf32, #tpu.memory_space<hbm>>) dst(%dma_wait3A_2527 : memref<8x128xf32, #tpu.memory_space<vmem>>)
    %dma_wait3A_2529 = arith.constant 34 : i32
    %dma_wait3A_2530 = arith.constant 0 : i32
    %dma_wait3A_2531 = arith.constant 0 : i32
    %dma_wait3A_2532 = tpu.memref_slice %arg9[%dma_wait3A_2529, %dma_wait3A_2530, %dma_wait3A_2531] : memref<64x8x128xf32, #tpu.memory_space<vmem>> -> memref<1x8x128xf32, #tpu.memory_space<vmem>>
    %dma_wait3A_2533 = tpu.memref_squeeze %dma_wait3A_2532 : memref<1x8x128xf32, #tpu.memory_space<vmem>> -> memref<8x128xf32, #tpu.memory_space<vmem>>
    %dma_wait3A_2534 = tpu.memref_slice %arg2[%multiple_of3A_1240, %multiple_of3A_1237] : memref<2048x32512xf32, #tpu.memory_space<hbm>> -> memref<8x128xf32, #tpu.memory_space<hbm>>
    %dma_wait3A_2535 = arith.constant 0 : i32
    %dma_wait3A_2536 = arith.constant 0 : i32
    %dma_wait3A_2537 = tpu.memref_slice %arg9[%dma_wait3A_2529, %dma_wait3A_2535, %dma_wait3A_2536] : memref<64x8x128xf32, #tpu.memory_space<vmem>> -> memref<1x8x128xf32, #tpu.memory_space<vmem>>
    %dma_wait3A_2538 = tpu.memref_squeeze %dma_wait3A_2537 : memref<1x8x128xf32, #tpu.memory_space<vmem>> -> memref<8x128xf32, #tpu.memory_space<vmem>>
    %dma_wait3A_2539 = tpu.memref_slice %arg2[%multiple_of3A_1240, %multiple_of3A_1237] : memref<2048x32512xf32, #tpu.memory_space<hbm>> -> memref<8x128xf32, #tpu.memory_space<hbm>>
    tpu.wait_dma2 semaphore(%arg11 : memref<!tpu.dma_semaphore, #tpu.memory_space<semaphore_mem>>) src(%dma_wait3A_2539 : memref<8x128xf32, #tpu.memory_space<hbm>>) dst(%dma_wait3A_2538 : memref<8x128xf32, #tpu.memory_space<vmem>>)
    %dma_wait3A_2540 = arith.constant 35 : i32
    %dma_wait3A_2541 = arith.constant 0 : i32
    %dma_wait3A_2542 = arith.constant 0 : i32
    %dma_wait3A_2543 = tpu.memref_slice %arg9[%dma_wait3A_2540, %dma_wait3A_2541, %dma_wait3A_2542] : memref<64x8x128xf32, #tpu.memory_space<vmem>> -> memref<1x8x128xf32, #tpu.memory_space<vmem>>
    %dma_wait3A_2544 = tpu.memref_squeeze %dma_wait3A_2543 : memref<1x8x128xf32, #tpu.memory_space<vmem>> -> memref<8x128xf32, #tpu.memory_space<vmem>>
    %dma_wait3A_2545 = tpu.memref_slice %arg2[%multiple_of3A_1261, %multiple_of3A_1258] : memref<2048x32512xf32, #tpu.memory_space<hbm>> -> memref<8x128xf32, #tpu.memory_space<hbm>>
    %dma_wait3A_2546 = arith.constant 0 : i32
    %dma_wait3A_2547 = arith.constant 0 : i32
    %dma_wait3A_2548 = tpu.memref_slice %arg9[%dma_wait3A_2540, %dma_wait3A_2546, %dma_wait3A_2547] : memref<64x8x128xf32, #tpu.memory_space<vmem>> -> memref<1x8x128xf32, #tpu.memory_space<vmem>>
    %dma_wait3A_2549 = tpu.memref_squeeze %dma_wait3A_2548 : memref<1x8x128xf32, #tpu.memory_space<vmem>> -> memref<8x128xf32, #tpu.memory_space<vmem>>
    %dma_wait3A_2550 = tpu.memref_slice %arg2[%multiple_of3A_1261, %multiple_of3A_1258] : memref<2048x32512xf32, #tpu.memory_space<hbm>> -> memref<8x128xf32, #tpu.memory_space<hbm>>
    tpu.wait_dma2 semaphore(%arg11 : memref<!tpu.dma_semaphore, #tpu.memory_space<semaphore_mem>>) src(%dma_wait3A_2550 : memref<8x128xf32, #tpu.memory_space<hbm>>) dst(%dma_wait3A_2549 : memref<8x128xf32, #tpu.memory_space<vmem>>)
    %dma_wait3A_2551 = arith.constant 36 : i32
    %dma_wait3A_2552 = arith.constant 0 : i32
    %dma_wait3A_2553 = arith.constant 0 : i32
    %dma_wait3A_2554 = tpu.memref_slice %arg9[%dma_wait3A_2551, %dma_wait3A_2552, %dma_wait3A_2553] : memref<64x8x128xf32, #tpu.memory_space<vmem>> -> memref<1x8x128xf32, #tpu.memory_space<vmem>>
    %dma_wait3A_2555 = tpu.memref_squeeze %dma_wait3A_2554 : memref<1x8x128xf32, #tpu.memory_space<vmem>> -> memref<8x128xf32, #tpu.memory_space<vmem>>
    %dma_wait3A_2556 = tpu.memref_slice %arg2[%multiple_of3A_1296, %multiple_of3A_1293] : memref<2048x32512xf32, #tpu.memory_space<hbm>> -> memref<8x128xf32, #tpu.memory_space<hbm>>
    %dma_wait3A_2557 = arith.constant 0 : i32
    %dma_wait3A_2558 = arith.constant 0 : i32
    %dma_wait3A_2559 = tpu.memref_slice %arg9[%dma_wait3A_2551, %dma_wait3A_2557, %dma_wait3A_2558] : memref<64x8x128xf32, #tpu.memory_space<vmem>> -> memref<1x8x128xf32, #tpu.memory_space<vmem>>
    %dma_wait3A_2560 = tpu.memref_squeeze %dma_wait3A_2559 : memref<1x8x128xf32, #tpu.memory_space<vmem>> -> memref<8x128xf32, #tpu.memory_space<vmem>>
    %dma_wait3A_2561 = tpu.memref_slice %arg2[%multiple_of3A_1296, %multiple_of3A_1293] : memref<2048x32512xf32, #tpu.memory_space<hbm>> -> memref<8x128xf32, #tpu.memory_space<hbm>>
    tpu.wait_dma2 semaphore(%arg11 : memref<!tpu.dma_semaphore, #tpu.memory_space<semaphore_mem>>) src(%dma_wait3A_2561 : memref<8x128xf32, #tpu.memory_space<hbm>>) dst(%dma_wait3A_2560 : memref<8x128xf32, #tpu.memory_space<vmem>>)
    %dma_wait3A_2562 = arith.constant 37 : i32
    %dma_wait3A_2563 = arith.constant 0 : i32
    %dma_wait3A_2564 = arith.constant 0 : i32
    %dma_wait3A_2565 = tpu.memref_slice %arg9[%dma_wait3A_2562, %dma_wait3A_2563, %dma_wait3A_2564] : memref<64x8x128xf32, #tpu.memory_space<vmem>> -> memref<1x8x128xf32, #tpu.memory_space<vmem>>
    %dma_wait3A_2566 = tpu.memref_squeeze %dma_wait3A_2565 : memref<1x8x128xf32, #tpu.memory_space<vmem>> -> memref<8x128xf32, #tpu.memory_space<vmem>>
    %dma_wait3A_2567 = tpu.memref_slice %arg2[%multiple_of3A_1317, %multiple_of3A_1314] : memref<2048x32512xf32, #tpu.memory_space<hbm>> -> memref<8x128xf32, #tpu.memory_space<hbm>>
    %dma_wait3A_2568 = arith.constant 0 : i32
    %dma_wait3A_2569 = arith.constant 0 : i32
    %dma_wait3A_2570 = tpu.memref_slice %arg9[%dma_wait3A_2562, %dma_wait3A_2568, %dma_wait3A_2569] : memref<64x8x128xf32, #tpu.memory_space<vmem>> -> memref<1x8x128xf32, #tpu.memory_space<vmem>>
    %dma_wait3A_2571 = tpu.memref_squeeze %dma_wait3A_2570 : memref<1x8x128xf32, #tpu.memory_space<vmem>> -> memref<8x128xf32, #tpu.memory_space<vmem>>
    %dma_wait3A_2572 = tpu.memref_slice %arg2[%multiple_of3A_1317, %multiple_of3A_1314] : memref<2048x32512xf32, #tpu.memory_space<hbm>> -> memref<8x128xf32, #tpu.memory_space<hbm>>
    tpu.wait_dma2 semaphore(%arg11 : memref<!tpu.dma_semaphore, #tpu.memory_space<semaphore_mem>>) src(%dma_wait3A_2572 : memref<8x128xf32, #tpu.memory_space<hbm>>) dst(%dma_wait3A_2571 : memref<8x128xf32, #tpu.memory_space<vmem>>)
    %dma_wait3A_2573 = arith.constant 38 : i32
    %dma_wait3A_2574 = arith.constant 0 : i32
    %dma_wait3A_2575 = arith.constant 0 : i32
    %dma_wait3A_2576 = tpu.memref_slice %arg9[%dma_wait3A_2573, %dma_wait3A_2574, %dma_wait3A_2575] : memref<64x8x128xf32, #tpu.memory_space<vmem>> -> memref<1x8x128xf32, #tpu.memory_space<vmem>>
    %dma_wait3A_2577 = tpu.memref_squeeze %dma_wait3A_2576 : memref<1x8x128xf32, #tpu.memory_space<vmem>> -> memref<8x128xf32, #tpu.memory_space<vmem>>
    %dma_wait3A_2578 = tpu.memref_slice %arg2[%multiple_of3A_1338, %multiple_of3A_1335] : memref<2048x32512xf32, #tpu.memory_space<hbm>> -> memref<8x128xf32, #tpu.memory_space<hbm>>
    %dma_wait3A_2579 = arith.constant 0 : i32
    %dma_wait3A_2580 = arith.constant 0 : i32
    %dma_wait3A_2581 = tpu.memref_slice %arg9[%dma_wait3A_2573, %dma_wait3A_2579, %dma_wait3A_2580] : memref<64x8x128xf32, #tpu.memory_space<vmem>> -> memref<1x8x128xf32, #tpu.memory_space<vmem>>
    %dma_wait3A_2582 = tpu.memref_squeeze %dma_wait3A_2581 : memref<1x8x128xf32, #tpu.memory_space<vmem>> -> memref<8x128xf32, #tpu.memory_space<vmem>>
    %dma_wait3A_2583 = tpu.memref_slice %arg2[%multiple_of3A_1338, %multiple_of3A_1335] : memref<2048x32512xf32, #tpu.memory_space<hbm>> -> memref<8x128xf32, #tpu.memory_space<hbm>>
    tpu.wait_dma2 semaphore(%arg11 : memref<!tpu.dma_semaphore, #tpu.memory_space<semaphore_mem>>) src(%dma_wait3A_2583 : memref<8x128xf32, #tpu.memory_space<hbm>>) dst(%dma_wait3A_2582 : memref<8x128xf32, #tpu.memory_space<vmem>>)
    %dma_wait3A_2584 = arith.constant 39 : i32
    %dma_wait3A_2585 = arith.constant 0 : i32
    %dma_wait3A_2586 = arith.constant 0 : i32
    %dma_wait3A_2587 = tpu.memref_slice %arg9[%dma_wait3A_2584, %dma_wait3A_2585, %dma_wait3A_2586] : memref<64x8x128xf32, #tpu.memory_space<vmem>> -> memref<1x8x128xf32, #tpu.memory_space<vmem>>
    %dma_wait3A_2588 = tpu.memref_squeeze %dma_wait3A_2587 : memref<1x8x128xf32, #tpu.memory_space<vmem>> -> memref<8x128xf32, #tpu.memory_space<vmem>>
    %dma_wait3A_2589 = tpu.memref_slice %arg2[%multiple_of3A_1359, %multiple_of3A_1356] : memref<2048x32512xf32, #tpu.memory_space<hbm>> -> memref<8x128xf32, #tpu.memory_space<hbm>>
    %dma_wait3A_2590 = arith.constant 0 : i32
    %dma_wait3A_2591 = arith.constant 0 : i32
    %dma_wait3A_2592 = tpu.memref_slice %arg9[%dma_wait3A_2584, %dma_wait3A_2590, %dma_wait3A_2591] : memref<64x8x128xf32, #tpu.memory_space<vmem>> -> memref<1x8x128xf32, #tpu.memory_space<vmem>>
    %dma_wait3A_2593 = tpu.memref_squeeze %dma_wait3A_2592 : memref<1x8x128xf32, #tpu.memory_space<vmem>> -> memref<8x128xf32, #tpu.memory_space<vmem>>
    %dma_wait3A_2594 = tpu.memref_slice %arg2[%multiple_of3A_1359, %multiple_of3A_1356] : memref<2048x32512xf32, #tpu.memory_space<hbm>> -> memref<8x128xf32, #tpu.memory_space<hbm>>
    tpu.wait_dma2 semaphore(%arg11 : memref<!tpu.dma_semaphore, #tpu.memory_space<semaphore_mem>>) src(%dma_wait3A_2594 : memref<8x128xf32, #tpu.memory_space<hbm>>) dst(%dma_wait3A_2593 : memref<8x128xf32, #tpu.memory_space<vmem>>)
    %dma_wait3A_2595 = arith.constant 40 : i32
    %dma_wait3A_2596 = arith.constant 0 : i32
    %dma_wait3A_2597 = arith.constant 0 : i32
    %dma_wait3A_2598 = tpu.memref_slice %arg9[%dma_wait3A_2595, %dma_wait3A_2596, %dma_wait3A_2597] : memref<64x8x128xf32, #tpu.memory_space<vmem>> -> memref<1x8x128xf32, #tpu.memory_space<vmem>>
    %dma_wait3A_2599 = tpu.memref_squeeze %dma_wait3A_2598 : memref<1x8x128xf32, #tpu.memory_space<vmem>> -> memref<8x128xf32, #tpu.memory_space<vmem>>
    %dma_wait3A_2600 = tpu.memref_slice %arg2[%multiple_of3A_1394, %multiple_of3A_1391] : memref<2048x32512xf32, #tpu.memory_space<hbm>> -> memref<8x128xf32, #tpu.memory_space<hbm>>
    %dma_wait3A_2601 = arith.constant 0 : i32
    %dma_wait3A_2602 = arith.constant 0 : i32
    %dma_wait3A_2603 = tpu.memref_slice %arg9[%dma_wait3A_2595, %dma_wait3A_2601, %dma_wait3A_2602] : memref<64x8x128xf32, #tpu.memory_space<vmem>> -> memref<1x8x128xf32, #tpu.memory_space<vmem>>
    %dma_wait3A_2604 = tpu.memref_squeeze %dma_wait3A_2603 : memref<1x8x128xf32, #tpu.memory_space<vmem>> -> memref<8x128xf32, #tpu.memory_space<vmem>>
    %dma_wait3A_2605 = tpu.memref_slice %arg2[%multiple_of3A_1394, %multiple_of3A_1391] : memref<2048x32512xf32, #tpu.memory_space<hbm>> -> memref<8x128xf32, #tpu.memory_space<hbm>>
    tpu.wait_dma2 semaphore(%arg11 : memref<!tpu.dma_semaphore, #tpu.memory_space<semaphore_mem>>) src(%dma_wait3A_2605 : memref<8x128xf32, #tpu.memory_space<hbm>>) dst(%dma_wait3A_2604 : memref<8x128xf32, #tpu.memory_space<vmem>>)
    %dma_wait3A_2606 = arith.constant 41 : i32
    %dma_wait3A_2607 = arith.constant 0 : i32
    %dma_wait3A_2608 = arith.constant 0 : i32
    %dma_wait3A_2609 = tpu.memref_slice %arg9[%dma_wait3A_2606, %dma_wait3A_2607, %dma_wait3A_2608] : memref<64x8x128xf32, #tpu.memory_space<vmem>> -> memref<1x8x128xf32, #tpu.memory_space<vmem>>
    %dma_wait3A_2610 = tpu.memref_squeeze %dma_wait3A_2609 : memref<1x8x128xf32, #tpu.memory_space<vmem>> -> memref<8x128xf32, #tpu.memory_space<vmem>>
    %dma_wait3A_2611 = tpu.memref_slice %arg2[%multiple_of3A_1415, %multiple_of3A_1412] : memref<2048x32512xf32, #tpu.memory_space<hbm>> -> memref<8x128xf32, #tpu.memory_space<hbm>>
    %dma_wait3A_2612 = arith.constant 0 : i32
    %dma_wait3A_2613 = arith.constant 0 : i32
    %dma_wait3A_2614 = tpu.memref_slice %arg9[%dma_wait3A_2606, %dma_wait3A_2612, %dma_wait3A_2613] : memref<64x8x128xf32, #tpu.memory_space<vmem>> -> memref<1x8x128xf32, #tpu.memory_space<vmem>>
    %dma_wait3A_2615 = tpu.memref_squeeze %dma_wait3A_2614 : memref<1x8x128xf32, #tpu.memory_space<vmem>> -> memref<8x128xf32, #tpu.memory_space<vmem>>
    %dma_wait3A_2616 = tpu.memref_slice %arg2[%multiple_of3A_1415, %multiple_of3A_1412] : memref<2048x32512xf32, #tpu.memory_space<hbm>> -> memref<8x128xf32, #tpu.memory_space<hbm>>
    tpu.wait_dma2 semaphore(%arg11 : memref<!tpu.dma_semaphore, #tpu.memory_space<semaphore_mem>>) src(%dma_wait3A_2616 : memref<8x128xf32, #tpu.memory_space<hbm>>) dst(%dma_wait3A_2615 : memref<8x128xf32, #tpu.memory_space<vmem>>)
    %dma_wait3A_2617 = arith.constant 42 : i32
    %dma_wait3A_2618 = arith.constant 0 : i32
    %dma_wait3A_2619 = arith.constant 0 : i32
    %dma_wait3A_2620 = tpu.memref_slice %arg9[%dma_wait3A_2617, %dma_wait3A_2618, %dma_wait3A_2619] : memref<64x8x128xf32, #tpu.memory_space<vmem>> -> memref<1x8x128xf32, #tpu.memory_space<vmem>>
    %dma_wait3A_2621 = tpu.memref_squeeze %dma_wait3A_2620 : memref<1x8x128xf32, #tpu.memory_space<vmem>> -> memref<8x128xf32, #tpu.memory_space<vmem>>
    %dma_wait3A_2622 = tpu.memref_slice %arg2[%multiple_of3A_1436, %multiple_of3A_1433] : memref<2048x32512xf32, #tpu.memory_space<hbm>> -> memref<8x128xf32, #tpu.memory_space<hbm>>
    %dma_wait3A_2623 = arith.constant 0 : i32
    %dma_wait3A_2624 = arith.constant 0 : i32
    %dma_wait3A_2625 = tpu.memref_slice %arg9[%dma_wait3A_2617, %dma_wait3A_2623, %dma_wait3A_2624] : memref<64x8x128xf32, #tpu.memory_space<vmem>> -> memref<1x8x128xf32, #tpu.memory_space<vmem>>
    %dma_wait3A_2626 = tpu.memref_squeeze %dma_wait3A_2625 : memref<1x8x128xf32, #tpu.memory_space<vmem>> -> memref<8x128xf32, #tpu.memory_space<vmem>>
    %dma_wait3A_2627 = tpu.memref_slice %arg2[%multiple_of3A_1436, %multiple_of3A_1433] : memref<2048x32512xf32, #tpu.memory_space<hbm>> -> memref<8x128xf32, #tpu.memory_space<hbm>>
    tpu.wait_dma2 semaphore(%arg11 : memref<!tpu.dma_semaphore, #tpu.memory_space<semaphore_mem>>) src(%dma_wait3A_2627 : memref<8x128xf32, #tpu.memory_space<hbm>>) dst(%dma_wait3A_2626 : memref<8x128xf32, #tpu.memory_space<vmem>>)
    %dma_wait3A_2628 = arith.constant 43 : i32
    %dma_wait3A_2629 = arith.constant 0 : i32
    %dma_wait3A_2630 = arith.constant 0 : i32
    %dma_wait3A_2631 = tpu.memref_slice %arg9[%dma_wait3A_2628, %dma_wait3A_2629, %dma_wait3A_2630] : memref<64x8x128xf32, #tpu.memory_space<vmem>> -> memref<1x8x128xf32, #tpu.memory_space<vmem>>
    %dma_wait3A_2632 = tpu.memref_squeeze %dma_wait3A_2631 : memref<1x8x128xf32, #tpu.memory_space<vmem>> -> memref<8x128xf32, #tpu.memory_space<vmem>>
    %dma_wait3A_2633 = tpu.memref_slice %arg2[%multiple_of3A_1457, %multiple_of3A_1454] : memref<2048x32512xf32, #tpu.memory_space<hbm>> -> memref<8x128xf32, #tpu.memory_space<hbm>>
    %dma_wait3A_2634 = arith.constant 0 : i32
    %dma_wait3A_2635 = arith.constant 0 : i32
    %dma_wait3A_2636 = tpu.memref_slice %arg9[%dma_wait3A_2628, %dma_wait3A_2634, %dma_wait3A_2635] : memref<64x8x128xf32, #tpu.memory_space<vmem>> -> memref<1x8x128xf32, #tpu.memory_space<vmem>>
    %dma_wait3A_2637 = tpu.memref_squeeze %dma_wait3A_2636 : memref<1x8x128xf32, #tpu.memory_space<vmem>> -> memref<8x128xf32, #tpu.memory_space<vmem>>
    %dma_wait3A_2638 = tpu.memref_slice %arg2[%multiple_of3A_1457, %multiple_of3A_1454] : memref<2048x32512xf32, #tpu.memory_space<hbm>> -> memref<8x128xf32, #tpu.memory_space<hbm>>
    tpu.wait_dma2 semaphore(%arg11 : memref<!tpu.dma_semaphore, #tpu.memory_space<semaphore_mem>>) src(%dma_wait3A_2638 : memref<8x128xf32, #tpu.memory_space<hbm>>) dst(%dma_wait3A_2637 : memref<8x128xf32, #tpu.memory_space<vmem>>)
    %dma_wait3A_2639 = arith.constant 44 : i32
    %dma_wait3A_2640 = arith.constant 0 : i32
    %dma_wait3A_2641 = arith.constant 0 : i32
    %dma_wait3A_2642 = tpu.memref_slice %arg9[%dma_wait3A_2639, %dma_wait3A_2640, %dma_wait3A_2641] : memref<64x8x128xf32, #tpu.memory_space<vmem>> -> memref<1x8x128xf32, #tpu.memory_space<vmem>>
    %dma_wait3A_2643 = tpu.memref_squeeze %dma_wait3A_2642 : memref<1x8x128xf32, #tpu.memory_space<vmem>> -> memref<8x128xf32, #tpu.memory_space<vmem>>
    %dma_wait3A_2644 = tpu.memref_slice %arg2[%multiple_of3A_1492, %multiple_of3A_1489] : memref<2048x32512xf32, #tpu.memory_space<hbm>> -> memref<8x128xf32, #tpu.memory_space<hbm>>
    %dma_wait3A_2645 = arith.constant 0 : i32
    %dma_wait3A_2646 = arith.constant 0 : i32
    %dma_wait3A_2647 = tpu.memref_slice %arg9[%dma_wait3A_2639, %dma_wait3A_2645, %dma_wait3A_2646] : memref<64x8x128xf32, #tpu.memory_space<vmem>> -> memref<1x8x128xf32, #tpu.memory_space<vmem>>
    %dma_wait3A_2648 = tpu.memref_squeeze %dma_wait3A_2647 : memref<1x8x128xf32, #tpu.memory_space<vmem>> -> memref<8x128xf32, #tpu.memory_space<vmem>>
    %dma_wait3A_2649 = tpu.memref_slice %arg2[%multiple_of3A_1492, %multiple_of3A_1489] : memref<2048x32512xf32, #tpu.memory_space<hbm>> -> memref<8x128xf32, #tpu.memory_space<hbm>>
    tpu.wait_dma2 semaphore(%arg11 : memref<!tpu.dma_semaphore, #tpu.memory_space<semaphore_mem>>) src(%dma_wait3A_2649 : memref<8x128xf32, #tpu.memory_space<hbm>>) dst(%dma_wait3A_2648 : memref<8x128xf32, #tpu.memory_space<vmem>>)
    %dma_wait3A_2650 = arith.constant 45 : i32
    %dma_wait3A_2651 = arith.constant 0 : i32
    %dma_wait3A_2652 = arith.constant 0 : i32
    %dma_wait3A_2653 = tpu.memref_slice %arg9[%dma_wait3A_2650, %dma_wait3A_2651, %dma_wait3A_2652] : memref<64x8x128xf32, #tpu.memory_space<vmem>> -> memref<1x8x128xf32, #tpu.memory_space<vmem>>
    %dma_wait3A_2654 = tpu.memref_squeeze %dma_wait3A_2653 : memref<1x8x128xf32, #tpu.memory_space<vmem>> -> memref<8x128xf32, #tpu.memory_space<vmem>>
    %dma_wait3A_2655 = tpu.memref_slice %arg2[%multiple_of3A_1513, %multiple_of3A_1510] : memref<2048x32512xf32, #tpu.memory_space<hbm>> -> memref<8x128xf32, #tpu.memory_space<hbm>>
    %dma_wait3A_2656 = arith.constant 0 : i32
    %dma_wait3A_2657 = arith.constant 0 : i32
    %dma_wait3A_2658 = tpu.memref_slice %arg9[%dma_wait3A_2650, %dma_wait3A_2656, %dma_wait3A_2657] : memref<64x8x128xf32, #tpu.memory_space<vmem>> -> memref<1x8x128xf32, #tpu.memory_space<vmem>>
    %dma_wait3A_2659 = tpu.memref_squeeze %dma_wait3A_2658 : memref<1x8x128xf32, #tpu.memory_space<vmem>> -> memref<8x128xf32, #tpu.memory_space<vmem>>
    %dma_wait3A_2660 = tpu.memref_slice %arg2[%multiple_of3A_1513, %multiple_of3A_1510] : memref<2048x32512xf32, #tpu.memory_space<hbm>> -> memref<8x128xf32, #tpu.memory_space<hbm>>
    tpu.wait_dma2 semaphore(%arg11 : memref<!tpu.dma_semaphore, #tpu.memory_space<semaphore_mem>>) src(%dma_wait3A_2660 : memref<8x128xf32, #tpu.memory_space<hbm>>) dst(%dma_wait3A_2659 : memref<8x128xf32, #tpu.memory_space<vmem>>)
    %dma_wait3A_2661 = arith.constant 46 : i32
    %dma_wait3A_2662 = arith.constant 0 : i32
    %dma_wait3A_2663 = arith.constant 0 : i32
    %dma_wait3A_2664 = tpu.memref_slice %arg9[%dma_wait3A_2661, %dma_wait3A_2662, %dma_wait3A_2663] : memref<64x8x128xf32, #tpu.memory_space<vmem>> -> memref<1x8x128xf32, #tpu.memory_space<vmem>>
    %dma_wait3A_2665 = tpu.memref_squeeze %dma_wait3A_2664 : memref<1x8x128xf32, #tpu.memory_space<vmem>> -> memref<8x128xf32, #tpu.memory_space<vmem>>
    %dma_wait3A_2666 = tpu.memref_slice %arg2[%multiple_of3A_1534, %multiple_of3A_1531] : memref<2048x32512xf32, #tpu.memory_space<hbm>> -> memref<8x128xf32, #tpu.memory_space<hbm>>
    %dma_wait3A_2667 = arith.constant 0 : i32
    %dma_wait3A_2668 = arith.constant 0 : i32
    %dma_wait3A_2669 = tpu.memref_slice %arg9[%dma_wait3A_2661, %dma_wait3A_2667, %dma_wait3A_2668] : memref<64x8x128xf32, #tpu.memory_space<vmem>> -> memref<1x8x128xf32, #tpu.memory_space<vmem>>
    %dma_wait3A_2670 = tpu.memref_squeeze %dma_wait3A_2669 : memref<1x8x128xf32, #tpu.memory_space<vmem>> -> memref<8x128xf32, #tpu.memory_space<vmem>>
    %dma_wait3A_2671 = tpu.memref_slice %arg2[%multiple_of3A_1534, %multiple_of3A_1531] : memref<2048x32512xf32, #tpu.memory_space<hbm>> -> memref<8x128xf32, #tpu.memory_space<hbm>>
    tpu.wait_dma2 semaphore(%arg11 : memref<!tpu.dma_semaphore, #tpu.memory_space<semaphore_mem>>) src(%dma_wait3A_2671 : memref<8x128xf32, #tpu.memory_space<hbm>>) dst(%dma_wait3A_2670 : memref<8x128xf32, #tpu.memory_space<vmem>>)
    %dma_wait3A_2672 = arith.constant 47 : i32
    %dma_wait3A_2673 = arith.constant 0 : i32
    %dma_wait3A_2674 = arith.constant 0 : i32
    %dma_wait3A_2675 = tpu.memref_slice %arg9[%dma_wait3A_2672, %dma_wait3A_2673, %dma_wait3A_2674] : memref<64x8x128xf32, #tpu.memory_space<vmem>> -> memref<1x8x128xf32, #tpu.memory_space<vmem>>
    %dma_wait3A_2676 = tpu.memref_squeeze %dma_wait3A_2675 : memref<1x8x128xf32, #tpu.memory_space<vmem>> -> memref<8x128xf32, #tpu.memory_space<vmem>>
    %dma_wait3A_2677 = tpu.memref_slice %arg2[%multiple_of3A_1555, %multiple_of3A_1552] : memref<2048x32512xf32, #tpu.memory_space<hbm>> -> memref<8x128xf32, #tpu.memory_space<hbm>>
    %dma_wait3A_2678 = arith.constant 0 : i32
    %dma_wait3A_2679 = arith.constant 0 : i32
    %dma_wait3A_2680 = tpu.memref_slice %arg9[%dma_wait3A_2672, %dma_wait3A_2678, %dma_wait3A_2679] : memref<64x8x128xf32, #tpu.memory_space<vmem>> -> memref<1x8x128xf32, #tpu.memory_space<vmem>>
    %dma_wait3A_2681 = tpu.memref_squeeze %dma_wait3A_2680 : memref<1x8x128xf32, #tpu.memory_space<vmem>> -> memref<8x128xf32, #tpu.memory_space<vmem>>
    %dma_wait3A_2682 = tpu.memref_slice %arg2[%multiple_of3A_1555, %multiple_of3A_1552] : memref<2048x32512xf32, #tpu.memory_space<hbm>> -> memref<8x128xf32, #tpu.memory_space<hbm>>
    tpu.wait_dma2 semaphore(%arg11 : memref<!tpu.dma_semaphore, #tpu.memory_space<semaphore_mem>>) src(%dma_wait3A_2682 : memref<8x128xf32, #tpu.memory_space<hbm>>) dst(%dma_wait3A_2681 : memref<8x128xf32, #tpu.memory_space<vmem>>)
    %dma_wait3A_2683 = arith.constant 48 : i32
    %dma_wait3A_2684 = arith.constant 0 : i32
    %dma_wait3A_2685 = arith.constant 0 : i32
    %dma_wait3A_2686 = tpu.memref_slice %arg9[%dma_wait3A_2683, %dma_wait3A_2684, %dma_wait3A_2685] : memref<64x8x128xf32, #tpu.memory_space<vmem>> -> memref<1x8x128xf32, #tpu.memory_space<vmem>>
    %dma_wait3A_2687 = tpu.memref_squeeze %dma_wait3A_2686 : memref<1x8x128xf32, #tpu.memory_space<vmem>> -> memref<8x128xf32, #tpu.memory_space<vmem>>
    %dma_wait3A_2688 = tpu.memref_slice %arg2[%multiple_of3A_1680, %multiple_of3A_1677] : memref<2048x32512xf32, #tpu.memory_space<hbm>> -> memref<8x128xf32, #tpu.memory_space<hbm>>
    %dma_wait3A_2689 = arith.constant 0 : i32
    %dma_wait3A_2690 = arith.constant 0 : i32
    %dma_wait3A_2691 = tpu.memref_slice %arg9[%dma_wait3A_2683, %dma_wait3A_2689, %dma_wait3A_2690] : memref<64x8x128xf32, #tpu.memory_space<vmem>> -> memref<1x8x128xf32, #tpu.memory_space<vmem>>
    %dma_wait3A_2692 = tpu.memref_squeeze %dma_wait3A_2691 : memref<1x8x128xf32, #tpu.memory_space<vmem>> -> memref<8x128xf32, #tpu.memory_space<vmem>>
    %dma_wait3A_2693 = tpu.memref_slice %arg2[%multiple_of3A_1680, %multiple_of3A_1677] : memref<2048x32512xf32, #tpu.memory_space<hbm>> -> memref<8x128xf32, #tpu.memory_space<hbm>>
    tpu.wait_dma2 semaphore(%arg11 : memref<!tpu.dma_semaphore, #tpu.memory_space<semaphore_mem>>) src(%dma_wait3A_2693 : memref<8x128xf32, #tpu.memory_space<hbm>>) dst(%dma_wait3A_2692 : memref<8x128xf32, #tpu.memory_space<vmem>>)
    %dma_wait3A_2694 = arith.constant 49 : i32
    %dma_wait3A_2695 = arith.constant 0 : i32
    %dma_wait3A_2696 = arith.constant 0 : i32
    %dma_wait3A_2697 = tpu.memref_slice %arg9[%dma_wait3A_2694, %dma_wait3A_2695, %dma_wait3A_2696] : memref<64x8x128xf32, #tpu.memory_space<vmem>> -> memref<1x8x128xf32, #tpu.memory_space<vmem>>
    %dma_wait3A_2698 = tpu.memref_squeeze %dma_wait3A_2697 : memref<1x8x128xf32, #tpu.memory_space<vmem>> -> memref<8x128xf32, #tpu.memory_space<vmem>>
    %dma_wait3A_2699 = tpu.memref_slice %arg2[%multiple_of3A_1701, %multiple_of3A_1698] : memref<2048x32512xf32, #tpu.memory_space<hbm>> -> memref<8x128xf32, #tpu.memory_space<hbm>>
    %dma_wait3A_2700 = arith.constant 0 : i32
    %dma_wait3A_2701 = arith.constant 0 : i32
    %dma_wait3A_2702 = tpu.memref_slice %arg9[%dma_wait3A_2694, %dma_wait3A_2700, %dma_wait3A_2701] : memref<64x8x128xf32, #tpu.memory_space<vmem>> -> memref<1x8x128xf32, #tpu.memory_space<vmem>>
    %dma_wait3A_2703 = tpu.memref_squeeze %dma_wait3A_2702 : memref<1x8x128xf32, #tpu.memory_space<vmem>> -> memref<8x128xf32, #tpu.memory_space<vmem>>
    %dma_wait3A_2704 = tpu.memref_slice %arg2[%multiple_of3A_1701, %multiple_of3A_1698] : memref<2048x32512xf32, #tpu.memory_space<hbm>> -> memref<8x128xf32, #tpu.memory_space<hbm>>
    tpu.wait_dma2 semaphore(%arg11 : memref<!tpu.dma_semaphore, #tpu.memory_space<semaphore_mem>>) src(%dma_wait3A_2704 : memref<8x128xf32, #tpu.memory_space<hbm>>) dst(%dma_wait3A_2703 : memref<8x128xf32, #tpu.memory_space<vmem>>)
    %dma_wait3A_2705 = arith.constant 50 : i32
    %dma_wait3A_2706 = arith.constant 0 : i32
    %dma_wait3A_2707 = arith.constant 0 : i32
    %dma_wait3A_2708 = tpu.memref_slice %arg9[%dma_wait3A_2705, %dma_wait3A_2706, %dma_wait3A_2707] : memref<64x8x128xf32, #tpu.memory_space<vmem>> -> memref<1x8x128xf32, #tpu.memory_space<vmem>>
    %dma_wait3A_2709 = tpu.memref_squeeze %dma_wait3A_2708 : memref<1x8x128xf32, #tpu.memory_space<vmem>> -> memref<8x128xf32, #tpu.memory_space<vmem>>
    %dma_wait3A_2710 = tpu.memref_slice %arg2[%multiple_of3A_1722, %multiple_of3A_1719] : memref<2048x32512xf32, #tpu.memory_space<hbm>> -> memref<8x128xf32, #tpu.memory_space<hbm>>
    %dma_wait3A_2711 = arith.constant 0 : i32
    %dma_wait3A_2712 = arith.constant 0 : i32
    %dma_wait3A_2713 = tpu.memref_slice %arg9[%dma_wait3A_2705, %dma_wait3A_2711, %dma_wait3A_2712] : memref<64x8x128xf32, #tpu.memory_space<vmem>> -> memref<1x8x128xf32, #tpu.memory_space<vmem>>
    %dma_wait3A_2714 = tpu.memref_squeeze %dma_wait3A_2713 : memref<1x8x128xf32, #tpu.memory_space<vmem>> -> memref<8x128xf32, #tpu.memory_space<vmem>>
    %dma_wait3A_2715 = tpu.memref_slice %arg2[%multiple_of3A_1722, %multiple_of3A_1719] : memref<2048x32512xf32, #tpu.memory_space<hbm>> -> memref<8x128xf32, #tpu.memory_space<hbm>>
    tpu.wait_dma2 semaphore(%arg11 : memref<!tpu.dma_semaphore, #tpu.memory_space<semaphore_mem>>) src(%dma_wait3A_2715 : memref<8x128xf32, #tpu.memory_space<hbm>>) dst(%dma_wait3A_2714 : memref<8x128xf32, #tpu.memory_space<vmem>>)
    %dma_wait3A_2716 = arith.constant 51 : i32
    %dma_wait3A_2717 = arith.constant 0 : i32
    %dma_wait3A_2718 = arith.constant 0 : i32
    %dma_wait3A_2719 = tpu.memref_slice %arg9[%dma_wait3A_2716, %dma_wait3A_2717, %dma_wait3A_2718] : memref<64x8x128xf32, #tpu.memory_space<vmem>> -> memref<1x8x128xf32, #tpu.memory_space<vmem>>
    %dma_wait3A_2720 = tpu.memref_squeeze %dma_wait3A_2719 : memref<1x8x128xf32, #tpu.memory_space<vmem>> -> memref<8x128xf32, #tpu.memory_space<vmem>>
    %dma_wait3A_2721 = tpu.memref_slice %arg2[%multiple_of3A_1743, %multiple_of3A_1740] : memref<2048x32512xf32, #tpu.memory_space<hbm>> -> memref<8x128xf32, #tpu.memory_space<hbm>>
    %dma_wait3A_2722 = arith.constant 0 : i32
    %dma_wait3A_2723 = arith.constant 0 : i32
    %dma_wait3A_2724 = tpu.memref_slice %arg9[%dma_wait3A_2716, %dma_wait3A_2722, %dma_wait3A_2723] : memref<64x8x128xf32, #tpu.memory_space<vmem>> -> memref<1x8x128xf32, #tpu.memory_space<vmem>>
    %dma_wait3A_2725 = tpu.memref_squeeze %dma_wait3A_2724 : memref<1x8x128xf32, #tpu.memory_space<vmem>> -> memref<8x128xf32, #tpu.memory_space<vmem>>
    %dma_wait3A_2726 = tpu.memref_slice %arg2[%multiple_of3A_1743, %multiple_of3A_1740] : memref<2048x32512xf32, #tpu.memory_space<hbm>> -> memref<8x128xf32, #tpu.memory_space<hbm>>
    tpu.wait_dma2 semaphore(%arg11 : memref<!tpu.dma_semaphore, #tpu.memory_space<semaphore_mem>>) src(%dma_wait3A_2726 : memref<8x128xf32, #tpu.memory_space<hbm>>) dst(%dma_wait3A_2725 : memref<8x128xf32, #tpu.memory_space<vmem>>)
    %dma_wait3A_2727 = arith.constant 52 : i32
    %dma_wait3A_2728 = arith.constant 0 : i32
    %dma_wait3A_2729 = arith.constant 0 : i32
    %dma_wait3A_2730 = tpu.memref_slice %arg9[%dma_wait3A_2727, %dma_wait3A_2728, %dma_wait3A_2729] : memref<64x8x128xf32, #tpu.memory_space<vmem>> -> memref<1x8x128xf32, #tpu.memory_space<vmem>>
    %dma_wait3A_2731 = tpu.memref_squeeze %dma_wait3A_2730 : memref<1x8x128xf32, #tpu.memory_space<vmem>> -> memref<8x128xf32, #tpu.memory_space<vmem>>
    %dma_wait3A_2732 = tpu.memref_slice %arg2[%multiple_of3A_1778, %multiple_of3A_1775] : memref<2048x32512xf32, #tpu.memory_space<hbm>> -> memref<8x128xf32, #tpu.memory_space<hbm>>
    %dma_wait3A_2733 = arith.constant 0 : i32
    %dma_wait3A_2734 = arith.constant 0 : i32
    %dma_wait3A_2735 = tpu.memref_slice %arg9[%dma_wait3A_2727, %dma_wait3A_2733, %dma_wait3A_2734] : memref<64x8x128xf32, #tpu.memory_space<vmem>> -> memref<1x8x128xf32, #tpu.memory_space<vmem>>
    %dma_wait3A_2736 = tpu.memref_squeeze %dma_wait3A_2735 : memref<1x8x128xf32, #tpu.memory_space<vmem>> -> memref<8x128xf32, #tpu.memory_space<vmem>>
    %dma_wait3A_2737 = tpu.memref_slice %arg2[%multiple_of3A_1778, %multiple_of3A_1775] : memref<2048x32512xf32, #tpu.memory_space<hbm>> -> memref<8x128xf32, #tpu.memory_space<hbm>>
    tpu.wait_dma2 semaphore(%arg11 : memref<!tpu.dma_semaphore, #tpu.memory_space<semaphore_mem>>) src(%dma_wait3A_2737 : memref<8x128xf32, #tpu.memory_space<hbm>>) dst(%dma_wait3A_2736 : memref<8x128xf32, #tpu.memory_space<vmem>>)
    %dma_wait3A_2738 = arith.constant 53 : i32
    %dma_wait3A_2739 = arith.constant 0 : i32
    %dma_wait3A_2740 = arith.constant 0 : i32
    %dma_wait3A_2741 = tpu.memref_slice %arg9[%dma_wait3A_2738, %dma_wait3A_2739, %dma_wait3A_2740] : memref<64x8x128xf32, #tpu.memory_space<vmem>> -> memref<1x8x128xf32, #tpu.memory_space<vmem>>
    %dma_wait3A_2742 = tpu.memref_squeeze %dma_wait3A_2741 : memref<1x8x128xf32, #tpu.memory_space<vmem>> -> memref<8x128xf32, #tpu.memory_space<vmem>>
    %dma_wait3A_2743 = tpu.memref_slice %arg2[%multiple_of3A_1799, %multiple_of3A_1796] : memref<2048x32512xf32, #tpu.memory_space<hbm>> -> memref<8x128xf32, #tpu.memory_space<hbm>>
    %dma_wait3A_2744 = arith.constant 0 : i32
    %dma_wait3A_2745 = arith.constant 0 : i32
    %dma_wait3A_2746 = tpu.memref_slice %arg9[%dma_wait3A_2738, %dma_wait3A_2744, %dma_wait3A_2745] : memref<64x8x128xf32, #tpu.memory_space<vmem>> -> memref<1x8x128xf32, #tpu.memory_space<vmem>>
    %dma_wait3A_2747 = tpu.memref_squeeze %dma_wait3A_2746 : memref<1x8x128xf32, #tpu.memory_space<vmem>> -> memref<8x128xf32, #tpu.memory_space<vmem>>
    %dma_wait3A_2748 = tpu.memref_slice %arg2[%multiple_of3A_1799, %multiple_of3A_1796] : memref<2048x32512xf32, #tpu.memory_space<hbm>> -> memref<8x128xf32, #tpu.memory_space<hbm>>
    tpu.wait_dma2 semaphore(%arg11 : memref<!tpu.dma_semaphore, #tpu.memory_space<semaphore_mem>>) src(%dma_wait3A_2748 : memref<8x128xf32, #tpu.memory_space<hbm>>) dst(%dma_wait3A_2747 : memref<8x128xf32, #tpu.memory_space<vmem>>)
    %dma_wait3A_2749 = arith.constant 54 : i32
    %dma_wait3A_2750 = arith.constant 0 : i32
    %dma_wait3A_2751 = arith.constant 0 : i32
    %dma_wait3A_2752 = tpu.memref_slice %arg9[%dma_wait3A_2749, %dma_wait3A_2750, %dma_wait3A_2751] : memref<64x8x128xf32, #tpu.memory_space<vmem>> -> memref<1x8x128xf32, #tpu.memory_space<vmem>>
    %dma_wait3A_2753 = tpu.memref_squeeze %dma_wait3A_2752 : memref<1x8x128xf32, #tpu.memory_space<vmem>> -> memref<8x128xf32, #tpu.memory_space<vmem>>
    %dma_wait3A_2754 = tpu.memref_slice %arg2[%multiple_of3A_1820, %multiple_of3A_1817] : memref<2048x32512xf32, #tpu.memory_space<hbm>> -> memref<8x128xf32, #tpu.memory_space<hbm>>
    %dma_wait3A_2755 = arith.constant 0 : i32
    %dma_wait3A_2756 = arith.constant 0 : i32
    %dma_wait3A_2757 = tpu.memref_slice %arg9[%dma_wait3A_2749, %dma_wait3A_2755, %dma_wait3A_2756] : memref<64x8x128xf32, #tpu.memory_space<vmem>> -> memref<1x8x128xf32, #tpu.memory_space<vmem>>
    %dma_wait3A_2758 = tpu.memref_squeeze %dma_wait3A_2757 : memref<1x8x128xf32, #tpu.memory_space<vmem>> -> memref<8x128xf32, #tpu.memory_space<vmem>>
    %dma_wait3A_2759 = tpu.memref_slice %arg2[%multiple_of3A_1820, %multiple_of3A_1817] : memref<2048x32512xf32, #tpu.memory_space<hbm>> -> memref<8x128xf32, #tpu.memory_space<hbm>>
    tpu.wait_dma2 semaphore(%arg11 : memref<!tpu.dma_semaphore, #tpu.memory_space<semaphore_mem>>) src(%dma_wait3A_2759 : memref<8x128xf32, #tpu.memory_space<hbm>>) dst(%dma_wait3A_2758 : memref<8x128xf32, #tpu.memory_space<vmem>>)
    %dma_wait3A_2760 = arith.constant 55 : i32
    %dma_wait3A_2761 = arith.constant 0 : i32
    %dma_wait3A_2762 = arith.constant 0 : i32
    %dma_wait3A_2763 = tpu.memref_slice %arg9[%dma_wait3A_2760, %dma_wait3A_2761, %dma_wait3A_2762] : memref<64x8x128xf32, #tpu.memory_space<vmem>> -> memref<1x8x128xf32, #tpu.memory_space<vmem>>
    %dma_wait3A_2764 = tpu.memref_squeeze %dma_wait3A_2763 : memref<1x8x128xf32, #tpu.memory_space<vmem>> -> memref<8x128xf32, #tpu.memory_space<vmem>>
    %dma_wait3A_2765 = tpu.memref_slice %arg2[%multiple_of3A_1841, %multiple_of3A_1838] : memref<2048x32512xf32, #tpu.memory_space<hbm>> -> memref<8x128xf32, #tpu.memory_space<hbm>>
    %dma_wait3A_2766 = arith.constant 0 : i32
    %dma_wait3A_2767 = arith.constant 0 : i32
    %dma_wait3A_2768 = tpu.memref_slice %arg9[%dma_wait3A_2760, %dma_wait3A_2766, %dma_wait3A_2767] : memref<64x8x128xf32, #tpu.memory_space<vmem>> -> memref<1x8x128xf32, #tpu.memory_space<vmem>>
    %dma_wait3A_2769 = tpu.memref_squeeze %dma_wait3A_2768 : memref<1x8x128xf32, #tpu.memory_space<vmem>> -> memref<8x128xf32, #tpu.memory_space<vmem>>
    %dma_wait3A_2770 = tpu.memref_slice %arg2[%multiple_of3A_1841, %multiple_of3A_1838] : memref<2048x32512xf32, #tpu.memory_space<hbm>> -> memref<8x128xf32, #tpu.memory_space<hbm>>
    tpu.wait_dma2 semaphore(%arg11 : memref<!tpu.dma_semaphore, #tpu.memory_space<semaphore_mem>>) src(%dma_wait3A_2770 : memref<8x128xf32, #tpu.memory_space<hbm>>) dst(%dma_wait3A_2769 : memref<8x128xf32, #tpu.memory_space<vmem>>)
    %dma_wait3A_2771 = arith.constant 56 : i32
    %dma_wait3A_2772 = arith.constant 0 : i32
    %dma_wait3A_2773 = arith.constant 0 : i32
    %dma_wait3A_2774 = tpu.memref_slice %arg9[%dma_wait3A_2771, %dma_wait3A_2772, %dma_wait3A_2773] : memref<64x8x128xf32, #tpu.memory_space<vmem>> -> memref<1x8x128xf32, #tpu.memory_space<vmem>>
    %dma_wait3A_2775 = tpu.memref_squeeze %dma_wait3A_2774 : memref<1x8x128xf32, #tpu.memory_space<vmem>> -> memref<8x128xf32, #tpu.memory_space<vmem>>
    %dma_wait3A_2776 = tpu.memref_slice %arg2[%multiple_of3A_1876, %multiple_of3A_1873] : memref<2048x32512xf32, #tpu.memory_space<hbm>> -> memref<8x128xf32, #tpu.memory_space<hbm>>
    %dma_wait3A_2777 = arith.constant 0 : i32
    %dma_wait3A_2778 = arith.constant 0 : i32
    %dma_wait3A_2779 = tpu.memref_slice %arg9[%dma_wait3A_2771, %dma_wait3A_2777, %dma_wait3A_2778] : memref<64x8x128xf32, #tpu.memory_space<vmem>> -> memref<1x8x128xf32, #tpu.memory_space<vmem>>
    %dma_wait3A_2780 = tpu.memref_squeeze %dma_wait3A_2779 : memref<1x8x128xf32, #tpu.memory_space<vmem>> -> memref<8x128xf32, #tpu.memory_space<vmem>>
    %dma_wait3A_2781 = tpu.memref_slice %arg2[%multiple_of3A_1876, %multiple_of3A_1873] : memref<2048x32512xf32, #tpu.memory_space<hbm>> -> memref<8x128xf32, #tpu.memory_space<hbm>>
    tpu.wait_dma2 semaphore(%arg11 : memref<!tpu.dma_semaphore, #tpu.memory_space<semaphore_mem>>) src(%dma_wait3A_2781 : memref<8x128xf32, #tpu.memory_space<hbm>>) dst(%dma_wait3A_2780 : memref<8x128xf32, #tpu.memory_space<vmem>>)
    %dma_wait3A_2782 = arith.constant 57 : i32
    %dma_wait3A_2783 = arith.constant 0 : i32
    %dma_wait3A_2784 = arith.constant 0 : i32
    %dma_wait3A_2785 = tpu.memref_slice %arg9[%dma_wait3A_2782, %dma_wait3A_2783, %dma_wait3A_2784] : memref<64x8x128xf32, #tpu.memory_space<vmem>> -> memref<1x8x128xf32, #tpu.memory_space<vmem>>
    %dma_wait3A_2786 = tpu.memref_squeeze %dma_wait3A_2785 : memref<1x8x128xf32, #tpu.memory_space<vmem>> -> memref<8x128xf32, #tpu.memory_space<vmem>>
    %dma_wait3A_2787 = tpu.memref_slice %arg2[%multiple_of3A_1897, %multiple_of3A_1894] : memref<2048x32512xf32, #tpu.memory_space<hbm>> -> memref<8x128xf32, #tpu.memory_space<hbm>>
    %dma_wait3A_2788 = arith.constant 0 : i32
    %dma_wait3A_2789 = arith.constant 0 : i32
    %dma_wait3A_2790 = tpu.memref_slice %arg9[%dma_wait3A_2782, %dma_wait3A_2788, %dma_wait3A_2789] : memref<64x8x128xf32, #tpu.memory_space<vmem>> -> memref<1x8x128xf32, #tpu.memory_space<vmem>>
    %dma_wait3A_2791 = tpu.memref_squeeze %dma_wait3A_2790 : memref<1x8x128xf32, #tpu.memory_space<vmem>> -> memref<8x128xf32, #tpu.memory_space<vmem>>
    %dma_wait3A_2792 = tpu.memref_slice %arg2[%multiple_of3A_1897, %multiple_of3A_1894] : memref<2048x32512xf32, #tpu.memory_space<hbm>> -> memref<8x128xf32, #tpu.memory_space<hbm>>
    tpu.wait_dma2 semaphore(%arg11 : memref<!tpu.dma_semaphore, #tpu.memory_space<semaphore_mem>>) src(%dma_wait3A_2792 : memref<8x128xf32, #tpu.memory_space<hbm>>) dst(%dma_wait3A_2791 : memref<8x128xf32, #tpu.memory_space<vmem>>)
    %dma_wait3A_2793 = arith.constant 58 : i32
    %dma_wait3A_2794 = arith.constant 0 : i32
    %dma_wait3A_2795 = arith.constant 0 : i32
    %dma_wait3A_2796 = tpu.memref_slice %arg9[%dma_wait3A_2793, %dma_wait3A_2794, %dma_wait3A_2795] : memref<64x8x128xf32, #tpu.memory_space<vmem>> -> memref<1x8x128xf32, #tpu.memory_space<vmem>>
    %dma_wait3A_2797 = tpu.memref_squeeze %dma_wait3A_2796 : memref<1x8x128xf32, #tpu.memory_space<vmem>> -> memref<8x128xf32, #tpu.memory_space<vmem>>
    %dma_wait3A_2798 = tpu.memref_slice %arg2[%multiple_of3A_1918, %multiple_of3A_1915] : memref<2048x32512xf32, #tpu.memory_space<hbm>> -> memref<8x128xf32, #tpu.memory_space<hbm>>
    %dma_wait3A_2799 = arith.constant 0 : i32
    %dma_wait3A_2800 = arith.constant 0 : i32
    %dma_wait3A_2801 = tpu.memref_slice %arg9[%dma_wait3A_2793, %dma_wait3A_2799, %dma_wait3A_2800] : memref<64x8x128xf32, #tpu.memory_space<vmem>> -> memref<1x8x128xf32, #tpu.memory_space<vmem>>
    %dma_wait3A_2802 = tpu.memref_squeeze %dma_wait3A_2801 : memref<1x8x128xf32, #tpu.memory_space<vmem>> -> memref<8x128xf32, #tpu.memory_space<vmem>>
    %dma_wait3A_2803 = tpu.memref_slice %arg2[%multiple_of3A_1918, %multiple_of3A_1915] : memref<2048x32512xf32, #tpu.memory_space<hbm>> -> memref<8x128xf32, #tpu.memory_space<hbm>>
    tpu.wait_dma2 semaphore(%arg11 : memref<!tpu.dma_semaphore, #tpu.memory_space<semaphore_mem>>) src(%dma_wait3A_2803 : memref<8x128xf32, #tpu.memory_space<hbm>>) dst(%dma_wait3A_2802 : memref<8x128xf32, #tpu.memory_space<vmem>>)
    %dma_wait3A_2804 = arith.constant 59 : i32
    %dma_wait3A_2805 = arith.constant 0 : i32
    %dma_wait3A_2806 = arith.constant 0 : i32
    %dma_wait3A_2807 = tpu.memref_slice %arg9[%dma_wait3A_2804, %dma_wait3A_2805, %dma_wait3A_2806] : memref<64x8x128xf32, #tpu.memory_space<vmem>> -> memref<1x8x128xf32, #tpu.memory_space<vmem>>
    %dma_wait3A_2808 = tpu.memref_squeeze %dma_wait3A_2807 : memref<1x8x128xf32, #tpu.memory_space<vmem>> -> memref<8x128xf32, #tpu.memory_space<vmem>>
    %dma_wait3A_2809 = tpu.memref_slice %arg2[%multiple_of3A_1939, %multiple_of3A_1936] : memref<2048x32512xf32, #tpu.memory_space<hbm>> -> memref<8x128xf32, #tpu.memory_space<hbm>>
    %dma_wait3A_2810 = arith.constant 0 : i32
    %dma_wait3A_2811 = arith.constant 0 : i32
    %dma_wait3A_2812 = tpu.memref_slice %arg9[%dma_wait3A_2804, %dma_wait3A_2810, %dma_wait3A_2811] : memref<64x8x128xf32, #tpu.memory_space<vmem>> -> memref<1x8x128xf32, #tpu.memory_space<vmem>>
    %dma_wait3A_2813 = tpu.memref_squeeze %dma_wait3A_2812 : memref<1x8x128xf32, #tpu.memory_space<vmem>> -> memref<8x128xf32, #tpu.memory_space<vmem>>
    %dma_wait3A_2814 = tpu.memref_slice %arg2[%multiple_of3A_1939, %multiple_of3A_1936] : memref<2048x32512xf32, #tpu.memory_space<hbm>> -> memref<8x128xf32, #tpu.memory_space<hbm>>
    tpu.wait_dma2 semaphore(%arg11 : memref<!tpu.dma_semaphore, #tpu.memory_space<semaphore_mem>>) src(%dma_wait3A_2814 : memref<8x128xf32, #tpu.memory_space<hbm>>) dst(%dma_wait3A_2813 : memref<8x128xf32, #tpu.memory_space<vmem>>)
    %dma_wait3A_2815 = arith.constant 60 : i32
    %dma_wait3A_2816 = arith.constant 0 : i32
    %dma_wait3A_2817 = arith.constant 0 : i32
    %dma_wait3A_2818 = tpu.memref_slice %arg9[%dma_wait3A_2815, %dma_wait3A_2816, %dma_wait3A_2817] : memref<64x8x128xf32, #tpu.memory_space<vmem>> -> memref<1x8x128xf32, #tpu.memory_space<vmem>>
    %dma_wait3A_2819 = tpu.memref_squeeze %dma_wait3A_2818 : memref<1x8x128xf32, #tpu.memory_space<vmem>> -> memref<8x128xf32, #tpu.memory_space<vmem>>
    %dma_wait3A_2820 = tpu.memref_slice %arg2[%multiple_of3A_1974, %multiple_of3A_1971] : memref<2048x32512xf32, #tpu.memory_space<hbm>> -> memref<8x128xf32, #tpu.memory_space<hbm>>
    %dma_wait3A_2821 = arith.constant 0 : i32
    %dma_wait3A_2822 = arith.constant 0 : i32
    %dma_wait3A_2823 = tpu.memref_slice %arg9[%dma_wait3A_2815, %dma_wait3A_2821, %dma_wait3A_2822] : memref<64x8x128xf32, #tpu.memory_space<vmem>> -> memref<1x8x128xf32, #tpu.memory_space<vmem>>
    %dma_wait3A_2824 = tpu.memref_squeeze %dma_wait3A_2823 : memref<1x8x128xf32, #tpu.memory_space<vmem>> -> memref<8x128xf32, #tpu.memory_space<vmem>>
    %dma_wait3A_2825 = tpu.memref_slice %arg2[%multiple_of3A_1974, %multiple_of3A_1971] : memref<2048x32512xf32, #tpu.memory_space<hbm>> -> memref<8x128xf32, #tpu.memory_space<hbm>>
    tpu.wait_dma2 semaphore(%arg11 : memref<!tpu.dma_semaphore, #tpu.memory_space<semaphore_mem>>) src(%dma_wait3A_2825 : memref<8x128xf32, #tpu.memory_space<hbm>>) dst(%dma_wait3A_2824 : memref<8x128xf32, #tpu.memory_space<vmem>>)
    %dma_wait3A_2826 = arith.constant 61 : i32
    %dma_wait3A_2827 = arith.constant 0 : i32
    %dma_wait3A_2828 = arith.constant 0 : i32
    %dma_wait3A_2829 = tpu.memref_slice %arg9[%dma_wait3A_2826, %dma_wait3A_2827, %dma_wait3A_2828] : memref<64x8x128xf32, #tpu.memory_space<vmem>> -> memref<1x8x128xf32, #tpu.memory_space<vmem>>
    %dma_wait3A_2830 = tpu.memref_squeeze %dma_wait3A_2829 : memref<1x8x128xf32, #tpu.memory_space<vmem>> -> memref<8x128xf32, #tpu.memory_space<vmem>>
    %dma_wait3A_2831 = tpu.memref_slice %arg2[%multiple_of3A_1995, %multiple_of3A_1992] : memref<2048x32512xf32, #tpu.memory_space<hbm>> -> memref<8x128xf32, #tpu.memory_space<hbm>>
    %dma_wait3A_2832 = arith.constant 0 : i32
    %dma_wait3A_2833 = arith.constant 0 : i32
    %dma_wait3A_2834 = tpu.memref_slice %arg9[%dma_wait3A_2826, %dma_wait3A_2832, %dma_wait3A_2833] : memref<64x8x128xf32, #tpu.memory_space<vmem>> -> memref<1x8x128xf32, #tpu.memory_space<vmem>>
    %dma_wait3A_2835 = tpu.memref_squeeze %dma_wait3A_2834 : memref<1x8x128xf32, #tpu.memory_space<vmem>> -> memref<8x128xf32, #tpu.memory_space<vmem>>
    %dma_wait3A_2836 = tpu.memref_slice %arg2[%multiple_of3A_1995, %multiple_of3A_1992] : memref<2048x32512xf32, #tpu.memory_space<hbm>> -> memref<8x128xf32, #tpu.memory_space<hbm>>
    tpu.wait_dma2 semaphore(%arg11 : memref<!tpu.dma_semaphore, #tpu.memory_space<semaphore_mem>>) src(%dma_wait3A_2836 : memref<8x128xf32, #tpu.memory_space<hbm>>) dst(%dma_wait3A_2835 : memref<8x128xf32, #tpu.memory_space<vmem>>)
    %dma_wait3A_2837 = arith.constant 62 : i32
    %dma_wait3A_2838 = arith.constant 0 : i32
    %dma_wait3A_2839 = arith.constant 0 : i32
    %dma_wait3A_2840 = tpu.memref_slice %arg9[%dma_wait3A_2837, %dma_wait3A_2838, %dma_wait3A_2839] : memref<64x8x128xf32, #tpu.memory_space<vmem>> -> memref<1x8x128xf32, #tpu.memory_space<vmem>>
    %dma_wait3A_2841 = tpu.memref_squeeze %dma_wait3A_2840 : memref<1x8x128xf32, #tpu.memory_space<vmem>> -> memref<8x128xf32, #tpu.memory_space<vmem>>
    %dma_wait3A_2842 = tpu.memref_slice %arg2[%multiple_of3A_2016, %multiple_of3A_2013] : memref<2048x32512xf32, #tpu.memory_space<hbm>> -> memref<8x128xf32, #tpu.memory_space<hbm>>
    %dma_wait3A_2843 = arith.constant 0 : i32
    %dma_wait3A_2844 = arith.constant 0 : i32
    %dma_wait3A_2845 = tpu.memref_slice %arg9[%dma_wait3A_2837, %dma_wait3A_2843, %dma_wait3A_2844] : memref<64x8x128xf32, #tpu.memory_space<vmem>> -> memref<1x8x128xf32, #tpu.memory_space<vmem>>
    %dma_wait3A_2846 = tpu.memref_squeeze %dma_wait3A_2845 : memref<1x8x128xf32, #tpu.memory_space<vmem>> -> memref<8x128xf32, #tpu.memory_space<vmem>>
    %dma_wait3A_2847 = tpu.memref_slice %arg2[%multiple_of3A_2016, %multiple_of3A_2013] : memref<2048x32512xf32, #tpu.memory_space<hbm>> -> memref<8x128xf32, #tpu.memory_space<hbm>>
    tpu.wait_dma2 semaphore(%arg11 : memref<!tpu.dma_semaphore, #tpu.memory_space<semaphore_mem>>) src(%dma_wait3A_2847 : memref<8x128xf32, #tpu.memory_space<hbm>>) dst(%dma_wait3A_2846 : memref<8x128xf32, #tpu.memory_space<vmem>>)
    %dma_wait3A_2848 = arith.constant 63 : i32
    %dma_wait3A_2849 = arith.constant 0 : i32
    %dma_wait3A_2850 = arith.constant 0 : i32
    %dma_wait3A_2851 = tpu.memref_slice %arg9[%dma_wait3A_2848, %dma_wait3A_2849, %dma_wait3A_2850] : memref<64x8x128xf32, #tpu.memory_space<vmem>> -> memref<1x8x128xf32, #tpu.memory_space<vmem>>
    %dma_wait3A_2852 = tpu.memref_squeeze %dma_wait3A_2851 : memref<1x8x128xf32, #tpu.memory_space<vmem>> -> memref<8x128xf32, #tpu.memory_space<vmem>>
    %dma_wait3A_2853 = tpu.memref_slice %arg2[%multiple_of3A_2037, %multiple_of3A_2034] : memref<2048x32512xf32, #tpu.memory_space<hbm>> -> memref<8x128xf32, #tpu.memory_space<hbm>>
    %dma_wait3A_2854 = arith.constant 0 : i32
    %dma_wait3A_2855 = arith.constant 0 : i32
    %dma_wait3A_2856 = tpu.memref_slice %arg9[%dma_wait3A_2848, %dma_wait3A_2854, %dma_wait3A_2855] : memref<64x8x128xf32, #tpu.memory_space<vmem>> -> memref<1x8x128xf32, #tpu.memory_space<vmem>>
    %dma_wait3A_2857 = tpu.memref_squeeze %dma_wait3A_2856 : memref<1x8x128xf32, #tpu.memory_space<vmem>> -> memref<8x128xf32, #tpu.memory_space<vmem>>
    %dma_wait3A_2858 = tpu.memref_slice %arg2[%multiple_of3A_2037, %multiple_of3A_2034] : memref<2048x32512xf32, #tpu.memory_space<hbm>> -> memref<8x128xf32, #tpu.memory_space<hbm>>
    tpu.wait_dma2 semaphore(%arg11 : memref<!tpu.dma_semaphore, #tpu.memory_space<semaphore_mem>>) src(%dma_wait3A_2858 : memref<8x128xf32, #tpu.memory_space<hbm>>) dst(%dma_wait3A_2857 : memref<8x128xf32, #tpu.memory_space<vmem>>)
    %get3A_2859 = arith.constant 0 : index
    %get3A_2860 = tpu.vector_load %arg6[%get3A_2859] {strides = array<i32>} : memref<64xi32, #tpu.memory_space<vmem>>, vector<16xi32>,
    %get3A_2861 = arith.constant 0 : index
    %get3A_2862 = tpu.vector_load %arg7[%get3A_2861] {strides = array<i32>} : memref<64xi32, #tpu.memory_space<vmem>>, vector<16xi32>,
    %add3A_2863 = arith.constant 0 : i32
    %add3A_2864 = vector.broadcast %add3A_2863 : i32 to vector<16xi32>
    %add3A_2865 = arith.addi %add3A_2864, %iota3A : vector<16xi32>
    %and3A_2866 = arith.constant 7 : i32
    %and3A_2867 = vector.broadcast %and3A_2866 : i32 to vector<16xi32>
    %and3A_2868 = arith.andi %add3A_2865, %and3A_2867 : vector<16xi32>
    %shift_right_arithmetic3A_2869 = arith.constant 3 : i32
    %shift_right_arithmetic3A_2870 = vector.broadcast %shift_right_arithmetic3A_2869 : i32 to vector<16xi32>
    %shift_right_arithmetic3A_2871 = arith.shrsi %add3A_2865, %shift_right_arithmetic3A_2870 : vector<16xi32>
    %gather3A_2872 = tpu.vector_load_idx %arg8[%shift_right_arithmetic3A_2871, %and3A_2868, %get3A_2860] : memref<8x8x512xf32, #tpu.memory_space<vmem>>[vector<16xi32>, vector<16xi32>, vector<16xi32>], vector<16xf32>,
    %and3A_2873 = arith.constant 127 : i32
    %and3A_2874 = vector.broadcast %and3A_2873 : i32 to vector<16xi32>
    %and3A_2875 = arith.andi %get3A_2862, %and3A_2874 : vector<16xi32>
    %gather3A_2876 = tpu.vector_load_idx %arg9[%add3A_2865, %and3A_2868, %and3A_2875] : memref<64x8x128xf32, #tpu.memory_space<vmem>>[vector<16xi32>, vector<16xi32>, vector<16xi32>], vector<16xf32>,
    %broadcast_in_dim3A_2877 = arith.constant 0.000000e+00 : f32
    %broadcast_in_dim3A_2878 = vector.broadcast %broadcast_in_dim3A_2877 : f32 to vector<16xf32>
    %eq3A_2879 = arith.constant 0 : i32
    %eq3A_2880 = vector.broadcast %eq3A_2879 : i32 to vector<16xi32>
    %eq3A_2881 = arith.cmpi eq, %get3A_2860, %eq3A_2880 : vector<16xi32>
    %eq3A_2882 = arith.constant 0 : i32
    %eq3A_2883 = vector.broadcast %eq3A_2882 : i32 to vector<16xi32>
    %eq3A_2884 = arith.cmpi eq, %get3A_2862, %eq3A_2883 : vector<16xi32>
    %select_n3A_2885 = arith.select %eq3A_2881, %broadcast_in_dim3A_2878, %gather3A_2872 : vector<16xi1>, vector<16xf32>
    %add3A_2886 = arith.constant 9.99999968E-21 : f32
    %add3A_2887 = vector.broadcast %add3A_2886 : f32 to vector<16xf32>
    %add3A_2888 = arith.addf %select_n3A_2885, %add3A_2887 : vector<16xf32>
    %not3A = arith.constant dense<true> : vector<16xi1>
    %not3A_2889 = arith.xori %eq3A_2881, %not3A : vector<16xi1>
    %and3A_2890 = arith.andi %eq3A_2884, %not3A_2889 : vector<16xi1>
    %select_n3A_2891 = arith.select %and3A_2890, %broadcast_in_dim3A_2878, %gather3A_2876 : vector<16xi1>, vector<16xf32>
    %add3A_2892 = arith.addf %add3A_2888, %select_n3A_2891 : vector<16xf32>
    %bitcast_convert_type3A = tpu.bitcast %add3A_2892 : vector<16xf32> -> vector<16xi32>
    %shift_right_arithmetic3A_2893 = arith.constant 23 : i32
    %shift_right_arithmetic3A_2894 = vector.broadcast %shift_right_arithmetic3A_2893 : i32 to vector<16xi32>
    %shift_right_arithmetic3A_2895 = arith.shrsi %bitcast_convert_type3A, %shift_right_arithmetic3A_2894 : vector<16xi32>
    %sub3A = arith.constant 126 : i32
    %sub3A_2896 = vector.broadcast %sub3A : i32 to vector<16xi32>
    %sub3A_2897 = arith.subi %shift_right_arithmetic3A_2895, %sub3A_2896 : vector<16xi32>
    %and3A_2898 = arith.constant 8388607 : i32
    %and3A_2899 = vector.broadcast %and3A_2898 : i32 to vector<16xi32>
    %and3A_2900 = arith.andi %bitcast_convert_type3A, %and3A_2899 : vector<16xi32>
    %or3A_2901 = arith.constant 1056964608 : i32
    %or3A_2902 = vector.broadcast %or3A_2901 : i32 to vector<16xi32>
    %or3A_2903 = arith.ori %and3A_2900, %or3A_2902 : vector<16xi32>
    %bitcast_convert_type3A_2904 = tpu.bitcast %or3A_2903 : vector<16xi32> -> vector<16xf32>
    %lt3A_2905 = arith.constant 0.707106769 : f32
    %lt3A_2906 = vector.broadcast %lt3A_2905 : f32 to vector<16xf32>
    %lt3A_2907 = arith.cmpf olt, %bitcast_convert_type3A_2904, %lt3A_2906 : vector<16xf32>
    %sub3A_2908 = arith.constant 1 : i32
    %sub3A_2909 = vector.broadcast %sub3A_2908 : i32 to vector<16xi32>
    %sub3A_2910 = arith.subi %sub3A_2897, %sub3A_2909 : vector<16xi32>
    %select_n3A_2911 = arith.select %lt3A_2907, %sub3A_2910, %sub3A_2897 : vector<16xi1>, vector<16xi32>
    %convert_element_type3A = arith.sitofp %select_n3A_2911 : vector<16xi32> to vector<16xf32>
    %add3A_2912 = arith.addf %bitcast_convert_type3A_2904, %bitcast_convert_type3A_2904 : vector<16xf32>
    %select_n3A_2913 = arith.select %lt3A_2907, %add3A_2912, %bitcast_convert_type3A_2904 : vector<16xi1>, vector<16xf32>
    %sub3A_2914 = arith.constant 1.000000e+00 : f32
    %sub3A_2915 = vector.broadcast %sub3A_2914 : f32 to vector<16xf32>
    %sub3A_2916 = arith.subf %select_n3A_2913, %sub3A_2915 : vector<16xf32>
    %mul3A_2917 = arith.constant 0.0703768358 : f32
    %mul3A_2918 = vector.broadcast %mul3A_2917 : f32 to vector<16xf32>
    %mul3A_2919 = arith.mulf %mul3A_2918, %sub3A_2916 : vector<16xf32>
    %add3A_2920 = arith.constant -0.115146101 : f32
    %add3A_2921 = vector.broadcast %add3A_2920 : f32 to vector<16xf32>
    %add3A_2922 = arith.addf %mul3A_2919, %add3A_2921 : vector<16xf32>
    %mul3A_2923 = arith.mulf %add3A_2922, %sub3A_2916 : vector<16xf32>
    %add3A_2924 = arith.constant 0.116769984 : f32
    %add3A_2925 = vector.broadcast %add3A_2924 : f32 to vector<16xf32>
    %add3A_2926 = arith.addf %mul3A_2923, %add3A_2925 : vector<16xf32>
    %mul3A_2927 = arith.mulf %add3A_2926, %sub3A_2916 : vector<16xf32>
    %add3A_2928 = arith.constant -0.12420141 : f32
    %add3A_2929 = vector.broadcast %add3A_2928 : f32 to vector<16xf32>
    %add3A_2930 = arith.addf %mul3A_2927, %add3A_2929 : vector<16xf32>
    %mul3A_2931 = arith.mulf %add3A_2930, %sub3A_2916 : vector<16xf32>
    %add3A_2932 = arith.constant 0.142493233 : f32
    %add3A_2933 = vector.broadcast %add3A_2932 : f32 to vector<16xf32>
    %add3A_2934 = arith.addf %mul3A_2931, %add3A_2933 : vector<16xf32>
    %mul3A_2935 = arith.mulf %add3A_2934, %sub3A_2916 : vector<16xf32>
    %add3A_2936 = arith.constant -0.166680574 : f32
    %add3A_2937 = vector.broadcast %add3A_2936 : f32 to vector<16xf32>
    %add3A_2938 = arith.addf %mul3A_2935, %add3A_2937 : vector<16xf32>
    %mul3A_2939 = arith.mulf %add3A_2938, %sub3A_2916 : vector<16xf32>
    %add3A_2940 = arith.constant 0.200007141 : f32
    %add3A_2941 = vector.broadcast %add3A_2940 : f32 to vector<16xf32>
    %add3A_2942 = arith.addf %mul3A_2939, %add3A_2941 : vector<16xf32>
    %mul3A_2943 = arith.mulf %add3A_2942, %sub3A_2916 : vector<16xf32>
    %add3A_2944 = arith.constant -0.24999994 : f32
    %add3A_2945 = vector.broadcast %add3A_2944 : f32 to vector<16xf32>
    %add3A_2946 = arith.addf %mul3A_2943, %add3A_2945 : vector<16xf32>
    %mul3A_2947 = arith.mulf %add3A_2946, %sub3A_2916 : vector<16xf32>
    %add3A_2948 = arith.constant 0.333333313 : f32
    %add3A_2949 = vector.broadcast %add3A_2948 : f32 to vector<16xf32>
    %add3A_2950 = arith.addf %mul3A_2947, %add3A_2949 : vector<16xf32>
    %mul3A_2951 = arith.mulf %sub3A_2916, %sub3A_2916 : vector<16xf32>
    %mul3A_2952 = arith.mulf %sub3A_2916, %add3A_2950 : vector<16xf32>
    %sub3A_2953 = arith.constant 5.000000e-01 : f32
    %sub3A_2954 = vector.broadcast %sub3A_2953 : f32 to vector<16xf32>
    %sub3A_2955 = arith.subf %mul3A_2952, %sub3A_2954 : vector<16xf32>
    %mul3A_2956 = arith.mulf %mul3A_2951, %sub3A_2955 : vector<16xf32>
    %add3A_2957 = arith.addf %sub3A_2916, %mul3A_2956 : vector<16xf32>
    %mul3A_2958 = arith.constant 0.693147182 : f32
    %mul3A_2959 = vector.broadcast %mul3A_2958 : f32 to vector<16xf32>
    %mul3A_2960 = arith.mulf %convert_element_type3A, %mul3A_2959 : vector<16xf32>
    %add3A_2961 = arith.addf %add3A_2957, %mul3A_2960 : vector<16xf32>
    %neg3A = arith.constant 0.000000e+00 : f32
    %neg3A_2962 = vector.broadcast %neg3A : f32 to vector<16xf32>
    %neg3A_2963 = arith.subf %neg3A_2962, %add3A_2961 : vector<16xf32>
    %eq3A_2964 = arith.constant -100 : i32
    %eq3A_2965 = vector.broadcast %eq3A_2964 : i32 to vector<16xi32>
    %eq3A_2966 = arith.cmpi eq, %get3A_2862, %eq3A_2965 : vector<16xi32>
    %select_n3A_2967 = arith.select %eq3A_2966, %broadcast_in_dim3A_2878, %neg3A_2963 : vector<16xi1>, vector<16xf32>
    %swap3A = arith.constant 0 : index
    %swap3A_2968 = tpu.vector_load %arg10[%swap3A] {strides = array<i32>} : memref<64xf32, #tpu.memory_space<vmem>>, vector<16xf32>,
    tpu.vector_store %arg10[%swap3A], %select_n3A_2967 {strides = array<i32>} : memref<64xf32, #tpu.memory_space<vmem>>, vector<16xf32>,
    %get3A_2969 = arith.constant 16 : index
    %get3A_2970 = tpu.vector_load %arg6[%get3A_2969] {strides = array<i32>} : memref<64xi32, #tpu.memory_space<vmem>>, vector<16xi32>,
    %get3A_2971 = arith.constant 16 : index
    %get3A_2972 = tpu.vector_load %arg7[%get3A_2971] {strides = array<i32>} : memref<64xi32, #tpu.memory_space<vmem>>, vector<16xi32>,
    %add3A_2973 = arith.constant 16 : i32
    %add3A_2974 = vector.broadcast %add3A_2973 : i32 to vector<16xi32>
    %add3A_2975 = arith.addi %add3A_2974, %iota3A : vector<16xi32>
    %and3A_2976 = arith.constant 7 : i32
    %and3A_2977 = vector.broadcast %and3A_2976 : i32 to vector<16xi32>
    %and3A_2978 = arith.andi %add3A_2975, %and3A_2977 : vector<16xi32>
    %shift_right_arithmetic3A_2979 = arith.constant 3 : i32
    %shift_right_arithmetic3A_2980 = vector.broadcast %shift_right_arithmetic3A_2979 : i32 to vector<16xi32>
    %shift_right_arithmetic3A_2981 = arith.shrsi %add3A_2975, %shift_right_arithmetic3A_2980 : vector<16xi32>
    %gather3A_2982 = tpu.vector_load_idx %arg8[%shift_right_arithmetic3A_2981, %and3A_2978, %get3A_2970] : memref<8x8x512xf32, #tpu.memory_space<vmem>>[vector<16xi32>, vector<16xi32>, vector<16xi32>], vector<16xf32>,
    %and3A_2983 = arith.constant 127 : i32
    %and3A_2984 = vector.broadcast %and3A_2983 : i32 to vector<16xi32>
    %and3A_2985 = arith.andi %get3A_2972, %and3A_2984 : vector<16xi32>
    %gather3A_2986 = tpu.vector_load_idx %arg9[%add3A_2975, %and3A_2978, %and3A_2985] : memref<64x8x128xf32, #tpu.memory_space<vmem>>[vector<16xi32>, vector<16xi32>, vector<16xi32>], vector<16xf32>,
    %broadcast_in_dim3A_2987 = arith.constant 0.000000e+00 : f32
    %broadcast_in_dim3A_2988 = vector.broadcast %broadcast_in_dim3A_2987 : f32 to vector<16xf32>
    %eq3A_2989 = arith.constant 0 : i32
    %eq3A_2990 = vector.broadcast %eq3A_2989 : i32 to vector<16xi32>
    %eq3A_2991 = arith.cmpi eq, %get3A_2970, %eq3A_2990 : vector<16xi32>
    %eq3A_2992 = arith.constant 0 : i32
    %eq3A_2993 = vector.broadcast %eq3A_2992 : i32 to vector<16xi32>
    %eq3A_2994 = arith.cmpi eq, %get3A_2972, %eq3A_2993 : vector<16xi32>
    %select_n3A_2995 = arith.select %eq3A_2991, %broadcast_in_dim3A_2988, %gather3A_2982 : vector<16xi1>, vector<16xf32>
    %add3A_2996 = arith.constant 9.99999968E-21 : f32
    %add3A_2997 = vector.broadcast %add3A_2996 : f32 to vector<16xf32>
    %add3A_2998 = arith.addf %select_n3A_2995, %add3A_2997 : vector<16xf32>
    %not3A_2999 = arith.constant dense<true> : vector<16xi1>
    %not3A_3000 = arith.xori %eq3A_2991, %not3A_2999 : vector<16xi1>
    %and3A_3001 = arith.andi %eq3A_2994, %not3A_3000 : vector<16xi1>
    %select_n3A_3002 = arith.select %and3A_3001, %broadcast_in_dim3A_2988, %gather3A_2986 : vector<16xi1>, vector<16xf32>
    %add3A_3003 = arith.addf %add3A_2998, %select_n3A_3002 : vector<16xf32>
    %bitcast_convert_type3A_3004 = tpu.bitcast %add3A_3003 : vector<16xf32> -> vector<16xi32>
    %shift_right_arithmetic3A_3005 = arith.constant 23 : i32
    %shift_right_arithmetic3A_3006 = vector.broadcast %shift_right_arithmetic3A_3005 : i32 to vector<16xi32>
    %shift_right_arithmetic3A_3007 = arith.shrsi %bitcast_convert_type3A_3004, %shift_right_arithmetic3A_3006 : vector<16xi32>
    %sub3A_3008 = arith.constant 126 : i32
    %sub3A_3009 = vector.broadcast %sub3A_3008 : i32 to vector<16xi32>
    %sub3A_3010 = arith.subi %shift_right_arithmetic3A_3007, %sub3A_3009 : vector<16xi32>
    %and3A_3011 = arith.constant 8388607 : i32
    %and3A_3012 = vector.broadcast %and3A_3011 : i32 to vector<16xi32>
    %and3A_3013 = arith.andi %bitcast_convert_type3A_3004, %and3A_3012 : vector<16xi32>
    %or3A_3014 = arith.constant 1056964608 : i32
    %or3A_3015 = vector.broadcast %or3A_3014 : i32 to vector<16xi32>
    %or3A_3016 = arith.ori %and3A_3013, %or3A_3015 : vector<16xi32>
    %bitcast_convert_type3A_3017 = tpu.bitcast %or3A_3016 : vector<16xi32> -> vector<16xf32>
    %lt3A_3018 = arith.constant 0.707106769 : f32
    %lt3A_3019 = vector.broadcast %lt3A_3018 : f32 to vector<16xf32>
    %lt3A_3020 = arith.cmpf olt, %bitcast_convert_type3A_3017, %lt3A_3019 : vector<16xf32>
    %sub3A_3021 = arith.constant 1 : i32
    %sub3A_3022 = vector.broadcast %sub3A_3021 : i32 to vector<16xi32>
    %sub3A_3023 = arith.subi %sub3A_3010, %sub3A_3022 : vector<16xi32>
    %select_n3A_3024 = arith.select %lt3A_3020, %sub3A_3023, %sub3A_3010 : vector<16xi1>, vector<16xi32>
    %convert_element_type3A_3025 = arith.sitofp %select_n3A_3024 : vector<16xi32> to vector<16xf32>
    %add3A_3026 = arith.addf %bitcast_convert_type3A_3017, %bitcast_convert_type3A_3017 : vector<16xf32>
    %select_n3A_3027 = arith.select %lt3A_3020, %add3A_3026, %bitcast_convert_type3A_3017 : vector<16xi1>, vector<16xf32>
    %sub3A_3028 = arith.constant 1.000000e+00 : f32
    %sub3A_3029 = vector.broadcast %sub3A_3028 : f32 to vector<16xf32>
    %sub3A_3030 = arith.subf %select_n3A_3027, %sub3A_3029 : vector<16xf32>
    %mul3A_3031 = arith.constant 0.0703768358 : f32
    %mul3A_3032 = vector.broadcast %mul3A_3031 : f32 to vector<16xf32>
    %mul3A_3033 = arith.mulf %mul3A_3032, %sub3A_3030 : vector<16xf32>
    %add3A_3034 = arith.constant -0.115146101 : f32
    %add3A_3035 = vector.broadcast %add3A_3034 : f32 to vector<16xf32>
    %add3A_3036 = arith.addf %mul3A_3033, %add3A_3035 : vector<16xf32>
    %mul3A_3037 = arith.mulf %add3A_3036, %sub3A_3030 : vector<16xf32>
    %add3A_3038 = arith.constant 0.116769984 : f32
    %add3A_3039 = vector.broadcast %add3A_3038 : f32 to vector<16xf32>
    %add3A_3040 = arith.addf %mul3A_3037, %add3A_3039 : vector<16xf32>
    %mul3A_3041 = arith.mulf %add3A_3040, %sub3A_3030 : vector<16xf32>
    %add3A_3042 = arith.constant -0.12420141 : f32
    %add3A_3043 = vector.broadcast %add3A_3042 : f32 to vector<16xf32>
    %add3A_3044 = arith.addf %mul3A_3041, %add3A_3043 : vector<16xf32>
    %mul3A_3045 = arith.mulf %add3A_3044, %sub3A_3030 : vector<16xf32>
    %add3A_3046 = arith.constant 0.142493233 : f32
    %add3A_3047 = vector.broadcast %add3A_3046 : f32 to vector<16xf32>
    %add3A_3048 = arith.addf %mul3A_3045, %add3A_3047 : vector<16xf32>
    %mul3A_3049 = arith.mulf %add3A_3048, %sub3A_3030 : vector<16xf32>
    %add3A_3050 = arith.constant -0.166680574 : f32
    %add3A_3051 = vector.broadcast %add3A_3050 : f32 to vector<16xf32>
    %add3A_3052 = arith.addf %mul3A_3049, %add3A_3051 : vector<16xf32>
    %mul3A_3053 = arith.mulf %add3A_3052, %sub3A_3030 : vector<16xf32>
    %add3A_3054 = arith.constant 0.200007141 : f32
    %add3A_3055 = vector.broadcast %add3A_3054 : f32 to vector<16xf32>
    %add3A_3056 = arith.addf %mul3A_3053, %add3A_3055 : vector<16xf32>
    %mul3A_3057 = arith.mulf %add3A_3056, %sub3A_3030 : vector<16xf32>
    %add3A_3058 = arith.constant -0.24999994 : f32
    %add3A_3059 = vector.broadcast %add3A_3058 : f32 to vector<16xf32>
    %add3A_3060 = arith.addf %mul3A_3057, %add3A_3059 : vector<16xf32>
    %mul3A_3061 = arith.mulf %add3A_3060, %sub3A_3030 : vector<16xf32>
    %add3A_3062 = arith.constant 0.333333313 : f32
    %add3A_3063 = vector.broadcast %add3A_3062 : f32 to vector<16xf32>
    %add3A_3064 = arith.addf %mul3A_3061, %add3A_3063 : vector<16xf32>
    %mul3A_3065 = arith.mulf %sub3A_3030, %sub3A_3030 : vector<16xf32>
    %mul3A_3066 = arith.mulf %sub3A_3030, %add3A_3064 : vector<16xf32>
    %sub3A_3067 = arith.constant 5.000000e-01 : f32
    %sub3A_3068 = vector.broadcast %sub3A_3067 : f32 to vector<16xf32>
    %sub3A_3069 = arith.subf %mul3A_3066, %sub3A_3068 : vector<16xf32>
    %mul3A_3070 = arith.mulf %mul3A_3065, %sub3A_3069 : vector<16xf32>
    %add3A_3071 = arith.addf %sub3A_3030, %mul3A_3070 : vector<16xf32>
    %mul3A_3072 = arith.constant 0.693147182 : f32
    %mul3A_3073 = vector.broadcast %mul3A_3072 : f32 to vector<16xf32>
    %mul3A_3074 = arith.mulf %convert_element_type3A_3025, %mul3A_3073 : vector<16xf32>
    %add3A_3075 = arith.addf %add3A_3071, %mul3A_3074 : vector<16xf32>
    %neg3A_3076 = arith.constant 0.000000e+00 : f32
    %neg3A_3077 = vector.broadcast %neg3A_3076 : f32 to vector<16xf32>
    %neg3A_3078 = arith.subf %neg3A_3077, %add3A_3075 : vector<16xf32>
    %eq3A_3079 = arith.constant -100 : i32
    %eq3A_3080 = vector.broadcast %eq3A_3079 : i32 to vector<16xi32>
    %eq3A_3081 = arith.cmpi eq, %get3A_2972, %eq3A_3080 : vector<16xi32>
    %select_n3A_3082 = arith.select %eq3A_3081, %broadcast_in_dim3A_2988, %neg3A_3078 : vector<16xi1>, vector<16xf32>
    %swap3A_3083 = arith.constant 16 : index
    %swap3A_3084 = tpu.vector_load %arg10[%swap3A_3083] {strides = array<i32>} : memref<64xf32, #tpu.memory_space<vmem>>, vector<16xf32>,
    tpu.vector_store %arg10[%swap3A_3083], %select_n3A_3082 {strides = array<i32>} : memref<64xf32, #tpu.memory_space<vmem>>, vector<16xf32>,
    %get3A_3085 = arith.constant 32 : index
    %get3A_3086 = tpu.vector_load %arg6[%get3A_3085] {strides = array<i32>} : memref<64xi32, #tpu.memory_space<vmem>>, vector<16xi32>,
    %get3A_3087 = arith.constant 32 : index
    %get3A_3088 = tpu.vector_load %arg7[%get3A_3087] {strides = array<i32>} : memref<64xi32, #tpu.memory_space<vmem>>, vector<16xi32>,
    %add3A_3089 = arith.constant 32 : i32
    %add3A_3090 = vector.broadcast %add3A_3089 : i32 to vector<16xi32>
    %add3A_3091 = arith.addi %add3A_3090, %iota3A : vector<16xi32>
    %and3A_3092 = arith.constant 7 : i32
    %and3A_3093 = vector.broadcast %and3A_3092 : i32 to vector<16xi32>
    %and3A_3094 = arith.andi %add3A_3091, %and3A_3093 : vector<16xi32>
    %shift_right_arithmetic3A_3095 = arith.constant 3 : i32
    %shift_right_arithmetic3A_3096 = vector.broadcast %shift_right_arithmetic3A_3095 : i32 to vector<16xi32>
    %shift_right_arithmetic3A_3097 = arith.shrsi %add3A_3091, %shift_right_arithmetic3A_3096 : vector<16xi32>
    %gather3A_3098 = tpu.vector_load_idx %arg8[%shift_right_arithmetic3A_3097, %and3A_3094, %get3A_3086] : memref<8x8x512xf32, #tpu.memory_space<vmem>>[vector<16xi32>, vector<16xi32>, vector<16xi32>], vector<16xf32>,
    %and3A_3099 = arith.constant 127 : i32
    %and3A_3100 = vector.broadcast %and3A_3099 : i32 to vector<16xi32>
    %and3A_3101 = arith.andi %get3A_3088, %and3A_3100 : vector<16xi32>
    %gather3A_3102 = tpu.vector_load_idx %arg9[%add3A_3091, %and3A_3094, %and3A_3101] : memref<64x8x128xf32, #tpu.memory_space<vmem>>[vector<16xi32>, vector<16xi32>, vector<16xi32>], vector<16xf32>,
    %broadcast_in_dim3A_3103 = arith.constant 0.000000e+00 : f32
    %broadcast_in_dim3A_3104 = vector.broadcast %broadcast_in_dim3A_3103 : f32 to vector<16xf32>
    %eq3A_3105 = arith.constant 0 : i32
    %eq3A_3106 = vector.broadcast %eq3A_3105 : i32 to vector<16xi32>
    %eq3A_3107 = arith.cmpi eq, %get3A_3086, %eq3A_3106 : vector<16xi32>
    %eq3A_3108 = arith.constant 0 : i32
    %eq3A_3109 = vector.broadcast %eq3A_3108 : i32 to vector<16xi32>
    %eq3A_3110 = arith.cmpi eq, %get3A_3088, %eq3A_3109 : vector<16xi32>
    %select_n3A_3111 = arith.select %eq3A_3107, %broadcast_in_dim3A_3104, %gather3A_3098 : vector<16xi1>, vector<16xf32>
    %add3A_3112 = arith.constant 9.99999968E-21 : f32
    %add3A_3113 = vector.broadcast %add3A_3112 : f32 to vector<16xf32>
    %add3A_3114 = arith.addf %select_n3A_3111, %add3A_3113 : vector<16xf32>
    %not3A_3115 = arith.constant dense<true> : vector<16xi1>
    %not3A_3116 = arith.xori %eq3A_3107, %not3A_3115 : vector<16xi1>
    %and3A_3117 = arith.andi %eq3A_3110, %not3A_3116 : vector<16xi1>
    %select_n3A_3118 = arith.select %and3A_3117, %broadcast_in_dim3A_3104, %gather3A_3102 : vector<16xi1>, vector<16xf32>
    %add3A_3119 = arith.addf %add3A_3114, %select_n3A_3118 : vector<16xf32>
    %bitcast_convert_type3A_3120 = tpu.bitcast %add3A_3119 : vector<16xf32> -> vector<16xi32>
    %shift_right_arithmetic3A_3121 = arith.constant 23 : i32
    %shift_right_arithmetic3A_3122 = vector.broadcast %shift_right_arithmetic3A_3121 : i32 to vector<16xi32>
    %shift_right_arithmetic3A_3123 = arith.shrsi %bitcast_convert_type3A_3120, %shift_right_arithmetic3A_3122 : vector<16xi32>
    %sub3A_3124 = arith.constant 126 : i32
    %sub3A_3125 = vector.broadcast %sub3A_3124 : i32 to vector<16xi32>
    %sub3A_3126 = arith.subi %shift_right_arithmetic3A_3123, %sub3A_3125 : vector<16xi32>
    %and3A_3127 = arith.constant 8388607 : i32
    %and3A_3128 = vector.broadcast %and3A_3127 : i32 to vector<16xi32>
    %and3A_3129 = arith.andi %bitcast_convert_type3A_3120, %and3A_3128 : vector<16xi32>
    %or3A_3130 = arith.constant 1056964608 : i32
    %or3A_3131 = vector.broadcast %or3A_3130 : i32 to vector<16xi32>
    %or3A_3132 = arith.ori %and3A_3129, %or3A_3131 : vector<16xi32>
    %bitcast_convert_type3A_3133 = tpu.bitcast %or3A_3132 : vector<16xi32> -> vector<16xf32>
    %lt3A_3134 = arith.constant 0.707106769 : f32
    %lt3A_3135 = vector.broadcast %lt3A_3134 : f32 to vector<16xf32>
    %lt3A_3136 = arith.cmpf olt, %bitcast_convert_type3A_3133, %lt3A_3135 : vector<16xf32>
    %sub3A_3137 = arith.constant 1 : i32
    %sub3A_3138 = vector.broadcast %sub3A_3137 : i32 to vector<16xi32>
    %sub3A_3139 = arith.subi %sub3A_3126, %sub3A_3138 : vector<16xi32>
    %select_n3A_3140 = arith.select %lt3A_3136, %sub3A_3139, %sub3A_3126 : vector<16xi1>, vector<16xi32>
    %convert_element_type3A_3141 = arith.sitofp %select_n3A_3140 : vector<16xi32> to vector<16xf32>
    %add3A_3142 = arith.addf %bitcast_convert_type3A_3133, %bitcast_convert_type3A_3133 : vector<16xf32>
    %select_n3A_3143 = arith.select %lt3A_3136, %add3A_3142, %bitcast_convert_type3A_3133 : vector<16xi1>, vector<16xf32>
    %sub3A_3144 = arith.constant 1.000000e+00 : f32
    %sub3A_3145 = vector.broadcast %sub3A_3144 : f32 to vector<16xf32>
    %sub3A_3146 = arith.subf %select_n3A_3143, %sub3A_3145 : vector<16xf32>
    %mul3A_3147 = arith.constant 0.0703768358 : f32
    %mul3A_3148 = vector.broadcast %mul3A_3147 : f32 to vector<16xf32>
    %mul3A_3149 = arith.mulf %mul3A_3148, %sub3A_3146 : vector<16xf32>
    %add3A_3150 = arith.constant -0.115146101 : f32
    %add3A_3151 = vector.broadcast %add3A_3150 : f32 to vector<16xf32>
    %add3A_3152 = arith.addf %mul3A_3149, %add3A_3151 : vector<16xf32>
    %mul3A_3153 = arith.mulf %add3A_3152, %sub3A_3146 : vector<16xf32>
    %add3A_3154 = arith.constant 0.116769984 : f32
    %add3A_3155 = vector.broadcast %add3A_3154 : f32 to vector<16xf32>
    %add3A_3156 = arith.addf %mul3A_3153, %add3A_3155 : vector<16xf32>
    %mul3A_3157 = arith.mulf %add3A_3156, %sub3A_3146 : vector<16xf32>
    %add3A_3158 = arith.constant -0.12420141 : f32
    %add3A_3159 = vector.broadcast %add3A_3158 : f32 to vector<16xf32>
    %add3A_3160 = arith.addf %mul3A_3157, %add3A_3159 : vector<16xf32>
    %mul3A_3161 = arith.mulf %add3A_3160, %sub3A_3146 : vector<16xf32>
    %add3A_3162 = arith.constant 0.142493233 : f32
    %add3A_3163 = vector.broadcast %add3A_3162 : f32 to vector<16xf32>
    %add3A_3164 = arith.addf %mul3A_3161, %add3A_3163 : vector<16xf32>
    %mul3A_3165 = arith.mulf %add3A_3164, %sub3A_3146 : vector<16xf32>
    %add3A_3166 = arith.constant -0.166680574 : f32
    %add3A_3167 = vector.broadcast %add3A_3166 : f32 to vector<16xf32>
    %add3A_3168 = arith.addf %mul3A_3165, %add3A_3167 : vector<16xf32>
    %mul3A_3169 = arith.mulf %add3A_3168, %sub3A_3146 : vector<16xf32>
    %add3A_3170 = arith.constant 0.200007141 : f32
    %add3A_3171 = vector.broadcast %add3A_3170 : f32 to vector<16xf32>
    %add3A_3172 = arith.addf %mul3A_3169, %add3A_3171 : vector<16xf32>
    %mul3A_3173 = arith.mulf %add3A_3172, %sub3A_3146 : vector<16xf32>
    %add3A_3174 = arith.constant -0.24999994 : f32
    %add3A_3175 = vector.broadcast %add3A_3174 : f32 to vector<16xf32>
    %add3A_3176 = arith.addf %mul3A_3173, %add3A_3175 : vector<16xf32>
    %mul3A_3177 = arith.mulf %add3A_3176, %sub3A_3146 : vector<16xf32>
    %add3A_3178 = arith.constant 0.333333313 : f32
    %add3A_3179 = vector.broadcast %add3A_3178 : f32 to vector<16xf32>
    %add3A_3180 = arith.addf %mul3A_3177, %add3A_3179 : vector<16xf32>
    %mul3A_3181 = arith.mulf %sub3A_3146, %sub3A_3146 : vector<16xf32>
    %mul3A_3182 = arith.mulf %sub3A_3146, %add3A_3180 : vector<16xf32>
    %sub3A_3183 = arith.constant 5.000000e-01 : f32
    %sub3A_3184 = vector.broadcast %sub3A_3183 : f32 to vector<16xf32>
    %sub3A_3185 = arith.subf %mul3A_3182, %sub3A_3184 : vector<16xf32>
    %mul3A_3186 = arith.mulf %mul3A_3181, %sub3A_3185 : vector<16xf32>
    %add3A_3187 = arith.addf %sub3A_3146, %mul3A_3186 : vector<16xf32>
    %mul3A_3188 = arith.constant 0.693147182 : f32
    %mul3A_3189 = vector.broadcast %mul3A_3188 : f32 to vector<16xf32>
    %mul3A_3190 = arith.mulf %convert_element_type3A_3141, %mul3A_3189 : vector<16xf32>
    %add3A_3191 = arith.addf %add3A_3187, %mul3A_3190 : vector<16xf32>
    %neg3A_3192 = arith.constant 0.000000e+00 : f32
    %neg3A_3193 = vector.broadcast %neg3A_3192 : f32 to vector<16xf32>
    %neg3A_3194 = arith.subf %neg3A_3193, %add3A_3191 : vector<16xf32>
    %eq3A_3195 = arith.constant -100 : i32
    %eq3A_3196 = vector.broadcast %eq3A_3195 : i32 to vector<16xi32>
    %eq3A_3197 = arith.cmpi eq, %get3A_3088, %eq3A_3196 : vector<16xi32>
    %select_n3A_3198 = arith.select %eq3A_3197, %broadcast_in_dim3A_3104, %neg3A_3194 : vector<16xi1>, vector<16xf32>
    %swap3A_3199 = arith.constant 32 : index
    %swap3A_3200 = tpu.vector_load %arg10[%swap3A_3199] {strides = array<i32>} : memref<64xf32, #tpu.memory_space<vmem>>, vector<16xf32>,
    tpu.vector_store %arg10[%swap3A_3199], %select_n3A_3198 {strides = array<i32>} : memref<64xf32, #tpu.memory_space<vmem>>, vector<16xf32>,
    %get3A_3201 = arith.constant 48 : index
    %get3A_3202 = tpu.vector_load %arg6[%get3A_3201] {strides = array<i32>} : memref<64xi32, #tpu.memory_space<vmem>>, vector<16xi32>,
    %get3A_3203 = arith.constant 48 : index
    %get3A_3204 = tpu.vector_load %arg7[%get3A_3203] {strides = array<i32>} : memref<64xi32, #tpu.memory_space<vmem>>, vector<16xi32>,
    %add3A_3205 = arith.constant 48 : i32
    %add3A_3206 = vector.broadcast %add3A_3205 : i32 to vector<16xi32>
    %add3A_3207 = arith.addi %add3A_3206, %iota3A : vector<16xi32>
    %and3A_3208 = arith.constant 7 : i32
    %and3A_3209 = vector.broadcast %and3A_3208 : i32 to vector<16xi32>
    %and3A_3210 = arith.andi %add3A_3207, %and3A_3209 : vector<16xi32>
    %shift_right_arithmetic3A_3211 = arith.constant 3 : i32
    %shift_right_arithmetic3A_3212 = vector.broadcast %shift_right_arithmetic3A_3211 : i32 to vector<16xi32>
    %shift_right_arithmetic3A_3213 = arith.shrsi %add3A_3207, %shift_right_arithmetic3A_3212 : vector<16xi32>
    %gather3A_3214 = tpu.vector_load_idx %arg8[%shift_right_arithmetic3A_3213, %and3A_3210, %get3A_3202] : memref<8x8x512xf32, #tpu.memory_space<vmem>>[vector<16xi32>, vector<16xi32>, vector<16xi32>], vector<16xf32>,
    %and3A_3215 = arith.constant 127 : i32
    %and3A_3216 = vector.broadcast %and3A_3215 : i32 to vector<16xi32>
    %and3A_3217 = arith.andi %get3A_3204, %and3A_3216 : vector<16xi32>
    %gather3A_3218 = tpu.vector_load_idx %arg9[%add3A_3207, %and3A_3210, %and3A_3217] : memref<64x8x128xf32, #tpu.memory_space<vmem>>[vector<16xi32>, vector<16xi32>, vector<16xi32>], vector<16xf32>,
    %broadcast_in_dim3A_3219 = arith.constant 0.000000e+00 : f32
    %broadcast_in_dim3A_3220 = vector.broadcast %broadcast_in_dim3A_3219 : f32 to vector<16xf32>
    %eq3A_3221 = arith.constant 0 : i32
    %eq3A_3222 = vector.broadcast %eq3A_3221 : i32 to vector<16xi32>
    %eq3A_3223 = arith.cmpi eq, %get3A_3202, %eq3A_3222 : vector<16xi32>
    %eq3A_3224 = arith.constant 0 : i32
    %eq3A_3225 = vector.broadcast %eq3A_3224 : i32 to vector<16xi32>
    %eq3A_3226 = arith.cmpi eq, %get3A_3204, %eq3A_3225 : vector<16xi32>
    %select_n3A_3227 = arith.select %eq3A_3223, %broadcast_in_dim3A_3220, %gather3A_3214 : vector<16xi1>, vector<16xf32>
    %add3A_3228 = arith.constant 9.99999968E-21 : f32
    %add3A_3229 = vector.broadcast %add3A_3228 : f32 to vector<16xf32>
    %add3A_3230 = arith.addf %select_n3A_3227, %add3A_3229 : vector<16xf32>
    %not3A_3231 = arith.constant dense<true> : vector<16xi1>
    %not3A_3232 = arith.xori %eq3A_3223, %not3A_3231 : vector<16xi1>
    %and3A_3233 = arith.andi %eq3A_3226, %not3A_3232 : vector<16xi1>
    %select_n3A_3234 = arith.select %and3A_3233, %broadcast_in_dim3A_3220, %gather3A_3218 : vector<16xi1>, vector<16xf32>
    %add3A_3235 = arith.addf %add3A_3230, %select_n3A_3234 : vector<16xf32>
    %bitcast_convert_type3A_3236 = tpu.bitcast %add3A_3235 : vector<16xf32> -> vector<16xi32>
    %shift_right_arithmetic3A_3237 = arith.constant 23 : i32
    %shift_right_arithmetic3A_3238 = vector.broadcast %shift_right_arithmetic3A_3237 : i32 to vector<16xi32>
    %shift_right_arithmetic3A_3239 = arith.shrsi %bitcast_convert_type3A_3236, %shift_right_arithmetic3A_3238 : vector<16xi32>
    %sub3A_3240 = arith.constant 126 : i32
    %sub3A_3241 = vector.broadcast %sub3A_3240 : i32 to vector<16xi32>
    %sub3A_3242 = arith.subi %shift_right_arithmetic3A_3239, %sub3A_3241 : vector<16xi32>
    %and3A_3243 = arith.constant 8388607 : i32
    %and3A_3244 = vector.broadcast %and3A_3243 : i32 to vector<16xi32>
    %and3A_3245 = arith.andi %bitcast_convert_type3A_3236, %and3A_3244 : vector<16xi32>
    %or3A_3246 = arith.constant 1056964608 : i32
    %or3A_3247 = vector.broadcast %or3A_3246 : i32 to vector<16xi32>
    %or3A_3248 = arith.ori %and3A_3245, %or3A_3247 : vector<16xi32>
    %bitcast_convert_type3A_3249 = tpu.bitcast %or3A_3248 : vector<16xi32> -> vector<16xf32>
    %lt3A_3250 = arith.constant 0.707106769 : f32
    %lt3A_3251 = vector.broadcast %lt3A_3250 : f32 to vector<16xf32>
    %lt3A_3252 = arith.cmpf olt, %bitcast_convert_type3A_3249, %lt3A_3251 : vector<16xf32>
    %sub3A_3253 = arith.constant 1 : i32
    %sub3A_3254 = vector.broadcast %sub3A_3253 : i32 to vector<16xi32>
    %sub3A_3255 = arith.subi %sub3A_3242, %sub3A_3254 : vector<16xi32>
    %select_n3A_3256 = arith.select %lt3A_3252, %sub3A_3255, %sub3A_3242 : vector<16xi1>, vector<16xi32>
    %convert_element_type3A_3257 = arith.sitofp %select_n3A_3256 : vector<16xi32> to vector<16xf32>
    %add3A_3258 = arith.addf %bitcast_convert_type3A_3249, %bitcast_convert_type3A_3249 : vector<16xf32>
    %select_n3A_3259 = arith.select %lt3A_3252, %add3A_3258, %bitcast_convert_type3A_3249 : vector<16xi1>, vector<16xf32>
    %sub3A_3260 = arith.constant 1.000000e+00 : f32
    %sub3A_3261 = vector.broadcast %sub3A_3260 : f32 to vector<16xf32>
    %sub3A_3262 = arith.subf %select_n3A_3259, %sub3A_3261 : vector<16xf32>
    %mul3A_3263 = arith.constant 0.0703768358 : f32
    %mul3A_3264 = vector.broadcast %mul3A_3263 : f32 to vector<16xf32>
    %mul3A_3265 = arith.mulf %mul3A_3264, %sub3A_3262 : vector<16xf32>
    %add3A_3266 = arith.constant -0.115146101 : f32
    %add3A_3267 = vector.broadcast %add3A_3266 : f32 to vector<16xf32>
    %add3A_3268 = arith.addf %mul3A_3265, %add3A_3267 : vector<16xf32>
    %mul3A_3269 = arith.mulf %add3A_3268, %sub3A_3262 : vector<16xf32>
    %add3A_3270 = arith.constant 0.116769984 : f32
    %add3A_3271 = vector.broadcast %add3A_3270 : f32 to vector<16xf32>
    %add3A_3272 = arith.addf %mul3A_3269, %add3A_3271 : vector<16xf32>
    %mul3A_3273 = arith.mulf %add3A_3272, %sub3A_3262 : vector<16xf32>
    %add3A_3274 = arith.constant -0.12420141 : f32
    %add3A_3275 = vector.broadcast %add3A_3274 : f32 to vector<16xf32>
    %add3A_3276 = arith.addf %mul3A_3273, %add3A_3275 : vector<16xf32>
    %mul3A_3277 = arith.mulf %add3A_3276, %sub3A_3262 : vector<16xf32>
    %add3A_3278 = arith.constant 0.142493233 : f32
    %add3A_3279 = vector.broadcast %add3A_3278 : f32 to vector<16xf32>
    %add3A_3280 = arith.addf %mul3A_3277, %add3A_3279 : vector<16xf32>
    %mul3A_3281 = arith.mulf %add3A_3280, %sub3A_3262 : vector<16xf32>
    %add3A_3282 = arith.constant -0.166680574 : f32
    %add3A_3283 = vector.broadcast %add3A_3282 : f32 to vector<16xf32>
    %add3A_3284 = arith.addf %mul3A_3281, %add3A_3283 : vector<16xf32>
    %mul3A_3285 = arith.mulf %add3A_3284, %sub3A_3262 : vector<16xf32>
    %add3A_3286 = arith.constant 0.200007141 : f32
    %add3A_3287 = vector.broadcast %add3A_3286 : f32 to vector<16xf32>
    %add3A_3288 = arith.addf %mul3A_3285, %add3A_3287 : vector<16xf32>
    %mul3A_3289 = arith.mulf %add3A_3288, %sub3A_3262 : vector<16xf32>
    %add3A_3290 = arith.constant -0.24999994 : f32
    %add3A_3291 = vector.broadcast %add3A_3290 : f32 to vector<16xf32>
    %add3A_3292 = arith.addf %mul3A_3289, %add3A_3291 : vector<16xf32>
    %mul3A_3293 = arith.mulf %add3A_3292, %sub3A_3262 : vector<16xf32>
    %add3A_3294 = arith.constant 0.333333313 : f32
    %add3A_3295 = vector.broadcast %add3A_3294 : f32 to vector<16xf32>
    %add3A_3296 = arith.addf %mul3A_3293, %add3A_3295 : vector<16xf32>
    %mul3A_3297 = arith.mulf %sub3A_3262, %sub3A_3262 : vector<16xf32>
    %mul3A_3298 = arith.mulf %sub3A_3262, %add3A_3296 : vector<16xf32>
    %sub3A_3299 = arith.constant 5.000000e-01 : f32
    %sub3A_3300 = vector.broadcast %sub3A_3299 : f32 to vector<16xf32>
    %sub3A_3301 = arith.subf %mul3A_3298, %sub3A_3300 : vector<16xf32>
    %mul3A_3302 = arith.mulf %mul3A_3297, %sub3A_3301 : vector<16xf32>
    %add3A_3303 = arith.addf %sub3A_3262, %mul3A_3302 : vector<16xf32>
    %mul3A_3304 = arith.constant 0.693147182 : f32
    %mul3A_3305 = vector.broadcast %mul3A_3304 : f32 to vector<16xf32>
    %mul3A_3306 = arith.mulf %convert_element_type3A_3257, %mul3A_3305 : vector<16xf32>
    %add3A_3307 = arith.addf %add3A_3303, %mul3A_3306 : vector<16xf32>
    %neg3A_3308 = arith.constant 0.000000e+00 : f32
    %neg3A_3309 = vector.broadcast %neg3A_3308 : f32 to vector<16xf32>
    %neg3A_3310 = arith.subf %neg3A_3309, %add3A_3307 : vector<16xf32>
    %eq3A_3311 = arith.constant -100 : i32
    %eq3A_3312 = vector.broadcast %eq3A_3311 : i32 to vector<16xi32>
    %eq3A_3313 = arith.cmpi eq, %get3A_3204, %eq3A_3312 : vector<16xi32>
    %select_n3A_3314 = arith.select %eq3A_3313, %broadcast_in_dim3A_3220, %neg3A_3310 : vector<16xi1>, vector<16xf32>
    %swap3A_3315 = arith.constant 48 : index
    %swap3A_3316 = tpu.vector_load %arg10[%swap3A_3315] {strides = array<i32>} : memref<64xf32, #tpu.memory_space<vmem>>, vector<16xf32>,
    tpu.vector_store %arg10[%swap3A_3315], %select_n3A_3314 {strides = array<i32>} : memref<64xf32, #tpu.memory_space<vmem>>, vector<16xf32>,
    "tpu.region"() ({
      %run_scoped3A = tpu.sem_alloc : memref<!tpu.dma_semaphore, #tpu.memory_space<semaphore_mem>>
      %dma_start3A_3317 = tpu.memref_slice %arg5[%mul3A_2] : memref<2048xf32, #tpu.memory_space<hbm>> -> memref<64xf32, #tpu.memory_space<hbm>>
      %dma_start3A_3318 = tpu.memref_slice %arg5[%mul3A_2] : memref<2048xf32, #tpu.memory_space<hbm>> -> memref<64xf32, #tpu.memory_space<hbm>>
      tpu.enqueue_dma source(%arg10 : memref<64xf32, #tpu.memory_space<vmem>>) target(%dma_start3A_3318 : memref<64xf32, #tpu.memory_space<hbm>>) target_semaphore(%run_scoped3A : memref<!tpu.dma_semaphore, #tpu.memory_space<semaphore_mem>>)
      %dma_wait3A_3319 = tpu.memref_slice %arg5[%mul3A_2] : memref<2048xf32, #tpu.memory_space<hbm>> -> memref<64xf32, #tpu.memory_space<hbm>>
      %dma_wait3A_3320 = tpu.memref_slice %arg5[%mul3A_2] : memref<2048xf32, #tpu.memory_space<hbm>> -> memref<64xf32, #tpu.memory_space<hbm>>
      tpu.wait_dma2 semaphore(%run_scoped3A : memref<!tpu.dma_semaphore, #tpu.memory_space<semaphore_mem>>) src(%arg10 : memref<64xf32, #tpu.memory_space<vmem>>) dst(%dma_wait3A_3320 : memref<64xf32, #tpu.memory_space<hbm>>)
      tpu.yield
    }) : () -> ()
    return
  }
}

</mosaic_0001>

<sc_bundles>
// kernel: kernel.3.cloned.1.call-start
scs
__scs_entry_jumppad:
0x0: {  	(pc) =	sbr.rel $0x88, $3  }
0x1: {  	(tag) =	ssettag $0x0;
	lr =	simm.s32 $0x1  }
0x2: {  	[smem:$0x3F9E] =	sst lr;
	_ =	strace $0xD0000000  }
0x3: {  	_ = 	snop  }
0x4: {  	_ = 	snop  }
0x5: {  	_ = 	snop  }
0x6: {  	_ = 	snop  }
0x7: {  	_ = 	snop  }
__scs_overlays_trampoline_lowered:
0x8: {  	[smem:$0x3FAD] =	sst s0  }
0x9: {  	[smem:$0x3FAE] =	sst s1  }
0xa: {  	[smem:$0x3FAF] =	sst s2  }
0xb: {  	[smem:$0x3FB0] =	sst s3  }
0xc: {  	[smem:$0x3FB1] =	sst s4  }
0xd: {  	[smem:$0x3FB2] =	sst s5  }
0xe: {  	[smem:$0x3FB3] =	sst s6  }
0xf: {  	[smem:$0x3FB4] =	sst s7  }
0x10: {  	[smem:$0x3FB5] =	sst s8  }
0x11: {  	[smem:$0x3FB6] =	sst s9;
	s0 =	simm.s32 @!p0 $0x0  }
0x12: {  	s1 =	sld [smem:$0x3F9C];
	s0 =	simm.s32 @p0 $0x1  }
0x13: {  	[smem:$0x3FB7] =	sst s0;
	s0 =	simm.s32 @!p1 $0x0  }
0x14: {  	s2 =	sld [smem:$0x3F9B];
	s0 =	simm.s32 @p1 $0x1  }
0x15: {  	[smem:$0x3FB8] =	sst s0;
	s0 =	simm.s32 @!p2 $0x0  }
0x16: {  	s3 =	sld [smem:$0x3FDB];
	s0 =	simm.s32 @p2 $0x1  }
0x17: {  	s4 =	simm.s32 $0x1BF5;
	[smem:$0x3FBA] =	sst s0  }
0x18: {  	s0 =	sld [smem:$0x3F9D];
	_ =	swait.ge [sflag:s4], $0x0  }
0x19: {  	s7 =	sld [smem:$0x3F9E]  }
0x1a: {  	s8 =	sadd.s32 $0xFFFFE003, lr  }
0x1b: {  	s9 =	sadd.s32 $0xFFFFFEF7, lr;
	s5 =	simm.s32 $0xFFFFFFFF;
	p2 =	slt.u32 s8, $0xFFFFF086  }
0x1c: {  	p1 =	slt.u32 s9, $0xF7A;
	s5 =	simm.s32 @!p2 $0x0  }
0x1d: {  	s5 =	simm.s32 @p1 $0x1;
	p0 =	seq.s32 s7, s2  }
0x1e: {  	s7 =	smul.u32 @!p0 $0xF7A, s2;
	p2 =	seq.s32 @!p0 s5, $0x0  }
0x1f: {  	s9 =	smul.u32 $0xF7A, s1;
	s8 =	simm.s32 @!p0 $0x1BF5;
	p2 =	por !p2, p0  }
0x20: {  	[sflag:s8] =	ssyncset.s32 @!p0 $0xFFFFF086;
	s6 =	sadd.s32 @!p0 s3, s7;
	s7 =	simm.s32 @!p0 $0x108  }
0x21: {  	s3 =	sadd.s32 s3, s9;
	s6 =	sadd.s32 @!p0 $0x88, s6;
	s7 =	simm.s32 @p2 $0x1082  }
0x22: {  	[simem:s7], [sflag:s8] =	dma.local @!p0 [hbm:s6], $0xF7A  }
0x23: {  	s9 =	sor.u32 $0xD0000000, s2;
	s6 =	simm.s32 $0x108;
	_ =	swait.ge @!p0 [sflag:s8], $0x0  }
0x24: {  	s3 =	sadd.s32 $0x88, s3;
	s6 =	simm.s32 @!p1 $0x1082;
	[sflag:s4] =	ssyncset.s32 $0xFFFFF086  }
0x25: {  	[simem:s6], [sflag:s4] =	dma.local [hbm:s3], $0xF7A  }
0x26: {  	[smem:$0x3F9E] =	sst s1;
	(tag) =	ssettag s2;
	_ =	strace s9  }
0x27: {  	s1 =	sld [smem:$0x3FAE]  }
0x28: {  	s2 =	sld [smem:$0x3FAF]  }
0x29: {  	s4 =	sld [smem:$0x3FB1]  }
0x2a: {  	p0 =	seq.s32 s5, $0x0;
	s5 =	sld [smem:$0x3FB2]  }
0x2b: {  	s6 =	sld [smem:$0x3FB3]  }
0x2c: {  	s7 =	sld [smem:$0x3FB4]  }
0x2d: {  	s3 =	simm.s32 $0x108;
	s8 =	sld [smem:$0x3FB5]  }
0x2e: {  	s3 =	simm.s32 @!p0 $0x1082;
	s9 =	sld [smem:$0x3FB6]  }
0x2f: {  	lr =	sadd.s32 s0, s3;
	s0 =	sld [smem:$0x3FAD]  }
0x30: {  	s3 =	sld [smem:$0x3FB0]  }
0x31: {  	[smem:$0x3FB9] =	sst s10  }
0x32: {  	s10 =	sld [smem:$0x3FB7];
	_ =	sdelay $0x3  }
0x33: {  	p0 =	seq.s32 s10, $0x1;
	s10 =	sld [smem:$0x3FB9];
	_ =	sdelay $0x3  }
0x34: {  	[smem:$0x3FB9] =	sst s10  }
0x35: {  	s10 =	sld [smem:$0x3FB8];
	_ =	sdelay $0x3  }
0x36: {  	p1 =	seq.s32 s10, $0x1;
	s10 =	sld [smem:$0x3FB9];
	_ =	sdelay $0x3  }
0x37: {  	[smem:$0x3FB9] =	sst s10  }
0x38: {  	s10 =	sld [smem:$0x3FBA]  }
0x39: {  	_ = 	snop;
	(pc) =	sbr.ind lr, $3  }
0x3a: {  	_ = 	snop  }
0x3b: {  	_ = 	snop  }
0x3c: {  	p2 =	seq.s32 s10, $0x1;
	s10 =	sld [smem:$0x3FB9]  }
0x3d: {  	_ =	shalt  }
0x3e: {  	_ =	shalt  }
0x3f: {  	_ =	shalt  }
0x40: {  	_ =	shalt  }
0x41: {  	_ =	shalt  }
0x42: {  	_ =	shalt  }
0x43: {  	_ =	shalt  }
0x44: {  	_ =	shalt  }
0x45: {  	_ =	shalt  }
0x46: {  	_ =	shalt  }
0x47: {  	_ =	shalt  }
0x48: {  	_ =	shalt  }
0x49: {  	_ =	shalt  }
0x4a: {  	_ =	shalt  }
0x4b: {  	_ =	shalt  }
0x4c: {  	_ =	shalt  }
0x4d: {  	_ =	shalt  }
0x4e: {  	_ =	shalt  }
0x4f: {  	_ =	shalt  }
0x50: {  	_ =	shalt  }
0x51: {  	_ =	shalt  }
0x52: {  	_ =	shalt  }
0x53: {  	_ =	shalt  }
0x54: {  	_ =	shalt  }
0x55: {  	_ =	shalt  }
0x56: {  	_ =	shalt  }
0x57: {  	_ =	shalt  }
0x58: {  	_ =	shalt  }
0x59: {  	_ =	shalt  }
0x5a: {  	_ =	shalt  }
0x5b: {  	_ =	shalt  }
0x5c: {  	_ =	shalt  }
0x5d: {  	_ =	shalt  }
0x5e: {  	_ =	shalt  }
0x5f: {  	_ =	shalt  }
0x60: {  	_ =	shalt  }
0x61: {  	_ =	shalt  }
0x62: {  	_ =	shalt  }
0x63: {  	_ =	shalt  }
0x64: {  	_ =	shalt  }
0x65: {  	_ =	shalt  }
0x66: {  	_ =	shalt  }
0x67: {  	_ =	shalt  }
0x68: {  	_ =	shalt  }
0x69: {  	_ =	shalt  }
0x6a: {  	_ =	shalt  }
0x6b: {  	_ =	shalt  }
0x6c: {  	_ =	shalt  }
0x6d: {  	_ =	shalt  }
0x6e: {  	_ =	shalt  }
0x6f: {  	_ =	shalt  }
0x70: {  	_ =	shalt  }
0x71: {  	_ =	shalt  }
0x72: {  	_ =	shalt  }
0x73: {  	_ =	shalt  }
0x74: {  	_ =	shalt  }
0x75: {  	_ =	shalt  }
0x76: {  	_ =	shalt  }
0x77: {  	_ =	shalt  }
0x78: {  	_ =	shalt  }
0x79: {  	_ =	shalt  }
0x7a: {  	_ =	shalt  }
0x7b: {  	_ =	shalt  }
0x7c: {  	_ =	shalt  }
0x7d: {  	_ =	shalt  }
0x7e: {  	_ =	shalt  }
0x7f: {  	_ =	shalt  }
0x80: {  	_ =	shalt  }
0x81: {  	_ =	shalt  }
0x82: {  	_ =	shalt  }
0x83: {  	_ =	shalt  }
0x84: {  	_ =	shalt  }
0x85: {  	_ =	shalt  }
0x86: {  	_ =	shalt  }
0x87: {  	_ =	shalt  }
.Lfunc_end0:
.L_simem_size_0:
called_computation_lowered:
.L_overlay_start_0:
0x88: {  	s2 =	sld [smem:$0x3FD9]  }
0x89: {  	s3 =	sld [smem:$0x3FFE];
	_ =	sdelay $0x1  }
0x8a: {  	s1 =	srdreg.scid  }
0x8b: {  	s0 =	sand.u32 $0x1, s1  }
0x8c: {  	s18 =	sshll.u32 s0, $0xA;
	s2 =	sadd.s32 s3, s2  }
0x8d: {  	s2 =	sadd.s32 s2, s18  }
0x8e: {  	[smem:$0x3FC5] =	sst s2  }
0x8f: {  	_ = 	snop  }
0x90: {  	s2 =	sld [smem:$0x3FC9]  }
0x91: {  	s19 =	sld [smem:$0x3FC8]  }
0x92: {  	s4 =	sld [smem:$0x3FC7]  }
0x93: {  	s5 =	sld [smem:$0x3FD0];
	(tm) =	ssettm $0x1  }
0x94: {  	s6 =	sld [smem:$0x3FFB];
	_ =	sdelay $0x3  }
0x95: {  	_ =	strace s6  }
0x96: {  	s6 =	sld [smem:$0x3FFC];
	_ =	sdelay $0x3  }
0x97: {  	_ =	strace s6  }
0x98: {  	s6 =	sld [smem:$0x3FFD];
	_ =	sdelay $0x3  }
0x99: {  	_ =	strace s6  }
0x9a: {  	_ =	strace $0x8FFFFFFF  }
0x9b: {  	s20 =	sld [smem:$0x3FDB];
	_ =	sdelay $0x1  }
0x9c: {  	s7 =	simm.s32 $_scs_section_size  }
0x9d: {  	s8 =	simm.s32 $_size__tile_overlayer_lowered;
	s9 =	simm.s32 $_tile_overlayer_lowered  }
0x9e: {  	s23 =	simm.s32 $0x1BFF;
	s22 =	sshll.u32 s9, $0x1;
	s6 =	sadd.s32 s7, s20  }
0x9f: {  	s10 =	simm.s32 $0x0;
	s21 =	sshll.u32 s8, $0x1;
	s8 =	sadd.s32 s22, s6  }
0xa0: {  	[timem:s10], [sflag:s23] =	dma.local [hbm:s8], s21  }
0xa1: {  	_ =	swait.ge [sflag:s23], s21  }
0xa2: {  	s7 =	ssub.s32 $0x0, s21;
	[sflag:s23] =	ssyncset.done $0x0  }
0xa3: {  	[sflag:s23] =	ssyncadd.s32 s7;
	_ =	sdelay $0x1  }
0xa4: {  	s24 =	simm.s32 $0x1B8B  }
0xa5: {  	_ =	swait.ge [sflag:s24], $0x1  }
0xa6: {  	[sflag:s24] =	ssyncset.done $0x0  }
0xa7: {  	s25 =	simm.s32 $0x1B8E;
	[sflag:s24] =	ssyncadd.s32 $0xFFFFFFFF  }
0xa8: {  	s26 =	simm.s32 $execute0_lowered;
	[smem:$0x3FD2] =	sst s25  }
0xa9: {  	s7 =	sshll.u32 s26, $0x1;
	_ =	strace $0x80000046;
	[dreg:$0x1] =	wrdreg $0xFFFFFFFF  }
0xaa: {  	s28 =	simm.s32 $_size_execute0_lowered;
	s6 =	sadd.s32 s6, s7;
	[dreg:$0x0] =	wrdreg $0x0  }
0xab: {  	s7 =	sshll.u32 s28, $0x1;
	[dreg:$0x2] =	wrdreg s6  }
0xac: {  	[dreg:$0x3] =	wrdreg s7  }
0xad: {  	[dreg:$0x4] =	wrdreg $0xC0  }
0xae: {  	_ =	task [dreg:s10], $0x5FFFF  }
0xaf: {  	[dreg:$0x1] =	wrdreg $0xFFFFFFFF  }
0xb0: {  	[dreg:$0x0] =	wrdreg $0x60  }
0xb1: {  	[dreg:$0x2] =	wrdreg s2  }
0xb2: {  	[dreg:$0x3] =	wrdreg s19  }
0xb3: {  	[dreg:$0x4] =	wrdreg s4  }
0xb4: {  	[dreg:$0x5] =	wrdreg s5  }
0xb5: {  	[dreg:$0x6] =	wrdreg $0x9  }
0xb6: {  	_ =	task.clear_ibuf [dreg:s10], $0x7FFFF;
	_ =	strace $0x90000046  }
0xb7: {  	s29 =	simm.s32 $0x9;
	_ =	strace $0x80000048  }
0xb8: {  	_ =	swait.ge [sflag:s29], $0x1  }
0xb9: {  	[sflag:s29] =	ssyncadd.s32 $0xFFFFFFFF  }
0xba: {  	_ =	strace $0x90000048  }
0xbb: {  	_ =	sfence  }
0xbc: {  	s30 =	sld [smem:$0x0];
	_ =	sdelay $0x2  }
0xbd: {  	s31 =	sshll.u32 s1, $0xD;
	s1 =	sshrl.u32 s1, $0x2  }
0xbe: {  	s3 =	sand.u32 $0x4000, s31;
	s1 =	sadd.s32 s1, s30  }
0xbf: {  	s0 =	sor.u32 s3, s0;
	s1 =	sshll.u32 s1, $0x11  }
0xc0: {  	s0 =	sor.u32 s1, s0  }
0xc1: {  	s0 =	sadd.s32 $0x8F2B, s0  }
0xc2: {  	[sflag:s0] =	ssyncadd.remote.s32 $0x1  }
0xc3: {  	_ =	sfence.sel $0xFFFF  }
0xc4: {  	[dreg:$0x0] =	wrdreg $0xFFFFFFFF;
	(pc) =	sbr.abs _section_cstart, $3  }
0xc5: {  	[dreg:$0x1] =	wrdreg $0xFFFFFFFF  }
0xc6: {  	_ =	task.clear_ibuf [dreg:s10], $0x2FFFF;
	_ =	strace $0x9FFFFFFF  }
0xc7: {  	(tm) =	ssettm $0x7FFFFFFF  }
tec
execute0_lowered:
.L_overlay_start_1:
0x0: {  	(tag) =	ssettag $0x1  }
0x1: {  	s1 =	rddreg [dreg:$0x0]  }
0x2: {  	s2 =	srdreg.scid;
	s6 =	rddreg [dreg:$0x1]  }
0x3: {  	s0 =	stileid.u32;
	s7 =	rddreg [dreg:$0x2];
	s5 =	sand.u32 $0x1, s2  }
0x4: {  	s8 =	rddreg [dreg:$0x3];
	s21 =	sshll.u32 s0, $0x4;
	s3 =	sshll.u32 s5, $0x3  }
0x5: {  	s2 =	rddreg [dreg:$0x4];
	s9 =	sor.u32 s3, s21;
	s3 =	simm.s32 $0x0  }
0x6: {  	[smem:$0x7FF] =	sst s3;
	s6 =	sadd.s32 s6, s9  }
0x7: {  	s22 =	sadd.s32 s7, s9;
	_ =	strace $0x80000047;
	[dreg:$0x5] =	wrdreg s6  }
0x8: {  	s11 =	sadd.s32 s8, s9;
	[dreg:$0x6] =	wrdreg s22  }
0x9: {  	s12 =	simm.s32 $0x80;
	[dreg:$0xf] =	wrdreg s11  }
0xa: {  	s13 =	simm.s32 $0x1100;
	[dreg:$0x10] =	wrdreg s12  }
0xb: {  	s14 =	simm.s32 $0x2100;
	[dreg:$0x11] =	wrdreg s13  }
0xc: {  	s15 =	simm.s32 $0x3100;
	[dreg:$0x12] =	wrdreg s14  }
0xd: {  	s16 =	simm.s32 $0x4100;
	[dreg:$0x13] =	wrdreg s15  }
0xe: {  	s17 =	simm.s32 $0x5100;
	[dreg:$0x14] =	wrdreg s16  }
0xf: {  	s18 =	simm.s32 $0x6100;
	[dreg:$0x15] =	wrdreg s17  }
0x10: {  	s19 =	simm.s32 $0x7100;
	[dreg:$0x16] =	wrdreg s18  }
0x11: {  	s20 =	simm.s32 $0x8500;
	[dreg:$0x17] =	wrdreg s19  }
0x12: {  	s21 =	simm.s32 $0x8900;
	[dreg:$0x18] =	wrdreg s20  }
0x13: {  	s7 =	simm.s32 $0xB100;
	[dreg:$0x19] =	wrdreg s21  }
0x14: {  	s8 =	simm.s32 $0xB500;
	[smem:$0x7C9] =	sst s7  }
0x15: {  	s4 =	smul.u32 $0x3F800, s9;
	s9 =	simm.s32 $0xB900;
	[smem:$0x7CA] =	sst s8  }
0x16: {  	s22 =	simm.s32 $0x8D00;
	[smem:$0x7CB] =	sst s9  }
0x17: {  	s11 =	simm.s32 $0xC100;
	[dreg:$0x1a] =	wrdreg s22  }
0x18: {  	s12 =	simm.s32 $0xC500;
	[smem:$0x7CD] =	sst s11  }
0x19: {  	s13 =	simm.s32 $0xC900;
	[smem:$0x7CE] =	sst s12  }
0x1a: {  	s14 =	simm.s32 $0xCD00;
	[smem:$0x7CF] =	sst s13  }
0x1b: {  	s15 =	simm.s32 $0xD100;
	[smem:$0x7D0] =	sst s14  }
0x1c: {  	s16 =	simm.s32 $0xD500;
	[smem:$0x7D1] =	sst s15  }
0x1d: {  	s17 =	simm.s32 $0xD900;
	[smem:$0x7D2] =	sst s16  }
0x1e: {  	s18 =	simm.s32 $0xDD00;
	[smem:$0x7D3] =	sst s17  }
0x1f: {  	s19 =	simm.s32 $0xE100;
	[smem:$0x7D4] =	sst s18  }
0x20: {  	s20 =	simm.s32 $0xE500;
	[smem:$0x7D5] =	sst s19  }
0x21: {  	s21 =	simm.s32 $0xE900;
	[smem:$0x7D6] =	sst s20  }
0x22: {  	s7 =	simm.s32 $0x11100;
	[smem:$0x7D7] =	sst s21  }
0x23: {  	s8 =	simm.s32 $0x11500;
	[smem:$0x7E1] =	sst s7  }
0x24: {  	s9 =	simm.s32 $0x11900;
	[smem:$0x7E2] =	sst s8  }
0x25: {  	s22 =	simm.s32 $0xED00;
	[smem:$0x7E3] =	sst s9  }
0x26: {  	v0 =	vlaneseq.u32;
	s11 =	simm.s32 $0x12100;
	[smem:$0x7D8] =	sst s22  }
0x27: {  	vm0 =	vmmov $0x1;
	vm1 =	vcmask $0x308;
	v4 =	vimm.s32 $0x1380;
	s12 =	simm.s32 $0x12500;
	[smem:$0x7E5] =	sst s11  }
0x28: {  	vm3 =	vcmask $0x300;
	vm2 =	vcmask $0x704;
	v5 =	vimm.s32 $0x3F80;
	s13 =	simm.s32 $0x12900;
	[smem:$0x7E6] =	sst s12  }
0x29: {  	v6 =	vimm.s32 $0x3380;
	v7 =	vimm.s32 $0x7F80;
	v8 =	vimm.s32 $0x5380;
	s14 =	simm.s32 $0x12D00;
	[smem:$0x7E7] =	sst s13  }
0x2a: {  	v9 =	vimm.s32 $0xBF80;
	v10 =	vimm.s32 $0x7380;
	v11 =	vimm.s32 $0xFF80;
	s15 =	simm.s32 $0x13100;
	[smem:$0x7E8] =	sst s14  }
0x2b: {  	v12 =	vimm.s32 $0xFFFFFF82;
	v0 =	vand.u32 $0x3, v0;
	v4 =	vsel vm3, $0x0, v4;
	s16 =	simm.s32 $0x13500;
	[smem:$0x7E9] =	sst s15  }
0x2c: {  	v5 =	vsel vm3, $0x0, v5;
	v6 =	vsel vm3, $0x2000, v6;
	v7 =	vsel vm3, $0x4000, v7;
	s17 =	simm.s32 $0x13900;
	[smem:$0x7EA] =	sst s16  }
0x2d: {  	v8 =	vsel vm3, $0x4000, v8;
	v9 =	vsel vm3, $0x8000, v9;
	v10 =	vsel vm3, $0x6000, v10;
	s18 =	simm.s32 $0x13D00;
	[smem:$0x7EB] =	sst s17  }
0x2e: {  	v11 =	vsel vm3, $0xC000, v11;
	vm3 =	vcmask $0xB08;
	v0 =	vmul.u32 $0x4, v0;
	s19 =	simm.s32 $0x14100;
	[smem:$0x7EC] =	sst s18  }
0x2f: {  	v4 =	vsel vm2, $0x80, v4;
	v5 =	vsel vm2, $0x480, v5;
	v6 =	vsel vm2, $0x2080, v6;
	s20 =	simm.s32 $0x14500;
	[smem:$0x7ED] =	sst s19  }
0x30: {  	v7 =	vsel vm2, $0x4480, v7;
	v8 =	vsel vm2, $0x4080, v8;
	v9 =	vsel vm2, $0x8480, v9;
	s21 =	simm.s32 $0x14900;
	[smem:$0x7EE] =	sst s20  }
0x31: {  	v10 =	vsel vm2, $0x6080, v10;
	v11 =	vsel vm2, $0xC480, v11;
	vm2 =	vcmask $0xF0C;
	[smem:$0x7EF] =	sst s21;
	s11 =	simm.s32 $0x16500  }
0x32: {  	v4 =	vsel vm3, $0x100, v4;
	v5 =	vsel vm3, $0x900, v5;
	v6 =	vsel vm3, $0x2100, v6;
	s13 =	simm.s32 $0x16900;
	[smem:$0x7F6] =	sst s11  }
0x33: {  	v7 =	vsel vm3, $0x4900, v7;
	v8 =	vsel vm3, $0x4100, v8;
	v9 =	vsel vm3, $0x8900, v9;
	s14 =	simm.s32 $0x17100;
	[smem:$0x7F7] =	sst s13  }
0x34: {  	v10 =	vsel vm3, $0x6100, v10;
	v11 =	vsel vm3, $0xC900, v11;
	vm3 =	vcmask $0x1310;
	s15 =	simm.s32 $0x17500;
	[smem:$0x7F9] =	sst s14  }
0x35: {  	v1 =	vor.u32 $0x1, v0;
	v2 =	vor.u32 $0x2, v0;
	v3 =	vor.u32 $0x3, v0;
	s10 =	sshrl.u32 s4, $0x3;
	s16 =	simm.s32 $0x17900;
	[smem:$0x7FA] =	sst s15  }
0x36: {  	v4 =	vsel vm2, $0x180, v4;
	v5 =	vsel vm2, $0xD80, v5;
	v6 =	vsel vm2, $0x2180, v6;
	s23 =	sadd.s32 s1, s10;
	s18 =	simm.s32 $0x18100;
	[smem:$0x7FB] =	sst s16  }
0x37: {  	v7 =	vsel vm2, $0x4D80, v7;
	v8 =	vsel vm2, $0x4180, v8;
	v9 =	vsel vm2, $0x8D80, v9;
	s24 =	sadd.s32 $0x7D00, s23;
	[smem:$0x7FD] =	sst s18  }
0x38: {  	v10 =	vsel vm2, $0x6180, v10;
	v11 =	vsel vm2, $0xCD80, v11;
	vm2 =	vcmask $0x1714;
	s25 =	sadd.s32 $0xFC00, s23;
	[dreg:$0x7] =	wrdreg s24  }
0x39: {  	v4 =	vsel vm3, $0x200, v4;
	v5 =	vsel vm3, $0x1200, v5;
	v6 =	vsel vm3, $0x2200, v6;
	s26 =	sadd.s32 $0x17B00, s23;
	[dreg:$0x8] =	wrdreg s25  }
0x3a: {  	v7 =	vsel vm3, $0x5200, v7;
	v8 =	vsel vm3, $0x4200, v8;
	v9 =	vsel vm3, $0x9200, v9;
	s28 =	sadd.s32 $0x1FA00, s23;
	[dreg:$0x9] =	wrdreg s26  }
0x3b: {  	v10 =	vsel vm3, $0x6200, v10;
	v11 =	vsel vm3, $0xD200, v11;
	vm3 =	vcmask $0x1B18;
	s29 =	sadd.s32 $0x27900, s23;
	[dreg:$0xa] =	wrdreg s28  }
0x3c: {  	v4 =	vsel vm2, $0x280, v4;
	v5 =	vsel vm2, $0x1680, v5;
	v6 =	vsel vm2, $0x2280, v6;
	s30 =	sadd.s32 $0x2F800, s23;
	[dreg:$0xb] =	wrdreg s29  }
0x3d: {  	v7 =	vsel vm2, $0x5680, v7;
	v8 =	vsel vm2, $0x4280, v8;
	v9 =	vsel vm2, $0x9680, v9;
	s31 =	sadd.s32 $0x37700, s23;
	[dreg:$0xc] =	wrdreg s30  }
0x3e: {  	v10 =	vsel vm2, $0x6280, v10;
	v11 =	vsel vm2, $0xD680, v11;
	vm2 =	vcmask $0x1F1C;
	s10 =	sadd.s32 $0x3F600, s23;
	[dreg:$0xd] =	wrdreg s31  }
0x3f: {  	v4 =	vsel vm3, $0x300, v4;
	v5 =	vsel vm3, $0x1B00, v5;
	v6 =	vsel vm3, $0x2300, v6;
	s23 =	simm.s32 $0x9100;
	[dreg:$0xe] =	wrdreg s10  }
0x40: {  	v7 =	vsel vm3, $0x5B00, v7;
	v8 =	vsel vm3, $0x4300, v8;
	v9 =	vsel vm3, $0x9B00, v9;
	[dreg:$0x1b] =	wrdreg s23;
	s24 =	simm.s32 $0x9500  }
0x41: {  	v10 =	vsel vm3, $0x6300, v10;
	v11 =	vsel vm3, $0xDB00, v11;
	vm3 =	vcmask $0x2320;
	s25 =	simm.s32 $0x9900;
	[dreg:$0x1c] =	wrdreg s24  }
0x42: {  	v4 =	vsel vm2, $0x380, v4;
	v5 =	vsel vm2, $0x1F80, v5;
	v6 =	vsel vm2, $0x2380, v6;
	s26 =	simm.s32 $0x9D00;
	[dreg:$0x1d] =	wrdreg s25  }
0x43: {  	v7 =	vsel vm2, $0x5F80, v7;
	v8 =	vsel vm2, $0x4380, v8;
	v9 =	vsel vm2, $0x9F80, v9;
	s28 =	simm.s32 $0xA100;
	[dreg:$0x1e] =	wrdreg s26  }
0x44: {  	s9 =	sadd.s32 $0x13D800, s4;
	v10 =	vsel vm2, $0x6380, v10;
	v11 =	vsel vm2, $0xDF80, v11;
	vm2 =	vcmask $0x2724;
	s29 =	simm.s32 $0xA500;
	[dreg:$0x1f] =	wrdreg s28  }
0x45: {  	s30 =	simm.s32 $0xA900;
	v4 =	vsel vm3, $0x1000, v4;
	v5 =	vsel vm3, $0x2000, v5;
	v6 =	vsel vm3, $0x3000, v6;
	[smem:$0x7C6] =	sst s29  }
0x46: {  	s31 =	simm.s32 $0xAD00;
	v7 =	vsel vm3, $0x6000, v7;
	v8 =	vsel vm3, $0x5000, v8;
	v9 =	vsel vm3, $0xA000, v9;
	[smem:$0x7C7] =	sst s30  }
0x47: {  	s10 =	simm.s32 $0xBD00;
	v10 =	vsel vm3, $0x7000, v10;
	v11 =	vsel vm3, $0xE000, v11;
	vm3 =	vcmask $0x2B28;
	[smem:$0x7C8] =	sst s31  }
0x48: {  	s23 =	simm.s32 $0xF100;
	[smem:$0x7CC] =	sst s10;
	v4 =	vsel vm2, $0x1080, v4;
	v5 =	vsel vm2, $0x2480, v5;
	v6 =	vsel vm2, $0x3080, v6  }
0x49: {  	[smem:$0x7D9] =	sst s23;
	s24 =	simm.s32 $0xF500;
	v7 =	vsel vm2, $0x6480, v7;
	v8 =	vsel vm2, $0x5080, v8;
	v9 =	vsel vm2, $0xA480, v9  }
0x4a: {  	s25 =	simm.s32 $0xF900;
	v10 =	vsel vm2, $0x7080, v10;
	v11 =	vsel vm2, $0xE480, v11;
	vm2 =	vcmask $0x2F2C;
	[smem:$0x7DA] =	sst s24  }
0x4b: {  	s5 =	ssub.s32 $0x2, s5;
	s26 =	simm.s32 $0xFD00;
	[smem:$0x7DB] =	sst s25;
	v4 =	vsel vm3, $0x1100, v4;
	v5 =	vsel vm3, $0x2900, v5;
	v6 =	vsel vm3, $0x3100, v6  }
0x4c: {  	s6 =	sadd.s32 $0x7F000, s4;
	s28 =	simm.s32 $0x10100;
	[smem:$0x7DC] =	sst s26;
	v7 =	vsel vm3, $0x6900, v7;
	v8 =	vsel vm3, $0x5100, v8;
	v9 =	vsel vm3, $0xA900, v9  }
0x4d: {  	s7 =	sadd.s32 $0xBE800, s4;
	s29 =	simm.s32 $0x10500;
	[smem:$0x7DD] =	sst s28;
	v10 =	vsel vm3, $0x7100, v10;
	v11 =	vsel vm3, $0xE900, v11;
	vm3 =	vcmask $0x3330  }
0x4e: {  	s8 =	sadd.s32 $0xFE000, s4;
	s30 =	simm.s32 $0x10900;
	[smem:$0x7DE] =	sst s29;
	v4 =	vsel vm2, $0x1180, v4;
	v5 =	vsel vm2, $0x2D80, v5;
	v6 =	vsel vm2, $0x3180, v6  }
0x4f: {  	s22 =	sshrl.u32 s5, $0x1;
	s31 =	simm.s32 $0x10D00;
	[smem:$0x7DF] =	sst s30;
	v7 =	vsel vm2, $0x6D80, v7;
	v8 =	vsel vm2, $0x5180, v8;
	v9 =	vsel vm2, $0xAD80, v9  }
0x50: {  	s17 =	simm.s32 $0x1;
	s10 =	simm.s32 $0x11D00;
	[smem:$0x7E0] =	sst s31;
	v10 =	vsel vm2, $0x7180, v10;
	v11 =	vsel vm2, $0xED80, v11;
	vm2 =	vcmask $0x3734  }
0x51: {  	s11 =	sadd.s32 $0x1BC800, s4;
	s23 =	simm.s32 $0x14D00;
	[smem:$0x7E4] =	sst s10;
	v4 =	vsel vm3, $0x1200, v4;
	v5 =	vsel vm3, $0x3200, v5;
	v6 =	vsel vm3, $0x3200, v6  }
0x52: {  	s12 =	ssub.s32 s5, s22;
	[smem:$0x7F0] =	sst s23;
	s24 =	simm.s32 $0x15100;
	v7 =	vsel vm3, $0x7200, v7;
	v8 =	vsel vm3, $0x5200, v8;
	v9 =	vsel vm3, $0xB200, v9  }
0x53: {  	s5 =	sadd.s32 $0x3F800, s4;
	s25 =	simm.s32 $0x15500;
	[smem:$0x7F1] =	sst s24;
	v10 =	vsel vm3, $0x7200, v10;
	v11 =	vsel vm3, $0xF200, v11;
	vm3 =	vcmask $0x3B38  }
0x54: {  	s13 =	simm.s32 $0x100;
	s26 =	simm.s32 $0x15900;
	[smem:$0x7F2] =	sst s25;
	v4 =	vsel vm2, $0x1280, v4;
	v5 =	vsel vm2, $0x3680, v5;
	v6 =	vsel vm2, $0x3280, v6  }
0x55: {  	s14 =	simm.s32 $0x3;
	s28 =	simm.s32 $0x15D00;
	[smem:$0x7F3] =	sst s26;
	v7 =	vsel vm2, $0x7680, v7;
	v8 =	vsel vm2, $0x5280, v8;
	v9 =	vsel vm2, $0xB680, v9  }
0x56: {  	s15 =	simm.s32 $0x8100;
	s29 =	simm.s32 $0x16100;
	[smem:$0x7F4] =	sst s28;
	v10 =	vsel vm2, $0x7280, v10;
	v11 =	vsel vm2, $0xF680, v11;
	vm2 =	vcmask $0x70C  }
0x57: {  	s16 =	simm.s32 $0x2;
	s30 =	simm.s32 $0x16D00;
	[smem:$0x7F5] =	sst s29;
	v4 =	vsel vm3, $0x1300, v4;
	v5 =	vsel vm3, $0x3B00, v5;
	v6 =	vsel vm3, $0x3300, v6  }
0x58: {  	s18 =	simm.s32 $0x4;
	s31 =	simm.s32 $0x17D00;
	[smem:$0x7F8] =	sst s30;
	v7 =	vsel vm3, $0x7B00, v7;
	v8 =	vsel vm3, $0x5300, v8;
	v9 =	vsel vm3, $0xBB00, v9  }
0x59: {  	s12 =	smax.u32 s12, $0x1;
	s10 =	sadd.s32 $0x17D000, s4;
	[smem:$0x7FC] =	sst s31;
	v10 =	vsel vm3, $0x7300, v10;
	v11 =	vsel vm3, $0xFB00, v11;
	vm3 =	vcmask $0xB10  }
.LBB2_1:
0x5a: {  	s19 =	rddreg [dreg:$0x5]  }
0x5b: {  	s20 =	rddreg [dreg:$0x6]  }
0x5c: {  	s21 =	rddreg [dreg:$0x10]  }
0x5d: {  	s25 =	rddreg [dreg:$0x7]  }
0x5e: {  	s26 =	rddreg [dreg:$0x8]  }
0x5f: {  	s28 =	rddreg [dreg:$0x11]  }
0x60: {  	s29 =	rddreg [dreg:$0x9]  }
0x61: {  	s30 =	rddreg [dreg:$0x12]  }
0x62: {  	s31 =	rddreg [dreg:$0xa]  }
0x63: {  	[tilespmem:s3], [sflag:$0x2] =	stream.linear.gather [hbm4b:s19+s3], $0x40, $0x38;
	[tilespmem:$0x18180] =	vst v63  }
0x64: {  	s22 =	rddreg [dreg:$0x13]  }
0x65: {  	[tilespmem:s21], [sflag:$0x3] =	stream.linear.gather [hbm4b:s20+s3], $0x40, $0x38;
	[tilespmem:$0x18180] =	vst v63  }
0x66: {  	s23 =	rddreg [dreg:$0x14]  }
0x67: {  	[tilespmem:s13], [sflag:$0x1] =	stream.linear.gather [hbm4b:s25+s3], $0x1000, $0x38;
	[tilespmem:$0x18180] =	vst v63  }
0x68: {  	s24 =	rddreg [dreg:$0xc]  }
0x69: {  	[tilespmem:s28], [sflag:$0x1] =	stream.linear.gather [hbm4b:s26+s3], $0x1000, $0x38;
	[tilespmem:$0x18180] =	vst v63  }
0x6a: {  	s25 =	rddreg [dreg:$0x15]  }
0x6b: {  	[tilespmem:s30], [sflag:$0x1] =	stream.linear.gather [hbm4b:s29+s3], $0x1000, $0x38;
	[tilespmem:$0x18180] =	vst v63  }
0x6c: {  	s26 =	rddreg [dreg:$0xd]  }
0x6d: {  	[tilespmem:s22], [sflag:$0x1] =	stream.linear.gather [hbm4b:s31+s3], $0x1000, $0x38;
	[tilespmem:$0x18180] =	vst v63  }
0x6e: {  	s22 =	rddreg [dreg:$0xb]  }
0x6f: {  	[tilespmem:s23], [sflag:$0x1] =	stream.linear.gather [hbm4b:s22+s3], $0x1000, $0x38;
	[tilespmem:$0x18180] =	vst v63  }
0x70: {  	s28 =	rddreg [dreg:$0x16]  }
0x71: {  	[tilespmem:s25], [sflag:$0x1] =	stream.linear.gather [hbm4b:s24+s3], $0x1000, $0x38;
	[tilespmem:$0x18180] =	vst v63  }
0x72: {  	s29 =	rddreg [dreg:$0xe]  }
0x73: {  	[tilespmem:s28], [sflag:$0x1] =	stream.linear.gather [hbm4b:s26+s3], $0x1000, $0x38;
	[tilespmem:$0x18180] =	vst v63  }
0x74: {  	s30 =	rddreg [dreg:$0x17]  }
0x75: {  	[tilespmem:s30], [sflag:$0x1] =	stream.linear.gather [hbm4b:s29+s3], $0x1000, $0x38;
	[tilespmem:$0x18180] =	vst v63  }
0x76: {  	_ =	swait.ge [sflag:s14], $0x40  }
0x77: {  	[sflag:s14] =	ssyncset.done $0x0  }
0x78: {  	[sflag:s14] =	ssyncadd.s32 $0xFFFFFFC0  }
0x79: {  	v13 =	vld [tilespmem:$0x80];
	_ =	sdelay $0x4  }
0x7a: {  	v13 =	vshrl.u32 v13, $0x7  }
0x7b: {  	v14 =	vperm.xlane v13, v1  }
0x7c: {  	v15 =	vperm.xlane v13, v0;
	v16 =	vperm.xlane v13, v2  }
0x7d: {  	v13 =	vperm.xlane v13, v3;
	v14 =	vshll.u32 v14, $0x8  }
0x7e: {  	v14 =	vor.u32 v15, v14;
	v15 =	vshll.u32 v16, $0x10  }
0x7f: {  	v13 =	vshll.u32 v13, $0x18;
	v14 =	vor.u32 v15, v14  }
0x80: {  	v13 =	vor.u32 v13, v14  }
0x81: {  	v14 =	vnsel vm0, $0x7FFFFFFF, v13  }
0x82: {  	v14 =	vxor.u32 $0x80000000, v14  }
0x83: {  	(xrf0) =	vmin.scan.msk.u32 $0xffff, v14;
	_ =	sdelay $0x5  }
0x84: {  	v14, _, _ =	vpop (xrf0)  }
0x85: {  	(v2sf) =	vpush v14, $0xF;
	_ =	sdelay $0x7  }
0x86: {  	v14 =	vsel vm1, $0x7FFFFFFF, v13  }
0x87: {  	v14 =	vxor.u32 $0x80000000, v14  }
0x88: {  	(xrf0) =	vmin.scan.msk.u32 $0xffff, v14;
	_ =	sdelay $0x4  }
0x89: {  	s31 =	spop (v2sf)  }
0x8a: {  	v14, _, _ =	vpop (xrf0);
	s22 =	sshll.u32 s31, $0xA  }
0x8b: {  	(v2sf) =	vpush v14, $0xF;
	s20 =	sand.u32 $0x3FC00, s22  }
0x8c: {  	s20 =	sadd.s32 s4, s20  }
0x8d: {  	s20 =	sshrl.u32 s20, $0x3  }
0x8e: {  	s23 =	sshll.u32 s31, $0x2;
	s20 =	sadd.s32 s1, s20  }
0x8f: {  	[tilespmem:s15], [sflag:$0x1] =	stream.linear.gather [hbm4b:s20+s3], $0x400, $0x38;
	[tilespmem:$0x18180] =	vst v63  }
0x90: {  	s20 =	sand.u32 $0x3FC00, s23  }
0x91: {  	s20 =	sadd.s32 s4, s20  }
0x92: {  	s24 =	rddreg [dreg:$0x18];
	s20 =	sshrl.u32 s20, $0x3  }
0x93: {  	s25 =	sshrl.u32 s31, $0x6;
	s19 =	sshrl.u32 s31, $0xE;
	s20 =	sadd.s32 s1, s20  }
0x94: {  	v14 =	vsel vm2, $0x7FFFFFFF, v13;
	[tilespmem:s24], [sflag:$0x1] =	stream.linear.gather [hbm4b:s20+s3], $0x400, $0x38;
	[tilespmem:$0x18180] =	vst v63  }
0x95: {  	v14 =	vxor.u32 $0x80000000, v14;
	s19 =	sand.u32 $0x3FC00, s19;
	s20 =	sand.u32 $0x3FC00, s25  }
0x96: {  	(xrf0) =	vmin.scan.msk.u32 $0xffff, v14;
	s19 =	sxor.u32 $0x20000, s19;
	s20 =	sadd.s32 s4, s20  }
0x97: {  	s19 =	sadd.s32 s4, s19;
	s20 =	sshrl.u32 s20, $0x3  }
0x98: {  	s26 =	rddreg [dreg:$0x19];
	s19 =	sshrl.u32 s19, $0x3;
	s20 =	sadd.s32 s1, s20  }
0x99: {  	[tilespmem:s26], [sflag:$0x1] =	stream.linear.gather [hbm4b:s20+s3], $0x400, $0x38;
	[tilespmem:$0x18180] =	vst v63  }
0x9a: {  	s28 =	rddreg [dreg:$0x1a];
	s19 =	sadd.s32 s1, s19;
	s29 =	spop (v2sf)  }
0x9b: {  	[tilespmem:s28], [sflag:$0x1] =	stream.linear.gather [hbm4b:s19+s3], $0x400, $0x38;
	[tilespmem:$0x18180] =	vst v63  }
0x9c: {  	v14, _, _ =	vpop (xrf0);
	s30 =	sshll.u32 s29, $0xA  }
0x9d: {  	(v2sf) =	vpush v14, $0xF;
	s20 =	sand.u32 $0x3FC00, s30  }
0x9e: {  	s20 =	sadd.s32 s4, s20  }
0x9f: {  	s20 =	sshrl.u32 s20, $0x3  }
0xa0: {  	s31 =	rddreg [dreg:$0x1b];
	s21 =	sshll.u32 s29, $0x2;
	s20 =	sadd.s32 s1, s20  }
0xa1: {  	[tilespmem:s31], [sflag:$0x1] =	stream.linear.gather [hbm4b:s20+s3], $0x400, $0x38;
	[tilespmem:$0x18180] =	vst v63  }
0xa2: {  	s20 =	sand.u32 $0x3FC00, s21  }
0xa3: {  	s20 =	sadd.s32 s4, s20  }
0xa4: {  	s22 =	rddreg [dreg:$0x1c];
	s20 =	sshrl.u32 s20, $0x3  }
0xa5: {  	s23 =	sshrl.u32 s29, $0x6;
	s19 =	sshrl.u32 s29, $0xE;
	s20 =	sadd.s32 s1, s20  }
0xa6: {  	v13 =	vsel vm3, $0x7FFFFFFF, v13;
	[tilespmem:s22], [sflag:$0x1] =	stream.linear.gather [hbm4b:s20+s3], $0x400, $0x38;
	[tilespmem:$0x18180] =	vst v63  }
0xa7: {  	v13 =	vxor.u32 $0x80000000, v13;
	s19 =	sand.u32 $0x3FC00, s19;
	s20 =	sand.u32 $0x3FC00, s23  }
0xa8: {  	(xrf0) =	vmin.scan.msk.u32 $0xffff, v13;
	s19 =	sxor.u32 $0x20000, s19;
	s20 =	sadd.s32 s4, s20  }
0xa9: {  	s19 =	sadd.s32 s4, s19;
	s20 =	sshrl.u32 s20, $0x3  }
0xaa: {  	s24 =	rddreg [dreg:$0x1d];
	s19 =	sshrl.u32 s19, $0x3;
	s20 =	sadd.s32 s1, s20  }
0xab: {  	[tilespmem:s24], [sflag:$0x1] =	stream.linear.gather [hbm4b:s20+s3], $0x400, $0x38;
	[tilespmem:$0x18180] =	vst v63  }
0xac: {  	s25 =	rddreg [dreg:$0x1e];
	s19 =	sadd.s32 s1, s19;
	s26 =	spop (v2sf)  }
0xad: {  	[tilespmem:s25], [sflag:$0x1] =	stream.linear.gather [hbm4b:s19+s3], $0x400, $0x38;
	[tilespmem:$0x18180] =	vst v63  }
0xae: {  	v13, _, _ =	vpop (xrf0);
	s28 =	sshll.u32 s26, $0xA  }
0xaf: {  	(v2sf) =	vpush v13, $0xF;
	s20 =	sand.u32 $0x3FC00, s28  }
0xb0: {  	s20 =	sadd.s32 s5, s20  }
0xb1: {  	s20 =	sshrl.u32 s20, $0x3  }
0xb2: {  	s29 =	rddreg [dreg:$0x1f];
	s30 =	sshll.u32 s26, $0x2;
	s20 =	sadd.s32 s1, s20  }
0xb3: {  	[tilespmem:s29], [sflag:$0x1] =	stream.linear.gather [hbm4b:s20+s3], $0x400, $0x38;
	[tilespmem:$0x18180] =	vst v63  }
0xb4: {  	s20 =	sand.u32 $0x3FC00, s30  }
0xb5: {  	s31 =	sld [smem:$0x7C6];
	s20 =	sadd.s32 s5, s20  }
0xb6: {  	s20 =	sshrl.u32 s20, $0x3  }
0xb7: {  	s21 =	sshrl.u32 s26, $0x6;
	s19 =	sshrl.u32 s26, $0xE;
	s20 =	sadd.s32 s1, s20  }
0xb8: {  	[tilespmem:s31], [sflag:$0x1] =	stream.linear.gather [hbm4b:s20+s3], $0x400, $0x38;
	[tilespmem:$0x18180] =	vst v63  }
0xb9: {  	s19 =	sand.u32 $0x3FC00, s19;
	s20 =	sand.u32 $0x3FC00, s21  }
0xba: {  	s22 =	sld [smem:$0x7C7];
	s19 =	sxor.u32 $0x20000, s19;
	s20 =	sadd.s32 s5, s20  }
0xbb: {  	s19 =	sadd.s32 s5, s19;
	s20 =	sshrl.u32 s20, $0x3  }
0xbc: {  	s23 =	sld [smem:$0x7C8];
	s19 =	sshrl.u32 s19, $0x3;
	s20 =	sadd.s32 s1, s20  }
0xbd: {  	[tilespmem:s22], [sflag:$0x1] =	stream.linear.gather [hbm4b:s20+s3], $0x400, $0x38;
	[tilespmem:$0x18180] =	vst v63  }
0xbe: {  	s19 =	sadd.s32 s1, s19;
	s24 =	spop (v2sf)  }
0xbf: {  	[tilespmem:s23], [sflag:$0x1] =	stream.linear.gather [hbm4b:s19+s3], $0x400, $0x38;
	[tilespmem:$0x18180] =	vst v63  }
0xc0: {  	s25 =	sshll.u32 s24, $0xA  }
0xc1: {  	s20 =	sand.u32 $0x3FC00, s25  }
0xc2: {  	s26 =	sld [smem:$0x7C9];
	s20 =	sadd.s32 s5, s20  }
0xc3: {  	s20 =	sshrl.u32 s20, $0x3  }
0xc4: {  	s28 =	sshll.u32 s24, $0x2;
	s20 =	sadd.s32 s1, s20  }
0xc5: {  	[tilespmem:s26], [sflag:$0x1] =	stream.linear.gather [hbm4b:s20+s3], $0x400, $0x38;
	[tilespmem:$0x18180] =	vst v63  }
0xc6: {  	s20 =	sand.u32 $0x3FC00, s28  }
0xc7: {  	s29 =	sld [smem:$0x7CA];
	s20 =	sadd.s32 s5, s20  }
0xc8: {  	s20 =	sshrl.u32 s20, $0x3  }
0xc9: {  	s30 =	sshrl.u32 s24, $0x6;
	s19 =	sshrl.u32 s24, $0xE;
	s20 =	sadd.s32 s1, s20  }
0xca: {  	[tilespmem:s29], [sflag:$0x1] =	stream.linear.gather [hbm4b:s20+s3], $0x400, $0x38;
	[tilespmem:$0x18180] =	vst v63  }
0xcb: {  	s19 =	sand.u32 $0x3FC00, s19;
	s20 =	sand.u32 $0x3FC00, s30  }
0xcc: {  	s31 =	sld [smem:$0x7CB];
	s19 =	sxor.u32 $0x20000, s19;
	s20 =	sadd.s32 s5, s20  }
0xcd: {  	s19 =	sadd.s32 s5, s19;
	s20 =	sshrl.u32 s20, $0x3  }
0xce: {  	s21 =	sld [smem:$0x7CC];
	s19 =	sshrl.u32 s19, $0x3;
	s20 =	sadd.s32 s1, s20  }
0xcf: {  	[tilespmem:s31], [sflag:$0x1] =	stream.linear.gather [hbm4b:s20+s3], $0x400, $0x38;
	[tilespmem:$0x18180] =	vst v63  }
0xd0: {  	s19 =	sadd.s32 s1, s19  }
0xd1: {  	[tilespmem:s21], [sflag:$0x1] =	stream.linear.gather [hbm4b:s19+s3], $0x400, $0x38;
	[tilespmem:$0x18180] =	vst v63  }
0xd2: {  	v13 =	vld [tilespmem:$0x90];
	_ =	sdelay $0x4  }
0xd3: {  	v13 =	vshrl.u32 v13, $0x7  }
0xd4: {  	v14 =	vperm.xlane v13, v1  }
0xd5: {  	v15 =	vperm.xlane v13, v0;
	v41 =	vperm.xlane v13, v2  }
0xd6: {  	v13 =	vperm.xlane v13, v3;
	v14 =	vshll.u32 v14, $0x8  }
0xd7: {  	v14 =	vor.u32 v15, v14;
	v15 =	vshll.u32 v41, $0x10  }
0xd8: {  	v13 =	vshll.u32 v13, $0x18;
	v14 =	vor.u32 v15, v14  }
0xd9: {  	v13 =	vor.u32 v13, v14  }
0xda: {  	v14 =	vnsel vm0, $0x7FFFFFFF, v13  }
0xdb: {  	v14 =	vxor.u32 $0x80000000, v14  }
0xdc: {  	(xrf0) =	vmin.scan.msk.u32 $0xffff, v14;
	_ =	sdelay $0x5  }
0xdd: {  	v14, _, _ =	vpop (xrf0)  }
0xde: {  	(v2sf) =	vpush v14, $0xF;
	_ =	sdelay $0x7  }
0xdf: {  	v14 =	vsel vm1, $0x7FFFFFFF, v13  }
0xe0: {  	v14 =	vxor.u32 $0x80000000, v14  }
0xe1: {  	(xrf0) =	vmin.scan.msk.u32 $0xffff, v14;
	_ =	sdelay $0x4  }
0xe2: {  	s22 =	spop (v2sf)  }
0xe3: {  	v14, _, _ =	vpop (xrf0);
	s23 =	sshll.u32 s22, $0xA  }
0xe4: {  	(v2sf) =	vpush v14, $0xF;
	s20 =	sand.u32 $0x3FC00, s23  }
0xe5: {  	s24 =	sld [smem:$0x7CD];
	s20 =	sadd.s32 s6, s20  }
0xe6: {  	s20 =	sshrl.u32 s20, $0x3  }
0xe7: {  	s25 =	sshll.u32 s22, $0x2;
	s20 =	sadd.s32 s1, s20  }
0xe8: {  	[tilespmem:s24], [sflag:$0x1] =	stream.linear.gather [hbm4b:s20+s3], $0x400, $0x38;
	[tilespmem:$0x18180] =	vst v63  }
0xe9: {  	s20 =	sand.u32 $0x3FC00, s25  }
0xea: {  	s26 =	sld [smem:$0x7CE];
	s20 =	sadd.s32 s6, s20  }
0xeb: {  	s20 =	sshrl.u32 s20, $0x3  }
0xec: {  	s28 =	sshrl.u32 s22, $0x6;
	s19 =	sshrl.u32 s22, $0xE;
	s20 =	sadd.s32 s1, s20  }
0xed: {  	v14 =	vsel vm2, $0x7FFFFFFF, v13;
	[tilespmem:s26], [sflag:$0x1] =	stream.linear.gather [hbm4b:s20+s3], $0x400, $0x38;
	[tilespmem:$0x18180] =	vst v63  }
0xee: {  	v14 =	vxor.u32 $0x80000000, v14;
	s19 =	sand.u32 $0x3FC00, s19;
	s20 =	sand.u32 $0x3FC00, s28  }
0xef: {  	s29 =	sld [smem:$0x7CF];
	(xrf0) =	vmin.scan.msk.u32 $0xffff, v14;
	s19 =	sxor.u32 $0x20000, s19;
	s20 =	sadd.s32 s6, s20  }
0xf0: {  	s19 =	sadd.s32 s6, s19;
	s20 =	sshrl.u32 s20, $0x3  }
0xf1: {  	s30 =	sld [smem:$0x7D0];
	s19 =	sshrl.u32 s19, $0x3;
	s20 =	sadd.s32 s1, s20  }
0xf2: {  	[tilespmem:s29], [sflag:$0x1] =	stream.linear.gather [hbm4b:s20+s3], $0x400, $0x38;
	[tilespmem:$0x18180] =	vst v63  }
0xf3: {  	s19 =	sadd.s32 s1, s19;
	s31 =	spop (v2sf)  }
0xf4: {  	[tilespmem:s30], [sflag:$0x1] =	stream.linear.gather [hbm4b:s19+s3], $0x400, $0x38;
	[tilespmem:$0x18180] =	vst v63  }
0xf5: {  	v14, _, _ =	vpop (xrf0);
	s21 =	sshll.u32 s31, $0xA  }
0xf6: {  	(v2sf) =	vpush v14, $0xF;
	s20 =	sand.u32 $0x3FC00, s21  }
0xf7: {  	s22 =	sld [smem:$0x7D1];
	s20 =	sadd.s32 s6, s20  }
0xf8: {  	s20 =	sshrl.u32 s20, $0x3  }
0xf9: {  	s23 =	sshll.u32 s31, $0x2;
	s20 =	sadd.s32 s1, s20  }
0xfa: {  	[tilespmem:s22], [sflag:$0x1] =	stream.linear.gather [hbm4b:s20+s3], $0x400, $0x38;
	[tilespmem:$0x18180] =	vst v63  }
0xfb: {  	s20 =	sand.u32 $0x3FC00, s23  }
0xfc: {  	s24 =	sld [smem:$0x7D2];
	s20 =	sadd.s32 s6, s20  }
0xfd: {  	s20 =	sshrl.u32 s20, $0x3  }
0xfe: {  	s25 =	sshrl.u32 s31, $0x6;
	s19 =	sshrl.u32 s31, $0xE;
	s20 =	sadd.s32 s1, s20  }
0xff: {  	v13 =	vsel vm3, $0x7FFFFFFF, v13;
	[tilespmem:s24], [sflag:$0x1] =	stream.linear.gather [hbm4b:s20+s3], $0x400, $0x38;
	[tilespmem:$0x18180] =	vst v63  }
0x100: {  	v13 =	vxor.u32 $0x80000000, v13;
	s19 =	sand.u32 $0x3FC00, s19;
	s20 =	sand.u32 $0x3FC00, s25  }
0x101: {  	(xrf0) =	vmin.scan.msk.u32 $0xffff, v13;
	s26 =	sld [smem:$0x7D3];
	s19 =	sxor.u32 $0x20000, s19;
	s20 =	sadd.s32 s6, s20  }
0x102: {  	s19 =	sadd.s32 s6, s19;
	s20 =	sshrl.u32 s20, $0x3  }
0x103: {  	s28 =	sld [smem:$0x7D4];
	s19 =	sshrl.u32 s19, $0x3;
	s20 =	sadd.s32 s1, s20  }
0x104: {  	[tilespmem:s26], [sflag:$0x1] =	stream.linear.gather [hbm4b:s20+s3], $0x400, $0x38;
	[tilespmem:$0x18180] =	vst v63  }
0x105: {  	s19 =	sadd.s32 s1, s19;
	s29 =	spop (v2sf)  }
0x106: {  	[tilespmem:s28], [sflag:$0x1] =	stream.linear.gather [hbm4b:s19+s3], $0x400, $0x38;
	[tilespmem:$0x18180] =	vst v63  }
0x107: {  	v13, _, _ =	vpop (xrf0);
	s30 =	sshll.u32 s29, $0xA  }
0x108: {  	(v2sf) =	vpush v13, $0xF;
	s20 =	sand.u32 $0x3FC00, s30  }
0x109: {  	s31 =	sld [smem:$0x7D5];
	s20 =	sadd.s32 s7, s20  }
0x10a: {  	s20 =	sshrl.u32 s20, $0x3  }
0x10b: {  	s21 =	sshll.u32 s29, $0x2;
	s20 =	sadd.s32 s1, s20  }
0x10c: {  	[tilespmem:s31], [sflag:$0x1] =	stream.linear.gather [hbm4b:s20+s3], $0x400, $0x38;
	[tilespmem:$0x18180] =	vst v63  }
0x10d: {  	s20 =	sand.u32 $0x3FC00, s21  }
0x10e: {  	s22 =	sld [smem:$0x7D6];
	s20 =	sadd.s32 s7, s20  }
0x10f: {  	s20 =	sshrl.u32 s20, $0x3  }
0x110: {  	s23 =	sshrl.u32 s29, $0x6;
	s19 =	sshrl.u32 s29, $0xE;
	s20 =	sadd.s32 s1, s20  }
0x111: {  	[tilespmem:s22], [sflag:$0x1] =	stream.linear.gather [hbm4b:s20+s3], $0x400, $0x38;
	[tilespmem:$0x18180] =	vst v63  }
0x112: {  	s19 =	sand.u32 $0x3FC00, s19;
	s20 =	sand.u32 $0x3FC00, s23  }
0x113: {  	s24 =	sld [smem:$0x7D7];
	s19 =	sxor.u32 $0x20000, s19;
	s20 =	sadd.s32 s7, s20  }
0x114: {  	s19 =	sadd.s32 s7, s19;
	s20 =	sshrl.u32 s20, $0x3  }
0x115: {  	s25 =	sld [smem:$0x7D8];
	s19 =	sshrl.u32 s19, $0x3;
	s20 =	sadd.s32 s1, s20  }
0x116: {  	[tilespmem:s24], [sflag:$0x1] =	stream.linear.gather [hbm4b:s20+s3], $0x400, $0x38;
	[tilespmem:$0x18180] =	vst v63  }
0x117: {  	s19 =	sadd.s32 s1, s19;
	s26 =	spop (v2sf)  }
0x118: {  	[tilespmem:s25], [sflag:$0x1] =	stream.linear.gather [hbm4b:s19+s3], $0x400, $0x38;
	[tilespmem:$0x18180] =	vst v63  }
0x119: {  	s28 =	sshll.u32 s26, $0xA  }
0x11a: {  	s20 =	sand.u32 $0x3FC00, s28  }
0x11b: {  	s29 =	sld [smem:$0x7D9];
	s20 =	sadd.s32 s7, s20  }
0x11c: {  	s20 =	sshrl.u32 s20, $0x3  }
0x11d: {  	s30 =	sshll.u32 s26, $0x2;
	s20 =	sadd.s32 s1, s20  }
0x11e: {  	[tilespmem:s29], [sflag:$0x1] =	stream.linear.gather [hbm4b:s20+s3], $0x400, $0x38;
	[tilespmem:$0x18180] =	vst v63  }
0x11f: {  	s20 =	sand.u32 $0x3FC00, s30  }
0x120: {  	s31 =	sld [smem:$0x7DA];
	s20 =	sadd.s32 s7, s20  }
0x121: {  	s20 =	sshrl.u32 s20, $0x3  }
0x122: {  	s21 =	sshrl.u32 s26, $0x6;
	s19 =	sshrl.u32 s26, $0xE;
	s20 =	sadd.s32 s1, s20  }
0x123: {  	[tilespmem:s31], [sflag:$0x1] =	stream.linear.gather [hbm4b:s20+s3], $0x400, $0x38;
	[tilespmem:$0x18180] =	vst v63  }
0x124: {  	s19 =	sand.u32 $0x3FC00, s19;
	s20 =	sand.u32 $0x3FC00, s21  }
0x125: {  	s22 =	sld [smem:$0x7DB];
	s19 =	sxor.u32 $0x20000, s19;
	s20 =	sadd.s32 s7, s20  }
0x126: {  	s19 =	sadd.s32 s7, s19;
	s20 =	sshrl.u32 s20, $0x3  }
0x127: {  	s23 =	sld [smem:$0x7DC];
	s19 =	sshrl.u32 s19, $0x3;
	s20 =	sadd.s32 s1, s20  }
0x128: {  	[tilespmem:s22], [sflag:$0x1] =	stream.linear.gather [hbm4b:s20+s3], $0x400, $0x38;
	[tilespmem:$0x18180] =	vst v63  }
0x129: {  	s19 =	sadd.s32 s1, s19  }
0x12a: {  	[tilespmem:s23], [sflag:$0x1] =	stream.linear.gather [hbm4b:s19+s3], $0x400, $0x38;
	[tilespmem:$0x18180] =	vst v63  }
0x12b: {  	v13 =	vld [tilespmem:$0xA0];
	_ =	sdelay $0x4  }
0x12c: {  	v13 =	vshrl.u32 v13, $0x7  }
0x12d: {  	v14 =	vperm.xlane v13, v1  }
0x12e: {  	v15 =	vperm.xlane v13, v0;
	v42 =	vperm.xlane v13, v2  }
0x12f: {  	v13 =	vperm.xlane v13, v3;
	v14 =	vshll.u32 v14, $0x8  }
0x130: {  	v14 =	vor.u32 v15, v14;
	v15 =	vshll.u32 v42, $0x10  }
0x131: {  	v13 =	vshll.u32 v13, $0x18;
	v14 =	vor.u32 v15, v14  }
0x132: {  	v13 =	vor.u32 v13, v14  }
0x133: {  	v14 =	vnsel vm0, $0x7FFFFFFF, v13  }
0x134: {  	v14 =	vxor.u32 $0x80000000, v14  }
0x135: {  	(xrf0) =	vmin.scan.msk.u32 $0xffff, v14;
	_ =	sdelay $0x5  }
0x136: {  	v14, _, _ =	vpop (xrf0)  }
0x137: {  	(v2sf) =	vpush v14, $0xF;
	_ =	sdelay $0x7  }
0x138: {  	v14 =	vsel vm1, $0x7FFFFFFF, v13  }
0x139: {  	v14 =	vxor.u32 $0x80000000, v14  }
0x13a: {  	(xrf0) =	vmin.scan.msk.u32 $0xffff, v14;
	_ =	sdelay $0x4  }
0x13b: {  	s24 =	spop (v2sf)  }
0x13c: {  	v14, _, _ =	vpop (xrf0);
	s25 =	sshll.u32 s24, $0xA  }
0x13d: {  	(v2sf) =	vpush v14, $0xF;
	s20 =	sand.u32 $0x3FC00, s25  }
0x13e: {  	s26 =	sld [smem:$0x7DD];
	s20 =	sadd.s32 s8, s20  }
0x13f: {  	s20 =	sshrl.u32 s20, $0x3  }
0x140: {  	s28 =	sshll.u32 s24, $0x2;
	s20 =	sadd.s32 s1, s20  }
0x141: {  	[tilespmem:s26], [sflag:$0x1] =	stream.linear.gather [hbm4b:s20+s3], $0x400, $0x38;
	[tilespmem:$0x18180] =	vst v63  }
0x142: {  	s20 =	sand.u32 $0x3FC00, s28  }
0x143: {  	s29 =	sld [smem:$0x7DE];
	s20 =	sadd.s32 s8, s20  }
0x144: {  	s20 =	sshrl.u32 s20, $0x3  }
0x145: {  	s30 =	sshrl.u32 s24, $0x6;
	s19 =	sshrl.u32 s24, $0xE;
	s20 =	sadd.s32 s1, s20  }
0x146: {  	v14 =	vsel vm2, $0x7FFFFFFF, v13;
	[tilespmem:s29], [sflag:$0x1] =	stream.linear.gather [hbm4b:s20+s3], $0x400, $0x38;
	[tilespmem:$0x18180] =	vst v63  }
0x147: {  	v14 =	vxor.u32 $0x80000000, v14;
	s19 =	sand.u32 $0x3FC00, s19;
	s20 =	sand.u32 $0x3FC00, s30  }
0x148: {  	s31 =	sld [smem:$0x7DF];
	(xrf0) =	vmin.scan.msk.u32 $0xffff, v14;
	s19 =	sxor.u32 $0x20000, s19;
	s20 =	sadd.s32 s8, s20  }
0x149: {  	s19 =	sadd.s32 s8, s19;
	s20 =	sshrl.u32 s20, $0x3  }
0x14a: {  	s21 =	sld [smem:$0x7E0];
	s19 =	sshrl.u32 s19, $0x3;
	s20 =	sadd.s32 s1, s20  }
0x14b: {  	[tilespmem:s31], [sflag:$0x1] =	stream.linear.gather [hbm4b:s20+s3], $0x400, $0x38;
	[tilespmem:$0x18180] =	vst v63  }
0x14c: {  	s19 =	sadd.s32 s1, s19;
	s22 =	spop (v2sf)  }
0x14d: {  	[tilespmem:s21], [sflag:$0x1] =	stream.linear.gather [hbm4b:s19+s3], $0x400, $0x38;
	[tilespmem:$0x18180] =	vst v63  }
0x14e: {  	v14, _, _ =	vpop (xrf0);
	s23 =	sshll.u32 s22, $0xA  }
0x14f: {  	(v2sf) =	vpush v14, $0xF;
	s20 =	sand.u32 $0x3FC00, s23  }
0x150: {  	s24 =	sld [smem:$0x7E1];
	s20 =	sadd.s32 s8, s20  }
0x151: {  	s20 =	sshrl.u32 s20, $0x3  }
0x152: {  	s25 =	sshll.u32 s22, $0x2;
	s20 =	sadd.s32 s1, s20  }
0x153: {  	[tilespmem:s24], [sflag:$0x1] =	stream.linear.gather [hbm4b:s20+s3], $0x400, $0x38;
	[tilespmem:$0x18180] =	vst v63  }
0x154: {  	s20 =	sand.u32 $0x3FC00, s25  }
0x155: {  	s26 =	sld [smem:$0x7E2];
	s20 =	sadd.s32 s8, s20  }
0x156: {  	s20 =	sshrl.u32 s20, $0x3  }
0x157: {  	s28 =	sshrl.u32 s22, $0x6;
	s19 =	sshrl.u32 s22, $0xE;
	s20 =	sadd.s32 s1, s20  }
0x158: {  	v13 =	vsel vm3, $0x7FFFFFFF, v13;
	[tilespmem:s26], [sflag:$0x1] =	stream.linear.gather [hbm4b:s20+s3], $0x400, $0x38;
	[tilespmem:$0x18180] =	vst v63  }
0x159: {  	v13 =	vxor.u32 $0x80000000, v13;
	s19 =	sand.u32 $0x3FC00, s19;
	s20 =	sand.u32 $0x3FC00, s28  }
0x15a: {  	(xrf0) =	vmin.scan.msk.u32 $0xffff, v13;
	s29 =	sld [smem:$0x7E3];
	s19 =	sxor.u32 $0x20000, s19;
	s20 =	sadd.s32 s8, s20  }
0x15b: {  	s19 =	sadd.s32 s8, s19;
	s20 =	sshrl.u32 s20, $0x3  }
0x15c: {  	s30 =	sld [smem:$0x7E4];
	s19 =	sshrl.u32 s19, $0x3;
	s20 =	sadd.s32 s1, s20  }
0x15d: {  	[tilespmem:s29], [sflag:$0x1] =	stream.linear.gather [hbm4b:s20+s3], $0x400, $0x38;
	[tilespmem:$0x18180] =	vst v63  }
0x15e: {  	s19 =	sadd.s32 s1, s19;
	s31 =	spop (v2sf)  }
0x15f: {  	[tilespmem:s30], [sflag:$0x1] =	stream.linear.gather [hbm4b:s19+s3], $0x400, $0x38;
	[tilespmem:$0x18180] =	vst v63  }
0x160: {  	v13, _, _ =	vpop (xrf0);
	s21 =	sshll.u32 s31, $0xA  }
0x161: {  	(v2sf) =	vpush v13, $0xF;
	s20 =	sand.u32 $0x3FC00, s21  }
0x162: {  	s22 =	sld [smem:$0x7E5];
	s20 =	sadd.s32 s9, s20  }
0x163: {  	s20 =	sshrl.u32 s20, $0x3  }
0x164: {  	s23 =	sshll.u32 s31, $0x2;
	s20 =	sadd.s32 s1, s20  }
0x165: {  	[tilespmem:s22], [sflag:$0x1] =	stream.linear.gather [hbm4b:s20+s3], $0x400, $0x38;
	[tilespmem:$0x18180] =	vst v63  }
0x166: {  	s20 =	sand.u32 $0x3FC00, s23  }
0x167: {  	s24 =	sld [smem:$0x7E6];
	s20 =	sadd.s32 s9, s20  }
0x168: {  	s20 =	sshrl.u32 s20, $0x3  }
0x169: {  	s25 =	sshrl.u32 s31, $0x6;
	s19 =	sshrl.u32 s31, $0xE;
	s20 =	sadd.s32 s1, s20  }
0x16a: {  	[tilespmem:s24], [sflag:$0x1] =	stream.linear.gather [hbm4b:s20+s3], $0x400, $0x38;
	[tilespmem:$0x18180] =	vst v63  }
0x16b: {  	s19 =	sand.u32 $0x3FC00, s19;
	s20 =	sand.u32 $0x3FC00, s25  }
0x16c: {  	s26 =	sld [smem:$0x7E7];
	s19 =	sxor.u32 $0x20000, s19;
	s20 =	sadd.s32 s9, s20  }
0x16d: {  	s19 =	sadd.s32 s9, s19;
	s20 =	sshrl.u32 s20, $0x3  }
0x16e: {  	s28 =	sld [smem:$0x7E8];
	s19 =	sshrl.u32 s19, $0x3;
	s20 =	sadd.s32 s1, s20  }
0x16f: {  	[tilespmem:s26], [sflag:$0x1] =	stream.linear.gather [hbm4b:s20+s3], $0x400, $0x38;
	[tilespmem:$0x18180] =	vst v63  }
0x170: {  	s19 =	sadd.s32 s1, s19;
	s29 =	spop (v2sf)  }
0x171: {  	[tilespmem:s28], [sflag:$0x1] =	stream.linear.gather [hbm4b:s19+s3], $0x400, $0x38;
	[tilespmem:$0x18180] =	vst v63  }
0x172: {  	s30 =	sshll.u32 s29, $0xA  }
0x173: {  	s20 =	sand.u32 $0x3FC00, s30  }
0x174: {  	s31 =	sld [smem:$0x7E9];
	s20 =	sadd.s32 s9, s20  }
0x175: {  	s20 =	sshrl.u32 s20, $0x3  }
0x176: {  	s21 =	sshll.u32 s29, $0x2;
	s20 =	sadd.s32 s1, s20  }
0x177: {  	[tilespmem:s31], [sflag:$0x1] =	stream.linear.gather [hbm4b:s20+s3], $0x400, $0x38;
	[tilespmem:$0x18180] =	vst v63  }
0x178: {  	s20 =	sand.u32 $0x3FC00, s21  }
0x179: {  	s22 =	sld [smem:$0x7EA];
	s20 =	sadd.s32 s9, s20  }
0x17a: {  	s20 =	sshrl.u32 s20, $0x3  }
0x17b: {  	s23 =	sshrl.u32 s29, $0x6;
	s19 =	sshrl.u32 s29, $0xE;
	s20 =	sadd.s32 s1, s20  }
0x17c: {  	[tilespmem:s22], [sflag:$0x1] =	stream.linear.gather [hbm4b:s20+s3], $0x400, $0x38;
	[tilespmem:$0x18180] =	vst v63  }
0x17d: {  	s19 =	sand.u32 $0x3FC00, s19;
	s20 =	sand.u32 $0x3FC00, s23  }
0x17e: {  	s24 =	sld [smem:$0x7EB];
	s19 =	sxor.u32 $0x20000, s19;
	s20 =	sadd.s32 s9, s20  }
0x17f: {  	s19 =	sadd.s32 s9, s19;
	s20 =	sshrl.u32 s20, $0x3  }
0x180: {  	s25 =	sld [smem:$0x7EC];
	s19 =	sshrl.u32 s19, $0x3;
	s20 =	sadd.s32 s1, s20  }
0x181: {  	[tilespmem:s24], [sflag:$0x1] =	stream.linear.gather [hbm4b:s20+s3], $0x400, $0x38;
	[tilespmem:$0x18180] =	vst v63  }
0x182: {  	s19 =	sadd.s32 s1, s19  }
0x183: {  	[tilespmem:s25], [sflag:$0x1] =	stream.linear.gather [hbm4b:s19+s3], $0x400, $0x38;
	[tilespmem:$0x18180] =	vst v63  }
0x184: {  	v13 =	vld [tilespmem:$0xB0];
	_ =	sdelay $0x4  }
0x185: {  	v13 =	vshrl.u32 v13, $0x7  }
0x186: {  	v14 =	vperm.xlane v13, v1  }
0x187: {  	v15 =	vperm.xlane v13, v0;
	v43 =	vperm.xlane v13, v2  }
0x188: {  	v13 =	vperm.xlane v13, v3;
	v14 =	vshll.u32 v14, $0x8  }
0x189: {  	v14 =	vor.u32 v15, v14;
	v15 =	vshll.u32 v43, $0x10  }
0x18a: {  	v13 =	vshll.u32 v13, $0x18;
	v14 =	vor.u32 v15, v14  }
0x18b: {  	v13 =	vor.u32 v13, v14  }
0x18c: {  	v14 =	vnsel vm0, $0x7FFFFFFF, v13  }
0x18d: {  	v14 =	vxor.u32 $0x80000000, v14  }
0x18e: {  	(xrf0) =	vmin.scan.msk.u32 $0xffff, v14;
	_ =	sdelay $0x5  }
0x18f: {  	v14, _, _ =	vpop (xrf0)  }
0x190: {  	(v2sf) =	vpush v14, $0xF;
	_ =	sdelay $0x7  }
0x191: {  	v14 =	vsel vm1, $0x7FFFFFFF, v13  }
0x192: {  	v14 =	vxor.u32 $0x80000000, v14  }
0x193: {  	(xrf0) =	vmin.scan.msk.u32 $0xffff, v14;
	_ =	sdelay $0x4  }
0x194: {  	s26 =	spop (v2sf)  }
0x195: {  	v14, _, _ =	vpop (xrf0);
	s28 =	sshll.u32 s26, $0xA  }
0x196: {  	(v2sf) =	vpush v14, $0xF;
	s20 =	sand.u32 $0x3FC00, s28  }
0x197: {  	s29 =	sld [smem:$0x7ED];
	s20 =	sadd.s32 s10, s20  }
0x198: {  	s20 =	sshrl.u32 s20, $0x3  }
0x199: {  	s30 =	sshll.u32 s26, $0x2;
	s20 =	sadd.s32 s1, s20  }
0x19a: {  	[tilespmem:s29], [sflag:$0x1] =	stream.linear.gather [hbm4b:s20+s3], $0x400, $0x38;
	[tilespmem:$0x18180] =	vst v63  }
0x19b: {  	s20 =	sand.u32 $0x3FC00, s30  }
0x19c: {  	s31 =	sld [smem:$0x7EE];
	s20 =	sadd.s32 s10, s20  }
0x19d: {  	s20 =	sshrl.u32 s20, $0x3  }
0x19e: {  	s21 =	sshrl.u32 s26, $0x6;
	s19 =	sshrl.u32 s26, $0xE;
	s20 =	sadd.s32 s1, s20  }
0x19f: {  	v14 =	vsel vm2, $0x7FFFFFFF, v13;
	[tilespmem:s31], [sflag:$0x1] =	stream.linear.gather [hbm4b:s20+s3], $0x400, $0x38;
	[tilespmem:$0x18180] =	vst v63  }
0x1a0: {  	v14 =	vxor.u32 $0x80000000, v14;
	s19 =	sand.u32 $0x3FC00, s19;
	s20 =	sand.u32 $0x3FC00, s21  }
0x1a1: {  	s22 =	sld [smem:$0x7EF];
	(xrf0) =	vmin.scan.msk.u32 $0xffff, v14;
	s19 =	sxor.u32 $0x20000, s19;
	s20 =	sadd.s32 s10, s20  }
0x1a2: {  	s19 =	sadd.s32 s10, s19;
	s20 =	sshrl.u32 s20, $0x3  }
0x1a3: {  	s23 =	sld [smem:$0x7F0];
	s19 =	sshrl.u32 s19, $0x3;
	s20 =	sadd.s32 s1, s20  }
0x1a4: {  	[tilespmem:s22], [sflag:$0x1] =	stream.linear.gather [hbm4b:s20+s3], $0x400, $0x38;
	[tilespmem:$0x18180] =	vst v63  }
0x1a5: {  	s19 =	sadd.s32 s1, s19;
	s24 =	spop (v2sf)  }
0x1a6: {  	[tilespmem:s23], [sflag:$0x1] =	stream.linear.gather [hbm4b:s19+s3], $0x400, $0x38;
	[tilespmem:$0x18180] =	vst v63  }
0x1a7: {  	v14, _, _ =	vpop (xrf0);
	s25 =	sshll.u32 s24, $0xA  }
0x1a8: {  	(v2sf) =	vpush v14, $0xF;
	s20 =	sand.u32 $0x3FC00, s25  }
0x1a9: {  	s26 =	sld [smem:$0x7F1];
	s20 =	sadd.s32 s10, s20  }
0x1aa: {  	s20 =	sshrl.u32 s20, $0x3  }
0x1ab: {  	s28 =	sshll.u32 s24, $0x2;
	s20 =	sadd.s32 s1, s20  }
0x1ac: {  	[tilespmem:s26], [sflag:$0x1] =	stream.linear.gather [hbm4b:s20+s3], $0x400, $0x38;
	[tilespmem:$0x18180] =	vst v63  }
0x1ad: {  	s20 =	sand.u32 $0x3FC00, s28  }
0x1ae: {  	s29 =	sld [smem:$0x7F2];
	s20 =	sadd.s32 s10, s20  }
0x1af: {  	s20 =	sshrl.u32 s20, $0x3  }
0x1b0: {  	s30 =	sshrl.u32 s24, $0x6;
	s19 =	sshrl.u32 s24, $0xE;
	s20 =	sadd.s32 s1, s20  }
0x1b1: {  	v13 =	vsel vm3, $0x7FFFFFFF, v13;
	[tilespmem:s29], [sflag:$0x1] =	stream.linear.gather [hbm4b:s20+s3], $0x400, $0x38;
	[tilespmem:$0x18180] =	vst v63  }
0x1b2: {  	v13 =	vxor.u32 $0x80000000, v13;
	s19 =	sand.u32 $0x3FC00, s19;
	s20 =	sand.u32 $0x3FC00, s30  }
0x1b3: {  	(xrf0) =	vmin.scan.msk.u32 $0xffff, v13;
	s31 =	sld [smem:$0x7F3];
	s19 =	sxor.u32 $0x20000, s19;
	s20 =	sadd.s32 s10, s20  }
0x1b4: {  	s19 =	sadd.s32 s10, s19;
	s20 =	sshrl.u32 s20, $0x3  }
0x1b5: {  	s21 =	sld [smem:$0x7F4];
	s19 =	sshrl.u32 s19, $0x3;
	s20 =	sadd.s32 s1, s20  }
0x1b6: {  	[tilespmem:s31], [sflag:$0x1] =	stream.linear.gather [hbm4b:s20+s3], $0x400, $0x38;
	[tilespmem:$0x18180] =	vst v63  }
0x1b7: {  	s19 =	sadd.s32 s1, s19;
	s22 =	spop (v2sf)  }
0x1b8: {  	[tilespmem:s21], [sflag:$0x1] =	stream.linear.gather [hbm4b:s19+s3], $0x400, $0x38;
	[tilespmem:$0x18180] =	vst v63  }
0x1b9: {  	v13, _, _ =	vpop (xrf0);
	s23 =	sshll.u32 s22, $0xA  }
0x1ba: {  	(v2sf) =	vpush v13, $0xF;
	s20 =	sand.u32 $0x3FC00, s23  }
0x1bb: {  	s24 =	sld [smem:$0x7F5];
	s20 =	sadd.s32 s11, s20  }
0x1bc: {  	s20 =	sshrl.u32 s20, $0x3  }
0x1bd: {  	s25 =	sshll.u32 s22, $0x2;
	s20 =	sadd.s32 s1, s20  }
0x1be: {  	[tilespmem:s24], [sflag:$0x1] =	stream.linear.gather [hbm4b:s20+s3], $0x400, $0x38;
	[tilespmem:$0x18180] =	vst v63  }
0x1bf: {  	s20 =	sand.u32 $0x3FC00, s25  }
0x1c0: {  	s26 =	sld [smem:$0x7F6];
	s20 =	sadd.s32 s11, s20  }
0x1c1: {  	s20 =	sshrl.u32 s20, $0x3  }
0x1c2: {  	s28 =	sshrl.u32 s22, $0x6;
	s19 =	sshrl.u32 s22, $0xE;
	s20 =	sadd.s32 s1, s20  }
0x1c3: {  	[tilespmem:s26], [sflag:$0x1] =	stream.linear.gather [hbm4b:s20+s3], $0x400, $0x38;
	[tilespmem:$0x18180] =	vst v63  }
0x1c4: {  	s19 =	sand.u32 $0x3FC00, s19;
	s20 =	sand.u32 $0x3FC00, s28  }
0x1c5: {  	s29 =	sld [smem:$0x7F7];
	s19 =	sxor.u32 $0x20000, s19;
	s20 =	sadd.s32 s11, s20  }
0x1c6: {  	s19 =	sadd.s32 s11, s19;
	s20 =	sshrl.u32 s20, $0x3  }
0x1c7: {  	s30 =	sld [smem:$0x7F8];
	s19 =	sshrl.u32 s19, $0x3;
	s20 =	sadd.s32 s1, s20  }
0x1c8: {  	[tilespmem:s29], [sflag:$0x1] =	stream.linear.gather [hbm4b:s20+s3], $0x400, $0x38;
	[tilespmem:$0x18180] =	vst v63  }
0x1c9: {  	s19 =	sadd.s32 s1, s19;
	s31 =	spop (v2sf)  }
0x1ca: {  	[tilespmem:s30], [sflag:$0x1] =	stream.linear.gather [hbm4b:s19+s3], $0x400, $0x38;
	[tilespmem:$0x18180] =	vst v63  }
0x1cb: {  	s22 =	sshll.u32 s31, $0xA  }
0x1cc: {  	s20 =	sand.u32 $0x3FC00, s22  }
0x1cd: {  	s23 =	sld [smem:$0x7F9];
	s20 =	sadd.s32 s11, s20  }
0x1ce: {  	s20 =	sshrl.u32 s20, $0x3  }
0x1cf: {  	s24 =	sshll.u32 s31, $0x2;
	s20 =	sadd.s32 s1, s20  }
0x1d0: {  	[tilespmem:s23], [sflag:$0x1] =	stream.linear.gather [hbm4b:s20+s3], $0x400, $0x38;
	[tilespmem:$0x18180] =	vst v63  }
0x1d1: {  	s20 =	sand.u32 $0x3FC00, s24  }
0x1d2: {  	s25 =	sld [smem:$0x7FA];
	s20 =	sadd.s32 s11, s20  }
0x1d3: {  	s20 =	sshrl.u32 s20, $0x3  }
0x1d4: {  	s26 =	sshrl.u32 s31, $0x6;
	s19 =	sshrl.u32 s31, $0xE;
	s20 =	sadd.s32 s1, s20  }
0x1d5: {  	[tilespmem:s25], [sflag:$0x1] =	stream.linear.gather [hbm4b:s20+s3], $0x400, $0x38;
	[tilespmem:$0x18180] =	vst v63  }
0x1d6: {  	s19 =	sand.u32 $0x3FC00, s19;
	s20 =	sand.u32 $0x3FC00, s26  }
0x1d7: {  	s28 =	sld [smem:$0x7FB];
	s19 =	sxor.u32 $0x20000, s19;
	s20 =	sadd.s32 s11, s20  }
0x1d8: {  	s19 =	sadd.s32 s11, s19;
	s20 =	sshrl.u32 s20, $0x3  }
0x1d9: {  	s29 =	sld [smem:$0x7FC];
	s19 =	sshrl.u32 s19, $0x3;
	s20 =	sadd.s32 s1, s20  }
0x1da: {  	[tilespmem:s28], [sflag:$0x1] =	stream.linear.gather [hbm4b:s20+s3], $0x400, $0x38;
	[tilespmem:$0x18180] =	vst v63  }
0x1db: {  	s19 =	sadd.s32 s1, s19  }
0x1dc: {  	[tilespmem:s29], [sflag:$0x1] =	stream.linear.gather [hbm4b:s19+s3], $0x400, $0x38;
	[tilespmem:$0x18180] =	vst v63  }
0x1dd: {  	_ =	swait.ge [sflag:s16], $0x40  }
0x1de: {  	[sflag:s16] =	ssyncset.done $0x0  }
0x1df: {  	[sflag:s16] =	ssyncadd.s32 $0xFFFFFFC0  }
0x1e0: {  	_ =	swait.ge [sflag:s17], $0x1000  }
0x1e1: {  	[sflag:s17] =	ssyncset.done $0x0  }
0x1e2: {  	[sflag:s17] =	ssyncadd.s32 $0xFFFFF000  }
0x1e3: {  	_ =	swait.ge [sflag:s17], $0x1000  }
0x1e4: {  	[sflag:s17] =	ssyncset.done $0x0  }
0x1e5: {  	[sflag:s17] =	ssyncadd.s32 $0xFFFFF000  }
0x1e6: {  	_ =	swait.ge [sflag:s17], $0x1000  }
0x1e7: {  	[sflag:s17] =	ssyncset.done $0x0  }
0x1e8: {  	[sflag:s17] =	ssyncadd.s32 $0xFFFFF000  }
0x1e9: {  	_ =	swait.ge [sflag:s17], $0x1000  }
0x1ea: {  	[sflag:s17] =	ssyncset.done $0x0  }
0x1eb: {  	[sflag:s17] =	ssyncadd.s32 $0xFFFFF000  }
0x1ec: {  	_ =	swait.ge [sflag:s17], $0x1000  }
0x1ed: {  	[sflag:s17] =	ssyncset.done $0x0  }
0x1ee: {  	[sflag:s17] =	ssyncadd.s32 $0xFFFFF000  }
0x1ef: {  	_ =	swait.ge [sflag:s17], $0x1000  }
0x1f0: {  	[sflag:s17] =	ssyncset.done $0x0  }
0x1f1: {  	[sflag:s17] =	ssyncadd.s32 $0xFFFFF000  }
0x1f2: {  	_ =	swait.ge [sflag:s17], $0x1000  }
0x1f3: {  	[sflag:s17] =	ssyncset.done $0x0  }
0x1f4: {  	[sflag:s17] =	ssyncadd.s32 $0xFFFFF000  }
0x1f5: {  	_ =	swait.ge [sflag:s17], $0x1000  }
0x1f6: {  	[sflag:s17] =	ssyncset.done $0x0  }
0x1f7: {  	[sflag:s17] =	ssyncadd.s32 $0xFFFFF000  }
0x1f8: {  	_ =	swait.ge [sflag:s17], $0x400  }
0x1f9: {  	[sflag:s17] =	ssyncset.done $0x0  }
0x1fa: {  	[sflag:s17] =	ssyncadd.s32 $0xFFFFFC00  }
0x1fb: {  	_ =	swait.ge [sflag:s17], $0x400  }
0x1fc: {  	[sflag:s17] =	ssyncset.done $0x0  }
0x1fd: {  	[sflag:s17] =	ssyncadd.s32 $0xFFFFFC00  }
0x1fe: {  	_ =	swait.ge [sflag:s17], $0x400  }
0x1ff: {  	[sflag:s17] =	ssyncset.done $0x0  }
0x200: {  	[sflag:s17] =	ssyncadd.s32 $0xFFFFFC00  }
0x201: {  	_ =	swait.ge [sflag:s17], $0x400  }
0x202: {  	[sflag:s17] =	ssyncset.done $0x0  }
0x203: {  	[sflag:s17] =	ssyncadd.s32 $0xFFFFFC00  }
0x204: {  	_ =	swait.ge [sflag:s17], $0x400  }
0x205: {  	[sflag:s17] =	ssyncset.done $0x0  }
0x206: {  	[sflag:s17] =	ssyncadd.s32 $0xFFFFFC00  }
0x207: {  	_ =	swait.ge [sflag:s17], $0x400  }
0x208: {  	[sflag:s17] =	ssyncset.done $0x0  }
0x209: {  	[sflag:s17] =	ssyncadd.s32 $0xFFFFFC00  }
0x20a: {  	_ =	swait.ge [sflag:s17], $0x400  }
0x20b: {  	[sflag:s17] =	ssyncset.done $0x0  }
0x20c: {  	[sflag:s17] =	ssyncadd.s32 $0xFFFFFC00  }
0x20d: {  	_ =	swait.ge [sflag:s17], $0x400  }
0x20e: {  	[sflag:s17] =	ssyncset.done $0x0  }
0x20f: {  	[sflag:s17] =	ssyncadd.s32 $0xFFFFFC00  }
0x210: {  	_ =	swait.ge [sflag:s17], $0x400  }
0x211: {  	[sflag:s17] =	ssyncset.done $0x0  }
0x212: {  	[sflag:s17] =	ssyncadd.s32 $0xFFFFFC00  }
0x213: {  	_ =	swait.ge [sflag:s17], $0x400  }
0x214: {  	[sflag:s17] =	ssyncset.done $0x0  }
0x215: {  	[sflag:s17] =	ssyncadd.s32 $0xFFFFFC00  }
0x216: {  	_ =	swait.ge [sflag:s17], $0x400  }
0x217: {  	[sflag:s17] =	ssyncset.done $0x0  }
0x218: {  	[sflag:s17] =	ssyncadd.s32 $0xFFFFFC00  }
0x219: {  	_ =	swait.ge [sflag:s17], $0x400  }
0x21a: {  	[sflag:s17] =	ssyncset.done $0x0  }
0x21b: {  	[sflag:s17] =	ssyncadd.s32 $0xFFFFFC00  }
0x21c: {  	_ =	swait.ge [sflag:s17], $0x400  }
0x21d: {  	[sflag:s17] =	ssyncset.done $0x0  }
0x21e: {  	[sflag:s17] =	ssyncadd.s32 $0xFFFFFC00  }
0x21f: {  	_ =	swait.ge [sflag:s17], $0x400  }
0x220: {  	[sflag:s17] =	ssyncset.done $0x0  }
0x221: {  	[sflag:s17] =	ssyncadd.s32 $0xFFFFFC00  }
0x222: {  	_ =	swait.ge [sflag:s17], $0x400  }
0x223: {  	[sflag:s17] =	ssyncset.done $0x0  }
0x224: {  	[sflag:s17] =	ssyncadd.s32 $0xFFFFFC00  }
0x225: {  	_ =	swait.ge [sflag:s17], $0x400  }
0x226: {  	[sflag:s17] =	ssyncset.done $0x0  }
0x227: {  	[sflag:s17] =	ssyncadd.s32 $0xFFFFFC00  }
0x228: {  	_ =	swait.ge [sflag:s17], $0x400  }
0x229: {  	[sflag:s17] =	ssyncset.done $0x0  }
0x22a: {  	[sflag:s17] =	ssyncadd.s32 $0xFFFFFC00  }
0x22b: {  	_ =	swait.ge [sflag:s17], $0x400  }
0x22c: {  	[sflag:s17] =	ssyncset.done $0x0  }
0x22d: {  	[sflag:s17] =	ssyncadd.s32 $0xFFFFFC00  }
0x22e: {  	_ =	swait.ge [sflag:s17], $0x400  }
0x22f: {  	[sflag:s17] =	ssyncset.done $0x0  }
0x230: {  	[sflag:s17] =	ssyncadd.s32 $0xFFFFFC00  }
0x231: {  	_ =	swait.ge [sflag:s17], $0x400  }
0x232: {  	[sflag:s17] =	ssyncset.done $0x0  }
0x233: {  	[sflag:s17] =	ssyncadd.s32 $0xFFFFFC00  }
0x234: {  	_ =	swait.ge [sflag:s17], $0x400  }
0x235: {  	[sflag:s17] =	ssyncset.done $0x0  }
0x236: {  	[sflag:s17] =	ssyncadd.s32 $0xFFFFFC00  }
0x237: {  	_ =	swait.ge [sflag:s17], $0x400  }
0x238: {  	[sflag:s17] =	ssyncset.done $0x0  }
0x239: {  	[sflag:s17] =	ssyncadd.s32 $0xFFFFFC00  }
0x23a: {  	_ =	swait.ge [sflag:s17], $0x400  }
0x23b: {  	[sflag:s17] =	ssyncset.done $0x0  }
0x23c: {  	[sflag:s17] =	ssyncadd.s32 $0xFFFFFC00  }
0x23d: {  	_ =	swait.ge [sflag:s17], $0x400  }
0x23e: {  	[sflag:s17] =	ssyncset.done $0x0  }
0x23f: {  	[sflag:s17] =	ssyncadd.s32 $0xFFFFFC00  }
0x240: {  	_ =	swait.ge [sflag:s17], $0x400  }
0x241: {  	[sflag:s17] =	ssyncset.done $0x0  }
0x242: {  	[sflag:s17] =	ssyncadd.s32 $0xFFFFFC00  }
0x243: {  	_ =	swait.ge [sflag:s17], $0x400  }
0x244: {  	[sflag:s17] =	ssyncset.done $0x0  }
0x245: {  	[sflag:s17] =	ssyncadd.s32 $0xFFFFFC00  }
0x246: {  	_ =	swait.ge [sflag:s17], $0x400  }
0x247: {  	[sflag:s17] =	ssyncset.done $0x0  }
0x248: {  	[sflag:s17] =	ssyncadd.s32 $0xFFFFFC00  }
0x249: {  	_ =	swait.ge [sflag:s17], $0x400  }
0x24a: {  	[sflag:s17] =	ssyncset.done $0x0  }
0x24b: {  	[sflag:s17] =	ssyncadd.s32 $0xFFFFFC00  }
0x24c: {  	_ =	swait.ge [sflag:s17], $0x400  }
0x24d: {  	[sflag:s17] =	ssyncset.done $0x0  }
0x24e: {  	[sflag:s17] =	ssyncadd.s32 $0xFFFFFC00  }
0x24f: {  	_ =	swait.ge [sflag:s17], $0x400  }
0x250: {  	[sflag:s17] =	ssyncset.done $0x0  }
0x251: {  	[sflag:s17] =	ssyncadd.s32 $0xFFFFFC00  }
0x252: {  	_ =	swait.ge [sflag:s17], $0x400  }
0x253: {  	[sflag:s17] =	ssyncset.done $0x0  }
0x254: {  	[sflag:s17] =	ssyncadd.s32 $0xFFFFFC00  }
0x255: {  	_ =	swait.ge [sflag:s17], $0x400  }
0x256: {  	[sflag:s17] =	ssyncset.done $0x0  }
0x257: {  	[sflag:s17] =	ssyncadd.s32 $0xFFFFFC00  }
0x258: {  	_ =	swait.ge [sflag:s17], $0x400  }
0x259: {  	[sflag:s17] =	ssyncset.done $0x0  }
0x25a: {  	[sflag:s17] =	ssyncadd.s32 $0xFFFFFC00  }
0x25b: {  	_ =	swait.ge [sflag:s17], $0x400  }
0x25c: {  	[sflag:s17] =	ssyncset.done $0x0  }
0x25d: {  	[sflag:s17] =	ssyncadd.s32 $0xFFFFFC00  }
0x25e: {  	_ =	swait.ge [sflag:s17], $0x400  }
0x25f: {  	[sflag:s17] =	ssyncset.done $0x0  }
0x260: {  	[sflag:s17] =	ssyncadd.s32 $0xFFFFFC00  }
0x261: {  	_ =	swait.ge [sflag:s17], $0x400  }
0x262: {  	[sflag:s17] =	ssyncset.done $0x0  }
0x263: {  	[sflag:s17] =	ssyncadd.s32 $0xFFFFFC00  }
0x264: {  	_ =	swait.ge [sflag:s17], $0x400  }
0x265: {  	[sflag:s17] =	ssyncset.done $0x0  }
0x266: {  	[sflag:s17] =	ssyncadd.s32 $0xFFFFFC00  }
0x267: {  	_ =	swait.ge [sflag:s17], $0x400  }
0x268: {  	[sflag:s17] =	ssyncset.done $0x0  }
0x269: {  	[sflag:s17] =	ssyncadd.s32 $0xFFFFFC00  }
0x26a: {  	_ =	swait.ge [sflag:s17], $0x400  }
0x26b: {  	[sflag:s17] =	ssyncset.done $0x0  }
0x26c: {  	[sflag:s17] =	ssyncadd.s32 $0xFFFFFC00  }
0x26d: {  	_ =	swait.ge [sflag:s17], $0x400  }
0x26e: {  	[sflag:s17] =	ssyncset.done $0x0  }
0x26f: {  	[sflag:s17] =	ssyncadd.s32 $0xFFFFFC00  }
0x270: {  	_ =	swait.ge [sflag:s17], $0x400  }
0x271: {  	[sflag:s17] =	ssyncset.done $0x0  }
0x272: {  	[sflag:s17] =	ssyncadd.s32 $0xFFFFFC00  }
0x273: {  	_ =	swait.ge [sflag:s17], $0x400  }
0x274: {  	[sflag:s17] =	ssyncset.done $0x0  }
0x275: {  	[sflag:s17] =	ssyncadd.s32 $0xFFFFFC00  }
0x276: {  	_ =	swait.ge [sflag:s17], $0x400  }
0x277: {  	[sflag:s17] =	ssyncset.done $0x0  }
0x278: {  	[sflag:s17] =	ssyncadd.s32 $0xFFFFFC00  }
0x279: {  	_ =	swait.ge [sflag:s17], $0x400  }
0x27a: {  	[sflag:s17] =	ssyncset.done $0x0  }
0x27b: {  	[sflag:s17] =	ssyncadd.s32 $0xFFFFFC00  }
0x27c: {  	_ =	swait.ge [sflag:s17], $0x400  }
0x27d: {  	[sflag:s17] =	ssyncset.done $0x0  }
0x27e: {  	[sflag:s17] =	ssyncadd.s32 $0xFFFFFC00  }
0x27f: {  	_ =	swait.ge [sflag:s17], $0x400  }
0x280: {  	[sflag:s17] =	ssyncset.done $0x0  }
0x281: {  	[sflag:s17] =	ssyncadd.s32 $0xFFFFFC00  }
0x282: {  	_ =	swait.ge [sflag:s17], $0x400  }
0x283: {  	[sflag:s17] =	ssyncset.done $0x0  }
0x284: {  	[sflag:s17] =	ssyncadd.s32 $0xFFFFFC00  }
0x285: {  	_ =	swait.ge [sflag:s17], $0x400  }
0x286: {  	[sflag:s17] =	ssyncset.done $0x0  }
0x287: {  	[sflag:s17] =	ssyncadd.s32 $0xFFFFFC00  }
0x288: {  	_ =	swait.ge [sflag:s17], $0x400  }
0x289: {  	[sflag:s17] =	ssyncset.done $0x0  }
0x28a: {  	[sflag:s17] =	ssyncadd.s32 $0xFFFFFC00  }
0x28b: {  	_ =	swait.ge [sflag:s17], $0x400  }
0x28c: {  	[sflag:s17] =	ssyncset.done $0x0  }
0x28d: {  	[sflag:s17] =	ssyncadd.s32 $0xFFFFFC00  }
0x28e: {  	_ =	swait.ge [sflag:s17], $0x400  }
0x28f: {  	[sflag:s17] =	ssyncset.done $0x0  }
0x290: {  	[sflag:s17] =	ssyncadd.s32 $0xFFFFFC00  }
0x291: {  	_ =	swait.ge [sflag:s17], $0x400  }
0x292: {  	[sflag:s17] =	ssyncset.done $0x0  }
0x293: {  	[sflag:s17] =	ssyncadd.s32 $0xFFFFFC00  }
0x294: {  	_ =	swait.ge [sflag:s17], $0x400  }
0x295: {  	[sflag:s17] =	ssyncset.done $0x0  }
0x296: {  	[sflag:s17] =	ssyncadd.s32 $0xFFFFFC00  }
0x297: {  	_ =	swait.ge [sflag:s17], $0x400  }
0x298: {  	[sflag:s17] =	ssyncset.done $0x0  }
0x299: {  	[sflag:s17] =	ssyncadd.s32 $0xFFFFFC00  }
0x29a: {  	_ =	swait.ge [sflag:s17], $0x400  }
0x29b: {  	[sflag:s17] =	ssyncset.done $0x0  }
0x29c: {  	[sflag:s17] =	ssyncadd.s32 $0xFFFFFC00  }
0x29d: {  	_ =	swait.ge [sflag:s17], $0x400  }
0x29e: {  	[sflag:s17] =	ssyncset.done $0x0  }
0x29f: {  	[sflag:s17] =	ssyncadd.s32 $0xFFFFFC00  }
0x2a0: {  	_ =	swait.ge [sflag:s17], $0x400  }
0x2a1: {  	[sflag:s17] =	ssyncset.done $0x0  }
0x2a2: {  	[sflag:s17] =	ssyncadd.s32 $0xFFFFFC00  }
0x2a3: {  	_ =	swait.ge [sflag:s17], $0x400  }
0x2a4: {  	[sflag:s17] =	ssyncset.done $0x0  }
0x2a5: {  	[sflag:s17] =	ssyncadd.s32 $0xFFFFFC00  }
0x2a6: {  	_ =	swait.ge [sflag:s17], $0x400  }
0x2a7: {  	[sflag:s17] =	ssyncset.done $0x0  }
0x2a8: {  	[sflag:s17] =	ssyncadd.s32 $0xFFFFFC00  }
0x2a9: {  	_ =	swait.ge [sflag:s17], $0x400  }
0x2aa: {  	[sflag:s17] =	ssyncset.done $0x0  }
0x2ab: {  	[sflag:s17] =	ssyncadd.s32 $0xFFFFFC00  }
0x2ac: {  	_ =	swait.ge [sflag:s17], $0x400  }
0x2ad: {  	[sflag:s17] =	ssyncset.done $0x0  }
0x2ae: {  	[sflag:s17] =	ssyncadd.s32 $0xFFFFFC00  }
0x2af: {  	_ =	swait.ge [sflag:s17], $0x400  }
0x2b0: {  	[sflag:s17] =	ssyncset.done $0x0  }
0x2b1: {  	[sflag:s17] =	ssyncadd.s32 $0xFFFFFC00  }
0x2b2: {  	_ =	swait.ge [sflag:s17], $0x400  }
0x2b3: {  	[sflag:s17] =	ssyncset.done $0x0  }
0x2b4: {  	[sflag:s17] =	ssyncadd.s32 $0xFFFFFC00  }
0x2b5: {  	_ =	swait.ge [sflag:s17], $0x400  }
0x2b6: {  	[sflag:s17] =	ssyncset.done $0x0  }
0x2b7: {  	[sflag:s17] =	ssyncadd.s32 $0xFFFFFC00  }
0x2b8: {  	v13 =	vld [tilespmem:$0x0];
	_ =	sdelay $0x3  }
0x2b9: {  	v14 =	vld [tilespmem:$0x80]  }
0x2ba: {  	v15 =	vshll.u32 v13, $0x3  }
0x2bb: {  	v44 =	vand.u32 $0x7F, v13;
	v15 =	vand.u32 $0xFFFFFC00, v15  }
0x2bc: {  	v15 =	vor.u32 v44, v15  }
0x2bd: {  	v15 =	vadd.s32 v4, v15  }
0x2be: {  	v45 =	vand.u32 $0x7F, v14  }
0x2bf: {  	v16 =	vor.u32 v5, v45;
	_ =	sdelay $0x2  }
0x2c0: {  	v15 =	vld.idx.msk [tilespmem:v15+s13+$0x0], $0xffff;
	_ =	sdelay $0x1  }
0x2c1: {  	v16 =	vld.idx.msk [tilespmem:v16+s15+$0x0], $0xffff;
	_ =	sdelay $0x2  }
0x2c2: {  	vm4 =	vne.s32 v13, $0x0;
	vm5 =	veq.s32 v14, $0x0;
	v13 =	vadd.f32 $9.999999680e-21, v15  }
0x2c3: {  	vm5 =	vmand vm4, vm5  }
0x2c4: {  	v15 =	vsel vm5, $0x0, v16;
	v13 =	vnsel vm4, $0x1E3CE508, v13  }
0x2c5: {  	v13 =	vadd.f32 v15, v13;
	_ =	sdelay $0x1  }
0x2c6: {  	v15 =	vand.u32 $0x7FFFFF, v13  }
0x2c7: {  	v15 =	vor.u32 $0x3F000000, v15  }
0x2c8: {  	vm4 =	vlt.f32 v15, $7.071067690e-01  }
0x2c9: {  	v46 =	vnsel vm4, $0x80000000, v15  }
0x2ca: {  	v15 =	vadd.f32 v15, v46;
	_ =	sdelay $0x1  }
0x2cb: {  	v15 =	vadd.f32 $-1.000000000e+00, v15;
	_ =	sdelay $0x1  }
0x2cc: {  	v47 =	vmul.f32 $7.037683580e-02, v15;
	_ =	sdelay $0x1  }
0x2cd: {  	v16 =	vadd.f32 $-1.151461010e-01, v47;
	_ =	sdelay $0x1  }
0x2ce: {  	v16 =	vmul.f32 v16, v15;
	_ =	sdelay $0x1  }
0x2cf: {  	v16 =	vadd.f32 $1.167699840e-01, v16;
	_ =	sdelay $0x1  }
0x2d0: {  	v16 =	vmul.f32 v16, v15;
	_ =	sdelay $0x1  }
0x2d1: {  	v16 =	vadd.f32 $-1.242014100e-01, v16;
	_ =	sdelay $0x1  }
0x2d2: {  	v16 =	vmul.f32 v16, v15;
	_ =	sdelay $0x1  }
0x2d3: {  	v16 =	vadd.f32 $1.424932330e-01, v16;
	_ =	sdelay $0x1  }
0x2d4: {  	v16 =	vmul.f32 v16, v15;
	_ =	sdelay $0x1  }
0x2d5: {  	v16 =	vadd.f32 $-1.666805740e-01, v16;
	_ =	sdelay $0x1  }
0x2d6: {  	v16 =	vmul.f32 v16, v15;
	_ =	sdelay $0x1  }
0x2d7: {  	v16 =	vadd.f32 $2.000071410e-01, v16;
	_ =	sdelay $0x1  }
0x2d8: {  	v16 =	vmul.f32 v16, v15;
	_ =	sdelay $0x1  }
0x2d9: {  	v16 =	vadd.f32 $-2.499999400e-01, v16;
	_ =	sdelay $0x1  }
0x2da: {  	v16 =	vmul.f32 v16, v15;
	_ =	sdelay $0x1  }
0x2db: {  	v16 =	vadd.f32 $3.333333130e-01, v16;
	_ =	sdelay $0x1  }
0x2dc: {  	v16 =	vmul.f32 v16, v15  }
0x2dd: {  	v17 =	vld [tilespmem:$0x10];
	v13 =	vshra.s32 v13, $0x17  }
0x2de: {  	v18 =	vsel vm4, $0xFFFFFF81, v12;
	v19 =	vmul.f32 v15, v15;
	v16 =	vadd.f32 $-5.000000000e-01, v16  }
0x2df: {  	v13 =	vadd.s32 v13, v18  }
0x2e0: {  	v13 =	vcvt.s32.f32 v13;
	v16 =	vmul.f32 v16, v19  }
0x2e1: {  	v48 =	vld [tilespmem:$0x90]  }
0x2e2: {  	v49 =	vshll.u32 v17, $0x3;
	v13 =	vmul.f32 $6.931471820e-01, v13;
	v15 =	vadd.f32 v16, v15  }
0x2e3: {  	v50 =	vand.u32 $0x7F, v17;
	v16 =	vand.u32 $0xFFFFFC00, v49  }
0x2e4: {  	v13 =	vadd.f32 v15, v13;
	v15 =	vor.u32 v50, v16  }
0x2e5: {  	v15 =	vadd.s32 v6, v15  }
0x2e6: {  	v51 =	vand.u32 $0x7F, v48;
	v13 =	vsub.f32 $0.0e+00, v13  }
0x2e7: {  	vm4 =	veq.s32 v14, $0xFFFFFF9C;
	v14 =	vor.u32 v7, v51  }
0x2e8: {  	v13 =	vsel vm4, $0x0, v13  }
0x2e9: {  	[tilespmem:$0x18100] =	vst v13  }
0x2ea: {  	v13 =	vld.idx.msk [tilespmem:v15+s13+$0x0], $0xffff;
	_ =	sdelay $0x1  }
0x2eb: {  	v14 =	vld.idx.msk [tilespmem:v14+s15+$0x0], $0xffff;
	_ =	sdelay $0x2  }
0x2ec: {  	vm5 =	veq.s32 v48, $0x0;
	vm4 =	vne.s32 v17, $0x0;
	v13 =	vadd.f32 $9.999999680e-21, v13  }
0x2ed: {  	vm5 =	vmand vm4, vm5  }
0x2ee: {  	v14 =	vsel vm5, $0x0, v14;
	v13 =	vnsel vm4, $0x1E3CE508, v13  }
0x2ef: {  	v13 =	vadd.f32 v14, v13;
	_ =	sdelay $0x1  }
0x2f0: {  	v14 =	vand.u32 $0x7FFFFF, v13  }
0x2f1: {  	v14 =	vor.u32 $0x3F000000, v14  }
0x2f2: {  	vm4 =	vlt.f32 v14, $7.071067690e-01  }
0x2f3: {  	v15 =	vnsel vm4, $0x80000000, v14  }
0x2f4: {  	v14 =	vadd.f32 v14, v15;
	_ =	sdelay $0x1  }
0x2f5: {  	v14 =	vadd.f32 $-1.000000000e+00, v14;
	_ =	sdelay $0x1  }
0x2f6: {  	v15 =	vmul.f32 $7.037683580e-02, v14;
	_ =	sdelay $0x1  }
0x2f7: {  	v15 =	vadd.f32 $-1.151461010e-01, v15;
	_ =	sdelay $0x1  }
0x2f8: {  	v15 =	vmul.f32 v15, v14;
	_ =	sdelay $0x1  }
0x2f9: {  	v15 =	vadd.f32 $1.167699840e-01, v15;
	_ =	sdelay $0x1  }
0x2fa: {  	v15 =	vmul.f32 v15, v14;
	_ =	sdelay $0x1  }
0x2fb: {  	v15 =	vadd.f32 $-1.242014100e-01, v15;
	_ =	sdelay $0x1  }
0x2fc: {  	v15 =	vmul.f32 v15, v14;
	_ =	sdelay $0x1  }
0x2fd: {  	v15 =	vadd.f32 $1.424932330e-01, v15;
	_ =	sdelay $0x1  }
0x2fe: {  	v15 =	vmul.f32 v15, v14;
	_ =	sdelay $0x1  }
0x2ff: {  	v15 =	vadd.f32 $-1.666805740e-01, v15;
	_ =	sdelay $0x1  }
0x300: {  	v15 =	vmul.f32 v15, v14;
	_ =	sdelay $0x1  }
0x301: {  	v15 =	vadd.f32 $2.000071410e-01, v15;
	_ =	sdelay $0x1  }
0x302: {  	v15 =	vmul.f32 v15, v14;
	_ =	sdelay $0x1  }
0x303: {  	v15 =	vadd.f32 $-2.499999400e-01, v15;
	_ =	sdelay $0x1  }
0x304: {  	v15 =	vmul.f32 v15, v14;
	_ =	sdelay $0x1  }
0x305: {  	v15 =	vadd.f32 $3.333333130e-01, v15;
	_ =	sdelay $0x1  }
0x306: {  	v15 =	vmul.f32 v15, v14  }
0x307: {  	v52 =	vld [tilespmem:$0x20];
	v13 =	vshra.s32 v13, $0x17  }
0x308: {  	v53 =	vsel vm4, $0xFFFFFF81, v12;
	v54 =	vmul.f32 v14, v14;
	v15 =	vadd.f32 $-5.000000000e-01, v15  }
0x309: {  	v13 =	vadd.s32 v13, v53  }
0x30a: {  	v13 =	vcvt.s32.f32 v13;
	v15 =	vmul.f32 v15, v54  }
0x30b: {  	v55 =	vld [tilespmem:$0xA0]  }
0x30c: {  	v13 =	vmul.f32 $6.931471820e-01, v13;
	v14 =	vadd.f32 v15, v14;
	v15 =	vshll.u32 v52, $0x3  }
0x30d: {  	v56 =	vand.u32 $0x7F, v52;
	v15 =	vand.u32 $0xFFFFFC00, v15  }
0x30e: {  	v13 =	vadd.f32 v14, v13;
	v14 =	vor.u32 v56, v15  }
0x30f: {  	v14 =	vadd.s32 v8, v14  }
0x310: {  	v15 =	vand.u32 $0x7F, v55;
	v13 =	vsub.f32 $0.0e+00, v13  }
0x311: {  	vm4 =	veq.s32 v48, $0xFFFFFF9C;
	v15 =	vor.u32 v9, v15  }
0x312: {  	v13 =	vsel vm4, $0x0, v13  }
0x313: {  	[tilespmem:$0x18110] =	vst v13  }
0x314: {  	v13 =	vld.idx.msk [tilespmem:v14+s13+$0x0], $0xffff;
	_ =	sdelay $0x1  }
0x315: {  	v14 =	vld.idx.msk [tilespmem:v15+s15+$0x0], $0xffff;
	_ =	sdelay $0x2  }
0x316: {  	vm5 =	veq.s32 v55, $0x0;
	vm4 =	vne.s32 v52, $0x0;
	v13 =	vadd.f32 $9.999999680e-21, v13  }
0x317: {  	vm5 =	vmand vm4, vm5  }
0x318: {  	v14 =	vsel vm5, $0x0, v14;
	v13 =	vnsel vm4, $0x1E3CE508, v13  }
0x319: {  	v13 =	vadd.f32 v14, v13;
	_ =	sdelay $0x1  }
0x31a: {  	v14 =	vand.u32 $0x7FFFFF, v13  }
0x31b: {  	v14 =	vor.u32 $0x3F000000, v14  }
0x31c: {  	vm4 =	vlt.f32 v14, $7.071067690e-01  }
0x31d: {  	v15 =	vnsel vm4, $0x80000000, v14  }
0x31e: {  	v14 =	vadd.f32 v14, v15;
	_ =	sdelay $0x1  }
0x31f: {  	v14 =	vadd.f32 $-1.000000000e+00, v14;
	_ =	sdelay $0x1  }
0x320: {  	v15 =	vmul.f32 $7.037683580e-02, v14;
	_ =	sdelay $0x1  }
0x321: {  	v15 =	vadd.f32 $-1.151461010e-01, v15;
	_ =	sdelay $0x1  }
0x322: {  	v15 =	vmul.f32 v15, v14;
	_ =	sdelay $0x1  }
0x323: {  	v15 =	vadd.f32 $1.167699840e-01, v15;
	_ =	sdelay $0x1  }
0x324: {  	v15 =	vmul.f32 v15, v14;
	_ =	sdelay $0x1  }
0x325: {  	v15 =	vadd.f32 $-1.242014100e-01, v15;
	_ =	sdelay $0x1  }
0x326: {  	v15 =	vmul.f32 v15, v14;
	_ =	sdelay $0x1  }
0x327: {  	v15 =	vadd.f32 $1.424932330e-01, v15;
	_ =	sdelay $0x1  }
0x328: {  	v15 =	vmul.f32 v15, v14;
	_ =	sdelay $0x1  }
0x329: {  	v15 =	vadd.f32 $-1.666805740e-01, v15;
	_ =	sdelay $0x1  }
0x32a: {  	v15 =	vmul.f32 v15, v14;
	_ =	sdelay $0x1  }
0x32b: {  	v15 =	vadd.f32 $2.000071410e-01, v15;
	_ =	sdelay $0x1  }
0x32c: {  	v15 =	vmul.f32 v15, v14;
	_ =	sdelay $0x1  }
0x32d: {  	v15 =	vadd.f32 $-2.499999400e-01, v15;
	_ =	sdelay $0x1  }
0x32e: {  	v15 =	vmul.f32 v15, v14;
	_ =	sdelay $0x1  }
0x32f: {  	v15 =	vadd.f32 $3.333333130e-01, v15;
	_ =	sdelay $0x1  }
0x330: {  	v15 =	vmul.f32 v15, v14  }
0x331: {  	v57 =	vld [tilespmem:$0x30];
	v13 =	vshra.s32 v13, $0x17  }
0x332: {  	v58 =	vsel vm4, $0xFFFFFF81, v12;
	v59 =	vmul.f32 v14, v14;
	v15 =	vadd.f32 $-5.000000000e-01, v15  }
0x333: {  	v13 =	vadd.s32 v13, v58  }
0x334: {  	v13 =	vcvt.s32.f32 v13;
	v15 =	vmul.f32 v15, v59  }
0x335: {  	v60 =	vld [tilespmem:$0xB0]  }
0x336: {  	v13 =	vmul.f32 $6.931471820e-01, v13;
	v14 =	vadd.f32 v15, v14;
	v15 =	vshll.u32 v57, $0x3  }
0x337: {  	v61 =	vand.u32 $0x7F, v57;
	v15 =	vand.u32 $0xFFFFFC00, v15  }
0x338: {  	v13 =	vadd.f32 v14, v13;
	v14 =	vor.u32 v61, v15  }
0x339: {  	v14 =	vadd.s32 v10, v14  }
0x33a: {  	v15 =	vand.u32 $0x7F, v60;
	v13 =	vsub.f32 $0.0e+00, v13  }
0x33b: {  	vm4 =	veq.s32 v55, $0xFFFFFF9C;
	v15 =	vor.u32 v11, v15  }
0x33c: {  	v13 =	vsel vm4, $0x0, v13  }
0x33d: {  	[tilespmem:$0x18120] =	vst v13  }
0x33e: {  	v13 =	vld.idx.msk [tilespmem:v14+s13+$0x0], $0xffff;
	_ =	sdelay $0x1  }
0x33f: {  	v14 =	vld.idx.msk [tilespmem:v15+s15+$0x0], $0xffff;
	_ =	sdelay $0x2  }
0x340: {  	vm5 =	veq.s32 v60, $0x0;
	vm4 =	vne.s32 v57, $0x0;
	v13 =	vadd.f32 $9.999999680e-21, v13  }
0x341: {  	vm5 =	vmand vm4, vm5  }
0x342: {  	v14 =	vsel vm5, $0x0, v14;
	v13 =	vnsel vm4, $0x1E3CE508, v13  }
0x343: {  	v13 =	vadd.f32 v14, v13;
	_ =	sdelay $0x1  }
0x344: {  	v14 =	vand.u32 $0x7FFFFF, v13  }
0x345: {  	v14 =	vor.u32 $0x3F000000, v14  }
0x346: {  	vm4 =	vlt.f32 v14, $7.071067690e-01  }
0x347: {  	v15 =	vnsel vm4, $0x80000000, v14  }
0x348: {  	v14 =	vadd.f32 v14, v15;
	_ =	sdelay $0x1  }
0x349: {  	v14 =	vadd.f32 $-1.000000000e+00, v14;
	_ =	sdelay $0x1  }
0x34a: {  	v15 =	vmul.f32 $7.037683580e-02, v14;
	_ =	sdelay $0x1  }
0x34b: {  	v15 =	vadd.f32 $-1.151461010e-01, v15;
	_ =	sdelay $0x1  }
0x34c: {  	v15 =	vmul.f32 v15, v14;
	_ =	sdelay $0x1  }
0x34d: {  	v15 =	vadd.f32 $1.167699840e-01, v15;
	_ =	sdelay $0x1  }
0x34e: {  	v15 =	vmul.f32 v15, v14;
	_ =	sdelay $0x1  }
0x34f: {  	v15 =	vadd.f32 $-1.242014100e-01, v15;
	_ =	sdelay $0x1  }
0x350: {  	v15 =	vmul.f32 v15, v14;
	_ =	sdelay $0x1  }
0x351: {  	v15 =	vadd.f32 $1.424932330e-01, v15;
	_ =	sdelay $0x1  }
0x352: {  	v15 =	vmul.f32 v15, v14;
	_ =	sdelay $0x1  }
0x353: {  	v15 =	vadd.f32 $-1.666805740e-01, v15;
	_ =	sdelay $0x1  }
0x354: {  	v15 =	vmul.f32 v15, v14;
	_ =	sdelay $0x1  }
0x355: {  	v15 =	vadd.f32 $2.000071410e-01, v15;
	_ =	sdelay $0x1  }
0x356: {  	v15 =	vmul.f32 v15, v14;
	_ =	sdelay $0x1  }
0x357: {  	v15 =	vadd.f32 $-2.499999400e-01, v15;
	_ =	sdelay $0x1  }
0x358: {  	v15 =	vmul.f32 v15, v14;
	_ =	sdelay $0x1  }
0x359: {  	v15 =	vadd.f32 $3.333333130e-01, v15;
	_ =	sdelay $0x1  }
0x35a: {  	v15 =	vmul.f32 v15, v14  }
0x35b: {  	v13 =	vshra.s32 v13, $0x17  }
0x35c: {  	v62 =	vsel vm4, $0xFFFFFF81, v12;
	v63 =	vmul.f32 v14, v14;
	v15 =	vadd.f32 $-5.000000000e-01, v15  }
0x35d: {  	v13 =	vadd.s32 v13, v62  }
0x35e: {  	v13 =	vcvt.s32.f32 v13;
	v15 =	vmul.f32 v15, v63;
	_ =	sdelay $0x1  }
0x35f: {  	v13 =	vmul.f32 $6.931471820e-01, v13;
	v14 =	vadd.f32 v15, v14;
	_ =	sdelay $0x1  }
0x360: {  	v13 =	vadd.f32 v14, v13;
	_ =	sdelay $0x1  }
0x361: {  	v13 =	vsub.f32 $0.0e+00, v13  }
0x362: {  	s31 =	sld [smem:$0x7FD];
	vm4 =	veq.s32 v60, $0xFFFFFF9C  }
0x363: {  	p0 =	sne.s32 s12, $0x1;
	v13 =	vsel vm4, $0x0, v13  }
.Ltmp0:
0x364: {  	s30 =	rddreg [dreg:$0xf];
	[tilespmem:$0x18130] =	vst v13;
	(pc) =	sbr.rel @p0 .LBB2_1-.Ltmp0, $4  }
0x365: {  	[hbm4b:s30+s3] =	stream.linear.scatter [tilespmem:s31], [sflag:$0x4], $0x40, $0x38;
	[tilespmem:$0x18180] =	vst v63  }
0x366: {  	_ =	swait.ge [sflag:s18], $0x40  }
0x367: {  	[sflag:s18] =	ssyncset.done $0x0  }
0x368: {  	s12 =	sadd.s32 $0xFFFFFFFF, s12;
	[sflag:s18] =	ssyncadd.s32 $0xFFFFFFC0  }
0x369: {  	_ =	sfence.sel $0x180000  }
0x36a: {  	[bflag:$0x0] =	sbarrier.arrive $0xFFFF  }
0x36b: {  	p0 =	sne.s32 s0, $0x0;
	_ =	strace $0x90000047  }
0x36c: {  	s0 =	sadd.s32 @!p0 $0x100000, s2;
	[bflag:$0x2] =	sbarrier.arrive $0xFFFF  }
0x36d: {  	[sflag:s0] =	ssyncadd.tile.s32 @!p0 $0x1;
	_ =	shalt  }
.Lfunc_end2:
_tile_overlayer_lowered:
.L_overlay_start_2:
0x36e: {  	(tag) =	ssettag $0x2  }
0x36f: {  	s0 =	rddreg [dreg:$0x0];
	s2 =	stileid.u32  }
0x370: {  	s1 =	rddreg [dreg:$0x1];
	p0 =	sne.s32 s2, $0x0  }
0x371: {  	s3 =	rddreg [dreg:$0x2];
	[bflag:$0x3] =	sbarrier.arrive $0xFFFF;
	s2 =	simm.s32 @!p0 $0x1C04  }
0x372: {  	[timem:s3], [sflag:s2] =	dma.local @!p0 [hbm:s0], s1  }
0x373: {  	s0 =	simm.s32 @!p0 $0x4  }
0x374: {  	_ =	swait.ge @!p0 [sflag:s0], s1  }
0x375: {  	s1 =	ssub.s32 @!p0 $0x0, s1;
	[sflag:s0] =	ssyncset.done @!p0 $0x0  }
0x376: {  	[sflag:s0] =	ssyncadd.s32 @!p0 s1  }
0x377: {  	[bflag:$0x3] =	sbarrier.arrive $0xFFFF  }
0x378: {  	_ =	shalt  }

</sc_bundles>
